<compile_context>
chip_gen: v7x
topology: tpu7x:2x2x1
jax: 0.10.2.dev20260603
libtpu: 0.0.44.dev20260713+nightly
codegen_flags: <defaults>
</compile_context>

<pallas_src>
import functools
import math

import jax
import jax.numpy as jnp
from jax import lax
from jax.experimental import pallas as pl
from jax.experimental.pallas import tpu as pltpu
from jax.experimental.pallas import tpu_sc as plsc

_N = 10000
_E = 320000
_D = 128
_NG = 50
_NF = 64
_CUTOFF = 10.0
_LN2 = math.log(2.0)

_NC, _NS, _L = 2, 16, 16
_NW = _NC * _NS
_E_PAD = 327680
_EPT = _E_PAD // _NW

_EHA = _E_PAD // 4
_EHB = _E_PAD - _EHA
_EPTA = _EHA // _NW
_EPTB = _EHB // _NW

_CHA = 512
_CHB = 128
_NP = 10240
_RPS = _NP // _NS
_ZR = 128

_MESH = dict(core_axis_name="c", subcore_axis_name="s")


def _ssp(v):
    return jnp.maximum(v, 0.0) + jnp.log(1.0 + jnp.exp(-jnp.abs(v))) - _LN2


def _make_sc_dist(ev):
    @functools.partial(
        pl.kernel,
        out_type=jax.ShapeDtypeStruct((_E_PAD,), jnp.float32),
        mesh=plsc.VectorSubcoreMesh(**_MESH),
        compiler_params=pltpu.CompilerParams(needs_layout_passes=False, use_tc_tiling_on_sc=False),
        scratch_types=[
            pltpu.VMEM((_N,), jnp.float32),
            pltpu.VMEM((_N,), jnp.float32),
            pltpu.VMEM((_N,), jnp.float32),
            pltpu.VMEM((_CHA,), jnp.int32),
            pltpu.VMEM((_CHA,), jnp.int32),
            pltpu.VMEM((_CHA,), jnp.float32),
        ],
    )
    def _dist(px_hbm, py_hbm, pz_hbm, ei_hbm, d2_hbm,
              px, py, pz, sv, dv, ov):
        c = lax.axis_index("c")
        s = lax.axis_index("s")
        wid = s * _NC + c
        pltpu.sync_copy(px_hbm, px)
        pltpu.sync_copy(py_hbm, py)
        pltpu.sync_copy(pz_hbm, pz)
        nk = (jnp.maximum(jnp.minimum(ev, (wid + 1) * _EPT) - wid * _EPT, 0)
              // _CHA)

        def chunk(k, carry):
            base = wid * _EPT + k * _CHA
            pltpu.sync_copy(ei_hbm.at[0, pl.ds(base, _CHA)], sv)
            pltpu.sync_copy(ei_hbm.at[1, pl.ds(base, _CHA)], dv)

            def inner(i, carry2):
                s16 = sv[pl.ds(i * _L, _L)]
                d16 = dv[pl.ds(i * _L, _L)]
                dx = plsc.load_gather(px, [d16]) - plsc.load_gather(px, [s16])
                dy = plsc.load_gather(py, [d16]) - plsc.load_gather(py, [s16])
                dz = plsc.load_gather(pz, [d16]) - plsc.load_gather(pz, [s16])
                ov[pl.ds(i * _L, _L)] = dx * dx + dy * dy + dz * dz
                return carry2

            lax.fori_loop(0, _CHA // _L, inner, 0)
            pltpu.sync_copy(ov, d2_hbm.at[pl.ds(base, _CHA)])
            return carry

        lax.fori_loop(0, nk, chunk, 0)

    return _dist


_sc_dist = _make_sc_dist(_E)


def _sc_msg_body(ept, h_hbm, w_hbm, src_hbm, dst_hbm, out_hbm,
                 acc, hsh, sv, dv, hs, wv, zb, ss0, ss1, sd0, sd1, sw0, sw1):
    c = lax.axis_index("c")
    s = lax.axis_index("s")
    wid = s * _NC + c
    z16 = jnp.zeros((_L,), jnp.float32)
    ss = (ss0, ss1)
    sd = (sd0, sd1)
    sw = (sw0, sw1)
    nk = ept // _CHB

    def zrow(r, carry):
        for ci in range(_NF // _L):
            zb[r, pl.ds(ci * _L, _L)] = z16
        return carry

    lax.fori_loop(0, _ZR, zrow, 0)
    row_s = s * _RPS
    for k2 in range(_RPS // _ZR):
        pltpu.sync_copy(zb, acc.at[pl.ds(row_s + k2 * _ZR, _ZR)])
    pltpu.sync_copy(h_hbm.at[pl.ds(row_s, _RPS)], hsh.at[pl.ds(row_s, _RPS)])
    plsc.subcore_barrier()

    def start(slot, k):
        base = wid * ept + k * _CHB
        pltpu.async_copy(src_hbm.at[pl.ds(base, _CHB)], sv.at[slot], ss[slot])
        pltpu.async_copy(dst_hbm.at[pl.ds(base, _CHB)], dv.at[slot], sd[slot])
        pltpu.async_copy(w_hbm.at[pl.ds(base // 2, _CHB // 2)], wv.at[slot],
                         sw[slot])

    def wait_idx(slot):
        pltpu.make_async_copy(src_hbm.at[pl.ds(0, _CHB)], sv.at[slot],
                              ss[slot]).wait()
        pltpu.make_async_copy(dst_hbm.at[pl.ds(0, _CHB)], dv.at[slot],
                              sd[slot]).wait()
        pltpu.make_async_copy(w_hbm.at[pl.ds(0, _CHB // 2)], wv.at[slot],
                              sw[slot]).wait()

    def process(slot):
        pltpu.sync_copy(hsh.at[sv.at[slot]], hs)

        def mul(j, carry2):
            for ci in range(_NF // _L):
                sl = pl.ds(ci * _L, _L)
                hs[2 * j, sl] = hs[2 * j, sl] * wv[slot, j, pl.ds(ci * _L, _L)]
                hs[2 * j + 1, sl] = (hs[2 * j + 1, sl]
                                     * wv[slot, j, pl.ds(_NF + ci * _L, _L)])
            return carry2

        lax.fori_loop(0, _CHB // 2, mul, 0)
        pltpu.sync_copy(hs, acc.at[dv.at[slot]], add=True)

    start(0, 0)

    def pair(kk, carry):
        k0 = 2 * kk
        start(1, k0 + 1)
        wait_idx(0)
        process(0)
        start(0, lax.rem(k0 + 2, nk))
        wait_idx(1)
        process(1)
        return carry

    lax.fori_loop(0, nk // 2, pair, 0)
    wait_idx(0)
    plsc.subcore_barrier()

    for k2 in range(_RPS // _ZR):
        row0 = row_s + k2 * _ZR
        pltpu.sync_copy(acc.at[pl.ds(row0, _ZR)], zb)
        pltpu.sync_copy(zb, out_hbm.at[c, pl.ds(row0, _ZR)])


def _make_sc_msg(ept):
    def _msg(h_hbm, w_hbm, src_hbm, dst_hbm, out_hbm,
             acc, hsh, sv, dv, hs, wv, zb, ss0, ss1, sd0, sd1, sw0, sw1):
        _sc_msg_body(ept, h_hbm, w_hbm, src_hbm, dst_hbm, out_hbm,
                     acc, hsh, sv, dv, hs, wv, zb,
                     ss0, ss1, sd0, sd1, sw0, sw1)

    return pl.kernel(
        _msg,
        out_type=jax.ShapeDtypeStruct((_NC, _NP, _NF), jnp.float32),
        mesh=plsc.VectorSubcoreMesh(**_MESH),
        compiler_params=pltpu.CompilerParams(needs_layout_passes=False,
                                             use_tc_tiling_on_sc=False),
        scratch_types=[
            pltpu.VMEM_SHARED((_NP, _NF), jnp.float32),
            pltpu.VMEM_SHARED((_NP, _NF), jnp.float32),
            pltpu.VMEM((2, _CHB), jnp.int32),
            pltpu.VMEM((2, _CHB), jnp.int32),
            pltpu.VMEM((_CHB, _NF), jnp.float32),
            pltpu.VMEM((2, _CHB // 2, 2 * _NF), jnp.float32),
            pltpu.VMEM((_ZR, _NF), jnp.float32),
            pltpu.SemaphoreType.DMA,
            pltpu.SemaphoreType.DMA,
            pltpu.SemaphoreType.DMA,
            pltpu.SemaphoreType.DMA,
            pltpu.SemaphoreType.DMA,
            pltpu.SemaphoreType.DMA,
        ],
    )


_sc_msg_a = _make_sc_msg(_EPTA)
_sc_msg_b = _make_sc_msg(_EPTB)


def _h_body(x_ref, w_ref, o_ref):
    o_ref[...] = jnp.dot(x_ref[...], w_ref[...],
                         preferred_element_type=jnp.float32)


def _tc_h(x, w_cf1):
    return pl.pallas_call(
        _h_body,
        grid=(10,),
        in_specs=[
            pl.BlockSpec((_N // 10, _D), lambda i: (i, 0)),
            pl.BlockSpec((_D, _NF), lambda i: (0, 0)),
        ],
        out_specs=pl.BlockSpec((_N // 10, _NF), lambda i: (i, 0)),
        out_shape=jax.ShapeDtypeStruct((_N, _NF), jnp.float32),
    )(x, w_cf1)


_BE = 2048


def _make_filter_body(off):
    def _filter_body(d2_ref, w1t_ref, b1_ref, w2t_ref, b2_ref, o_ref):
        pid = pl.program_id(0)
        eid = (pid + off) * _BE + lax.broadcasted_iota(jnp.int32, (1, _BE), 1)
        valid = eid < _E
        d2 = jnp.where(valid, d2_ref[...].reshape(1, _BE), 0.0)
        dist = jnp.sqrt(d2 + 1e-12)
        cw = 0.5 * (jnp.cos(dist * (math.pi / _CUTOFF)) + 1.0)
        gi = lax.broadcasted_iota(jnp.int32, (_NG, _BE), 0)
        g = gi.astype(jnp.float32)
        delta = _CUTOFF / (_NG - 1)
        coeff = -0.5 / (delta * delta)
        diff = dist - g * delta
        ea = jnp.exp(coeff * diff * diff)
        t = jnp.dot(w1t_ref[...], ea, preferred_element_type=jnp.float32)
        t = _ssp(t + b1_ref[...])
        t = jnp.dot(w2t_ref[...], t, preferred_element_type=jnp.float32)
        t = t + b2_ref[...]
        t = t * jnp.where(valid, cw, 0.0)
        ii = (lax.broadcasted_iota(jnp.int32, (_NF, _NF), 0)
              == lax.broadcasted_iota(jnp.int32, (_NF, _NF), 1)
              ).astype(jnp.float32)
        dn = (((0,), (0,)), ((), ()))
        ta = lax.dot_general(t[:, : _BE // 2], ii, dn,
                             preferred_element_type=jnp.float32)
        tb = lax.dot_general(t[:, _BE // 2:], ii, dn,
                             preferred_element_type=jnp.float32)
        o_ref[...] = jnp.concatenate([ta, tb], axis=1)

    return _filter_body


def _make_tc_filter(off, ne):
    body = _make_filter_body(off)

    def _filter(d2, w1t, b1, w2t, b2):
        return pl.pallas_call(
            body,
            grid=(ne // _BE,),
            in_specs=[
                pl.BlockSpec((_BE,), lambda i: (i + off,)),
                pl.BlockSpec((_NF, _NG), lambda i: (0, 0)),
                pl.BlockSpec((_NF, 1), lambda i: (0, 0)),
                pl.BlockSpec((_NF, _NF), lambda i: (0, 0)),
                pl.BlockSpec((_NF, 1), lambda i: (0, 0)),
            ],
            out_specs=pl.BlockSpec((_BE // 2, 2 * _NF), lambda i: (i, 0)),
            out_shape=jax.ShapeDtypeStruct((ne // 2, 2 * _NF), jnp.float32),
        )(d2, w1t, b1, w2t, b2)

    return _filter


_tc_filter_a = _make_tc_filter(0, _EHA)
_tc_filter_b = _make_tc_filter(_EHA // _BE, _EHB)


def _tail_body(x_ref, p0_ref, p1_ref, p2_ref, p3_ref,
               wcf2_ref, bcf2_ref, wint_ref, bint_ref,
               wlin_ref, blin_ref, o_ref):
    agg = (p0_ref[0] + p1_ref[0]) + (p2_ref[0] + p3_ref[0])
    h2 = jnp.dot(agg, wcf2_ref[...], preferred_element_type=jnp.float32)
    h2 = _ssp(h2 + bcf2_ref[...])
    h2 = jnp.dot(h2, wint_ref[...], preferred_element_type=jnp.float32)
    h2 = h2 + bint_ref[...]
    y = jnp.dot(h2, wlin_ref[...], preferred_element_type=jnp.float32)
    y = jnp.maximum(y + blin_ref[...], 0.0)
    o_ref[...] = x_ref[...] + y


def _tc_tail(x, parts_a, parts_b, w_cf2, b_cf2, w_int, b_int, w_lin1, b_lin1):
    br = _N // 10
    return pl.pallas_call(
        _tail_body,
        grid=(10,),
        in_specs=[
            pl.BlockSpec((br, _D), lambda i: (i, 0)),
            pl.BlockSpec((1, br, _NF), lambda i: (0, i, 0)),
            pl.BlockSpec((1, br, _NF), lambda i: (1, i, 0)),
            pl.BlockSpec((1, br, _NF), lambda i: (0, i, 0)),
            pl.BlockSpec((1, br, _NF), lambda i: (1, i, 0)),
            pl.BlockSpec((_NF, _D), lambda i: (0, 0)),
            pl.BlockSpec((1, _D), lambda i: (0, 0)),
            pl.BlockSpec((_D, _D), lambda i: (0, 0)),
            pl.BlockSpec((1, _D), lambda i: (0, 0)),
            pl.BlockSpec((_D, _D), lambda i: (0, 0)),
            pl.BlockSpec((1, _D), lambda i: (0, 0)),
        ],
        out_specs=pl.BlockSpec((br, _D), lambda i: (i, 0)),
        out_shape=jax.ShapeDtypeStruct((_N, _D), jnp.float32),
    )(x, parts_a, parts_a, parts_b, parts_b,
      w_cf2, b_cf2, w_int, b_int, w_lin1, b_lin1)


def kernel(x, pos, edge_index, W_mlp1, b_mlp1, W_mlp2, b_mlp2,
           W_cf1, W_cf2, b_cf2, W_int, b_int, W_lin1, b_lin1):
    src = edge_index[0]
    dst = edge_index[1]
    pad = _E_PAD - _E
    srcp = jnp.pad(src, (0, pad))
    dstp = jnp.pad(dst, (0, pad))
    eip = jnp.stack([srcp, dstp])
    posx = pos[:, 0]
    posy = pos[:, 1]
    posz = pos[:, 2]

    d2 = _sc_dist(posx, posy, posz, eip)
    h = _tc_h(x, W_cf1)

    w1t = W_mlp1.T
    b1c = b_mlp1.reshape(_NF, 1)
    w2t = W_mlp2.T
    b2c = b_mlp2.reshape(_NF, 1)
    w_a = _tc_filter_a(d2, w1t, b1c, w2t, b2c)
    w_b = _tc_filter_b(d2, w1t, b1c, w2t, b2c)

    def _ilv(v):
        return v.reshape(-1, 2, _BE // 2).transpose(0, 2, 1).reshape(-1)

    hp = jnp.pad(h, ((0, _NP - _N), (0, 0)))
    parts_a = _sc_msg_a(hp, w_a, _ilv(srcp[:_EHA]), _ilv(dstp[:_EHA]))
    parts_b = _sc_msg_b(hp, w_b, _ilv(srcp[_EHA:]), _ilv(dstp[_EHA:]))

    return _tc_tail(x, parts_a, parts_b, W_cf2, b_cf2.reshape(1, _D),
                    W_int, b_int.reshape(1, _D), W_lin1, b_lin1.reshape(1, _D))

# --- scband reference (transcript-rebuilt; emitter-appended) ---
"""Pipeline reference for scband-interaction-block-gnnlayer-85744727097465 (READ-ONLY COPY).

The authoritative reference and input builder live on the scoring server;
editing this copy changes nothing except your own understanding.
"""

import jax, jax.numpy as jnp
import numpy as np

N = 10000
E = 320000
D = 128
NG = 50
NF = 64
CUTOFF = 10.0

def ssp(x):
    return jax.nn.softplus(x) - jnp.log(2.0)

def setup_inputs(seed: int = 0):
    key = jax.random.key(seed)
    ks = jax.random.split(key, 16)
    x = jax.random.normal(ks[0], (N, D), dtype=jnp.float32)
    pos = jax.random.normal(ks[1], (N, 3), dtype=jnp.float32) * 3.0
    edge_index = jax.random.randint(ks[2], (2, E), 0, N, dtype=jnp.int32)
    s = 0.05
    W_mlp1 = jax.random.normal(ks[3], (NG, NF), dtype=jnp.float32) * s
    b_mlp1 = jnp.zeros((NF,), dtype=jnp.float32)
    W_mlp2 = jax.random.normal(ks[4], (NF, NF), dtype=jnp.float32) * s
    b_mlp2 = jnp.zeros((NF,), dtype=jnp.float32)
    W_cf1 = jax.random.normal(ks[5], (D, NF), dtype=jnp.float32) * s
    W_cf2 = jax.random.normal(ks[6], (NF, D), dtype=jnp.float32) * s
    b_cf2 = jnp.zeros((D,), dtype=jnp.float32)
    W_int = jax.random.normal(ks[7], (D, D), dtype=jnp.float32) * s
    b_int = jnp.zeros((D,), dtype=jnp.float32)
    W_lin1 = jax.random.normal(ks[8], (D, D), dtype=jnp.float32) * s
    b_lin1 = jnp.zeros((D,), dtype=jnp.float32)
    return {"x": x, "pos": pos, "edge_index": edge_index,
            "W_mlp1": W_mlp1, "b_mlp1": b_mlp1, "W_mlp2": W_mlp2, "b_mlp2": b_mlp2,
            "W_cf1": W_cf1, "W_cf2": W_cf2, "b_cf2": b_cf2,
            "W_int": W_int, "b_int": b_int, "W_lin1": W_lin1, "b_lin1": b_lin1}

def reference(x, pos, edge_index, W_mlp1, b_mlp1, W_mlp2, b_mlp2, W_cf1, W_cf2, b_cf2, W_int, b_int, W_lin1, b_lin1):
    src = edge_index[0]
    dst = edge_index[1]
    # compute_distances
    vec = pos[dst] - pos[src]
    dist = jnp.sqrt(jnp.sum(vec * vec, axis=1) + 1e-12)
    # GaussianSmearing(0, 10, 50)
    offset = jnp.linspace(0.0, CUTOFF, NG)
    coeff = -0.5 / ((offset[1] - offset[0]) ** 2)
    edge_attr = jnp.exp(coeff * (dist[:, None] - offset[None, :]) ** 2)
    # SchnetInteractionBlock -> CFConv
    C = 0.5 * (jnp.cos(dist * jnp.pi / CUTOFF) + 1.0)
    W = (ssp(edge_attr @ W_mlp1 + b_mlp1) @ W_mlp2 + b_mlp2) * C[:, None]
    h = x @ W_cf1  # lin1, no bias
    msg = jnp.take(h, src, axis=0) * W
    agg = jax.ops.segment_sum(msg, dst, num_segments=N)
    h2 = agg @ W_cf2 + b_cf2
    h2 = ssp(h2)
    h2 = h2 @ W_int + b_int
    # outer lin1 + relu (+ dropout eval = identity)
    y = jax.nn.relu(h2 @ W_lin1 + b_lin1)
    # node residual
    return x + y

if __name__ == "__main__":
    import jax
    _d = setup_inputs()
    print(jax.jit(kernel)(*tuple(_d.values())))

</pallas_src>

<mosaic_0001>
#map = affine_map<(d0, d1) -> (0, 0)>
#map1 = affine_map<(d0, d1) -> (0)>
#map2 = affine_map<(d0, d1) -> (0, 0, 0)>
module attributes {stable_mosaic.version = 14 : i64} {
  func.func @_msg(%arg0: i32, %arg1: i32, %arg2: memref<10240x64xf32, #tpu.memory_space<hbm>>, %arg3: memref<122880x128xf32, #tpu.memory_space<hbm>>, %arg4: memref<245760xi32, #tpu.memory_space<hbm>>, %arg5: memref<245760xi32, #tpu.memory_space<hbm>>, %arg6: memref<2x10240x64xf32, #tpu.memory_space<hbm>>, %arg7: memref<10240x64xf32, #tpu.memory_space<vmem_shared>>, %arg8: memref<10240x64xf32, #tpu.memory_space<vmem_shared>>, %arg9: memref<2x128xi32, #tpu.memory_space<vmem>>, %arg10: memref<2x128xi32, #tpu.memory_space<vmem>>, %arg11: memref<128x64xf32, #tpu.memory_space<vmem>>, %arg12: memref<2x64x128xf32, #tpu.memory_space<vmem>>, %arg13: memref<128x64xf32, #tpu.memory_space<vmem>>, %arg14: memref<!tpu.dma_semaphore, #tpu.memory_space<semaphore_mem>>, %arg15: memref<!tpu.dma_semaphore, #tpu.memory_space<semaphore_mem>>, %arg16: memref<!tpu.dma_semaphore, #tpu.memory_space<semaphore_mem>>, %arg17: memref<!tpu.dma_semaphore, #tpu.memory_space<semaphore_mem>>, %arg18: memref<!tpu.dma_semaphore, #tpu.memory_space<semaphore_mem>>, %arg19: memref<!tpu.dma_semaphore, #tpu.memory_space<semaphore_mem>>) attributes {dimension_semantics = [#tpu.dimension_semantics<core_parallel>, #tpu.dimension_semantics<subcore_parallel>], iteration_bounds = array<i64: 2, 16>, scalar_prefetch = 0 : i64, scratch_operands = 13 : i64, tpu.core_type = #tpu.core_type<sc_vector_subcore>, window_params = [{transform_indices = #map}, {transform_indices = #map}, {transform_indices = #map1}, {transform_indices = #map1}, {transform_indices = #map2}]} {
    %mul3A = arith.constant 2 : i32
    %mul3A_0 = arith.muli %arg1, %mul3A : i32
    %add3A = arith.addi %mul3A_0, %arg0 : i32
    %broadcast_in_dim3A = arith.constant 0.000000e+00 : f32
    %broadcast_in_dim3A_1 = vector.broadcast %broadcast_in_dim3A : f32 to vector<16xf32>
    %scan3A = arith.constant 0 : i32
    %scan3A_2 = arith.constant 0 : i32
    %scan3A_3 = arith.constant 128 : i32
    %scan3A_4 = arith.addi %scan3A_2, %scan3A_3 : i32
    %scan3A_5 = arith.constant 1 : i32
    scf.for %scan3A_122 = %scan3A_2 to %scan3A_4 step %scan3A_5  : i32 {
      %swap3A = arith.index_cast %scan3A_122 : i32 to index
      %swap3A_123 = arith.constant 0 : index
      %swap3A_124 = tpu.vector_load %arg13[%swap3A, %swap3A_123] {strides = array<i32>} : memref<128x64xf32, #tpu.memory_space<vmem>>, vector<16xf32>,
      tpu.vector_store %arg13[%swap3A, %swap3A_123], %broadcast_in_dim3A_1 {strides = array<i32>} : memref<128x64xf32, #tpu.memory_space<vmem>>, vector<16xf32>,
      %swap3A_125 = arith.index_cast %scan3A_122 : i32 to index
      %swap3A_126 = arith.constant 16 : index
      %swap3A_127 = tpu.vector_load %arg13[%swap3A_125, %swap3A_126] {strides = array<i32>} : memref<128x64xf32, #tpu.memory_space<vmem>>, vector<16xf32>,
      tpu.vector_store %arg13[%swap3A_125, %swap3A_126], %broadcast_in_dim3A_1 {strides = array<i32>} : memref<128x64xf32, #tpu.memory_space<vmem>>, vector<16xf32>,
      %swap3A_128 = arith.index_cast %scan3A_122 : i32 to index
      %swap3A_129 = arith.constant 32 : index
      %swap3A_130 = tpu.vector_load %arg13[%swap3A_128, %swap3A_129] {strides = array<i32>} : memref<128x64xf32, #tpu.memory_space<vmem>>, vector<16xf32>,
      tpu.vector_store %arg13[%swap3A_128, %swap3A_129], %broadcast_in_dim3A_1 {strides = array<i32>} : memref<128x64xf32, #tpu.memory_space<vmem>>, vector<16xf32>,
      %swap3A_131 = arith.index_cast %scan3A_122 : i32 to index
      %swap3A_132 = arith.constant 48 : index
      %swap3A_133 = tpu.vector_load %arg13[%swap3A_131, %swap3A_132] {strides = array<i32>} : memref<128x64xf32, #tpu.memory_space<vmem>>, vector<16xf32>,
      tpu.vector_store %arg13[%swap3A_131, %swap3A_132], %broadcast_in_dim3A_1 {strides = array<i32>} : memref<128x64xf32, #tpu.memory_space<vmem>>, vector<16xf32>,
    }
    %scan3A_6 = arith.constant 128 : i32
    %mul3A_7 = arith.constant 640 : i32
    %mul3A_8 = arith.muli %arg1, %mul3A_7 : i32
    %add3A_9 = arith.constant 0 : i32
    %add3A_10 = arith.addi %mul3A_8, %add3A_9 : i32
    "tpu.region"() ({
      %run_scoped3A = tpu.sem_alloc : memref<!tpu.dma_semaphore, #tpu.memory_space<semaphore_mem>>
      %dma_start3A_122 = arith.constant 0 : i32
      %dma_start3A_123 = tpu.memref_slice %arg7[%add3A_10, %dma_start3A_122] : memref<10240x64xf32, #tpu.memory_space<vmem_shared>> -> memref<128x64xf32, #tpu.memory_space<vmem_shared>>
      %dma_start3A_124 = arith.constant 0 : i32
      %dma_start3A_125 = tpu.memref_slice %arg7[%add3A_10, %dma_start3A_124] : memref<10240x64xf32, #tpu.memory_space<vmem_shared>> -> memref<128x64xf32, #tpu.memory_space<vmem_shared>>
      tpu.enqueue_dma source(%arg13 : memref<128x64xf32, #tpu.memory_space<vmem>>) target(%dma_start3A_125 : memref<128x64xf32, #tpu.memory_space<vmem_shared>>) target_semaphore(%run_scoped3A : memref<!tpu.dma_semaphore, #tpu.memory_space<semaphore_mem>>)
      %dma_wait3A_126 = arith.constant 0 : i32
      %dma_wait3A_127 = tpu.memref_slice %arg7[%add3A_10, %dma_wait3A_126] : memref<10240x64xf32, #tpu.memory_space<vmem_shared>> -> memref<128x64xf32, #tpu.memory_space<vmem_shared>>
      %dma_wait3A_128 = arith.constant 0 : i32
      %dma_wait3A_129 = tpu.memref_slice %arg7[%add3A_10, %dma_wait3A_128] : memref<10240x64xf32, #tpu.memory_space<vmem_shared>> -> memref<128x64xf32, #tpu.memory_space<vmem_shared>>
      tpu.wait_dma2 semaphore(%run_scoped3A : memref<!tpu.dma_semaphore, #tpu.memory_space<semaphore_mem>>) src(%arg13 : memref<128x64xf32, #tpu.memory_space<vmem>>) dst(%dma_wait3A_129 : memref<128x64xf32, #tpu.memory_space<vmem_shared>>)
      tpu.yield
    }) : () -> ()
    %add3A_11 = arith.constant 128 : i32
    %add3A_12 = arith.addi %mul3A_8, %add3A_11 : i32
    "tpu.region"() ({
      %run_scoped3A = tpu.sem_alloc : memref<!tpu.dma_semaphore, #tpu.memory_space<semaphore_mem>>
      %dma_start3A_122 = arith.constant 0 : i32
      %dma_start3A_123 = tpu.memref_slice %arg7[%add3A_12, %dma_start3A_122] : memref<10240x64xf32, #tpu.memory_space<vmem_shared>> -> memref<128x64xf32, #tpu.memory_space<vmem_shared>>
      %dma_start3A_124 = arith.constant 0 : i32
      %dma_start3A_125 = tpu.memref_slice %arg7[%add3A_12, %dma_start3A_124] : memref<10240x64xf32, #tpu.memory_space<vmem_shared>> -> memref<128x64xf32, #tpu.memory_space<vmem_shared>>
      tpu.enqueue_dma source(%arg13 : memref<128x64xf32, #tpu.memory_space<vmem>>) target(%dma_start3A_125 : memref<128x64xf32, #tpu.memory_space<vmem_shared>>) target_semaphore(%run_scoped3A : memref<!tpu.dma_semaphore, #tpu.memory_space<semaphore_mem>>)
      %dma_wait3A_126 = arith.constant 0 : i32
      %dma_wait3A_127 = tpu.memref_slice %arg7[%add3A_12, %dma_wait3A_126] : memref<10240x64xf32, #tpu.memory_space<vmem_shared>> -> memref<128x64xf32, #tpu.memory_space<vmem_shared>>
      %dma_wait3A_128 = arith.constant 0 : i32
      %dma_wait3A_129 = tpu.memref_slice %arg7[%add3A_12, %dma_wait3A_128] : memref<10240x64xf32, #tpu.memory_space<vmem_shared>> -> memref<128x64xf32, #tpu.memory_space<vmem_shared>>
      tpu.wait_dma2 semaphore(%run_scoped3A : memref<!tpu.dma_semaphore, #tpu.memory_space<semaphore_mem>>) src(%arg13 : memref<128x64xf32, #tpu.memory_space<vmem>>) dst(%dma_wait3A_129 : memref<128x64xf32, #tpu.memory_space<vmem_shared>>)
      tpu.yield
    }) : () -> ()
    %add3A_13 = arith.constant 256 : i32
    %add3A_14 = arith.addi %mul3A_8, %add3A_13 : i32
    "tpu.region"() ({
      %run_scoped3A = tpu.sem_alloc : memref<!tpu.dma_semaphore, #tpu.memory_space<semaphore_mem>>
      %dma_start3A_122 = arith.constant 0 : i32
      %dma_start3A_123 = tpu.memref_slice %arg7[%add3A_14, %dma_start3A_122] : memref<10240x64xf32, #tpu.memory_space<vmem_shared>> -> memref<128x64xf32, #tpu.memory_space<vmem_shared>>
      %dma_start3A_124 = arith.constant 0 : i32
      %dma_start3A_125 = tpu.memref_slice %arg7[%add3A_14, %dma_start3A_124] : memref<10240x64xf32, #tpu.memory_space<vmem_shared>> -> memref<128x64xf32, #tpu.memory_space<vmem_shared>>
      tpu.enqueue_dma source(%arg13 : memref<128x64xf32, #tpu.memory_space<vmem>>) target(%dma_start3A_125 : memref<128x64xf32, #tpu.memory_space<vmem_shared>>) target_semaphore(%run_scoped3A : memref<!tpu.dma_semaphore, #tpu.memory_space<semaphore_mem>>)
      %dma_wait3A_126 = arith.constant 0 : i32
      %dma_wait3A_127 = tpu.memref_slice %arg7[%add3A_14, %dma_wait3A_126] : memref<10240x64xf32, #tpu.memory_space<vmem_shared>> -> memref<128x64xf32, #tpu.memory_space<vmem_shared>>
      %dma_wait3A_128 = arith.constant 0 : i32
      %dma_wait3A_129 = tpu.memref_slice %arg7[%add3A_14, %dma_wait3A_128] : memref<10240x64xf32, #tpu.memory_space<vmem_shared>> -> memref<128x64xf32, #tpu.memory_space<vmem_shared>>
      tpu.wait_dma2 semaphore(%run_scoped3A : memref<!tpu.dma_semaphore, #tpu.memory_space<semaphore_mem>>) src(%arg13 : memref<128x64xf32, #tpu.memory_space<vmem>>) dst(%dma_wait3A_129 : memref<128x64xf32, #tpu.memory_space<vmem_shared>>)
      tpu.yield
    }) : () -> ()
    %add3A_15 = arith.constant 384 : i32
    %add3A_16 = arith.addi %mul3A_8, %add3A_15 : i32
    "tpu.region"() ({
      %run_scoped3A = tpu.sem_alloc : memref<!tpu.dma_semaphore, #tpu.memory_space<semaphore_mem>>
      %dma_start3A_122 = arith.constant 0 : i32
      %dma_start3A_123 = tpu.memref_slice %arg7[%add3A_16, %dma_start3A_122] : memref<10240x64xf32, #tpu.memory_space<vmem_shared>> -> memref<128x64xf32, #tpu.memory_space<vmem_shared>>
      %dma_start3A_124 = arith.constant 0 : i32
      %dma_start3A_125 = tpu.memref_slice %arg7[%add3A_16, %dma_start3A_124] : memref<10240x64xf32, #tpu.memory_space<vmem_shared>> -> memref<128x64xf32, #tpu.memory_space<vmem_shared>>
      tpu.enqueue_dma source(%arg13 : memref<128x64xf32, #tpu.memory_space<vmem>>) target(%dma_start3A_125 : memref<128x64xf32, #tpu.memory_space<vmem_shared>>) target_semaphore(%run_scoped3A : memref<!tpu.dma_semaphore, #tpu.memory_space<semaphore_mem>>)
      %dma_wait3A_126 = arith.constant 0 : i32
      %dma_wait3A_127 = tpu.memref_slice %arg7[%add3A_16, %dma_wait3A_126] : memref<10240x64xf32, #tpu.memory_space<vmem_shared>> -> memref<128x64xf32, #tpu.memory_space<vmem_shared>>
      %dma_wait3A_128 = arith.constant 0 : i32
      %dma_wait3A_129 = tpu.memref_slice %arg7[%add3A_16, %dma_wait3A_128] : memref<10240x64xf32, #tpu.memory_space<vmem_shared>> -> memref<128x64xf32, #tpu.memory_space<vmem_shared>>
      tpu.wait_dma2 semaphore(%run_scoped3A : memref<!tpu.dma_semaphore, #tpu.memory_space<semaphore_mem>>) src(%arg13 : memref<128x64xf32, #tpu.memory_space<vmem>>) dst(%dma_wait3A_129 : memref<128x64xf32, #tpu.memory_space<vmem_shared>>)
      tpu.yield
    }) : () -> ()
    %add3A_17 = arith.constant 512 : i32
    %add3A_18 = arith.addi %mul3A_8, %add3A_17 : i32
    "tpu.region"() ({
      %run_scoped3A = tpu.sem_alloc : memref<!tpu.dma_semaphore, #tpu.memory_space<semaphore_mem>>
      %dma_start3A_122 = arith.constant 0 : i32
      %dma_start3A_123 = tpu.memref_slice %arg7[%add3A_18, %dma_start3A_122] : memref<10240x64xf32, #tpu.memory_space<vmem_shared>> -> memref<128x64xf32, #tpu.memory_space<vmem_shared>>
      %dma_start3A_124 = arith.constant 0 : i32
      %dma_start3A_125 = tpu.memref_slice %arg7[%add3A_18, %dma_start3A_124] : memref<10240x64xf32, #tpu.memory_space<vmem_shared>> -> memref<128x64xf32, #tpu.memory_space<vmem_shared>>
      tpu.enqueue_dma source(%arg13 : memref<128x64xf32, #tpu.memory_space<vmem>>) target(%dma_start3A_125 : memref<128x64xf32, #tpu.memory_space<vmem_shared>>) target_semaphore(%run_scoped3A : memref<!tpu.dma_semaphore, #tpu.memory_space<semaphore_mem>>)
      %dma_wait3A_126 = arith.constant 0 : i32
      %dma_wait3A_127 = tpu.memref_slice %arg7[%add3A_18, %dma_wait3A_126] : memref<10240x64xf32, #tpu.memory_space<vmem_shared>> -> memref<128x64xf32, #tpu.memory_space<vmem_shared>>
      %dma_wait3A_128 = arith.constant 0 : i32
      %dma_wait3A_129 = tpu.memref_slice %arg7[%add3A_18, %dma_wait3A_128] : memref<10240x64xf32, #tpu.memory_space<vmem_shared>> -> memref<128x64xf32, #tpu.memory_space<vmem_shared>>
      tpu.wait_dma2 semaphore(%run_scoped3A : memref<!tpu.dma_semaphore, #tpu.memory_space<semaphore_mem>>) src(%arg13 : memref<128x64xf32, #tpu.memory_space<vmem>>) dst(%dma_wait3A_129 : memref<128x64xf32, #tpu.memory_space<vmem_shared>>)
      tpu.yield
    }) : () -> ()
    "tpu.region"() ({
      %run_scoped3A = tpu.sem_alloc : memref<!tpu.dma_semaphore, #tpu.memory_space<semaphore_mem>>
      %dma_start3A_122 = arith.constant 0 : i32
      %dma_start3A_123 = tpu.memref_slice %arg8[%mul3A_8, %dma_start3A_122] : memref<10240x64xf32, #tpu.memory_space<vmem_shared>> -> memref<640x64xf32, #tpu.memory_space<vmem_shared>>
      %dma_start3A_124 = arith.constant 0 : i32
      %dma_start3A_125 = tpu.memref_slice %arg2[%mul3A_8, %dma_start3A_124] : memref<10240x64xf32, #tpu.memory_space<hbm>> -> memref<640x64xf32, #tpu.memory_space<hbm>>
      tpu.enqueue_dma source(%dma_start3A_125 : memref<640x64xf32, #tpu.memory_space<hbm>>) target(%dma_start3A_123 : memref<640x64xf32, #tpu.memory_space<vmem_shared>>) target_semaphore(%run_scoped3A : memref<!tpu.dma_semaphore, #tpu.memory_space<semaphore_mem>>)
      %dma_wait3A_126 = arith.constant 0 : i32
      %dma_wait3A_127 = tpu.memref_slice %arg8[%mul3A_8, %dma_wait3A_126] : memref<10240x64xf32, #tpu.memory_space<vmem_shared>> -> memref<640x64xf32, #tpu.memory_space<vmem_shared>>
      %dma_wait3A_128 = arith.constant 0 : i32
      %dma_wait3A_129 = tpu.memref_slice %arg2[%mul3A_8, %dma_wait3A_128] : memref<10240x64xf32, #tpu.memory_space<hbm>> -> memref<640x64xf32, #tpu.memory_space<hbm>>
      tpu.wait_dma2 semaphore(%run_scoped3A : memref<!tpu.dma_semaphore, #tpu.memory_space<semaphore_mem>>) src(%dma_wait3A_129 : memref<640x64xf32, #tpu.memory_space<hbm>>) dst(%dma_wait3A_127 : memref<640x64xf32, #tpu.memory_space<vmem_shared>>)
      tpu.yield
    }) : () -> ()
    %barrier3A = arith.constant 0 : index
    tpu.barrier barrier_id(%barrier3A)
    %mul3A_19 = arith.constant 7680 : i32
    %mul3A_20 = arith.muli %add3A, %mul3A_19 : i32
    %add3A_21 = arith.constant 0 : i32
    %add3A_22 = arith.addi %mul3A_20, %add3A_21 : i32
    %dma_start3A = arith.constant 0 : i32
    %dma_start3A_23 = arith.constant 0 : i32
    %dma_start3A_24 = tpu.memref_slice %arg9[%dma_start3A, %dma_start3A_23] : memref<2x128xi32, #tpu.memory_space<vmem>> -> memref<1x128xi32, #tpu.memory_space<vmem>>
    %dma_start3A_25 = tpu.memref_squeeze %dma_start3A_24 : memref<1x128xi32, #tpu.memory_space<vmem>> -> memref<128xi32, #tpu.memory_space<vmem>>
    %dma_start3A_26 = tpu.memref_slice %arg4[%add3A_22] : memref<245760xi32, #tpu.memory_space<hbm>> -> memref<128xi32, #tpu.memory_space<hbm>>
    %dma_start3A_27 = arith.constant 0 : i32
    %dma_start3A_28 = tpu.memref_slice %arg9[%dma_start3A, %dma_start3A_27] : memref<2x128xi32, #tpu.memory_space<vmem>> -> memref<1x128xi32, #tpu.memory_space<vmem>>
    %dma_start3A_29 = tpu.memref_squeeze %dma_start3A_28 : memref<1x128xi32, #tpu.memory_space<vmem>> -> memref<128xi32, #tpu.memory_space<vmem>>
    %dma_start3A_30 = tpu.memref_slice %arg4[%add3A_22] : memref<245760xi32, #tpu.memory_space<hbm>> -> memref<128xi32, #tpu.memory_space<hbm>>
    tpu.enqueue_dma source(%dma_start3A_30 : memref<128xi32, #tpu.memory_space<hbm>>) target(%dma_start3A_29 : memref<128xi32, #tpu.memory_space<vmem>>) target_semaphore(%arg14 : memref<!tpu.dma_semaphore, #tpu.memory_space<semaphore_mem>>)
    %dma_start3A_31 = arith.constant 0 : i32
    %dma_start3A_32 = arith.constant 0 : i32
    %dma_start3A_33 = tpu.memref_slice %arg10[%dma_start3A_31, %dma_start3A_32] : memref<2x128xi32, #tpu.memory_space<vmem>> -> memref<1x128xi32, #tpu.memory_space<vmem>>
    %dma_start3A_34 = tpu.memref_squeeze %dma_start3A_33 : memref<1x128xi32, #tpu.memory_space<vmem>> -> memref<128xi32, #tpu.memory_space<vmem>>
    %dma_start3A_35 = tpu.memref_slice %arg5[%add3A_22] : memref<245760xi32, #tpu.memory_space<hbm>> -> memref<128xi32, #tpu.memory_space<hbm>>
    %dma_start3A_36 = arith.constant 0 : i32
    %dma_start3A_37 = tpu.memref_slice %arg10[%dma_start3A_31, %dma_start3A_36] : memref<2x128xi32, #tpu.memory_space<vmem>> -> memref<1x128xi32, #tpu.memory_space<vmem>>
    %dma_start3A_38 = tpu.memref_squeeze %dma_start3A_37 : memref<1x128xi32, #tpu.memory_space<vmem>> -> memref<128xi32, #tpu.memory_space<vmem>>
    %dma_start3A_39 = tpu.memref_slice %arg5[%add3A_22] : memref<245760xi32, #tpu.memory_space<hbm>> -> memref<128xi32, #tpu.memory_space<hbm>>
    tpu.enqueue_dma source(%dma_start3A_39 : memref<128xi32, #tpu.memory_space<hbm>>) target(%dma_start3A_38 : memref<128xi32, #tpu.memory_space<vmem>>) target_semaphore(%arg16 : memref<!tpu.dma_semaphore, #tpu.memory_space<semaphore_mem>>)
    %jit3A = arith.constant 2 : i32
    %div3A = arith.divsi %add3A_22, %jit3A : i32
    %sign3A = arith.constant 0 : i32
    %sign3A_40 = arith.cmpi sgt, %add3A_22, %sign3A : i32
    %sign3A_41 = arith.extui %sign3A_40 : i1 to i32
    %sign3A_42 = arith.constant 0 : i32
    %sign3A_43 = arith.cmpi slt, %add3A_22, %sign3A_42 : i32
    %sign3A_44 = arith.extui %sign3A_43 : i1 to i32
    %sign3A_45 = arith.subi %sign3A_41, %sign3A_44 : i32
    %sign3A_46 = arith.constant 0 : i32
    %sign3A_47 = arith.cmpi sgt, %jit3A, %sign3A_46 : i32
    %sign3A_48 = arith.extui %sign3A_47 : i1 to i32
    %sign3A_49 = arith.constant 0 : i32
    %sign3A_50 = arith.cmpi slt, %jit3A, %sign3A_49 : i32
    %sign3A_51 = arith.extui %sign3A_50 : i1 to i32
    %sign3A_52 = arith.subi %sign3A_48, %sign3A_51 : i32
    %ne3A = arith.cmpi ne, %sign3A_45, %sign3A_52 : i32
    %rem3A = arith.remsi %add3A_22, %jit3A : i32
    %ne3A_53 = arith.constant 0 : i32
    %ne3A_54 = arith.cmpi ne, %rem3A, %ne3A_53 : i32
    %and3A = arith.andi %ne3A, %ne3A_54 : i1
    %sub3A = arith.constant 1 : i32
    %sub3A_55 = arith.subi %div3A, %sub3A : i32
    %select_n3A = arith.select %and3A, %sub3A_55, %div3A : i32
    %dma_start3A_56 = arith.constant 0 : i32
    %dma_start3A_57 = arith.constant 0 : i32
    %dma_start3A_58 = arith.constant 0 : i32
    %dma_start3A_59 = tpu.memref_slice %arg12[%dma_start3A_56, %dma_start3A_57, %dma_start3A_58] : memref<2x64x128xf32, #tpu.memory_space<vmem>> -> memref<1x64x128xf32, #tpu.memory_space<vmem>>
    %dma_start3A_60 = tpu.memref_squeeze %dma_start3A_59 : memref<1x64x128xf32, #tpu.memory_space<vmem>> -> memref<64x128xf32, #tpu.memory_space<vmem>>
    %dma_start3A_61 = arith.constant 0 : i32
    %dma_start3A_62 = tpu.memref_slice %arg3[%select_n3A, %dma_start3A_61] : memref<122880x128xf32, #tpu.memory_space<hbm>> -> memref<64x128xf32, #tpu.memory_space<hbm>>
    %dma_start3A_63 = arith.constant 0 : i32
    %dma_start3A_64 = arith.constant 0 : i32
    %dma_start3A_65 = tpu.memref_slice %arg12[%dma_start3A_56, %dma_start3A_63, %dma_start3A_64] : memref<2x64x128xf32, #tpu.memory_space<vmem>> -> memref<1x64x128xf32, #tpu.memory_space<vmem>>
    %dma_start3A_66 = tpu.memref_squeeze %dma_start3A_65 : memref<1x64x128xf32, #tpu.memory_space<vmem>> -> memref<64x128xf32, #tpu.memory_space<vmem>>
    %dma_start3A_67 = arith.constant 0 : i32
    %dma_start3A_68 = tpu.memref_slice %arg3[%select_n3A, %dma_start3A_67] : memref<122880x128xf32, #tpu.memory_space<hbm>> -> memref<64x128xf32, #tpu.memory_space<hbm>>
    tpu.enqueue_dma source(%dma_start3A_68 : memref<64x128xf32, #tpu.memory_space<hbm>>) target(%dma_start3A_66 : memref<64x128xf32, #tpu.memory_space<vmem>>) target_semaphore(%arg18 : memref<!tpu.dma_semaphore, #tpu.memory_space<semaphore_mem>>)
    %scan3A_69 = arith.constant 0 : i32
    %scan3A_70 = arith.constant 0 : i32
    %scan3A_71 = arith.constant 30 : i32
    %scan3A_72 = arith.addi %scan3A_70, %scan3A_71 : i32
    %scan3A_73 = arith.constant 1 : i32
    scf.for %scan3A_122 = %scan3A_70 to %scan3A_72 step %scan3A_73  : i32 {
      %mul3A_123 = arith.constant 2 : i32
      %mul3A_124 = arith.muli %mul3A_123, %scan3A_122 : i32
      %add3A_125 = arith.constant 1 : i32
      %add3A_126 = arith.addi %mul3A_124, %add3A_125 : i32
      %mul3A_127 = arith.constant 7680 : i32
      %mul3A_128 = arith.muli %add3A, %mul3A_127 : i32
      %mul3A_129 = arith.constant 128 : i32
      %mul3A_130 = arith.muli %add3A_126, %mul3A_129 : i32
      %add3A_131 = arith.addi %mul3A_128, %mul3A_130 : i32
      %dma_start3A_132 = arith.constant 1 : i32
      %dma_start3A_133 = arith.constant 0 : i32
      %dma_start3A_134 = tpu.memref_slice %arg9[%dma_start3A_132, %dma_start3A_133] : memref<2x128xi32, #tpu.memory_space<vmem>> -> memref<1x128xi32, #tpu.memory_space<vmem>>
      %dma_start3A_135 = tpu.memref_squeeze %dma_start3A_134 : memref<1x128xi32, #tpu.memory_space<vmem>> -> memref<128xi32, #tpu.memory_space<vmem>>
      %dma_start3A_136 = tpu.memref_slice %arg4[%add3A_131] : memref<245760xi32, #tpu.memory_space<hbm>> -> memref<128xi32, #tpu.memory_space<hbm>>
      %dma_start3A_137 = arith.constant 0 : i32
      %dma_start3A_138 = tpu.memref_slice %arg9[%dma_start3A_132, %dma_start3A_137] : memref<2x128xi32, #tpu.memory_space<vmem>> -> memref<1x128xi32, #tpu.memory_space<vmem>>
      %dma_start3A_139 = tpu.memref_squeeze %dma_start3A_138 : memref<1x128xi32, #tpu.memory_space<vmem>> -> memref<128xi32, #tpu.memory_space<vmem>>
      %dma_start3A_140 = tpu.memref_slice %arg4[%add3A_131] : memref<245760xi32, #tpu.memory_space<hbm>> -> memref<128xi32, #tpu.memory_space<hbm>>
      tpu.enqueue_dma source(%dma_start3A_140 : memref<128xi32, #tpu.memory_space<hbm>>) target(%dma_start3A_139 : memref<128xi32, #tpu.memory_space<vmem>>) target_semaphore(%arg15 : memref<!tpu.dma_semaphore, #tpu.memory_space<semaphore_mem>>)
      %dma_start3A_141 = arith.constant 1 : i32
      %dma_start3A_142 = arith.constant 0 : i32
      %dma_start3A_143 = tpu.memref_slice %arg10[%dma_start3A_141, %dma_start3A_142] : memref<2x128xi32, #tpu.memory_space<vmem>> -> memref<1x128xi32, #tpu.memory_space<vmem>>
      %dma_start3A_144 = tpu.memref_squeeze %dma_start3A_143 : memref<1x128xi32, #tpu.memory_space<vmem>> -> memref<128xi32, #tpu.memory_space<vmem>>
      %dma_start3A_145 = tpu.memref_slice %arg5[%add3A_131] : memref<245760xi32, #tpu.memory_space<hbm>> -> memref<128xi32, #tpu.memory_space<hbm>>
      %dma_start3A_146 = arith.constant 0 : i32
      %dma_start3A_147 = tpu.memref_slice %arg10[%dma_start3A_141, %dma_start3A_146] : memref<2x128xi32, #tpu.memory_space<vmem>> -> memref<1x128xi32, #tpu.memory_space<vmem>>
      %dma_start3A_148 = tpu.memref_squeeze %dma_start3A_147 : memref<1x128xi32, #tpu.memory_space<vmem>> -> memref<128xi32, #tpu.memory_space<vmem>>
      %dma_start3A_149 = tpu.memref_slice %arg5[%add3A_131] : memref<245760xi32, #tpu.memory_space<hbm>> -> memref<128xi32, #tpu.memory_space<hbm>>
      tpu.enqueue_dma source(%dma_start3A_149 : memref<128xi32, #tpu.memory_space<hbm>>) target(%dma_start3A_148 : memref<128xi32, #tpu.memory_space<vmem>>) target_semaphore(%arg17 : memref<!tpu.dma_semaphore, #tpu.memory_space<semaphore_mem>>)
      %jit3A_150 = arith.constant 2 : i32
      %div3A_151 = arith.divsi %add3A_131, %jit3A_150 : i32
      %sign3A_152 = arith.constant 0 : i32
      %sign3A_153 = arith.cmpi sgt, %add3A_131, %sign3A_152 : i32
      %sign3A_154 = arith.extui %sign3A_153 : i1 to i32
      %sign3A_155 = arith.constant 0 : i32
      %sign3A_156 = arith.cmpi slt, %add3A_131, %sign3A_155 : i32
      %sign3A_157 = arith.extui %sign3A_156 : i1 to i32
      %sign3A_158 = arith.subi %sign3A_154, %sign3A_157 : i32
      %sign3A_159 = arith.constant 0 : i32
      %sign3A_160 = arith.cmpi sgt, %jit3A_150, %sign3A_159 : i32
      %sign3A_161 = arith.extui %sign3A_160 : i1 to i32
      %sign3A_162 = arith.constant 0 : i32
      %sign3A_163 = arith.cmpi slt, %jit3A_150, %sign3A_162 : i32
      %sign3A_164 = arith.extui %sign3A_163 : i1 to i32
      %sign3A_165 = arith.subi %sign3A_161, %sign3A_164 : i32
      %ne3A_166 = arith.cmpi ne, %sign3A_158, %sign3A_165 : i32
      %rem3A_167 = arith.remsi %add3A_131, %jit3A_150 : i32
      %ne3A_168 = arith.constant 0 : i32
      %ne3A_169 = arith.cmpi ne, %rem3A_167, %ne3A_168 : i32
      %and3A_170 = arith.andi %ne3A_166, %ne3A_169 : i1
      %sub3A_171 = arith.constant 1 : i32
      %sub3A_172 = arith.subi %div3A_151, %sub3A_171 : i32
      %select_n3A_173 = arith.select %and3A_170, %sub3A_172, %div3A_151 : i32
      %dma_start3A_174 = arith.constant 1 : i32
      %dma_start3A_175 = arith.constant 0 : i32
      %dma_start3A_176 = arith.constant 0 : i32
      %dma_start3A_177 = tpu.memref_slice %arg12[%dma_start3A_174, %dma_start3A_175, %dma_start3A_176] : memref<2x64x128xf32, #tpu.memory_space<vmem>> -> memref<1x64x128xf32, #tpu.memory_space<vmem>>
      %dma_start3A_178 = tpu.memref_squeeze %dma_start3A_177 : memref<1x64x128xf32, #tpu.memory_space<vmem>> -> memref<64x128xf32, #tpu.memory_space<vmem>>
      %dma_start3A_179 = arith.constant 0 : i32
      %dma_start3A_180 = tpu.memref_slice %arg3[%select_n3A_173, %dma_start3A_179] : memref<122880x128xf32, #tpu.memory_space<hbm>> -> memref<64x128xf32, #tpu.memory_space<hbm>>
      %dma_start3A_181 = arith.constant 0 : i32
      %dma_start3A_182 = arith.constant 0 : i32
      %dma_start3A_183 = tpu.memref_slice %arg12[%dma_start3A_174, %dma_start3A_181, %dma_start3A_182] : memref<2x64x128xf32, #tpu.memory_space<vmem>> -> memref<1x64x128xf32, #tpu.memory_space<vmem>>
      %dma_start3A_184 = tpu.memref_squeeze %dma_start3A_183 : memref<1x64x128xf32, #tpu.memory_space<vmem>> -> memref<64x128xf32, #tpu.memory_space<vmem>>
      %dma_start3A_185 = arith.constant 0 : i32
      %dma_start3A_186 = tpu.memref_slice %arg3[%select_n3A_173, %dma_start3A_185] : memref<122880x128xf32, #tpu.memory_space<hbm>> -> memref<64x128xf32, #tpu.memory_space<hbm>>
      tpu.enqueue_dma source(%dma_start3A_186 : memref<64x128xf32, #tpu.memory_space<hbm>>) target(%dma_start3A_184 : memref<64x128xf32, #tpu.memory_space<vmem>>) target_semaphore(%arg19 : memref<!tpu.dma_semaphore, #tpu.memory_space<semaphore_mem>>)
      %dma_wait3A_187 = arith.constant 0 : i32
      %dma_wait3A_188 = arith.constant 0 : i32
      %dma_wait3A_189 = tpu.memref_slice %arg9[%dma_wait3A_187, %dma_wait3A_188] : memref<2x128xi32, #tpu.memory_space<vmem>> -> memref<1x128xi32, #tpu.memory_space<vmem>>
      %dma_wait3A_190 = tpu.memref_squeeze %dma_wait3A_189 : memref<1x128xi32, #tpu.memory_space<vmem>> -> memref<128xi32, #tpu.memory_space<vmem>>
      %dma_wait3A_191 = arith.constant 0 : i32
      %dma_wait3A_192 = tpu.memref_slice %arg4[%dma_wait3A_191] : memref<245760xi32, #tpu.memory_space<hbm>> -> memref<128xi32, #tpu.memory_space<hbm>>
      %dma_wait3A_193 = arith.constant 0 : i32
      %dma_wait3A_194 = tpu.memref_slice %arg9[%dma_wait3A_187, %dma_wait3A_193] : memref<2x128xi32, #tpu.memory_space<vmem>> -> memref<1x128xi32, #tpu.memory_space<vmem>>
      %dma_wait3A_195 = tpu.memref_squeeze %dma_wait3A_194 : memref<1x128xi32, #tpu.memory_space<vmem>> -> memref<128xi32, #tpu.memory_space<vmem>>
      %dma_wait3A_196 = arith.constant 0 : i32
      %dma_wait3A_197 = tpu.memref_slice %arg4[%dma_wait3A_196] : memref<245760xi32, #tpu.memory_space<hbm>> -> memref<128xi32, #tpu.memory_space<hbm>>
      tpu.wait_dma2 semaphore(%arg14 : memref<!tpu.dma_semaphore, #tpu.memory_space<semaphore_mem>>) src(%dma_wait3A_197 : memref<128xi32, #tpu.memory_space<hbm>>) dst(%dma_wait3A_195 : memref<128xi32, #tpu.memory_space<vmem>>)
      %dma_wait3A_198 = arith.constant 0 : i32
      %dma_wait3A_199 = arith.constant 0 : i32
      %dma_wait3A_200 = tpu.memref_slice %arg10[%dma_wait3A_198, %dma_wait3A_199] : memref<2x128xi32, #tpu.memory_space<vmem>> -> memref<1x128xi32, #tpu.memory_space<vmem>>
      %dma_wait3A_201 = tpu.memref_squeeze %dma_wait3A_200 : memref<1x128xi32, #tpu.memory_space<vmem>> -> memref<128xi32, #tpu.memory_space<vmem>>
      %dma_wait3A_202 = arith.constant 0 : i32
      %dma_wait3A_203 = tpu.memref_slice %arg5[%dma_wait3A_202] : memref<245760xi32, #tpu.memory_space<hbm>> -> memref<128xi32, #tpu.memory_space<hbm>>
      %dma_wait3A_204 = arith.constant 0 : i32
      %dma_wait3A_205 = tpu.memref_slice %arg10[%dma_wait3A_198, %dma_wait3A_204] : memref<2x128xi32, #tpu.memory_space<vmem>> -> memref<1x128xi32, #tpu.memory_space<vmem>>
      %dma_wait3A_206 = tpu.memref_squeeze %dma_wait3A_205 : memref<1x128xi32, #tpu.memory_space<vmem>> -> memref<128xi32, #tpu.memory_space<vmem>>
      %dma_wait3A_207 = arith.constant 0 : i32
      %dma_wait3A_208 = tpu.memref_slice %arg5[%dma_wait3A_207] : memref<245760xi32, #tpu.memory_space<hbm>> -> memref<128xi32, #tpu.memory_space<hbm>>
      tpu.wait_dma2 semaphore(%arg16 : memref<!tpu.dma_semaphore, #tpu.memory_space<semaphore_mem>>) src(%dma_wait3A_208 : memref<128xi32, #tpu.memory_space<hbm>>) dst(%dma_wait3A_206 : memref<128xi32, #tpu.memory_space<vmem>>)
      %dma_wait3A_209 = arith.constant 0 : i32
      %dma_wait3A_210 = arith.constant 0 : i32
      %dma_wait3A_211 = arith.constant 0 : i32
      %dma_wait3A_212 = tpu.memref_slice %arg12[%dma_wait3A_209, %dma_wait3A_210, %dma_wait3A_211] : memref<2x64x128xf32, #tpu.memory_space<vmem>> -> memref<1x64x128xf32, #tpu.memory_space<vmem>>
      %dma_wait3A_213 = tpu.memref_squeeze %dma_wait3A_212 : memref<1x64x128xf32, #tpu.memory_space<vmem>> -> memref<64x128xf32, #tpu.memory_space<vmem>>
      %dma_wait3A_214 = arith.constant 0 : i32
      %dma_wait3A_215 = arith.constant 0 : i32
      %dma_wait3A_216 = tpu.memref_slice %arg3[%dma_wait3A_214, %dma_wait3A_215] : memref<122880x128xf32, #tpu.memory_space<hbm>> -> memref<64x128xf32, #tpu.memory_space<hbm>>
      %dma_wait3A_217 = arith.constant 0 : i32
      %dma_wait3A_218 = arith.constant 0 : i32
      %dma_wait3A_219 = tpu.memref_slice %arg12[%dma_wait3A_209, %dma_wait3A_217, %dma_wait3A_218] : memref<2x64x128xf32, #tpu.memory_space<vmem>> -> memref<1x64x128xf32, #tpu.memory_space<vmem>>
      %dma_wait3A_220 = tpu.memref_squeeze %dma_wait3A_219 : memref<1x64x128xf32, #tpu.memory_space<vmem>> -> memref<64x128xf32, #tpu.memory_space<vmem>>
      %dma_wait3A_221 = arith.constant 0 : i32
      %dma_wait3A_222 = arith.constant 0 : i32
      %dma_wait3A_223 = tpu.memref_slice %arg3[%dma_wait3A_221, %dma_wait3A_222] : memref<122880x128xf32, #tpu.memory_space<hbm>> -> memref<64x128xf32, #tpu.memory_space<hbm>>
      tpu.wait_dma2 semaphore(%arg18 : memref<!tpu.dma_semaphore, #tpu.memory_space<semaphore_mem>>) src(%dma_wait3A_223 : memref<64x128xf32, #tpu.memory_space<hbm>>) dst(%dma_wait3A_220 : memref<64x128xf32, #tpu.memory_space<vmem>>)
      %run_scoped3A = arith.constant 0 : i32
      "tpu.region"() ({
        %run_scoped3A_340 = tpu.sem_alloc : memref<!tpu.dma_semaphore, #tpu.memory_space<semaphore_mem>>
        %dma_start3A_341 = arith.constant 0 : i32
        %dma_start3A_342 = tpu.memref_slice %arg9[%run_scoped3A, %dma_start3A_341] : memref<2x128xi32, #tpu.memory_space<vmem>> -> memref<1x128xi32, #tpu.memory_space<vmem>>
        %dma_start3A_343 = tpu.memref_squeeze %dma_start3A_342 : memref<1x128xi32, #tpu.memory_space<vmem>> -> memref<128xi32, #tpu.memory_space<vmem>>
        %dma_start3A_344 = arith.constant 0 : i32
        %dma_start3A_345 = arith.constant 0 : i32
        %dma_start3A_346 = tpu.memref_slice %arg8[%dma_start3A_344, %dma_start3A_345] : memref<10240x64xf32, #tpu.memory_space<vmem_shared>> -> memref<10240x64xf32, #tpu.memory_space<vmem_shared>>
        tpu.enqueue_indirect_dma source(%dma_start3A_346 : memref<10240x64xf32, #tpu.memory_space<vmem_shared>>) target(%arg11 : memref<128x64xf32, #tpu.memory_space<vmem>>) offsets(%dma_start3A_343 : memref<128xi32, #tpu.memory_space<vmem>>) semaphore(%run_scoped3A_340 : memref<!tpu.dma_semaphore, #tpu.memory_space<semaphore_mem>>)
        %dma_wait3A_347 = arith.constant 0 : i32
        %dma_wait3A_348 = tpu.memref_slice %arg9[%run_scoped3A, %dma_wait3A_347] : memref<2x128xi32, #tpu.memory_space<vmem>> -> memref<1x128xi32, #tpu.memory_space<vmem>>
        %dma_wait3A_349 = tpu.memref_squeeze %dma_wait3A_348 : memref<1x128xi32, #tpu.memory_space<vmem>> -> memref<128xi32, #tpu.memory_space<vmem>>
        %dma_wait3A_350 = arith.constant 0 : i32
        %dma_wait3A_351 = arith.constant 0 : i32
        %dma_wait3A_352 = tpu.memref_slice %arg8[%dma_wait3A_350, %dma_wait3A_351] : memref<10240x64xf32, #tpu.memory_space<vmem_shared>> -> memref<10240x64xf32, #tpu.memory_space<vmem_shared>>
        tpu.wait_indirect_dma semaphore(%run_scoped3A_340 : memref<!tpu.dma_semaphore, #tpu.memory_space<semaphore_mem>>) src(%dma_wait3A_352 : memref<10240x64xf32, #tpu.memory_space<vmem_shared>>) dst(%arg11 : memref<128x64xf32, #tpu.memory_space<vmem>>)
        tpu.yield
      }) : () -> ()
      %scan3A_224 = arith.constant 0 : i32
      %scan3A_225 = arith.constant 0 : i32
      %scan3A_226 = arith.constant 64 : i32
      %scan3A_227 = arith.addi %scan3A_225, %scan3A_226 : i32
      %scan3A_228 = arith.constant 1 : i32
      scf.for %scan3A_340 = %scan3A_225 to %scan3A_227 step %scan3A_228  : i32 {
        %mul3A_341 = arith.constant 2 : i32
        %mul3A_342 = arith.muli %mul3A_341, %scan3A_340 : i32
        %get3A = arith.index_cast %mul3A_342 : i32 to index
        %get3A_343 = arith.constant 0 : index
        %get3A_344 = tpu.vector_load %arg11[%get3A, %get3A_343] {strides = array<i32>} : memref<128x64xf32, #tpu.memory_space<vmem>>, vector<16xf32>,
        %get3A_345 = arith.constant 0 : i32
        %get3A_346 = arith.index_cast %get3A_345 : i32 to index
        %get3A_347 = arith.index_cast %scan3A_340 : i32 to index
        %get3A_348 = arith.constant 0 : index
        %get3A_349 = tpu.vector_load %arg12[%get3A_346, %get3A_347, %get3A_348] {strides = array<i32>} : memref<2x64x128xf32, #tpu.memory_space<vmem>>, vector<16xf32>,
        %mul3A_350 = arith.mulf %get3A_344, %get3A_349 : vector<16xf32>
        %mul3A_351 = arith.constant 2 : i32
        %mul3A_352 = arith.muli %mul3A_351, %scan3A_340 : i32
        %swap3A = arith.index_cast %mul3A_352 : i32 to index
        %swap3A_353 = arith.constant 0 : index
        %swap3A_354 = tpu.vector_load %arg11[%swap3A, %swap3A_353] {strides = array<i32>} : memref<128x64xf32, #tpu.memory_space<vmem>>, vector<16xf32>,
        tpu.vector_store %arg11[%swap3A, %swap3A_353], %mul3A_350 {strides = array<i32>} : memref<128x64xf32, #tpu.memory_space<vmem>>, vector<16xf32>,
        %mul3A_355 = arith.constant 2 : i32
        %mul3A_356 = arith.muli %mul3A_355, %scan3A_340 : i32
        %add3A_357 = arith.constant 1 : i32
        %add3A_358 = arith.addi %mul3A_356, %add3A_357 : i32
        %get3A_359 = arith.index_cast %add3A_358 : i32 to index
        %get3A_360 = arith.constant 0 : index
        %get3A_361 = tpu.vector_load %arg11[%get3A_359, %get3A_360] {strides = array<i32>} : memref<128x64xf32, #tpu.memory_space<vmem>>, vector<16xf32>,
        %get3A_362 = arith.constant 0 : i32
        %get3A_363 = arith.index_cast %get3A_362 : i32 to index
        %get3A_364 = arith.index_cast %scan3A_340 : i32 to index
        %get3A_365 = arith.constant 64 : index
        %get3A_366 = tpu.vector_load %arg12[%get3A_363, %get3A_364, %get3A_365] {strides = array<i32>} : memref<2x64x128xf32, #tpu.memory_space<vmem>>, vector<16xf32>,
        %mul3A_367 = arith.mulf %get3A_361, %get3A_366 : vector<16xf32>
        %mul3A_368 = arith.constant 2 : i32
        %mul3A_369 = arith.muli %mul3A_368, %scan3A_340 : i32
        %add3A_370 = arith.constant 1 : i32
        %add3A_371 = arith.addi %mul3A_369, %add3A_370 : i32
        %swap3A_372 = arith.index_cast %add3A_371 : i32 to index
        %swap3A_373 = arith.constant 0 : index
        %swap3A_374 = tpu.vector_load %arg11[%swap3A_372, %swap3A_373] {strides = array<i32>} : memref<128x64xf32, #tpu.memory_space<vmem>>, vector<16xf32>,
        tpu.vector_store %arg11[%swap3A_372, %swap3A_373], %mul3A_367 {strides = array<i32>} : memref<128x64xf32, #tpu.memory_space<vmem>>, vector<16xf32>,
        %mul3A_375 = arith.constant 2 : i32
        %mul3A_376 = arith.muli %mul3A_375, %scan3A_340 : i32
        %get3A_377 = arith.index_cast %mul3A_376 : i32 to index
        %get3A_378 = arith.constant 16 : index
        %get3A_379 = tpu.vector_load %arg11[%get3A_377, %get3A_378] {strides = array<i32>} : memref<128x64xf32, #tpu.memory_space<vmem>>, vector<16xf32>,
        %get3A_380 = arith.constant 0 : i32
        %get3A_381 = arith.index_cast %get3A_380 : i32 to index
        %get3A_382 = arith.index_cast %scan3A_340 : i32 to index
        %get3A_383 = arith.constant 16 : index
        %get3A_384 = tpu.vector_load %arg12[%get3A_381, %get3A_382, %get3A_383] {strides = array<i32>} : memref<2x64x128xf32, #tpu.memory_space<vmem>>, vector<16xf32>,
        %mul3A_385 = arith.mulf %get3A_379, %get3A_384 : vector<16xf32>
        %mul3A_386 = arith.constant 2 : i32
        %mul3A_387 = arith.muli %mul3A_386, %scan3A_340 : i32
        %swap3A_388 = arith.index_cast %mul3A_387 : i32 to index
        %swap3A_389 = arith.constant 16 : index
        %swap3A_390 = tpu.vector_load %arg11[%swap3A_388, %swap3A_389] {strides = array<i32>} : memref<128x64xf32, #tpu.memory_space<vmem>>, vector<16xf32>,
        tpu.vector_store %arg11[%swap3A_388, %swap3A_389], %mul3A_385 {strides = array<i32>} : memref<128x64xf32, #tpu.memory_space<vmem>>, vector<16xf32>,
        %mul3A_391 = arith.constant 2 : i32
        %mul3A_392 = arith.muli %mul3A_391, %scan3A_340 : i32
        %add3A_393 = arith.constant 1 : i32
        %add3A_394 = arith.addi %mul3A_392, %add3A_393 : i32
        %get3A_395 = arith.index_cast %add3A_394 : i32 to index
        %get3A_396 = arith.constant 16 : index
        %get3A_397 = tpu.vector_load %arg11[%get3A_395, %get3A_396] {strides = array<i32>} : memref<128x64xf32, #tpu.memory_space<vmem>>, vector<16xf32>,
        %get3A_398 = arith.constant 0 : i32
        %get3A_399 = arith.index_cast %get3A_398 : i32 to index
        %get3A_400 = arith.index_cast %scan3A_340 : i32 to index
        %get3A_401 = arith.constant 80 : index
        %get3A_402 = tpu.vector_load %arg12[%get3A_399, %get3A_400, %get3A_401] {strides = array<i32>} : memref<2x64x128xf32, #tpu.memory_space<vmem>>, vector<16xf32>,
        %mul3A_403 = arith.mulf %get3A_397, %get3A_402 : vector<16xf32>
        %mul3A_404 = arith.constant 2 : i32
        %mul3A_405 = arith.muli %mul3A_404, %scan3A_340 : i32
        %add3A_406 = arith.constant 1 : i32
        %add3A_407 = arith.addi %mul3A_405, %add3A_406 : i32
        %swap3A_408 = arith.index_cast %add3A_407 : i32 to index
        %swap3A_409 = arith.constant 16 : index
        %swap3A_410 = tpu.vector_load %arg11[%swap3A_408, %swap3A_409] {strides = array<i32>} : memref<128x64xf32, #tpu.memory_space<vmem>>, vector<16xf32>,
        tpu.vector_store %arg11[%swap3A_408, %swap3A_409], %mul3A_403 {strides = array<i32>} : memref<128x64xf32, #tpu.memory_space<vmem>>, vector<16xf32>,
        %mul3A_411 = arith.constant 2 : i32
        %mul3A_412 = arith.muli %mul3A_411, %scan3A_340 : i32
        %get3A_413 = arith.index_cast %mul3A_412 : i32 to index
        %get3A_414 = arith.constant 32 : index
        %get3A_415 = tpu.vector_load %arg11[%get3A_413, %get3A_414] {strides = array<i32>} : memref<128x64xf32, #tpu.memory_space<vmem>>, vector<16xf32>,
        %get3A_416 = arith.constant 0 : i32
        %get3A_417 = arith.index_cast %get3A_416 : i32 to index
        %get3A_418 = arith.index_cast %scan3A_340 : i32 to index
        %get3A_419 = arith.constant 32 : index
        %get3A_420 = tpu.vector_load %arg12[%get3A_417, %get3A_418, %get3A_419] {strides = array<i32>} : memref<2x64x128xf32, #tpu.memory_space<vmem>>, vector<16xf32>,
        %mul3A_421 = arith.mulf %get3A_415, %get3A_420 : vector<16xf32>
        %mul3A_422 = arith.constant 2 : i32
        %mul3A_423 = arith.muli %mul3A_422, %scan3A_340 : i32
        %swap3A_424 = arith.index_cast %mul3A_423 : i32 to index
        %swap3A_425 = arith.constant 32 : index
        %swap3A_426 = tpu.vector_load %arg11[%swap3A_424, %swap3A_425] {strides = array<i32>} : memref<128x64xf32, #tpu.memory_space<vmem>>, vector<16xf32>,
        tpu.vector_store %arg11[%swap3A_424, %swap3A_425], %mul3A_421 {strides = array<i32>} : memref<128x64xf32, #tpu.memory_space<vmem>>, vector<16xf32>,
        %mul3A_427 = arith.constant 2 : i32
        %mul3A_428 = arith.muli %mul3A_427, %scan3A_340 : i32
        %add3A_429 = arith.constant 1 : i32
        %add3A_430 = arith.addi %mul3A_428, %add3A_429 : i32
        %get3A_431 = arith.index_cast %add3A_430 : i32 to index
        %get3A_432 = arith.constant 32 : index
        %get3A_433 = tpu.vector_load %arg11[%get3A_431, %get3A_432] {strides = array<i32>} : memref<128x64xf32, #tpu.memory_space<vmem>>, vector<16xf32>,
        %get3A_434 = arith.constant 0 : i32
        %get3A_435 = arith.index_cast %get3A_434 : i32 to index
        %get3A_436 = arith.index_cast %scan3A_340 : i32 to index
        %get3A_437 = arith.constant 96 : index
        %get3A_438 = tpu.vector_load %arg12[%get3A_435, %get3A_436, %get3A_437] {strides = array<i32>} : memref<2x64x128xf32, #tpu.memory_space<vmem>>, vector<16xf32>,
        %mul3A_439 = arith.mulf %get3A_433, %get3A_438 : vector<16xf32>
        %mul3A_440 = arith.constant 2 : i32
        %mul3A_441 = arith.muli %mul3A_440, %scan3A_340 : i32
        %add3A_442 = arith.constant 1 : i32
        %add3A_443 = arith.addi %mul3A_441, %add3A_442 : i32
        %swap3A_444 = arith.index_cast %add3A_443 : i32 to index
        %swap3A_445 = arith.constant 32 : index
        %swap3A_446 = tpu.vector_load %arg11[%swap3A_444, %swap3A_445] {strides = array<i32>} : memref<128x64xf32, #tpu.memory_space<vmem>>, vector<16xf32>,
        tpu.vector_store %arg11[%swap3A_444, %swap3A_445], %mul3A_439 {strides = array<i32>} : memref<128x64xf32, #tpu.memory_space<vmem>>, vector<16xf32>,
        %mul3A_447 = arith.constant 2 : i32
        %mul3A_448 = arith.muli %mul3A_447, %scan3A_340 : i32
        %get3A_449 = arith.index_cast %mul3A_448 : i32 to index
        %get3A_450 = arith.constant 48 : index
        %get3A_451 = tpu.vector_load %arg11[%get3A_449, %get3A_450] {strides = array<i32>} : memref<128x64xf32, #tpu.memory_space<vmem>>, vector<16xf32>,
        %get3A_452 = arith.constant 0 : i32
        %get3A_453 = arith.index_cast %get3A_452 : i32 to index
        %get3A_454 = arith.index_cast %scan3A_340 : i32 to index
        %get3A_455 = arith.constant 48 : index
        %get3A_456 = tpu.vector_load %arg12[%get3A_453, %get3A_454, %get3A_455] {strides = array<i32>} : memref<2x64x128xf32, #tpu.memory_space<vmem>>, vector<16xf32>,
        %mul3A_457 = arith.mulf %get3A_451, %get3A_456 : vector<16xf32>
        %mul3A_458 = arith.constant 2 : i32
        %mul3A_459 = arith.muli %mul3A_458, %scan3A_340 : i32
        %swap3A_460 = arith.index_cast %mul3A_459 : i32 to index
        %swap3A_461 = arith.constant 48 : index
        %swap3A_462 = tpu.vector_load %arg11[%swap3A_460, %swap3A_461] {strides = array<i32>} : memref<128x64xf32, #tpu.memory_space<vmem>>, vector<16xf32>,
        tpu.vector_store %arg11[%swap3A_460, %swap3A_461], %mul3A_457 {strides = array<i32>} : memref<128x64xf32, #tpu.memory_space<vmem>>, vector<16xf32>,
        %mul3A_463 = arith.constant 2 : i32
        %mul3A_464 = arith.muli %mul3A_463, %scan3A_340 : i32
        %add3A_465 = arith.constant 1 : i32
        %add3A_466 = arith.addi %mul3A_464, %add3A_465 : i32
        %get3A_467 = arith.index_cast %add3A_466 : i32 to index
        %get3A_468 = arith.constant 48 : index
        %get3A_469 = tpu.vector_load %arg11[%get3A_467, %get3A_468] {strides = array<i32>} : memref<128x64xf32, #tpu.memory_space<vmem>>, vector<16xf32>,
        %get3A_470 = arith.constant 0 : i32
        %get3A_471 = arith.index_cast %get3A_470 : i32 to index
        %get3A_472 = arith.index_cast %scan3A_340 : i32 to index
        %get3A_473 = arith.constant 112 : index
        %get3A_474 = tpu.vector_load %arg12[%get3A_471, %get3A_472, %get3A_473] {strides = array<i32>} : memref<2x64x128xf32, #tpu.memory_space<vmem>>, vector<16xf32>,
        %mul3A_475 = arith.mulf %get3A_469, %get3A_474 : vector<16xf32>
        %mul3A_476 = arith.constant 2 : i32
        %mul3A_477 = arith.muli %mul3A_476, %scan3A_340 : i32
        %add3A_478 = arith.constant 1 : i32
        %add3A_479 = arith.addi %mul3A_477, %add3A_478 : i32
        %swap3A_480 = arith.index_cast %add3A_479 : i32 to index
        %swap3A_481 = arith.constant 48 : index
        %swap3A_482 = tpu.vector_load %arg11[%swap3A_480, %swap3A_481] {strides = array<i32>} : memref<128x64xf32, #tpu.memory_space<vmem>>, vector<16xf32>,
        tpu.vector_store %arg11[%swap3A_480, %swap3A_481], %mul3A_475 {strides = array<i32>} : memref<128x64xf32, #tpu.memory_space<vmem>>, vector<16xf32>,
      }
      %scan3A_229 = arith.constant 64 : i32
      %run_scoped3A_230 = arith.constant 0 : i32
      "tpu.region"() ({
        %run_scoped3A_340 = tpu.sem_alloc : memref<!tpu.dma_semaphore, #tpu.memory_space<semaphore_mem>>
        %dma_start3A_341 = arith.constant 0 : i32
        %dma_start3A_342 = tpu.memref_slice %arg10[%run_scoped3A_230, %dma_start3A_341] : memref<2x128xi32, #tpu.memory_space<vmem>> -> memref<1x128xi32, #tpu.memory_space<vmem>>
        %dma_start3A_343 = tpu.memref_squeeze %dma_start3A_342 : memref<1x128xi32, #tpu.memory_space<vmem>> -> memref<128xi32, #tpu.memory_space<vmem>>
        %dma_start3A_344 = arith.constant 0 : i32
        %dma_start3A_345 = arith.constant 0 : i32
        %dma_start3A_346 = tpu.memref_slice %arg7[%dma_start3A_344, %dma_start3A_345] : memref<10240x64xf32, #tpu.memory_space<vmem_shared>> -> memref<10240x64xf32, #tpu.memory_space<vmem_shared>>
        tpu.enqueue_indirect_dma source(%arg11 : memref<128x64xf32, #tpu.memory_space<vmem>>) target(%dma_start3A_346 : memref<10240x64xf32, #tpu.memory_space<vmem_shared>>) offsets(%dma_start3A_343 : memref<128xi32, #tpu.memory_space<vmem>>) semaphore(%run_scoped3A_340 : memref<!tpu.dma_semaphore, #tpu.memory_space<semaphore_mem>>) {add = true}
        %dma_wait3A_347 = arith.constant 0 : i32
        %dma_wait3A_348 = tpu.memref_slice %arg10[%run_scoped3A_230, %dma_wait3A_347] : memref<2x128xi32, #tpu.memory_space<vmem>> -> memref<1x128xi32, #tpu.memory_space<vmem>>
        %dma_wait3A_349 = tpu.memref_squeeze %dma_wait3A_348 : memref<1x128xi32, #tpu.memory_space<vmem>> -> memref<128xi32, #tpu.memory_space<vmem>>
        %dma_wait3A_350 = arith.constant 0 : i32
        %dma_wait3A_351 = arith.constant 0 : i32
        %dma_wait3A_352 = tpu.memref_slice %arg7[%dma_wait3A_350, %dma_wait3A_351] : memref<10240x64xf32, #tpu.memory_space<vmem_shared>> -> memref<10240x64xf32, #tpu.memory_space<vmem_shared>>
        tpu.wait_indirect_dma semaphore(%run_scoped3A_340 : memref<!tpu.dma_semaphore, #tpu.memory_space<semaphore_mem>>) src(%arg11 : memref<128x64xf32, #tpu.memory_space<vmem>>) dst(%dma_wait3A_352 : memref<10240x64xf32, #tpu.memory_space<vmem_shared>>)
        tpu.yield
      }) : () -> ()
      %add3A_231 = arith.constant 2 : i32
      %add3A_232 = arith.addi %mul3A_124, %add3A_231 : i32
      %rem3A_233 = arith.constant 60 : i32
      %rem3A_234 = arith.remsi %add3A_232, %rem3A_233 : i32
      %mul3A_235 = arith.constant 7680 : i32
      %mul3A_236 = arith.muli %add3A, %mul3A_235 : i32
      %mul3A_237 = arith.constant 128 : i32
      %mul3A_238 = arith.muli %rem3A_234, %mul3A_237 : i32
      %add3A_239 = arith.addi %mul3A_236, %mul3A_238 : i32
      %dma_start3A_240 = arith.constant 0 : i32
      %dma_start3A_241 = arith.constant 0 : i32
      %dma_start3A_242 = tpu.memref_slice %arg9[%dma_start3A_240, %dma_start3A_241] : memref<2x128xi32, #tpu.memory_space<vmem>> -> memref<1x128xi32, #tpu.memory_space<vmem>>
      %dma_start3A_243 = tpu.memref_squeeze %dma_start3A_242 : memref<1x128xi32, #tpu.memory_space<vmem>> -> memref<128xi32, #tpu.memory_space<vmem>>
      %dma_start3A_244 = tpu.memref_slice %arg4[%add3A_239] : memref<245760xi32, #tpu.memory_space<hbm>> -> memref<128xi32, #tpu.memory_space<hbm>>
      %dma_start3A_245 = arith.constant 0 : i32
      %dma_start3A_246 = tpu.memref_slice %arg9[%dma_start3A_240, %dma_start3A_245] : memref<2x128xi32, #tpu.memory_space<vmem>> -> memref<1x128xi32, #tpu.memory_space<vmem>>
      %dma_start3A_247 = tpu.memref_squeeze %dma_start3A_246 : memref<1x128xi32, #tpu.memory_space<vmem>> -> memref<128xi32, #tpu.memory_space<vmem>>
      %dma_start3A_248 = tpu.memref_slice %arg4[%add3A_239] : memref<245760xi32, #tpu.memory_space<hbm>> -> memref<128xi32, #tpu.memory_space<hbm>>
      tpu.enqueue_dma source(%dma_start3A_248 : memref<128xi32, #tpu.memory_space<hbm>>) target(%dma_start3A_247 : memref<128xi32, #tpu.memory_space<vmem>>) target_semaphore(%arg14 : memref<!tpu.dma_semaphore, #tpu.memory_space<semaphore_mem>>)
      %dma_start3A_249 = arith.constant 0 : i32
      %dma_start3A_250 = arith.constant 0 : i32
      %dma_start3A_251 = tpu.memref_slice %arg10[%dma_start3A_249, %dma_start3A_250] : memref<2x128xi32, #tpu.memory_space<vmem>> -> memref<1x128xi32, #tpu.memory_space<vmem>>
      %dma_start3A_252 = tpu.memref_squeeze %dma_start3A_251 : memref<1x128xi32, #tpu.memory_space<vmem>> -> memref<128xi32, #tpu.memory_space<vmem>>
      %dma_start3A_253 = tpu.memref_slice %arg5[%add3A_239] : memref<245760xi32, #tpu.memory_space<hbm>> -> memref<128xi32, #tpu.memory_space<hbm>>
      %dma_start3A_254 = arith.constant 0 : i32
      %dma_start3A_255 = tpu.memref_slice %arg10[%dma_start3A_249, %dma_start3A_254] : memref<2x128xi32, #tpu.memory_space<vmem>> -> memref<1x128xi32, #tpu.memory_space<vmem>>
      %dma_start3A_256 = tpu.memref_squeeze %dma_start3A_255 : memref<1x128xi32, #tpu.memory_space<vmem>> -> memref<128xi32, #tpu.memory_space<vmem>>
      %dma_start3A_257 = tpu.memref_slice %arg5[%add3A_239] : memref<245760xi32, #tpu.memory_space<hbm>> -> memref<128xi32, #tpu.memory_space<hbm>>
      tpu.enqueue_dma source(%dma_start3A_257 : memref<128xi32, #tpu.memory_space<hbm>>) target(%dma_start3A_256 : memref<128xi32, #tpu.memory_space<vmem>>) target_semaphore(%arg16 : memref<!tpu.dma_semaphore, #tpu.memory_space<semaphore_mem>>)
      %jit3A_258 = arith.constant 2 : i32
      %div3A_259 = arith.divsi %add3A_239, %jit3A_258 : i32
      %sign3A_260 = arith.constant 0 : i32
      %sign3A_261 = arith.cmpi sgt, %add3A_239, %sign3A_260 : i32
      %sign3A_262 = arith.extui %sign3A_261 : i1 to i32
      %sign3A_263 = arith.constant 0 : i32
      %sign3A_264 = arith.cmpi slt, %add3A_239, %sign3A_263 : i32
      %sign3A_265 = arith.extui %sign3A_264 : i1 to i32
      %sign3A_266 = arith.subi %sign3A_262, %sign3A_265 : i32
      %sign3A_267 = arith.constant 0 : i32
      %sign3A_268 = arith.cmpi sgt, %jit3A_258, %sign3A_267 : i32
      %sign3A_269 = arith.extui %sign3A_268 : i1 to i32
      %sign3A_270 = arith.constant 0 : i32
      %sign3A_271 = arith.cmpi slt, %jit3A_258, %sign3A_270 : i32
      %sign3A_272 = arith.extui %sign3A_271 : i1 to i32
      %sign3A_273 = arith.subi %sign3A_269, %sign3A_272 : i32
      %ne3A_274 = arith.cmpi ne, %sign3A_266, %sign3A_273 : i32
      %rem3A_275 = arith.remsi %add3A_239, %jit3A_258 : i32
      %ne3A_276 = arith.constant 0 : i32
      %ne3A_277 = arith.cmpi ne, %rem3A_275, %ne3A_276 : i32
      %and3A_278 = arith.andi %ne3A_274, %ne3A_277 : i1
      %sub3A_279 = arith.constant 1 : i32
      %sub3A_280 = arith.subi %div3A_259, %sub3A_279 : i32
      %select_n3A_281 = arith.select %and3A_278, %sub3A_280, %div3A_259 : i32
      %dma_start3A_282 = arith.constant 0 : i32
      %dma_start3A_283 = arith.constant 0 : i32
      %dma_start3A_284 = arith.constant 0 : i32
      %dma_start3A_285 = tpu.memref_slice %arg12[%dma_start3A_282, %dma_start3A_283, %dma_start3A_284] : memref<2x64x128xf32, #tpu.memory_space<vmem>> -> memref<1x64x128xf32, #tpu.memory_space<vmem>>
      %dma_start3A_286 = tpu.memref_squeeze %dma_start3A_285 : memref<1x64x128xf32, #tpu.memory_space<vmem>> -> memref<64x128xf32, #tpu.memory_space<vmem>>
      %dma_start3A_287 = arith.constant 0 : i32
      %dma_start3A_288 = tpu.memref_slice %arg3[%select_n3A_281, %dma_start3A_287] : memref<122880x128xf32, #tpu.memory_space<hbm>> -> memref<64x128xf32, #tpu.memory_space<hbm>>
      %dma_start3A_289 = arith.constant 0 : i32
      %dma_start3A_290 = arith.constant 0 : i32
      %dma_start3A_291 = tpu.memref_slice %arg12[%dma_start3A_282, %dma_start3A_289, %dma_start3A_290] : memref<2x64x128xf32, #tpu.memory_space<vmem>> -> memref<1x64x128xf32, #tpu.memory_space<vmem>>
      %dma_start3A_292 = tpu.memref_squeeze %dma_start3A_291 : memref<1x64x128xf32, #tpu.memory_space<vmem>> -> memref<64x128xf32, #tpu.memory_space<vmem>>
      %dma_start3A_293 = arith.constant 0 : i32
      %dma_start3A_294 = tpu.memref_slice %arg3[%select_n3A_281, %dma_start3A_293] : memref<122880x128xf32, #tpu.memory_space<hbm>> -> memref<64x128xf32, #tpu.memory_space<hbm>>
      tpu.enqueue_dma source(%dma_start3A_294 : memref<64x128xf32, #tpu.memory_space<hbm>>) target(%dma_start3A_292 : memref<64x128xf32, #tpu.memory_space<vmem>>) target_semaphore(%arg18 : memref<!tpu.dma_semaphore, #tpu.memory_space<semaphore_mem>>)
      %dma_wait3A_295 = arith.constant 1 : i32
      %dma_wait3A_296 = arith.constant 0 : i32
      %dma_wait3A_297 = tpu.memref_slice %arg9[%dma_wait3A_295, %dma_wait3A_296] : memref<2x128xi32, #tpu.memory_space<vmem>> -> memref<1x128xi32, #tpu.memory_space<vmem>>
      %dma_wait3A_298 = tpu.memref_squeeze %dma_wait3A_297 : memref<1x128xi32, #tpu.memory_space<vmem>> -> memref<128xi32, #tpu.memory_space<vmem>>
      %dma_wait3A_299 = arith.constant 0 : i32
      %dma_wait3A_300 = tpu.memref_slice %arg4[%dma_wait3A_299] : memref<245760xi32, #tpu.memory_space<hbm>> -> memref<128xi32, #tpu.memory_space<hbm>>
      %dma_wait3A_301 = arith.constant 0 : i32
      %dma_wait3A_302 = tpu.memref_slice %arg9[%dma_wait3A_295, %dma_wait3A_301] : memref<2x128xi32, #tpu.memory_space<vmem>> -> memref<1x128xi32, #tpu.memory_space<vmem>>
      %dma_wait3A_303 = tpu.memref_squeeze %dma_wait3A_302 : memref<1x128xi32, #tpu.memory_space<vmem>> -> memref<128xi32, #tpu.memory_space<vmem>>
      %dma_wait3A_304 = arith.constant 0 : i32
      %dma_wait3A_305 = tpu.memref_slice %arg4[%dma_wait3A_304] : memref<245760xi32, #tpu.memory_space<hbm>> -> memref<128xi32, #tpu.memory_space<hbm>>
      tpu.wait_dma2 semaphore(%arg15 : memref<!tpu.dma_semaphore, #tpu.memory_space<semaphore_mem>>) src(%dma_wait3A_305 : memref<128xi32, #tpu.memory_space<hbm>>) dst(%dma_wait3A_303 : memref<128xi32, #tpu.memory_space<vmem>>)
      %dma_wait3A_306 = arith.constant 1 : i32
      %dma_wait3A_307 = arith.constant 0 : i32
      %dma_wait3A_308 = tpu.memref_slice %arg10[%dma_wait3A_306, %dma_wait3A_307] : memref<2x128xi32, #tpu.memory_space<vmem>> -> memref<1x128xi32, #tpu.memory_space<vmem>>
      %dma_wait3A_309 = tpu.memref_squeeze %dma_wait3A_308 : memref<1x128xi32, #tpu.memory_space<vmem>> -> memref<128xi32, #tpu.memory_space<vmem>>
      %dma_wait3A_310 = arith.constant 0 : i32
      %dma_wait3A_311 = tpu.memref_slice %arg5[%dma_wait3A_310] : memref<245760xi32, #tpu.memory_space<hbm>> -> memref<128xi32, #tpu.memory_space<hbm>>
      %dma_wait3A_312 = arith.constant 0 : i32
      %dma_wait3A_313 = tpu.memref_slice %arg10[%dma_wait3A_306, %dma_wait3A_312] : memref<2x128xi32, #tpu.memory_space<vmem>> -> memref<1x128xi32, #tpu.memory_space<vmem>>
      %dma_wait3A_314 = tpu.memref_squeeze %dma_wait3A_313 : memref<1x128xi32, #tpu.memory_space<vmem>> -> memref<128xi32, #tpu.memory_space<vmem>>
      %dma_wait3A_315 = arith.constant 0 : i32
      %dma_wait3A_316 = tpu.memref_slice %arg5[%dma_wait3A_315] : memref<245760xi32, #tpu.memory_space<hbm>> -> memref<128xi32, #tpu.memory_space<hbm>>
      tpu.wait_dma2 semaphore(%arg17 : memref<!tpu.dma_semaphore, #tpu.memory_space<semaphore_mem>>) src(%dma_wait3A_316 : memref<128xi32, #tpu.memory_space<hbm>>) dst(%dma_wait3A_314 : memref<128xi32, #tpu.memory_space<vmem>>)
      %dma_wait3A_317 = arith.constant 1 : i32
      %dma_wait3A_318 = arith.constant 0 : i32
      %dma_wait3A_319 = arith.constant 0 : i32
      %dma_wait3A_320 = tpu.memref_slice %arg12[%dma_wait3A_317, %dma_wait3A_318, %dma_wait3A_319] : memref<2x64x128xf32, #tpu.memory_space<vmem>> -> memref<1x64x128xf32, #tpu.memory_space<vmem>>
      %dma_wait3A_321 = tpu.memref_squeeze %dma_wait3A_320 : memref<1x64x128xf32, #tpu.memory_space<vmem>> -> memref<64x128xf32, #tpu.memory_space<vmem>>
      %dma_wait3A_322 = arith.constant 0 : i32
      %dma_wait3A_323 = arith.constant 0 : i32
      %dma_wait3A_324 = tpu.memref_slice %arg3[%dma_wait3A_322, %dma_wait3A_323] : memref<122880x128xf32, #tpu.memory_space<hbm>> -> memref<64x128xf32, #tpu.memory_space<hbm>>
      %dma_wait3A_325 = arith.constant 0 : i32
      %dma_wait3A_326 = arith.constant 0 : i32
      %dma_wait3A_327 = tpu.memref_slice %arg12[%dma_wait3A_317, %dma_wait3A_325, %dma_wait3A_326] : memref<2x64x128xf32, #tpu.memory_space<vmem>> -> memref<1x64x128xf32, #tpu.memory_space<vmem>>
      %dma_wait3A_328 = tpu.memref_squeeze %dma_wait3A_327 : memref<1x64x128xf32, #tpu.memory_space<vmem>> -> memref<64x128xf32, #tpu.memory_space<vmem>>
      %dma_wait3A_329 = arith.constant 0 : i32
      %dma_wait3A_330 = arith.constant 0 : i32
      %dma_wait3A_331 = tpu.memref_slice %arg3[%dma_wait3A_329, %dma_wait3A_330] : memref<122880x128xf32, #tpu.memory_space<hbm>> -> memref<64x128xf32, #tpu.memory_space<hbm>>
      tpu.wait_dma2 semaphore(%arg19 : memref<!tpu.dma_semaphore, #tpu.memory_space<semaphore_mem>>) src(%dma_wait3A_331 : memref<64x128xf32, #tpu.memory_space<hbm>>) dst(%dma_wait3A_328 : memref<64x128xf32, #tpu.memory_space<vmem>>)
      %run_scoped3A_332 = arith.constant 1 : i32
      "tpu.region"() ({
        %run_scoped3A_340 = tpu.sem_alloc : memref<!tpu.dma_semaphore, #tpu.memory_space<semaphore_mem>>
        %dma_start3A_341 = arith.constant 0 : i32
        %dma_start3A_342 = tpu.memref_slice %arg9[%run_scoped3A_332, %dma_start3A_341] : memref<2x128xi32, #tpu.memory_space<vmem>> -> memref<1x128xi32, #tpu.memory_space<vmem>>
        %dma_start3A_343 = tpu.memref_squeeze %dma_start3A_342 : memref<1x128xi32, #tpu.memory_space<vmem>> -> memref<128xi32, #tpu.memory_space<vmem>>
        %dma_start3A_344 = arith.constant 0 : i32
        %dma_start3A_345 = arith.constant 0 : i32
        %dma_start3A_346 = tpu.memref_slice %arg8[%dma_start3A_344, %dma_start3A_345] : memref<10240x64xf32, #tpu.memory_space<vmem_shared>> -> memref<10240x64xf32, #tpu.memory_space<vmem_shared>>
        tpu.enqueue_indirect_dma source(%dma_start3A_346 : memref<10240x64xf32, #tpu.memory_space<vmem_shared>>) target(%arg11 : memref<128x64xf32, #tpu.memory_space<vmem>>) offsets(%dma_start3A_343 : memref<128xi32, #tpu.memory_space<vmem>>) semaphore(%run_scoped3A_340 : memref<!tpu.dma_semaphore, #tpu.memory_space<semaphore_mem>>)
        %dma_wait3A_347 = arith.constant 0 : i32
        %dma_wait3A_348 = tpu.memref_slice %arg9[%run_scoped3A_332, %dma_wait3A_347] : memref<2x128xi32, #tpu.memory_space<vmem>> -> memref<1x128xi32, #tpu.memory_space<vmem>>
        %dma_wait3A_349 = tpu.memref_squeeze %dma_wait3A_348 : memref<1x128xi32, #tpu.memory_space<vmem>> -> memref<128xi32, #tpu.memory_space<vmem>>
        %dma_wait3A_350 = arith.constant 0 : i32
        %dma_wait3A_351 = arith.constant 0 : i32
        %dma_wait3A_352 = tpu.memref_slice %arg8[%dma_wait3A_350, %dma_wait3A_351] : memref<10240x64xf32, #tpu.memory_space<vmem_shared>> -> memref<10240x64xf32, #tpu.memory_space<vmem_shared>>
        tpu.wait_indirect_dma semaphore(%run_scoped3A_340 : memref<!tpu.dma_semaphore, #tpu.memory_space<semaphore_mem>>) src(%dma_wait3A_352 : memref<10240x64xf32, #tpu.memory_space<vmem_shared>>) dst(%arg11 : memref<128x64xf32, #tpu.memory_space<vmem>>)
        tpu.yield
      }) : () -> ()
      %scan3A_333 = arith.constant 0 : i32
      %scan3A_334 = arith.constant 0 : i32
      %scan3A_335 = arith.constant 64 : i32
      %scan3A_336 = arith.addi %scan3A_334, %scan3A_335 : i32
      %scan3A_337 = arith.constant 1 : i32
      scf.for %scan3A_340 = %scan3A_334 to %scan3A_336 step %scan3A_337  : i32 {
        %mul3A_341 = arith.constant 2 : i32
        %mul3A_342 = arith.muli %mul3A_341, %scan3A_340 : i32
        %get3A = arith.index_cast %mul3A_342 : i32 to index
        %get3A_343 = arith.constant 0 : index
        %get3A_344 = tpu.vector_load %arg11[%get3A, %get3A_343] {strides = array<i32>} : memref<128x64xf32, #tpu.memory_space<vmem>>, vector<16xf32>,
        %get3A_345 = arith.constant 1 : i32
        %get3A_346 = arith.index_cast %get3A_345 : i32 to index
        %get3A_347 = arith.index_cast %scan3A_340 : i32 to index
        %get3A_348 = arith.constant 0 : index
        %get3A_349 = tpu.vector_load %arg12[%get3A_346, %get3A_347, %get3A_348] {strides = array<i32>} : memref<2x64x128xf32, #tpu.memory_space<vmem>>, vector<16xf32>,
        %mul3A_350 = arith.mulf %get3A_344, %get3A_349 : vector<16xf32>
        %mul3A_351 = arith.constant 2 : i32
        %mul3A_352 = arith.muli %mul3A_351, %scan3A_340 : i32
        %swap3A = arith.index_cast %mul3A_352 : i32 to index
        %swap3A_353 = arith.constant 0 : index
        %swap3A_354 = tpu.vector_load %arg11[%swap3A, %swap3A_353] {strides = array<i32>} : memref<128x64xf32, #tpu.memory_space<vmem>>, vector<16xf32>,
        tpu.vector_store %arg11[%swap3A, %swap3A_353], %mul3A_350 {strides = array<i32>} : memref<128x64xf32, #tpu.memory_space<vmem>>, vector<16xf32>,
        %mul3A_355 = arith.constant 2 : i32
        %mul3A_356 = arith.muli %mul3A_355, %scan3A_340 : i32
        %add3A_357 = arith.constant 1 : i32
        %add3A_358 = arith.addi %mul3A_356, %add3A_357 : i32
        %get3A_359 = arith.index_cast %add3A_358 : i32 to index
        %get3A_360 = arith.constant 0 : index
        %get3A_361 = tpu.vector_load %arg11[%get3A_359, %get3A_360] {strides = array<i32>} : memref<128x64xf32, #tpu.memory_space<vmem>>, vector<16xf32>,
        %get3A_362 = arith.constant 1 : i32
        %get3A_363 = arith.index_cast %get3A_362 : i32 to index
        %get3A_364 = arith.index_cast %scan3A_340 : i32 to index
        %get3A_365 = arith.constant 64 : index
        %get3A_366 = tpu.vector_load %arg12[%get3A_363, %get3A_364, %get3A_365] {strides = array<i32>} : memref<2x64x128xf32, #tpu.memory_space<vmem>>, vector<16xf32>,
        %mul3A_367 = arith.mulf %get3A_361, %get3A_366 : vector<16xf32>
        %mul3A_368 = arith.constant 2 : i32
        %mul3A_369 = arith.muli %mul3A_368, %scan3A_340 : i32
        %add3A_370 = arith.constant 1 : i32
        %add3A_371 = arith.addi %mul3A_369, %add3A_370 : i32
        %swap3A_372 = arith.index_cast %add3A_371 : i32 to index
        %swap3A_373 = arith.constant 0 : index
        %swap3A_374 = tpu.vector_load %arg11[%swap3A_372, %swap3A_373] {strides = array<i32>} : memref<128x64xf32, #tpu.memory_space<vmem>>, vector<16xf32>,
        tpu.vector_store %arg11[%swap3A_372, %swap3A_373], %mul3A_367 {strides = array<i32>} : memref<128x64xf32, #tpu.memory_space<vmem>>, vector<16xf32>,
        %mul3A_375 = arith.constant 2 : i32
        %mul3A_376 = arith.muli %mul3A_375, %scan3A_340 : i32
        %get3A_377 = arith.index_cast %mul3A_376 : i32 to index
        %get3A_378 = arith.constant 16 : index
        %get3A_379 = tpu.vector_load %arg11[%get3A_377, %get3A_378] {strides = array<i32>} : memref<128x64xf32, #tpu.memory_space<vmem>>, vector<16xf32>,
        %get3A_380 = arith.constant 1 : i32
        %get3A_381 = arith.index_cast %get3A_380 : i32 to index
        %get3A_382 = arith.index_cast %scan3A_340 : i32 to index
        %get3A_383 = arith.constant 16 : index
        %get3A_384 = tpu.vector_load %arg12[%get3A_381, %get3A_382, %get3A_383] {strides = array<i32>} : memref<2x64x128xf32, #tpu.memory_space<vmem>>, vector<16xf32>,
        %mul3A_385 = arith.mulf %get3A_379, %get3A_384 : vector<16xf32>
        %mul3A_386 = arith.constant 2 : i32
        %mul3A_387 = arith.muli %mul3A_386, %scan3A_340 : i32
        %swap3A_388 = arith.index_cast %mul3A_387 : i32 to index
        %swap3A_389 = arith.constant 16 : index
        %swap3A_390 = tpu.vector_load %arg11[%swap3A_388, %swap3A_389] {strides = array<i32>} : memref<128x64xf32, #tpu.memory_space<vmem>>, vector<16xf32>,
        tpu.vector_store %arg11[%swap3A_388, %swap3A_389], %mul3A_385 {strides = array<i32>} : memref<128x64xf32, #tpu.memory_space<vmem>>, vector<16xf32>,
        %mul3A_391 = arith.constant 2 : i32
        %mul3A_392 = arith.muli %mul3A_391, %scan3A_340 : i32
        %add3A_393 = arith.constant 1 : i32
        %add3A_394 = arith.addi %mul3A_392, %add3A_393 : i32
        %get3A_395 = arith.index_cast %add3A_394 : i32 to index
        %get3A_396 = arith.constant 16 : index
        %get3A_397 = tpu.vector_load %arg11[%get3A_395, %get3A_396] {strides = array<i32>} : memref<128x64xf32, #tpu.memory_space<vmem>>, vector<16xf32>,
        %get3A_398 = arith.constant 1 : i32
        %get3A_399 = arith.index_cast %get3A_398 : i32 to index
        %get3A_400 = arith.index_cast %scan3A_340 : i32 to index
        %get3A_401 = arith.constant 80 : index
        %get3A_402 = tpu.vector_load %arg12[%get3A_399, %get3A_400, %get3A_401] {strides = array<i32>} : memref<2x64x128xf32, #tpu.memory_space<vmem>>, vector<16xf32>,
        %mul3A_403 = arith.mulf %get3A_397, %get3A_402 : vector<16xf32>
        %mul3A_404 = arith.constant 2 : i32
        %mul3A_405 = arith.muli %mul3A_404, %scan3A_340 : i32
        %add3A_406 = arith.constant 1 : i32
        %add3A_407 = arith.addi %mul3A_405, %add3A_406 : i32
        %swap3A_408 = arith.index_cast %add3A_407 : i32 to index
        %swap3A_409 = arith.constant 16 : index
        %swap3A_410 = tpu.vector_load %arg11[%swap3A_408, %swap3A_409] {strides = array<i32>} : memref<128x64xf32, #tpu.memory_space<vmem>>, vector<16xf32>,
        tpu.vector_store %arg11[%swap3A_408, %swap3A_409], %mul3A_403 {strides = array<i32>} : memref<128x64xf32, #tpu.memory_space<vmem>>, vector<16xf32>,
        %mul3A_411 = arith.constant 2 : i32
        %mul3A_412 = arith.muli %mul3A_411, %scan3A_340 : i32
        %get3A_413 = arith.index_cast %mul3A_412 : i32 to index
        %get3A_414 = arith.constant 32 : index
        %get3A_415 = tpu.vector_load %arg11[%get3A_413, %get3A_414] {strides = array<i32>} : memref<128x64xf32, #tpu.memory_space<vmem>>, vector<16xf32>,
        %get3A_416 = arith.constant 1 : i32
        %get3A_417 = arith.index_cast %get3A_416 : i32 to index
        %get3A_418 = arith.index_cast %scan3A_340 : i32 to index
        %get3A_419 = arith.constant 32 : index
        %get3A_420 = tpu.vector_load %arg12[%get3A_417, %get3A_418, %get3A_419] {strides = array<i32>} : memref<2x64x128xf32, #tpu.memory_space<vmem>>, vector<16xf32>,
        %mul3A_421 = arith.mulf %get3A_415, %get3A_420 : vector<16xf32>
        %mul3A_422 = arith.constant 2 : i32
        %mul3A_423 = arith.muli %mul3A_422, %scan3A_340 : i32
        %swap3A_424 = arith.index_cast %mul3A_423 : i32 to index
        %swap3A_425 = arith.constant 32 : index
        %swap3A_426 = tpu.vector_load %arg11[%swap3A_424, %swap3A_425] {strides = array<i32>} : memref<128x64xf32, #tpu.memory_space<vmem>>, vector<16xf32>,
        tpu.vector_store %arg11[%swap3A_424, %swap3A_425], %mul3A_421 {strides = array<i32>} : memref<128x64xf32, #tpu.memory_space<vmem>>, vector<16xf32>,
        %mul3A_427 = arith.constant 2 : i32
        %mul3A_428 = arith.muli %mul3A_427, %scan3A_340 : i32
        %add3A_429 = arith.constant 1 : i32
        %add3A_430 = arith.addi %mul3A_428, %add3A_429 : i32
        %get3A_431 = arith.index_cast %add3A_430 : i32 to index
        %get3A_432 = arith.constant 32 : index
        %get3A_433 = tpu.vector_load %arg11[%get3A_431, %get3A_432] {strides = array<i32>} : memref<128x64xf32, #tpu.memory_space<vmem>>, vector<16xf32>,
        %get3A_434 = arith.constant 1 : i32
        %get3A_435 = arith.index_cast %get3A_434 : i32 to index
        %get3A_436 = arith.index_cast %scan3A_340 : i32 to index
        %get3A_437 = arith.constant 96 : index
        %get3A_438 = tpu.vector_load %arg12[%get3A_435, %get3A_436, %get3A_437] {strides = array<i32>} : memref<2x64x128xf32, #tpu.memory_space<vmem>>, vector<16xf32>,
        %mul3A_439 = arith.mulf %get3A_433, %get3A_438 : vector<16xf32>
        %mul3A_440 = arith.constant 2 : i32
        %mul3A_441 = arith.muli %mul3A_440, %scan3A_340 : i32
        %add3A_442 = arith.constant 1 : i32
        %add3A_443 = arith.addi %mul3A_441, %add3A_442 : i32
        %swap3A_444 = arith.index_cast %add3A_443 : i32 to index
        %swap3A_445 = arith.constant 32 : index
        %swap3A_446 = tpu.vector_load %arg11[%swap3A_444, %swap3A_445] {strides = array<i32>} : memref<128x64xf32, #tpu.memory_space<vmem>>, vector<16xf32>,
        tpu.vector_store %arg11[%swap3A_444, %swap3A_445], %mul3A_439 {strides = array<i32>} : memref<128x64xf32, #tpu.memory_space<vmem>>, vector<16xf32>,
        %mul3A_447 = arith.constant 2 : i32
        %mul3A_448 = arith.muli %mul3A_447, %scan3A_340 : i32
        %get3A_449 = arith.index_cast %mul3A_448 : i32 to index
        %get3A_450 = arith.constant 48 : index
        %get3A_451 = tpu.vector_load %arg11[%get3A_449, %get3A_450] {strides = array<i32>} : memref<128x64xf32, #tpu.memory_space<vmem>>, vector<16xf32>,
        %get3A_452 = arith.constant 1 : i32
        %get3A_453 = arith.index_cast %get3A_452 : i32 to index
        %get3A_454 = arith.index_cast %scan3A_340 : i32 to index
        %get3A_455 = arith.constant 48 : index
        %get3A_456 = tpu.vector_load %arg12[%get3A_453, %get3A_454, %get3A_455] {strides = array<i32>} : memref<2x64x128xf32, #tpu.memory_space<vmem>>, vector<16xf32>,
        %mul3A_457 = arith.mulf %get3A_451, %get3A_456 : vector<16xf32>
        %mul3A_458 = arith.constant 2 : i32
        %mul3A_459 = arith.muli %mul3A_458, %scan3A_340 : i32
        %swap3A_460 = arith.index_cast %mul3A_459 : i32 to index
        %swap3A_461 = arith.constant 48 : index
        %swap3A_462 = tpu.vector_load %arg11[%swap3A_460, %swap3A_461] {strides = array<i32>} : memref<128x64xf32, #tpu.memory_space<vmem>>, vector<16xf32>,
        tpu.vector_store %arg11[%swap3A_460, %swap3A_461], %mul3A_457 {strides = array<i32>} : memref<128x64xf32, #tpu.memory_space<vmem>>, vector<16xf32>,
        %mul3A_463 = arith.constant 2 : i32
        %mul3A_464 = arith.muli %mul3A_463, %scan3A_340 : i32
        %add3A_465 = arith.constant 1 : i32
        %add3A_466 = arith.addi %mul3A_464, %add3A_465 : i32
        %get3A_467 = arith.index_cast %add3A_466 : i32 to index
        %get3A_468 = arith.constant 48 : index
        %get3A_469 = tpu.vector_load %arg11[%get3A_467, %get3A_468] {strides = array<i32>} : memref<128x64xf32, #tpu.memory_space<vmem>>, vector<16xf32>,
        %get3A_470 = arith.constant 1 : i32
        %get3A_471 = arith.index_cast %get3A_470 : i32 to index
        %get3A_472 = arith.index_cast %scan3A_340 : i32 to index
        %get3A_473 = arith.constant 112 : index
        %get3A_474 = tpu.vector_load %arg12[%get3A_471, %get3A_472, %get3A_473] {strides = array<i32>} : memref<2x64x128xf32, #tpu.memory_space<vmem>>, vector<16xf32>,
        %mul3A_475 = arith.mulf %get3A_469, %get3A_474 : vector<16xf32>
        %mul3A_476 = arith.constant 2 : i32
        %mul3A_477 = arith.muli %mul3A_476, %scan3A_340 : i32
        %add3A_478 = arith.constant 1 : i32
        %add3A_479 = arith.addi %mul3A_477, %add3A_478 : i32
        %swap3A_480 = arith.index_cast %add3A_479 : i32 to index
        %swap3A_481 = arith.constant 48 : index
        %swap3A_482 = tpu.vector_load %arg11[%swap3A_480, %swap3A_481] {strides = array<i32>} : memref<128x64xf32, #tpu.memory_space<vmem>>, vector<16xf32>,
        tpu.vector_store %arg11[%swap3A_480, %swap3A_481], %mul3A_475 {strides = array<i32>} : memref<128x64xf32, #tpu.memory_space<vmem>>, vector<16xf32>,
      }
      %scan3A_338 = arith.constant 64 : i32
      %run_scoped3A_339 = arith.constant 1 : i32
      "tpu.region"() ({
        %run_scoped3A_340 = tpu.sem_alloc : memref<!tpu.dma_semaphore, #tpu.memory_space<semaphore_mem>>
        %dma_start3A_341 = arith.constant 0 : i32
        %dma_start3A_342 = tpu.memref_slice %arg10[%run_scoped3A_339, %dma_start3A_341] : memref<2x128xi32, #tpu.memory_space<vmem>> -> memref<1x128xi32, #tpu.memory_space<vmem>>
        %dma_start3A_343 = tpu.memref_squeeze %dma_start3A_342 : memref<1x128xi32, #tpu.memory_space<vmem>> -> memref<128xi32, #tpu.memory_space<vmem>>
        %dma_start3A_344 = arith.constant 0 : i32
        %dma_start3A_345 = arith.constant 0 : i32
        %dma_start3A_346 = tpu.memref_slice %arg7[%dma_start3A_344, %dma_start3A_345] : memref<10240x64xf32, #tpu.memory_space<vmem_shared>> -> memref<10240x64xf32, #tpu.memory_space<vmem_shared>>
        tpu.enqueue_indirect_dma source(%arg11 : memref<128x64xf32, #tpu.memory_space<vmem>>) target(%dma_start3A_346 : memref<10240x64xf32, #tpu.memory_space<vmem_shared>>) offsets(%dma_start3A_343 : memref<128xi32, #tpu.memory_space<vmem>>) semaphore(%run_scoped3A_340 : memref<!tpu.dma_semaphore, #tpu.memory_space<semaphore_mem>>) {add = true}
        %dma_wait3A_347 = arith.constant 0 : i32
        %dma_wait3A_348 = tpu.memref_slice %arg10[%run_scoped3A_339, %dma_wait3A_347] : memref<2x128xi32, #tpu.memory_space<vmem>> -> memref<1x128xi32, #tpu.memory_space<vmem>>
        %dma_wait3A_349 = tpu.memref_squeeze %dma_wait3A_348 : memref<1x128xi32, #tpu.memory_space<vmem>> -> memref<128xi32, #tpu.memory_space<vmem>>
        %dma_wait3A_350 = arith.constant 0 : i32
        %dma_wait3A_351 = arith.constant 0 : i32
        %dma_wait3A_352 = tpu.memref_slice %arg7[%dma_wait3A_350, %dma_wait3A_351] : memref<10240x64xf32, #tpu.memory_space<vmem_shared>> -> memref<10240x64xf32, #tpu.memory_space<vmem_shared>>
        tpu.wait_indirect_dma semaphore(%run_scoped3A_340 : memref<!tpu.dma_semaphore, #tpu.memory_space<semaphore_mem>>) src(%arg11 : memref<128x64xf32, #tpu.memory_space<vmem>>) dst(%dma_wait3A_352 : memref<10240x64xf32, #tpu.memory_space<vmem_shared>>)
        tpu.yield
      }) : () -> ()
    }
    %scan3A_74 = arith.constant 30 : i32
    %dma_wait3A = arith.constant 0 : i32
    %dma_wait3A_75 = arith.constant 0 : i32
    %dma_wait3A_76 = tpu.memref_slice %arg9[%dma_wait3A, %dma_wait3A_75] : memref<2x128xi32, #tpu.memory_space<vmem>> -> memref<1x128xi32, #tpu.memory_space<vmem>>
    %dma_wait3A_77 = tpu.memref_squeeze %dma_wait3A_76 : memref<1x128xi32, #tpu.memory_space<vmem>> -> memref<128xi32, #tpu.memory_space<vmem>>
    %dma_wait3A_78 = arith.constant 0 : i32
    %dma_wait3A_79 = tpu.memref_slice %arg4[%dma_wait3A_78] : memref<245760xi32, #tpu.memory_space<hbm>> -> memref<128xi32, #tpu.memory_space<hbm>>
    %dma_wait3A_80 = arith.constant 0 : i32
    %dma_wait3A_81 = tpu.memref_slice %arg9[%dma_wait3A, %dma_wait3A_80] : memref<2x128xi32, #tpu.memory_space<vmem>> -> memref<1x128xi32, #tpu.memory_space<vmem>>
    %dma_wait3A_82 = tpu.memref_squeeze %dma_wait3A_81 : memref<1x128xi32, #tpu.memory_space<vmem>> -> memref<128xi32, #tpu.memory_space<vmem>>
    %dma_wait3A_83 = arith.constant 0 : i32
    %dma_wait3A_84 = tpu.memref_slice %arg4[%dma_wait3A_83] : memref<245760xi32, #tpu.memory_space<hbm>> -> memref<128xi32, #tpu.memory_space<hbm>>
    tpu.wait_dma2 semaphore(%arg14 : memref<!tpu.dma_semaphore, #tpu.memory_space<semaphore_mem>>) src(%dma_wait3A_84 : memref<128xi32, #tpu.memory_space<hbm>>) dst(%dma_wait3A_82 : memref<128xi32, #tpu.memory_space<vmem>>)
    %dma_wait3A_85 = arith.constant 0 : i32
    %dma_wait3A_86 = arith.constant 0 : i32
    %dma_wait3A_87 = tpu.memref_slice %arg10[%dma_wait3A_85, %dma_wait3A_86] : memref<2x128xi32, #tpu.memory_space<vmem>> -> memref<1x128xi32, #tpu.memory_space<vmem>>
    %dma_wait3A_88 = tpu.memref_squeeze %dma_wait3A_87 : memref<1x128xi32, #tpu.memory_space<vmem>> -> memref<128xi32, #tpu.memory_space<vmem>>
    %dma_wait3A_89 = arith.constant 0 : i32
    %dma_wait3A_90 = tpu.memref_slice %arg5[%dma_wait3A_89] : memref<245760xi32, #tpu.memory_space<hbm>> -> memref<128xi32, #tpu.memory_space<hbm>>
    %dma_wait3A_91 = arith.constant 0 : i32
    %dma_wait3A_92 = tpu.memref_slice %arg10[%dma_wait3A_85, %dma_wait3A_91] : memref<2x128xi32, #tpu.memory_space<vmem>> -> memref<1x128xi32, #tpu.memory_space<vmem>>
    %dma_wait3A_93 = tpu.memref_squeeze %dma_wait3A_92 : memref<1x128xi32, #tpu.memory_space<vmem>> -> memref<128xi32, #tpu.memory_space<vmem>>
    %dma_wait3A_94 = arith.constant 0 : i32
    %dma_wait3A_95 = tpu.memref_slice %arg5[%dma_wait3A_94] : memref<245760xi32, #tpu.memory_space<hbm>> -> memref<128xi32, #tpu.memory_space<hbm>>
    tpu.wait_dma2 semaphore(%arg16 : memref<!tpu.dma_semaphore, #tpu.memory_space<semaphore_mem>>) src(%dma_wait3A_95 : memref<128xi32, #tpu.memory_space<hbm>>) dst(%dma_wait3A_93 : memref<128xi32, #tpu.memory_space<vmem>>)
    %dma_wait3A_96 = arith.constant 0 : i32
    %dma_wait3A_97 = arith.constant 0 : i32
    %dma_wait3A_98 = arith.constant 0 : i32
    %dma_wait3A_99 = tpu.memref_slice %arg12[%dma_wait3A_96, %dma_wait3A_97, %dma_wait3A_98] : memref<2x64x128xf32, #tpu.memory_space<vmem>> -> memref<1x64x128xf32, #tpu.memory_space<vmem>>
    %dma_wait3A_100 = tpu.memref_squeeze %dma_wait3A_99 : memref<1x64x128xf32, #tpu.memory_space<vmem>> -> memref<64x128xf32, #tpu.memory_space<vmem>>
    %dma_wait3A_101 = arith.constant 0 : i32
    %dma_wait3A_102 = arith.constant 0 : i32
    %dma_wait3A_103 = tpu.memref_slice %arg3[%dma_wait3A_101, %dma_wait3A_102] : memref<122880x128xf32, #tpu.memory_space<hbm>> -> memref<64x128xf32, #tpu.memory_space<hbm>>
    %dma_wait3A_104 = arith.constant 0 : i32
    %dma_wait3A_105 = arith.constant 0 : i32
    %dma_wait3A_106 = tpu.memref_slice %arg12[%dma_wait3A_96, %dma_wait3A_104, %dma_wait3A_105] : memref<2x64x128xf32, #tpu.memory_space<vmem>> -> memref<1x64x128xf32, #tpu.memory_space<vmem>>
    %dma_wait3A_107 = tpu.memref_squeeze %dma_wait3A_106 : memref<1x64x128xf32, #tpu.memory_space<vmem>> -> memref<64x128xf32, #tpu.memory_space<vmem>>
    %dma_wait3A_108 = arith.constant 0 : i32
    %dma_wait3A_109 = arith.constant 0 : i32
    %dma_wait3A_110 = tpu.memref_slice %arg3[%dma_wait3A_108, %dma_wait3A_109] : memref<122880x128xf32, #tpu.memory_space<hbm>> -> memref<64x128xf32, #tpu.memory_space<hbm>>
    tpu.wait_dma2 semaphore(%arg18 : memref<!tpu.dma_semaphore, #tpu.memory_space<semaphore_mem>>) src(%dma_wait3A_110 : memref<64x128xf32, #tpu.memory_space<hbm>>) dst(%dma_wait3A_107 : memref<64x128xf32, #tpu.memory_space<vmem>>)
    %barrier3A_111 = arith.constant 0 : index
    tpu.barrier barrier_id(%barrier3A_111)
    %add3A_112 = arith.constant 0 : i32
    %add3A_113 = arith.addi %mul3A_8, %add3A_112 : i32
    "tpu.region"() ({
      %run_scoped3A = tpu.sem_alloc : memref<!tpu.dma_semaphore, #tpu.memory_space<semaphore_mem>>
      %dma_start3A_122 = arith.constant 0 : i32
      %dma_start3A_123 = tpu.memref_slice %arg7[%add3A_113, %dma_start3A_122] : memref<10240x64xf32, #tpu.memory_space<vmem_shared>> -> memref<128x64xf32, #tpu.memory_space<vmem_shared>>
      %dma_start3A_124 = arith.constant 0 : i32
      %dma_start3A_125 = tpu.memref_slice %arg7[%add3A_113, %dma_start3A_124] : memref<10240x64xf32, #tpu.memory_space<vmem_shared>> -> memref<128x64xf32, #tpu.memory_space<vmem_shared>>
      tpu.enqueue_dma source(%dma_start3A_125 : memref<128x64xf32, #tpu.memory_space<vmem_shared>>) target(%arg13 : memref<128x64xf32, #tpu.memory_space<vmem>>) target_semaphore(%run_scoped3A : memref<!tpu.dma_semaphore, #tpu.memory_space<semaphore_mem>>)
      %dma_wait3A_126 = arith.constant 0 : i32
      %dma_wait3A_127 = tpu.memref_slice %arg7[%add3A_113, %dma_wait3A_126] : memref<10240x64xf32, #tpu.memory_space<vmem_shared>> -> memref<128x64xf32, #tpu.memory_space<vmem_shared>>
      %dma_wait3A_128 = arith.constant 0 : i32
      %dma_wait3A_129 = tpu.memref_slice %arg7[%add3A_113, %dma_wait3A_128] : memref<10240x64xf32, #tpu.memory_space<vmem_shared>> -> memref<128x64xf32, #tpu.memory_space<vmem_shared>>
      tpu.wait_dma2 semaphore(%run_scoped3A : memref<!tpu.dma_semaphore, #tpu.memory_space<semaphore_mem>>) src(%dma_wait3A_129 : memref<128x64xf32, #tpu.memory_space<vmem_shared>>) dst(%arg13 : memref<128x64xf32, #tpu.memory_space<vmem>>)
      tpu.yield
    }) : () -> ()
    "tpu.region"() ({
      %run_scoped3A = tpu.sem_alloc : memref<!tpu.dma_semaphore, #tpu.memory_space<semaphore_mem>>
      %dma_start3A_122 = arith.constant 0 : i32
      %dma_start3A_123 = tpu.memref_slice %arg6[%arg0, %add3A_113, %dma_start3A_122] : memref<2x10240x64xf32, #tpu.memory_space<hbm>> -> memref<1x128x64xf32, #tpu.memory_space<hbm>>
      %dma_start3A_124 = tpu.memref_squeeze %dma_start3A_123 : memref<1x128x64xf32, #tpu.memory_space<hbm>> -> memref<128x64xf32, #tpu.memory_space<hbm>>
      %dma_start3A_125 = arith.constant 0 : i32
      %dma_start3A_126 = tpu.memref_slice %arg6[%arg0, %add3A_113, %dma_start3A_125] : memref<2x10240x64xf32, #tpu.memory_space<hbm>> -> memref<1x128x64xf32, #tpu.memory_space<hbm>>
      %dma_start3A_127 = tpu.memref_squeeze %dma_start3A_126 : memref<1x128x64xf32, #tpu.memory_space<hbm>> -> memref<128x64xf32, #tpu.memory_space<hbm>>
      tpu.enqueue_dma source(%arg13 : memref<128x64xf32, #tpu.memory_space<vmem>>) target(%dma_start3A_127 : memref<128x64xf32, #tpu.memory_space<hbm>>) target_semaphore(%run_scoped3A : memref<!tpu.dma_semaphore, #tpu.memory_space<semaphore_mem>>)
      %dma_wait3A_128 = arith.constant 0 : i32
      %dma_wait3A_129 = tpu.memref_slice %arg6[%arg0, %add3A_113, %dma_wait3A_128] : memref<2x10240x64xf32, #tpu.memory_space<hbm>> -> memref<1x128x64xf32, #tpu.memory_space<hbm>>
      %dma_wait3A_130 = tpu.memref_squeeze %dma_wait3A_129 : memref<1x128x64xf32, #tpu.memory_space<hbm>> -> memref<128x64xf32, #tpu.memory_space<hbm>>
      %dma_wait3A_131 = arith.constant 0 : i32
      %dma_wait3A_132 = tpu.memref_slice %arg6[%arg0, %add3A_113, %dma_wait3A_131] : memref<2x10240x64xf32, #tpu.memory_space<hbm>> -> memref<1x128x64xf32, #tpu.memory_space<hbm>>
      %dma_wait3A_133 = tpu.memref_squeeze %dma_wait3A_132 : memref<1x128x64xf32, #tpu.memory_space<hbm>> -> memref<128x64xf32, #tpu.memory_space<hbm>>
      tpu.wait_dma2 semaphore(%run_scoped3A : memref<!tpu.dma_semaphore, #tpu.memory_space<semaphore_mem>>) src(%arg13 : memref<128x64xf32, #tpu.memory_space<vmem>>) dst(%dma_wait3A_133 : memref<128x64xf32, #tpu.memory_space<hbm>>)
      tpu.yield
    }) : () -> ()
    %add3A_114 = arith.constant 128 : i32
    %add3A_115 = arith.addi %mul3A_8, %add3A_114 : i32
    "tpu.region"() ({
      %run_scoped3A = tpu.sem_alloc : memref<!tpu.dma_semaphore, #tpu.memory_space<semaphore_mem>>
      %dma_start3A_122 = arith.constant 0 : i32
      %dma_start3A_123 = tpu.memref_slice %arg7[%add3A_115, %dma_start3A_122] : memref<10240x64xf32, #tpu.memory_space<vmem_shared>> -> memref<128x64xf32, #tpu.memory_space<vmem_shared>>
      %dma_start3A_124 = arith.constant 0 : i32
      %dma_start3A_125 = tpu.memref_slice %arg7[%add3A_115, %dma_start3A_124] : memref<10240x64xf32, #tpu.memory_space<vmem_shared>> -> memref<128x64xf32, #tpu.memory_space<vmem_shared>>
      tpu.enqueue_dma source(%dma_start3A_125 : memref<128x64xf32, #tpu.memory_space<vmem_shared>>) target(%arg13 : memref<128x64xf32, #tpu.memory_space<vmem>>) target_semaphore(%run_scoped3A : memref<!tpu.dma_semaphore, #tpu.memory_space<semaphore_mem>>)
      %dma_wait3A_126 = arith.constant 0 : i32
      %dma_wait3A_127 = tpu.memref_slice %arg7[%add3A_115, %dma_wait3A_126] : memref<10240x64xf32, #tpu.memory_space<vmem_shared>> -> memref<128x64xf32, #tpu.memory_space<vmem_shared>>
      %dma_wait3A_128 = arith.constant 0 : i32
      %dma_wait3A_129 = tpu.memref_slice %arg7[%add3A_115, %dma_wait3A_128] : memref<10240x64xf32, #tpu.memory_space<vmem_shared>> -> memref<128x64xf32, #tpu.memory_space<vmem_shared>>
      tpu.wait_dma2 semaphore(%run_scoped3A : memref<!tpu.dma_semaphore, #tpu.memory_space<semaphore_mem>>) src(%dma_wait3A_129 : memref<128x64xf32, #tpu.memory_space<vmem_shared>>) dst(%arg13 : memref<128x64xf32, #tpu.memory_space<vmem>>)
      tpu.yield
    }) : () -> ()
    "tpu.region"() ({
      %run_scoped3A = tpu.sem_alloc : memref<!tpu.dma_semaphore, #tpu.memory_space<semaphore_mem>>
      %dma_start3A_122 = arith.constant 0 : i32
      %dma_start3A_123 = tpu.memref_slice %arg6[%arg0, %add3A_115, %dma_start3A_122] : memref<2x10240x64xf32, #tpu.memory_space<hbm>> -> memref<1x128x64xf32, #tpu.memory_space<hbm>>
      %dma_start3A_124 = tpu.memref_squeeze %dma_start3A_123 : memref<1x128x64xf32, #tpu.memory_space<hbm>> -> memref<128x64xf32, #tpu.memory_space<hbm>>
      %dma_start3A_125 = arith.constant 0 : i32
      %dma_start3A_126 = tpu.memref_slice %arg6[%arg0, %add3A_115, %dma_start3A_125] : memref<2x10240x64xf32, #tpu.memory_space<hbm>> -> memref<1x128x64xf32, #tpu.memory_space<hbm>>
      %dma_start3A_127 = tpu.memref_squeeze %dma_start3A_126 : memref<1x128x64xf32, #tpu.memory_space<hbm>> -> memref<128x64xf32, #tpu.memory_space<hbm>>
      tpu.enqueue_dma source(%arg13 : memref<128x64xf32, #tpu.memory_space<vmem>>) target(%dma_start3A_127 : memref<128x64xf32, #tpu.memory_space<hbm>>) target_semaphore(%run_scoped3A : memref<!tpu.dma_semaphore, #tpu.memory_space<semaphore_mem>>)
      %dma_wait3A_128 = arith.constant 0 : i32
      %dma_wait3A_129 = tpu.memref_slice %arg6[%arg0, %add3A_115, %dma_wait3A_128] : memref<2x10240x64xf32, #tpu.memory_space<hbm>> -> memref<1x128x64xf32, #tpu.memory_space<hbm>>
      %dma_wait3A_130 = tpu.memref_squeeze %dma_wait3A_129 : memref<1x128x64xf32, #tpu.memory_space<hbm>> -> memref<128x64xf32, #tpu.memory_space<hbm>>
      %dma_wait3A_131 = arith.constant 0 : i32
      %dma_wait3A_132 = tpu.memref_slice %arg6[%arg0, %add3A_115, %dma_wait3A_131] : memref<2x10240x64xf32, #tpu.memory_space<hbm>> -> memref<1x128x64xf32, #tpu.memory_space<hbm>>
      %dma_wait3A_133 = tpu.memref_squeeze %dma_wait3A_132 : memref<1x128x64xf32, #tpu.memory_space<hbm>> -> memref<128x64xf32, #tpu.memory_space<hbm>>
      tpu.wait_dma2 semaphore(%run_scoped3A : memref<!tpu.dma_semaphore, #tpu.memory_space<semaphore_mem>>) src(%arg13 : memref<128x64xf32, #tpu.memory_space<vmem>>) dst(%dma_wait3A_133 : memref<128x64xf32, #tpu.memory_space<hbm>>)
      tpu.yield
    }) : () -> ()
    %add3A_116 = arith.constant 256 : i32
    %add3A_117 = arith.addi %mul3A_8, %add3A_116 : i32
    "tpu.region"() ({
      %run_scoped3A = tpu.sem_alloc : memref<!tpu.dma_semaphore, #tpu.memory_space<semaphore_mem>>
      %dma_start3A_122 = arith.constant 0 : i32
      %dma_start3A_123 = tpu.memref_slice %arg7[%add3A_117, %dma_start3A_122] : memref<10240x64xf32, #tpu.memory_space<vmem_shared>> -> memref<128x64xf32, #tpu.memory_space<vmem_shared>>
      %dma_start3A_124 = arith.constant 0 : i32
      %dma_start3A_125 = tpu.memref_slice %arg7[%add3A_117, %dma_start3A_124] : memref<10240x64xf32, #tpu.memory_space<vmem_shared>> -> memref<128x64xf32, #tpu.memory_space<vmem_shared>>
      tpu.enqueue_dma source(%dma_start3A_125 : memref<128x64xf32, #tpu.memory_space<vmem_shared>>) target(%arg13 : memref<128x64xf32, #tpu.memory_space<vmem>>) target_semaphore(%run_scoped3A : memref<!tpu.dma_semaphore, #tpu.memory_space<semaphore_mem>>)
      %dma_wait3A_126 = arith.constant 0 : i32
      %dma_wait3A_127 = tpu.memref_slice %arg7[%add3A_117, %dma_wait3A_126] : memref<10240x64xf32, #tpu.memory_space<vmem_shared>> -> memref<128x64xf32, #tpu.memory_space<vmem_shared>>
      %dma_wait3A_128 = arith.constant 0 : i32
      %dma_wait3A_129 = tpu.memref_slice %arg7[%add3A_117, %dma_wait3A_128] : memref<10240x64xf32, #tpu.memory_space<vmem_shared>> -> memref<128x64xf32, #tpu.memory_space<vmem_shared>>
      tpu.wait_dma2 semaphore(%run_scoped3A : memref<!tpu.dma_semaphore, #tpu.memory_space<semaphore_mem>>) src(%dma_wait3A_129 : memref<128x64xf32, #tpu.memory_space<vmem_shared>>) dst(%arg13 : memref<128x64xf32, #tpu.memory_space<vmem>>)
      tpu.yield
    }) : () -> ()
    "tpu.region"() ({
      %run_scoped3A = tpu.sem_alloc : memref<!tpu.dma_semaphore, #tpu.memory_space<semaphore_mem>>
      %dma_start3A_122 = arith.constant 0 : i32
      %dma_start3A_123 = tpu.memref_slice %arg6[%arg0, %add3A_117, %dma_start3A_122] : memref<2x10240x64xf32, #tpu.memory_space<hbm>> -> memref<1x128x64xf32, #tpu.memory_space<hbm>>
      %dma_start3A_124 = tpu.memref_squeeze %dma_start3A_123 : memref<1x128x64xf32, #tpu.memory_space<hbm>> -> memref<128x64xf32, #tpu.memory_space<hbm>>
      %dma_start3A_125 = arith.constant 0 : i32
      %dma_start3A_126 = tpu.memref_slice %arg6[%arg0, %add3A_117, %dma_start3A_125] : memref<2x10240x64xf32, #tpu.memory_space<hbm>> -> memref<1x128x64xf32, #tpu.memory_space<hbm>>
      %dma_start3A_127 = tpu.memref_squeeze %dma_start3A_126 : memref<1x128x64xf32, #tpu.memory_space<hbm>> -> memref<128x64xf32, #tpu.memory_space<hbm>>
      tpu.enqueue_dma source(%arg13 : memref<128x64xf32, #tpu.memory_space<vmem>>) target(%dma_start3A_127 : memref<128x64xf32, #tpu.memory_space<hbm>>) target_semaphore(%run_scoped3A : memref<!tpu.dma_semaphore, #tpu.memory_space<semaphore_mem>>)
      %dma_wait3A_128 = arith.constant 0 : i32
      %dma_wait3A_129 = tpu.memref_slice %arg6[%arg0, %add3A_117, %dma_wait3A_128] : memref<2x10240x64xf32, #tpu.memory_space<hbm>> -> memref<1x128x64xf32, #tpu.memory_space<hbm>>
      %dma_wait3A_130 = tpu.memref_squeeze %dma_wait3A_129 : memref<1x128x64xf32, #tpu.memory_space<hbm>> -> memref<128x64xf32, #tpu.memory_space<hbm>>
      %dma_wait3A_131 = arith.constant 0 : i32
      %dma_wait3A_132 = tpu.memref_slice %arg6[%arg0, %add3A_117, %dma_wait3A_131] : memref<2x10240x64xf32, #tpu.memory_space<hbm>> -> memref<1x128x64xf32, #tpu.memory_space<hbm>>
      %dma_wait3A_133 = tpu.memref_squeeze %dma_wait3A_132 : memref<1x128x64xf32, #tpu.memory_space<hbm>> -> memref<128x64xf32, #tpu.memory_space<hbm>>
      tpu.wait_dma2 semaphore(%run_scoped3A : memref<!tpu.dma_semaphore, #tpu.memory_space<semaphore_mem>>) src(%arg13 : memref<128x64xf32, #tpu.memory_space<vmem>>) dst(%dma_wait3A_133 : memref<128x64xf32, #tpu.memory_space<hbm>>)
      tpu.yield
    }) : () -> ()
    %add3A_118 = arith.constant 384 : i32
    %add3A_119 = arith.addi %mul3A_8, %add3A_118 : i32
    "tpu.region"() ({
      %run_scoped3A = tpu.sem_alloc : memref<!tpu.dma_semaphore, #tpu.memory_space<semaphore_mem>>
      %dma_start3A_122 = arith.constant 0 : i32
      %dma_start3A_123 = tpu.memref_slice %arg7[%add3A_119, %dma_start3A_122] : memref<10240x64xf32, #tpu.memory_space<vmem_shared>> -> memref<128x64xf32, #tpu.memory_space<vmem_shared>>
      %dma_start3A_124 = arith.constant 0 : i32
      %dma_start3A_125 = tpu.memref_slice %arg7[%add3A_119, %dma_start3A_124] : memref<10240x64xf32, #tpu.memory_space<vmem_shared>> -> memref<128x64xf32, #tpu.memory_space<vmem_shared>>
      tpu.enqueue_dma source(%dma_start3A_125 : memref<128x64xf32, #tpu.memory_space<vmem_shared>>) target(%arg13 : memref<128x64xf32, #tpu.memory_space<vmem>>) target_semaphore(%run_scoped3A : memref<!tpu.dma_semaphore, #tpu.memory_space<semaphore_mem>>)
      %dma_wait3A_126 = arith.constant 0 : i32
      %dma_wait3A_127 = tpu.memref_slice %arg7[%add3A_119, %dma_wait3A_126] : memref<10240x64xf32, #tpu.memory_space<vmem_shared>> -> memref<128x64xf32, #tpu.memory_space<vmem_shared>>
      %dma_wait3A_128 = arith.constant 0 : i32
      %dma_wait3A_129 = tpu.memref_slice %arg7[%add3A_119, %dma_wait3A_128] : memref<10240x64xf32, #tpu.memory_space<vmem_shared>> -> memref<128x64xf32, #tpu.memory_space<vmem_shared>>
      tpu.wait_dma2 semaphore(%run_scoped3A : memref<!tpu.dma_semaphore, #tpu.memory_space<semaphore_mem>>) src(%dma_wait3A_129 : memref<128x64xf32, #tpu.memory_space<vmem_shared>>) dst(%arg13 : memref<128x64xf32, #tpu.memory_space<vmem>>)
      tpu.yield
    }) : () -> ()
    "tpu.region"() ({
      %run_scoped3A = tpu.sem_alloc : memref<!tpu.dma_semaphore, #tpu.memory_space<semaphore_mem>>
      %dma_start3A_122 = arith.constant 0 : i32
      %dma_start3A_123 = tpu.memref_slice %arg6[%arg0, %add3A_119, %dma_start3A_122] : memref<2x10240x64xf32, #tpu.memory_space<hbm>> -> memref<1x128x64xf32, #tpu.memory_space<hbm>>
      %dma_start3A_124 = tpu.memref_squeeze %dma_start3A_123 : memref<1x128x64xf32, #tpu.memory_space<hbm>> -> memref<128x64xf32, #tpu.memory_space<hbm>>
      %dma_start3A_125 = arith.constant 0 : i32
      %dma_start3A_126 = tpu.memref_slice %arg6[%arg0, %add3A_119, %dma_start3A_125] : memref<2x10240x64xf32, #tpu.memory_space<hbm>> -> memref<1x128x64xf32, #tpu.memory_space<hbm>>
      %dma_start3A_127 = tpu.memref_squeeze %dma_start3A_126 : memref<1x128x64xf32, #tpu.memory_space<hbm>> -> memref<128x64xf32, #tpu.memory_space<hbm>>
      tpu.enqueue_dma source(%arg13 : memref<128x64xf32, #tpu.memory_space<vmem>>) target(%dma_start3A_127 : memref<128x64xf32, #tpu.memory_space<hbm>>) target_semaphore(%run_scoped3A : memref<!tpu.dma_semaphore, #tpu.memory_space<semaphore_mem>>)
      %dma_wait3A_128 = arith.constant 0 : i32
      %dma_wait3A_129 = tpu.memref_slice %arg6[%arg0, %add3A_119, %dma_wait3A_128] : memref<2x10240x64xf32, #tpu.memory_space<hbm>> -> memref<1x128x64xf32, #tpu.memory_space<hbm>>
      %dma_wait3A_130 = tpu.memref_squeeze %dma_wait3A_129 : memref<1x128x64xf32, #tpu.memory_space<hbm>> -> memref<128x64xf32, #tpu.memory_space<hbm>>
      %dma_wait3A_131 = arith.constant 0 : i32
      %dma_wait3A_132 = tpu.memref_slice %arg6[%arg0, %add3A_119, %dma_wait3A_131] : memref<2x10240x64xf32, #tpu.memory_space<hbm>> -> memref<1x128x64xf32, #tpu.memory_space<hbm>>
      %dma_wait3A_133 = tpu.memref_squeeze %dma_wait3A_132 : memref<1x128x64xf32, #tpu.memory_space<hbm>> -> memref<128x64xf32, #tpu.memory_space<hbm>>
      tpu.wait_dma2 semaphore(%run_scoped3A : memref<!tpu.dma_semaphore, #tpu.memory_space<semaphore_mem>>) src(%arg13 : memref<128x64xf32, #tpu.memory_space<vmem>>) dst(%dma_wait3A_133 : memref<128x64xf32, #tpu.memory_space<hbm>>)
      tpu.yield
    }) : () -> ()
    %add3A_120 = arith.constant 512 : i32
    %add3A_121 = arith.addi %mul3A_8, %add3A_120 : i32
    "tpu.region"() ({
      %run_scoped3A = tpu.sem_alloc : memref<!tpu.dma_semaphore, #tpu.memory_space<semaphore_mem>>
      %dma_start3A_122 = arith.constant 0 : i32
      %dma_start3A_123 = tpu.memref_slice %arg7[%add3A_121, %dma_start3A_122] : memref<10240x64xf32, #tpu.memory_space<vmem_shared>> -> memref<128x64xf32, #tpu.memory_space<vmem_shared>>
      %dma_start3A_124 = arith.constant 0 : i32
      %dma_start3A_125 = tpu.memref_slice %arg7[%add3A_121, %dma_start3A_124] : memref<10240x64xf32, #tpu.memory_space<vmem_shared>> -> memref<128x64xf32, #tpu.memory_space<vmem_shared>>
      tpu.enqueue_dma source(%dma_start3A_125 : memref<128x64xf32, #tpu.memory_space<vmem_shared>>) target(%arg13 : memref<128x64xf32, #tpu.memory_space<vmem>>) target_semaphore(%run_scoped3A : memref<!tpu.dma_semaphore, #tpu.memory_space<semaphore_mem>>)
      %dma_wait3A_126 = arith.constant 0 : i32
      %dma_wait3A_127 = tpu.memref_slice %arg7[%add3A_121, %dma_wait3A_126] : memref<10240x64xf32, #tpu.memory_space<vmem_shared>> -> memref<128x64xf32, #tpu.memory_space<vmem_shared>>
      %dma_wait3A_128 = arith.constant 0 : i32
      %dma_wait3A_129 = tpu.memref_slice %arg7[%add3A_121, %dma_wait3A_128] : memref<10240x64xf32, #tpu.memory_space<vmem_shared>> -> memref<128x64xf32, #tpu.memory_space<vmem_shared>>
      tpu.wait_dma2 semaphore(%run_scoped3A : memref<!tpu.dma_semaphore, #tpu.memory_space<semaphore_mem>>) src(%dma_wait3A_129 : memref<128x64xf32, #tpu.memory_space<vmem_shared>>) dst(%arg13 : memref<128x64xf32, #tpu.memory_space<vmem>>)
      tpu.yield
    }) : () -> ()
    "tpu.region"() ({
      %run_scoped3A = tpu.sem_alloc : memref<!tpu.dma_semaphore, #tpu.memory_space<semaphore_mem>>
      %dma_start3A_122 = arith.constant 0 : i32
      %dma_start3A_123 = tpu.memref_slice %arg6[%arg0, %add3A_121, %dma_start3A_122] : memref<2x10240x64xf32, #tpu.memory_space<hbm>> -> memref<1x128x64xf32, #tpu.memory_space<hbm>>
      %dma_start3A_124 = tpu.memref_squeeze %dma_start3A_123 : memref<1x128x64xf32, #tpu.memory_space<hbm>> -> memref<128x64xf32, #tpu.memory_space<hbm>>
      %dma_start3A_125 = arith.constant 0 : i32
      %dma_start3A_126 = tpu.memref_slice %arg6[%arg0, %add3A_121, %dma_start3A_125] : memref<2x10240x64xf32, #tpu.memory_space<hbm>> -> memref<1x128x64xf32, #tpu.memory_space<hbm>>
      %dma_start3A_127 = tpu.memref_squeeze %dma_start3A_126 : memref<1x128x64xf32, #tpu.memory_space<hbm>> -> memref<128x64xf32, #tpu.memory_space<hbm>>
      tpu.enqueue_dma source(%arg13 : memref<128x64xf32, #tpu.memory_space<vmem>>) target(%dma_start3A_127 : memref<128x64xf32, #tpu.memory_space<hbm>>) target_semaphore(%run_scoped3A : memref<!tpu.dma_semaphore, #tpu.memory_space<semaphore_mem>>)
      %dma_wait3A_128 = arith.constant 0 : i32
      %dma_wait3A_129 = tpu.memref_slice %arg6[%arg0, %add3A_121, %dma_wait3A_128] : memref<2x10240x64xf32, #tpu.memory_space<hbm>> -> memref<1x128x64xf32, #tpu.memory_space<hbm>>
      %dma_wait3A_130 = tpu.memref_squeeze %dma_wait3A_129 : memref<1x128x64xf32, #tpu.memory_space<hbm>> -> memref<128x64xf32, #tpu.memory_space<hbm>>
      %dma_wait3A_131 = arith.constant 0 : i32
      %dma_wait3A_132 = tpu.memref_slice %arg6[%arg0, %add3A_121, %dma_wait3A_131] : memref<2x10240x64xf32, #tpu.memory_space<hbm>> -> memref<1x128x64xf32, #tpu.memory_space<hbm>>
      %dma_wait3A_133 = tpu.memref_squeeze %dma_wait3A_132 : memref<1x128x64xf32, #tpu.memory_space<hbm>> -> memref<128x64xf32, #tpu.memory_space<hbm>>
      tpu.wait_dma2 semaphore(%run_scoped3A : memref<!tpu.dma_semaphore, #tpu.memory_space<semaphore_mem>>) src(%arg13 : memref<128x64xf32, #tpu.memory_space<vmem>>) dst(%dma_wait3A_133 : memref<128x64xf32, #tpu.memory_space<hbm>>)
      tpu.yield
    }) : () -> ()
    return
  }
}

#map = affine_map<(d0, d1) -> (0)>
#map1 = affine_map<(d0, d1) -> (0, 0)>
module attributes {stable_mosaic.version = 14 : i64} {
  func.func @_dist(%arg0: i32, %arg1: i32, %arg2: memref<10000xf32, #tpu.memory_space<hbm>>, %arg3: memref<10000xf32, #tpu.memory_space<hbm>>, %arg4: memref<10000xf32, #tpu.memory_space<hbm>>, %arg5: memref<2x327680xi32, #tpu.memory_space<hbm>>, %arg6: memref<327680xf32, #tpu.memory_space<hbm>>, %arg7: memref<10000xf32, #tpu.memory_space<vmem>>, %arg8: memref<10000xf32, #tpu.memory_space<vmem>>, %arg9: memref<10000xf32, #tpu.memory_space<vmem>>, %arg10: memref<512xi32, #tpu.memory_space<vmem>>, %arg11: memref<512xi32, #tpu.memory_space<vmem>>, %arg12: memref<512xf32, #tpu.memory_space<vmem>>) attributes {dimension_semantics = [#tpu.dimension_semantics<core_parallel>, #tpu.dimension_semantics<subcore_parallel>], iteration_bounds = array<i64: 2, 16>, scalar_prefetch = 0 : i64, scratch_operands = 6 : i64, tpu.core_type = #tpu.core_type<sc_vector_subcore>, window_params = [{transform_indices = #map}, {transform_indices = #map}, {transform_indices = #map}, {transform_indices = #map1}, {transform_indices = #map}]} {
    %mul3A = arith.constant 2 : i32
    %mul3A_0 = arith.muli %arg1, %mul3A : i32
    %add3A = arith.addi %mul3A_0, %arg0 : i32
    "tpu.region"() ({
      %run_scoped3A = tpu.sem_alloc : memref<!tpu.dma_semaphore, #tpu.memory_space<semaphore_mem>>
      tpu.enqueue_dma source(%arg2 : memref<10000xf32, #tpu.memory_space<hbm>>) target(%arg7 : memref<10000xf32, #tpu.memory_space<vmem>>) target_semaphore(%run_scoped3A : memref<!tpu.dma_semaphore, #tpu.memory_space<semaphore_mem>>)
      tpu.wait_dma2 semaphore(%run_scoped3A : memref<!tpu.dma_semaphore, #tpu.memory_space<semaphore_mem>>) src(%arg2 : memref<10000xf32, #tpu.memory_space<hbm>>) dst(%arg7 : memref<10000xf32, #tpu.memory_space<vmem>>)
      tpu.yield
    }) : () -> ()
    "tpu.region"() ({
      %run_scoped3A = tpu.sem_alloc : memref<!tpu.dma_semaphore, #tpu.memory_space<semaphore_mem>>
      tpu.enqueue_dma source(%arg3 : memref<10000xf32, #tpu.memory_space<hbm>>) target(%arg8 : memref<10000xf32, #tpu.memory_space<vmem>>) target_semaphore(%run_scoped3A : memref<!tpu.dma_semaphore, #tpu.memory_space<semaphore_mem>>)
      tpu.wait_dma2 semaphore(%run_scoped3A : memref<!tpu.dma_semaphore, #tpu.memory_space<semaphore_mem>>) src(%arg3 : memref<10000xf32, #tpu.memory_space<hbm>>) dst(%arg8 : memref<10000xf32, #tpu.memory_space<vmem>>)
      tpu.yield
    }) : () -> ()
    "tpu.region"() ({
      %run_scoped3A = tpu.sem_alloc : memref<!tpu.dma_semaphore, #tpu.memory_space<semaphore_mem>>
      tpu.enqueue_dma source(%arg4 : memref<10000xf32, #tpu.memory_space<hbm>>) target(%arg9 : memref<10000xf32, #tpu.memory_space<vmem>>) target_semaphore(%run_scoped3A : memref<!tpu.dma_semaphore, #tpu.memory_space<semaphore_mem>>)
      tpu.wait_dma2 semaphore(%run_scoped3A : memref<!tpu.dma_semaphore, #tpu.memory_space<semaphore_mem>>) src(%arg4 : memref<10000xf32, #tpu.memory_space<hbm>>) dst(%arg9 : memref<10000xf32, #tpu.memory_space<vmem>>)
      tpu.yield
    }) : () -> ()
    %add3A_1 = arith.constant 1 : i32
    %add3A_2 = arith.addi %add3A, %add3A_1 : i32
    %mul3A_3 = arith.constant 10240 : i32
    %mul3A_4 = arith.muli %add3A_2, %mul3A_3 : i32
    %min3A = arith.constant 320000 : i32
    %min3A_5 = arith.minsi %min3A, %mul3A_4 : i32
    %mul3A_6 = arith.constant 10240 : i32
    %mul3A_7 = arith.muli %add3A, %mul3A_6 : i32
    %sub3A = arith.subi %min3A_5, %mul3A_7 : i32
    %max3A = arith.constant 0 : i32
    %max3A_8 = arith.maxsi %sub3A, %max3A : i32
    %jit3A = arith.constant 512 : i32
    %div3A = arith.divsi %max3A_8, %jit3A : i32
    %sign3A = arith.constant 0 : i32
    %sign3A_9 = arith.cmpi sgt, %max3A_8, %sign3A : i32
    %sign3A_10 = arith.extui %sign3A_9 : i1 to i32
    %sign3A_11 = arith.constant 0 : i32
    %sign3A_12 = arith.cmpi slt, %max3A_8, %sign3A_11 : i32
    %sign3A_13 = arith.extui %sign3A_12 : i1 to i32
    %sign3A_14 = arith.subi %sign3A_10, %sign3A_13 : i32
    %sign3A_15 = arith.constant 0 : i32
    %sign3A_16 = arith.cmpi sgt, %jit3A, %sign3A_15 : i32
    %sign3A_17 = arith.extui %sign3A_16 : i1 to i32
    %sign3A_18 = arith.constant 0 : i32
    %sign3A_19 = arith.cmpi slt, %jit3A, %sign3A_18 : i32
    %sign3A_20 = arith.extui %sign3A_19 : i1 to i32
    %sign3A_21 = arith.subi %sign3A_17, %sign3A_20 : i32
    %ne3A = arith.cmpi ne, %sign3A_14, %sign3A_21 : i32
    %rem3A = arith.remsi %max3A_8, %jit3A : i32
    %ne3A_22 = arith.constant 0 : i32
    %ne3A_23 = arith.cmpi ne, %rem3A, %ne3A_22 : i32
    %and3A = arith.andi %ne3A, %ne3A_23 : i1
    %sub3A_24 = arith.constant 1 : i32
    %sub3A_25 = arith.subi %div3A, %sub3A_24 : i32
    %select_n3A = arith.select %and3A, %sub3A_25, %div3A : i32
    %while3A = arith.constant 0 : i32
    %while3A_26 = arith.constant 0 : i32
    %while3A_27 = arith.subi %select_n3A, %while3A_26 : i32
    %while3A_28 = arith.addi %while3A_26, %while3A_27 : i32
    %while3A_29 = arith.constant 1 : i32
    %while3A_30 = arith.divsi %while3A_27, %while3A_29 : i32
    %while3A_31 = arith.muli %while3A_30, %while3A_29 : i32
    %while3A_32 = arith.addi %while3A_26, %while3A_31 : i32
    %while3A_33 = arith.constant 1 : i32
    scf.for %while3A_35 = %while3A_26 to %while3A_32 step %while3A_33  : i32 {
      %mul3A_36 = arith.constant 10240 : i32
      %mul3A_37 = arith.muli %add3A, %mul3A_36 : i32
      %mul3A_38 = arith.constant 512 : i32
      %mul3A_39 = arith.muli %while3A_35, %mul3A_38 : i32
      %add3A_40 = arith.addi %mul3A_37, %mul3A_39 : i32
      %run_scoped3A = arith.constant 0 : i32
      "tpu.region"() ({
        %run_scoped3A_47 = tpu.sem_alloc : memref<!tpu.dma_semaphore, #tpu.memory_space<semaphore_mem>>
        %dma_start3A = tpu.memref_slice %arg5[%run_scoped3A, %add3A_40] : memref<2x327680xi32, #tpu.memory_space<hbm>> -> memref<1x512xi32, #tpu.memory_space<hbm>>
        %dma_start3A_48 = tpu.memref_squeeze %dma_start3A : memref<1x512xi32, #tpu.memory_space<hbm>> -> memref<512xi32, #tpu.memory_space<hbm>>
        %dma_start3A_49 = tpu.memref_slice %arg5[%run_scoped3A, %add3A_40] : memref<2x327680xi32, #tpu.memory_space<hbm>> -> memref<1x512xi32, #tpu.memory_space<hbm>>
        %dma_start3A_50 = tpu.memref_squeeze %dma_start3A_49 : memref<1x512xi32, #tpu.memory_space<hbm>> -> memref<512xi32, #tpu.memory_space<hbm>>
        tpu.enqueue_dma source(%dma_start3A_50 : memref<512xi32, #tpu.memory_space<hbm>>) target(%arg10 : memref<512xi32, #tpu.memory_space<vmem>>) target_semaphore(%run_scoped3A_47 : memref<!tpu.dma_semaphore, #tpu.memory_space<semaphore_mem>>)
        %dma_wait3A = tpu.memref_slice %arg5[%run_scoped3A, %add3A_40] : memref<2x327680xi32, #tpu.memory_space<hbm>> -> memref<1x512xi32, #tpu.memory_space<hbm>>
        %dma_wait3A_51 = tpu.memref_squeeze %dma_wait3A : memref<1x512xi32, #tpu.memory_space<hbm>> -> memref<512xi32, #tpu.memory_space<hbm>>
        %dma_wait3A_52 = tpu.memref_slice %arg5[%run_scoped3A, %add3A_40] : memref<2x327680xi32, #tpu.memory_space<hbm>> -> memref<1x512xi32, #tpu.memory_space<hbm>>
        %dma_wait3A_53 = tpu.memref_squeeze %dma_wait3A_52 : memref<1x512xi32, #tpu.memory_space<hbm>> -> memref<512xi32, #tpu.memory_space<hbm>>
        tpu.wait_dma2 semaphore(%run_scoped3A_47 : memref<!tpu.dma_semaphore, #tpu.memory_space<semaphore_mem>>) src(%dma_wait3A_53 : memref<512xi32, #tpu.memory_space<hbm>>) dst(%arg10 : memref<512xi32, #tpu.memory_space<vmem>>)
        tpu.yield
      }) : () -> ()
      %run_scoped3A_41 = arith.constant 1 : i32
      "tpu.region"() ({
        %run_scoped3A_47 = tpu.sem_alloc : memref<!tpu.dma_semaphore, #tpu.memory_space<semaphore_mem>>
        %dma_start3A = tpu.memref_slice %arg5[%run_scoped3A_41, %add3A_40] : memref<2x327680xi32, #tpu.memory_space<hbm>> -> memref<1x512xi32, #tpu.memory_space<hbm>>
        %dma_start3A_48 = tpu.memref_squeeze %dma_start3A : memref<1x512xi32, #tpu.memory_space<hbm>> -> memref<512xi32, #tpu.memory_space<hbm>>
        %dma_start3A_49 = tpu.memref_slice %arg5[%run_scoped3A_41, %add3A_40] : memref<2x327680xi32, #tpu.memory_space<hbm>> -> memref<1x512xi32, #tpu.memory_space<hbm>>
        %dma_start3A_50 = tpu.memref_squeeze %dma_start3A_49 : memref<1x512xi32, #tpu.memory_space<hbm>> -> memref<512xi32, #tpu.memory_space<hbm>>
        tpu.enqueue_dma source(%dma_start3A_50 : memref<512xi32, #tpu.memory_space<hbm>>) target(%arg11 : memref<512xi32, #tpu.memory_space<vmem>>) target_semaphore(%run_scoped3A_47 : memref<!tpu.dma_semaphore, #tpu.memory_space<semaphore_mem>>)
        %dma_wait3A = tpu.memref_slice %arg5[%run_scoped3A_41, %add3A_40] : memref<2x327680xi32, #tpu.memory_space<hbm>> -> memref<1x512xi32, #tpu.memory_space<hbm>>
        %dma_wait3A_51 = tpu.memref_squeeze %dma_wait3A : memref<1x512xi32, #tpu.memory_space<hbm>> -> memref<512xi32, #tpu.memory_space<hbm>>
        %dma_wait3A_52 = tpu.memref_slice %arg5[%run_scoped3A_41, %add3A_40] : memref<2x327680xi32, #tpu.memory_space<hbm>> -> memref<1x512xi32, #tpu.memory_space<hbm>>
        %dma_wait3A_53 = tpu.memref_squeeze %dma_wait3A_52 : memref<1x512xi32, #tpu.memory_space<hbm>> -> memref<512xi32, #tpu.memory_space<hbm>>
        tpu.wait_dma2 semaphore(%run_scoped3A_47 : memref<!tpu.dma_semaphore, #tpu.memory_space<semaphore_mem>>) src(%dma_wait3A_53 : memref<512xi32, #tpu.memory_space<hbm>>) dst(%arg11 : memref<512xi32, #tpu.memory_space<vmem>>)
        tpu.yield
      }) : () -> ()
      %scan3A = arith.constant 0 : i32
      %scan3A_42 = arith.constant 0 : i32
      %scan3A_43 = arith.constant 32 : i32
      %scan3A_44 = arith.addi %scan3A_42, %scan3A_43 : i32
      %scan3A_45 = arith.constant 1 : i32
      scf.for %scan3A_47 = %scan3A_42 to %scan3A_44 step %scan3A_45  : i32 {
        %mul3A_48 = arith.constant 16 : i32
        %mul3A_49 = arith.muli %scan3A_47, %mul3A_48 : i32
        %get3A = arith.index_cast %mul3A_49 : i32 to index
        %get3A_50 = tpu.vector_load %arg10[%get3A] {strides = array<i32>} : memref<512xi32, #tpu.memory_space<vmem>>, vector<16xi32>,
        %mul3A_51 = arith.constant 16 : i32
        %mul3A_52 = arith.muli %scan3A_47, %mul3A_51 : i32
        %get3A_53 = arith.index_cast %mul3A_52 : i32 to index
        %get3A_54 = tpu.vector_load %arg11[%get3A_53] {strides = array<i32>} : memref<512xi32, #tpu.memory_space<vmem>>, vector<16xi32>,
        %gather3A = tpu.vector_load_idx %arg7[%get3A_54] : memref<10000xf32, #tpu.memory_space<vmem>>[vector<16xi32>], vector<16xf32>,
        %gather3A_55 = tpu.vector_load_idx %arg7[%get3A_50] : memref<10000xf32, #tpu.memory_space<vmem>>[vector<16xi32>], vector<16xf32>,
        %sub3A_56 = arith.subf %gather3A, %gather3A_55 : vector<16xf32>
        %gather3A_57 = tpu.vector_load_idx %arg8[%get3A_54] : memref<10000xf32, #tpu.memory_space<vmem>>[vector<16xi32>], vector<16xf32>,
        %gather3A_58 = tpu.vector_load_idx %arg8[%get3A_50] : memref<10000xf32, #tpu.memory_space<vmem>>[vector<16xi32>], vector<16xf32>,
        %sub3A_59 = arith.subf %gather3A_57, %gather3A_58 : vector<16xf32>
        %gather3A_60 = tpu.vector_load_idx %arg9[%get3A_54] : memref<10000xf32, #tpu.memory_space<vmem>>[vector<16xi32>], vector<16xf32>,
        %gather3A_61 = tpu.vector_load_idx %arg9[%get3A_50] : memref<10000xf32, #tpu.memory_space<vmem>>[vector<16xi32>], vector<16xf32>,
        %sub3A_62 = arith.subf %gather3A_60, %gather3A_61 : vector<16xf32>
        %mul3A_63 = arith.mulf %sub3A_56, %sub3A_56 : vector<16xf32>
        %mul3A_64 = arith.mulf %sub3A_59, %sub3A_59 : vector<16xf32>
        %add3A_65 = arith.addf %mul3A_63, %mul3A_64 : vector<16xf32>
        %mul3A_66 = arith.mulf %sub3A_62, %sub3A_62 : vector<16xf32>
        %add3A_67 = arith.addf %add3A_65, %mul3A_66 : vector<16xf32>
        %mul3A_68 = arith.constant 16 : i32
        %mul3A_69 = arith.muli %scan3A_47, %mul3A_68 : i32
        %swap3A = arith.index_cast %mul3A_69 : i32 to index
        %swap3A_70 = tpu.vector_load %arg12[%swap3A] {strides = array<i32>} : memref<512xf32, #tpu.memory_space<vmem>>, vector<16xf32>,
        tpu.vector_store %arg12[%swap3A], %add3A_67 {strides = array<i32>} : memref<512xf32, #tpu.memory_space<vmem>>, vector<16xf32>,
      }
      %scan3A_46 = arith.constant 32 : i32
      "tpu.region"() ({
        %run_scoped3A_47 = tpu.sem_alloc : memref<!tpu.dma_semaphore, #tpu.memory_space<semaphore_mem>>
        %dma_start3A = tpu.memref_slice %arg6[%add3A_40] : memref<327680xf32, #tpu.memory_space<hbm>> -> memref<512xf32, #tpu.memory_space<hbm>>
        %dma_start3A_48 = tpu.memref_slice %arg6[%add3A_40] : memref<327680xf32, #tpu.memory_space<hbm>> -> memref<512xf32, #tpu.memory_space<hbm>>
        tpu.enqueue_dma source(%arg12 : memref<512xf32, #tpu.memory_space<vmem>>) target(%dma_start3A_48 : memref<512xf32, #tpu.memory_space<hbm>>) target_semaphore(%run_scoped3A_47 : memref<!tpu.dma_semaphore, #tpu.memory_space<semaphore_mem>>)
        %dma_wait3A = tpu.memref_slice %arg6[%add3A_40] : memref<327680xf32, #tpu.memory_space<hbm>> -> memref<512xf32, #tpu.memory_space<hbm>>
        %dma_wait3A_49 = tpu.memref_slice %arg6[%add3A_40] : memref<327680xf32, #tpu.memory_space<hbm>> -> memref<512xf32, #tpu.memory_space<hbm>>
        tpu.wait_dma2 semaphore(%run_scoped3A_47 : memref<!tpu.dma_semaphore, #tpu.memory_space<semaphore_mem>>) src(%arg12 : memref<512xf32, #tpu.memory_space<vmem>>) dst(%dma_wait3A_49 : memref<512xf32, #tpu.memory_space<hbm>>)
        tpu.yield
      }) : () -> ()
    }
    %while3A_34 = arith.constant 1 : i32
    scf.for %while3A_35 = %while3A_32 to %while3A_28 step %while3A_34  : i32 {
      %mul3A_36 = arith.constant 10240 : i32
      %mul3A_37 = arith.muli %add3A, %mul3A_36 : i32
      %mul3A_38 = arith.constant 512 : i32
      %mul3A_39 = arith.muli %while3A_35, %mul3A_38 : i32
      %add3A_40 = arith.addi %mul3A_37, %mul3A_39 : i32
      %run_scoped3A = arith.constant 0 : i32
      "tpu.region"() ({
        %run_scoped3A_47 = tpu.sem_alloc : memref<!tpu.dma_semaphore, #tpu.memory_space<semaphore_mem>>
        %dma_start3A = tpu.memref_slice %arg5[%run_scoped3A, %add3A_40] : memref<2x327680xi32, #tpu.memory_space<hbm>> -> memref<1x512xi32, #tpu.memory_space<hbm>>
        %dma_start3A_48 = tpu.memref_squeeze %dma_start3A : memref<1x512xi32, #tpu.memory_space<hbm>> -> memref<512xi32, #tpu.memory_space<hbm>>
        %dma_start3A_49 = tpu.memref_slice %arg5[%run_scoped3A, %add3A_40] : memref<2x327680xi32, #tpu.memory_space<hbm>> -> memref<1x512xi32, #tpu.memory_space<hbm>>
        %dma_start3A_50 = tpu.memref_squeeze %dma_start3A_49 : memref<1x512xi32, #tpu.memory_space<hbm>> -> memref<512xi32, #tpu.memory_space<hbm>>
        tpu.enqueue_dma source(%dma_start3A_50 : memref<512xi32, #tpu.memory_space<hbm>>) target(%arg10 : memref<512xi32, #tpu.memory_space<vmem>>) target_semaphore(%run_scoped3A_47 : memref<!tpu.dma_semaphore, #tpu.memory_space<semaphore_mem>>)
        %dma_wait3A = tpu.memref_slice %arg5[%run_scoped3A, %add3A_40] : memref<2x327680xi32, #tpu.memory_space<hbm>> -> memref<1x512xi32, #tpu.memory_space<hbm>>
        %dma_wait3A_51 = tpu.memref_squeeze %dma_wait3A : memref<1x512xi32, #tpu.memory_space<hbm>> -> memref<512xi32, #tpu.memory_space<hbm>>
        %dma_wait3A_52 = tpu.memref_slice %arg5[%run_scoped3A, %add3A_40] : memref<2x327680xi32, #tpu.memory_space<hbm>> -> memref<1x512xi32, #tpu.memory_space<hbm>>
        %dma_wait3A_53 = tpu.memref_squeeze %dma_wait3A_52 : memref<1x512xi32, #tpu.memory_space<hbm>> -> memref<512xi32, #tpu.memory_space<hbm>>
        tpu.wait_dma2 semaphore(%run_scoped3A_47 : memref<!tpu.dma_semaphore, #tpu.memory_space<semaphore_mem>>) src(%dma_wait3A_53 : memref<512xi32, #tpu.memory_space<hbm>>) dst(%arg10 : memref<512xi32, #tpu.memory_space<vmem>>)
        tpu.yield
      }) : () -> ()
      %run_scoped3A_41 = arith.constant 1 : i32
      "tpu.region"() ({
        %run_scoped3A_47 = tpu.sem_alloc : memref<!tpu.dma_semaphore, #tpu.memory_space<semaphore_mem>>
        %dma_start3A = tpu.memref_slice %arg5[%run_scoped3A_41, %add3A_40] : memref<2x327680xi32, #tpu.memory_space<hbm>> -> memref<1x512xi32, #tpu.memory_space<hbm>>
        %dma_start3A_48 = tpu.memref_squeeze %dma_start3A : memref<1x512xi32, #tpu.memory_space<hbm>> -> memref<512xi32, #tpu.memory_space<hbm>>
        %dma_start3A_49 = tpu.memref_slice %arg5[%run_scoped3A_41, %add3A_40] : memref<2x327680xi32, #tpu.memory_space<hbm>> -> memref<1x512xi32, #tpu.memory_space<hbm>>
        %dma_start3A_50 = tpu.memref_squeeze %dma_start3A_49 : memref<1x512xi32, #tpu.memory_space<hbm>> -> memref<512xi32, #tpu.memory_space<hbm>>
        tpu.enqueue_dma source(%dma_start3A_50 : memref<512xi32, #tpu.memory_space<hbm>>) target(%arg11 : memref<512xi32, #tpu.memory_space<vmem>>) target_semaphore(%run_scoped3A_47 : memref<!tpu.dma_semaphore, #tpu.memory_space<semaphore_mem>>)
        %dma_wait3A = tpu.memref_slice %arg5[%run_scoped3A_41, %add3A_40] : memref<2x327680xi32, #tpu.memory_space<hbm>> -> memref<1x512xi32, #tpu.memory_space<hbm>>
        %dma_wait3A_51 = tpu.memref_squeeze %dma_wait3A : memref<1x512xi32, #tpu.memory_space<hbm>> -> memref<512xi32, #tpu.memory_space<hbm>>
        %dma_wait3A_52 = tpu.memref_slice %arg5[%run_scoped3A_41, %add3A_40] : memref<2x327680xi32, #tpu.memory_space<hbm>> -> memref<1x512xi32, #tpu.memory_space<hbm>>
        %dma_wait3A_53 = tpu.memref_squeeze %dma_wait3A_52 : memref<1x512xi32, #tpu.memory_space<hbm>> -> memref<512xi32, #tpu.memory_space<hbm>>
        tpu.wait_dma2 semaphore(%run_scoped3A_47 : memref<!tpu.dma_semaphore, #tpu.memory_space<semaphore_mem>>) src(%dma_wait3A_53 : memref<512xi32, #tpu.memory_space<hbm>>) dst(%arg11 : memref<512xi32, #tpu.memory_space<vmem>>)
        tpu.yield
      }) : () -> ()
      %scan3A = arith.constant 0 : i32
      %scan3A_42 = arith.constant 0 : i32
      %scan3A_43 = arith.constant 32 : i32
      %scan3A_44 = arith.addi %scan3A_42, %scan3A_43 : i32
      %scan3A_45 = arith.constant 1 : i32
      scf.for %scan3A_47 = %scan3A_42 to %scan3A_44 step %scan3A_45  : i32 {
        %mul3A_48 = arith.constant 16 : i32
        %mul3A_49 = arith.muli %scan3A_47, %mul3A_48 : i32
        %get3A = arith.index_cast %mul3A_49 : i32 to index
        %get3A_50 = tpu.vector_load %arg10[%get3A] {strides = array<i32>} : memref<512xi32, #tpu.memory_space<vmem>>, vector<16xi32>,
        %mul3A_51 = arith.constant 16 : i32
        %mul3A_52 = arith.muli %scan3A_47, %mul3A_51 : i32
        %get3A_53 = arith.index_cast %mul3A_52 : i32 to index
        %get3A_54 = tpu.vector_load %arg11[%get3A_53] {strides = array<i32>} : memref<512xi32, #tpu.memory_space<vmem>>, vector<16xi32>,
        %gather3A = tpu.vector_load_idx %arg7[%get3A_54] : memref<10000xf32, #tpu.memory_space<vmem>>[vector<16xi32>], vector<16xf32>,
        %gather3A_55 = tpu.vector_load_idx %arg7[%get3A_50] : memref<10000xf32, #tpu.memory_space<vmem>>[vector<16xi32>], vector<16xf32>,
        %sub3A_56 = arith.subf %gather3A, %gather3A_55 : vector<16xf32>
        %gather3A_57 = tpu.vector_load_idx %arg8[%get3A_54] : memref<10000xf32, #tpu.memory_space<vmem>>[vector<16xi32>], vector<16xf32>,
        %gather3A_58 = tpu.vector_load_idx %arg8[%get3A_50] : memref<10000xf32, #tpu.memory_space<vmem>>[vector<16xi32>], vector<16xf32>,
        %sub3A_59 = arith.subf %gather3A_57, %gather3A_58 : vector<16xf32>
        %gather3A_60 = tpu.vector_load_idx %arg9[%get3A_54] : memref<10000xf32, #tpu.memory_space<vmem>>[vector<16xi32>], vector<16xf32>,
        %gather3A_61 = tpu.vector_load_idx %arg9[%get3A_50] : memref<10000xf32, #tpu.memory_space<vmem>>[vector<16xi32>], vector<16xf32>,
        %sub3A_62 = arith.subf %gather3A_60, %gather3A_61 : vector<16xf32>
        %mul3A_63 = arith.mulf %sub3A_56, %sub3A_56 : vector<16xf32>
        %mul3A_64 = arith.mulf %sub3A_59, %sub3A_59 : vector<16xf32>
        %add3A_65 = arith.addf %mul3A_63, %mul3A_64 : vector<16xf32>
        %mul3A_66 = arith.mulf %sub3A_62, %sub3A_62 : vector<16xf32>
        %add3A_67 = arith.addf %add3A_65, %mul3A_66 : vector<16xf32>
        %mul3A_68 = arith.constant 16 : i32
        %mul3A_69 = arith.muli %scan3A_47, %mul3A_68 : i32
        %swap3A = arith.index_cast %mul3A_69 : i32 to index
        %swap3A_70 = tpu.vector_load %arg12[%swap3A] {strides = array<i32>} : memref<512xf32, #tpu.memory_space<vmem>>, vector<16xf32>,
        tpu.vector_store %arg12[%swap3A], %add3A_67 {strides = array<i32>} : memref<512xf32, #tpu.memory_space<vmem>>, vector<16xf32>,
      }
      %scan3A_46 = arith.constant 32 : i32
      "tpu.region"() ({
        %run_scoped3A_47 = tpu.sem_alloc : memref<!tpu.dma_semaphore, #tpu.memory_space<semaphore_mem>>
        %dma_start3A = tpu.memref_slice %arg6[%add3A_40] : memref<327680xf32, #tpu.memory_space<hbm>> -> memref<512xf32, #tpu.memory_space<hbm>>
        %dma_start3A_48 = tpu.memref_slice %arg6[%add3A_40] : memref<327680xf32, #tpu.memory_space<hbm>> -> memref<512xf32, #tpu.memory_space<hbm>>
        tpu.enqueue_dma source(%arg12 : memref<512xf32, #tpu.memory_space<vmem>>) target(%dma_start3A_48 : memref<512xf32, #tpu.memory_space<hbm>>) target_semaphore(%run_scoped3A_47 : memref<!tpu.dma_semaphore, #tpu.memory_space<semaphore_mem>>)
        %dma_wait3A = tpu.memref_slice %arg6[%add3A_40] : memref<327680xf32, #tpu.memory_space<hbm>> -> memref<512xf32, #tpu.memory_space<hbm>>
        %dma_wait3A_49 = tpu.memref_slice %arg6[%add3A_40] : memref<327680xf32, #tpu.memory_space<hbm>> -> memref<512xf32, #tpu.memory_space<hbm>>
        tpu.wait_dma2 semaphore(%run_scoped3A_47 : memref<!tpu.dma_semaphore, #tpu.memory_space<semaphore_mem>>) src(%arg12 : memref<512xf32, #tpu.memory_space<vmem>>) dst(%dma_wait3A_49 : memref<512xf32, #tpu.memory_space<hbm>>)
        tpu.yield
      }) : () -> ()
    }
    return
  }
}

#map = affine_map<(d0, d1) -> (0, 0)>
#map1 = affine_map<(d0, d1) -> (0)>
#map2 = affine_map<(d0, d1) -> (0, 0, 0)>
module attributes {stable_mosaic.version = 14 : i64} {
  func.func @_msg(%arg0: i32, %arg1: i32, %arg2: memref<10240x64xf32, #tpu.memory_space<hbm>>, %arg3: memref<40960x128xf32, #tpu.memory_space<hbm>>, %arg4: memref<81920xi32, #tpu.memory_space<hbm>>, %arg5: memref<81920xi32, #tpu.memory_space<hbm>>, %arg6: memref<2x10240x64xf32, #tpu.memory_space<hbm>>, %arg7: memref<10240x64xf32, #tpu.memory_space<vmem_shared>>, %arg8: memref<10240x64xf32, #tpu.memory_space<vmem_shared>>, %arg9: memref<2x128xi32, #tpu.memory_space<vmem>>, %arg10: memref<2x128xi32, #tpu.memory_space<vmem>>, %arg11: memref<128x64xf32, #tpu.memory_space<vmem>>, %arg12: memref<2x64x128xf32, #tpu.memory_space<vmem>>, %arg13: memref<128x64xf32, #tpu.memory_space<vmem>>, %arg14: memref<!tpu.dma_semaphore, #tpu.memory_space<semaphore_mem>>, %arg15: memref<!tpu.dma_semaphore, #tpu.memory_space<semaphore_mem>>, %arg16: memref<!tpu.dma_semaphore, #tpu.memory_space<semaphore_mem>>, %arg17: memref<!tpu.dma_semaphore, #tpu.memory_space<semaphore_mem>>, %arg18: memref<!tpu.dma_semaphore, #tpu.memory_space<semaphore_mem>>, %arg19: memref<!tpu.dma_semaphore, #tpu.memory_space<semaphore_mem>>) attributes {dimension_semantics = [#tpu.dimension_semantics<core_parallel>, #tpu.dimension_semantics<subcore_parallel>], iteration_bounds = array<i64: 2, 16>, scalar_prefetch = 0 : i64, scratch_operands = 13 : i64, tpu.core_type = #tpu.core_type<sc_vector_subcore>, window_params = [{transform_indices = #map}, {transform_indices = #map}, {transform_indices = #map1}, {transform_indices = #map1}, {transform_indices = #map2}]} {
    %mul3A = arith.constant 2 : i32
    %mul3A_0 = arith.muli %arg1, %mul3A : i32
    %add3A = arith.addi %mul3A_0, %arg0 : i32
    %broadcast_in_dim3A = arith.constant 0.000000e+00 : f32
    %broadcast_in_dim3A_1 = vector.broadcast %broadcast_in_dim3A : f32 to vector<16xf32>
    %scan3A = arith.constant 0 : i32
    %scan3A_2 = arith.constant 0 : i32
    %scan3A_3 = arith.constant 128 : i32
    %scan3A_4 = arith.addi %scan3A_2, %scan3A_3 : i32
    %scan3A_5 = arith.constant 1 : i32
    scf.for %scan3A_122 = %scan3A_2 to %scan3A_4 step %scan3A_5  : i32 {
      %swap3A = arith.index_cast %scan3A_122 : i32 to index
      %swap3A_123 = arith.constant 0 : index
      %swap3A_124 = tpu.vector_load %arg13[%swap3A, %swap3A_123] {strides = array<i32>} : memref<128x64xf32, #tpu.memory_space<vmem>>, vector<16xf32>,
      tpu.vector_store %arg13[%swap3A, %swap3A_123], %broadcast_in_dim3A_1 {strides = array<i32>} : memref<128x64xf32, #tpu.memory_space<vmem>>, vector<16xf32>,
      %swap3A_125 = arith.index_cast %scan3A_122 : i32 to index
      %swap3A_126 = arith.constant 16 : index
      %swap3A_127 = tpu.vector_load %arg13[%swap3A_125, %swap3A_126] {strides = array<i32>} : memref<128x64xf32, #tpu.memory_space<vmem>>, vector<16xf32>,
      tpu.vector_store %arg13[%swap3A_125, %swap3A_126], %broadcast_in_dim3A_1 {strides = array<i32>} : memref<128x64xf32, #tpu.memory_space<vmem>>, vector<16xf32>,
      %swap3A_128 = arith.index_cast %scan3A_122 : i32 to index
      %swap3A_129 = arith.constant 32 : index
      %swap3A_130 = tpu.vector_load %arg13[%swap3A_128, %swap3A_129] {strides = array<i32>} : memref<128x64xf32, #tpu.memory_space<vmem>>, vector<16xf32>,
      tpu.vector_store %arg13[%swap3A_128, %swap3A_129], %broadcast_in_dim3A_1 {strides = array<i32>} : memref<128x64xf32, #tpu.memory_space<vmem>>, vector<16xf32>,
      %swap3A_131 = arith.index_cast %scan3A_122 : i32 to index
      %swap3A_132 = arith.constant 48 : index
      %swap3A_133 = tpu.vector_load %arg13[%swap3A_131, %swap3A_132] {strides = array<i32>} : memref<128x64xf32, #tpu.memory_space<vmem>>, vector<16xf32>,
      tpu.vector_store %arg13[%swap3A_131, %swap3A_132], %broadcast_in_dim3A_1 {strides = array<i32>} : memref<128x64xf32, #tpu.memory_space<vmem>>, vector<16xf32>,
    }
    %scan3A_6 = arith.constant 128 : i32
    %mul3A_7 = arith.constant 640 : i32
    %mul3A_8 = arith.muli %arg1, %mul3A_7 : i32
    %add3A_9 = arith.constant 0 : i32
    %add3A_10 = arith.addi %mul3A_8, %add3A_9 : i32
    "tpu.region"() ({
      %run_scoped3A = tpu.sem_alloc : memref<!tpu.dma_semaphore, #tpu.memory_space<semaphore_mem>>
      %dma_start3A_122 = arith.constant 0 : i32
      %dma_start3A_123 = tpu.memref_slice %arg7[%add3A_10, %dma_start3A_122] : memref<10240x64xf32, #tpu.memory_space<vmem_shared>> -> memref<128x64xf32, #tpu.memory_space<vmem_shared>>
      %dma_start3A_124 = arith.constant 0 : i32
      %dma_start3A_125 = tpu.memref_slice %arg7[%add3A_10, %dma_start3A_124] : memref<10240x64xf32, #tpu.memory_space<vmem_shared>> -> memref<128x64xf32, #tpu.memory_space<vmem_shared>>
      tpu.enqueue_dma source(%arg13 : memref<128x64xf32, #tpu.memory_space<vmem>>) target(%dma_start3A_125 : memref<128x64xf32, #tpu.memory_space<vmem_shared>>) target_semaphore(%run_scoped3A : memref<!tpu.dma_semaphore, #tpu.memory_space<semaphore_mem>>)
      %dma_wait3A_126 = arith.constant 0 : i32
      %dma_wait3A_127 = tpu.memref_slice %arg7[%add3A_10, %dma_wait3A_126] : memref<10240x64xf32, #tpu.memory_space<vmem_shared>> -> memref<128x64xf32, #tpu.memory_space<vmem_shared>>
      %dma_wait3A_128 = arith.constant 0 : i32
      %dma_wait3A_129 = tpu.memref_slice %arg7[%add3A_10, %dma_wait3A_128] : memref<10240x64xf32, #tpu.memory_space<vmem_shared>> -> memref<128x64xf32, #tpu.memory_space<vmem_shared>>
      tpu.wait_dma2 semaphore(%run_scoped3A : memref<!tpu.dma_semaphore, #tpu.memory_space<semaphore_mem>>) src(%arg13 : memref<128x64xf32, #tpu.memory_space<vmem>>) dst(%dma_wait3A_129 : memref<128x64xf32, #tpu.memory_space<vmem_shared>>)
      tpu.yield
    }) : () -> ()
    %add3A_11 = arith.constant 128 : i32
    %add3A_12 = arith.addi %mul3A_8, %add3A_11 : i32
    "tpu.region"() ({
      %run_scoped3A = tpu.sem_alloc : memref<!tpu.dma_semaphore, #tpu.memory_space<semaphore_mem>>
      %dma_start3A_122 = arith.constant 0 : i32
      %dma_start3A_123 = tpu.memref_slice %arg7[%add3A_12, %dma_start3A_122] : memref<10240x64xf32, #tpu.memory_space<vmem_shared>> -> memref<128x64xf32, #tpu.memory_space<vmem_shared>>
      %dma_start3A_124 = arith.constant 0 : i32
      %dma_start3A_125 = tpu.memref_slice %arg7[%add3A_12, %dma_start3A_124] : memref<10240x64xf32, #tpu.memory_space<vmem_shared>> -> memref<128x64xf32, #tpu.memory_space<vmem_shared>>
      tpu.enqueue_dma source(%arg13 : memref<128x64xf32, #tpu.memory_space<vmem>>) target(%dma_start3A_125 : memref<128x64xf32, #tpu.memory_space<vmem_shared>>) target_semaphore(%run_scoped3A : memref<!tpu.dma_semaphore, #tpu.memory_space<semaphore_mem>>)
      %dma_wait3A_126 = arith.constant 0 : i32
      %dma_wait3A_127 = tpu.memref_slice %arg7[%add3A_12, %dma_wait3A_126] : memref<10240x64xf32, #tpu.memory_space<vmem_shared>> -> memref<128x64xf32, #tpu.memory_space<vmem_shared>>
      %dma_wait3A_128 = arith.constant 0 : i32
      %dma_wait3A_129 = tpu.memref_slice %arg7[%add3A_12, %dma_wait3A_128] : memref<10240x64xf32, #tpu.memory_space<vmem_shared>> -> memref<128x64xf32, #tpu.memory_space<vmem_shared>>
      tpu.wait_dma2 semaphore(%run_scoped3A : memref<!tpu.dma_semaphore, #tpu.memory_space<semaphore_mem>>) src(%arg13 : memref<128x64xf32, #tpu.memory_space<vmem>>) dst(%dma_wait3A_129 : memref<128x64xf32, #tpu.memory_space<vmem_shared>>)
      tpu.yield
    }) : () -> ()
    %add3A_13 = arith.constant 256 : i32
    %add3A_14 = arith.addi %mul3A_8, %add3A_13 : i32
    "tpu.region"() ({
      %run_scoped3A = tpu.sem_alloc : memref<!tpu.dma_semaphore, #tpu.memory_space<semaphore_mem>>
      %dma_start3A_122 = arith.constant 0 : i32
      %dma_start3A_123 = tpu.memref_slice %arg7[%add3A_14, %dma_start3A_122] : memref<10240x64xf32, #tpu.memory_space<vmem_shared>> -> memref<128x64xf32, #tpu.memory_space<vmem_shared>>
      %dma_start3A_124 = arith.constant 0 : i32
      %dma_start3A_125 = tpu.memref_slice %arg7[%add3A_14, %dma_start3A_124] : memref<10240x64xf32, #tpu.memory_space<vmem_shared>> -> memref<128x64xf32, #tpu.memory_space<vmem_shared>>
      tpu.enqueue_dma source(%arg13 : memref<128x64xf32, #tpu.memory_space<vmem>>) target(%dma_start3A_125 : memref<128x64xf32, #tpu.memory_space<vmem_shared>>) target_semaphore(%run_scoped3A : memref<!tpu.dma_semaphore, #tpu.memory_space<semaphore_mem>>)
      %dma_wait3A_126 = arith.constant 0 : i32
      %dma_wait3A_127 = tpu.memref_slice %arg7[%add3A_14, %dma_wait3A_126] : memref<10240x64xf32, #tpu.memory_space<vmem_shared>> -> memref<128x64xf32, #tpu.memory_space<vmem_shared>>
      %dma_wait3A_128 = arith.constant 0 : i32
      %dma_wait3A_129 = tpu.memref_slice %arg7[%add3A_14, %dma_wait3A_128] : memref<10240x64xf32, #tpu.memory_space<vmem_shared>> -> memref<128x64xf32, #tpu.memory_space<vmem_shared>>
      tpu.wait_dma2 semaphore(%run_scoped3A : memref<!tpu.dma_semaphore, #tpu.memory_space<semaphore_mem>>) src(%arg13 : memref<128x64xf32, #tpu.memory_space<vmem>>) dst(%dma_wait3A_129 : memref<128x64xf32, #tpu.memory_space<vmem_shared>>)
      tpu.yield
    }) : () -> ()
    %add3A_15 = arith.constant 384 : i32
    %add3A_16 = arith.addi %mul3A_8, %add3A_15 : i32
    "tpu.region"() ({
      %run_scoped3A = tpu.sem_alloc : memref<!tpu.dma_semaphore, #tpu.memory_space<semaphore_mem>>
      %dma_start3A_122 = arith.constant 0 : i32
      %dma_start3A_123 = tpu.memref_slice %arg7[%add3A_16, %dma_start3A_122] : memref<10240x64xf32, #tpu.memory_space<vmem_shared>> -> memref<128x64xf32, #tpu.memory_space<vmem_shared>>
      %dma_start3A_124 = arith.constant 0 : i32
      %dma_start3A_125 = tpu.memref_slice %arg7[%add3A_16, %dma_start3A_124] : memref<10240x64xf32, #tpu.memory_space<vmem_shared>> -> memref<128x64xf32, #tpu.memory_space<vmem_shared>>
      tpu.enqueue_dma source(%arg13 : memref<128x64xf32, #tpu.memory_space<vmem>>) target(%dma_start3A_125 : memref<128x64xf32, #tpu.memory_space<vmem_shared>>) target_semaphore(%run_scoped3A : memref<!tpu.dma_semaphore, #tpu.memory_space<semaphore_mem>>)
      %dma_wait3A_126 = arith.constant 0 : i32
      %dma_wait3A_127 = tpu.memref_slice %arg7[%add3A_16, %dma_wait3A_126] : memref<10240x64xf32, #tpu.memory_space<vmem_shared>> -> memref<128x64xf32, #tpu.memory_space<vmem_shared>>
      %dma_wait3A_128 = arith.constant 0 : i32
      %dma_wait3A_129 = tpu.memref_slice %arg7[%add3A_16, %dma_wait3A_128] : memref<10240x64xf32, #tpu.memory_space<vmem_shared>> -> memref<128x64xf32, #tpu.memory_space<vmem_shared>>
      tpu.wait_dma2 semaphore(%run_scoped3A : memref<!tpu.dma_semaphore, #tpu.memory_space<semaphore_mem>>) src(%arg13 : memref<128x64xf32, #tpu.memory_space<vmem>>) dst(%dma_wait3A_129 : memref<128x64xf32, #tpu.memory_space<vmem_shared>>)
      tpu.yield
    }) : () -> ()
    %add3A_17 = arith.constant 512 : i32
    %add3A_18 = arith.addi %mul3A_8, %add3A_17 : i32
    "tpu.region"() ({
      %run_scoped3A = tpu.sem_alloc : memref<!tpu.dma_semaphore, #tpu.memory_space<semaphore_mem>>
      %dma_start3A_122 = arith.constant 0 : i32
      %dma_start3A_123 = tpu.memref_slice %arg7[%add3A_18, %dma_start3A_122] : memref<10240x64xf32, #tpu.memory_space<vmem_shared>> -> memref<128x64xf32, #tpu.memory_space<vmem_shared>>
      %dma_start3A_124 = arith.constant 0 : i32
      %dma_start3A_125 = tpu.memref_slice %arg7[%add3A_18, %dma_start3A_124] : memref<10240x64xf32, #tpu.memory_space<vmem_shared>> -> memref<128x64xf32, #tpu.memory_space<vmem_shared>>
      tpu.enqueue_dma source(%arg13 : memref<128x64xf32, #tpu.memory_space<vmem>>) target(%dma_start3A_125 : memref<128x64xf32, #tpu.memory_space<vmem_shared>>) target_semaphore(%run_scoped3A : memref<!tpu.dma_semaphore, #tpu.memory_space<semaphore_mem>>)
      %dma_wait3A_126 = arith.constant 0 : i32
      %dma_wait3A_127 = tpu.memref_slice %arg7[%add3A_18, %dma_wait3A_126] : memref<10240x64xf32, #tpu.memory_space<vmem_shared>> -> memref<128x64xf32, #tpu.memory_space<vmem_shared>>
      %dma_wait3A_128 = arith.constant 0 : i32
      %dma_wait3A_129 = tpu.memref_slice %arg7[%add3A_18, %dma_wait3A_128] : memref<10240x64xf32, #tpu.memory_space<vmem_shared>> -> memref<128x64xf32, #tpu.memory_space<vmem_shared>>
      tpu.wait_dma2 semaphore(%run_scoped3A : memref<!tpu.dma_semaphore, #tpu.memory_space<semaphore_mem>>) src(%arg13 : memref<128x64xf32, #tpu.memory_space<vmem>>) dst(%dma_wait3A_129 : memref<128x64xf32, #tpu.memory_space<vmem_shared>>)
      tpu.yield
    }) : () -> ()
    "tpu.region"() ({
      %run_scoped3A = tpu.sem_alloc : memref<!tpu.dma_semaphore, #tpu.memory_space<semaphore_mem>>
      %dma_start3A_122 = arith.constant 0 : i32
      %dma_start3A_123 = tpu.memref_slice %arg8[%mul3A_8, %dma_start3A_122] : memref<10240x64xf32, #tpu.memory_space<vmem_shared>> -> memref<640x64xf32, #tpu.memory_space<vmem_shared>>
      %dma_start3A_124 = arith.constant 0 : i32
      %dma_start3A_125 = tpu.memref_slice %arg2[%mul3A_8, %dma_start3A_124] : memref<10240x64xf32, #tpu.memory_space<hbm>> -> memref<640x64xf32, #tpu.memory_space<hbm>>
      tpu.enqueue_dma source(%dma_start3A_125 : memref<640x64xf32, #tpu.memory_space<hbm>>) target(%dma_start3A_123 : memref<640x64xf32, #tpu.memory_space<vmem_shared>>) target_semaphore(%run_scoped3A : memref<!tpu.dma_semaphore, #tpu.memory_space<semaphore_mem>>)
      %dma_wait3A_126 = arith.constant 0 : i32
      %dma_wait3A_127 = tpu.memref_slice %arg8[%mul3A_8, %dma_wait3A_126] : memref<10240x64xf32, #tpu.memory_space<vmem_shared>> -> memref<640x64xf32, #tpu.memory_space<vmem_shared>>
      %dma_wait3A_128 = arith.constant 0 : i32
      %dma_wait3A_129 = tpu.memref_slice %arg2[%mul3A_8, %dma_wait3A_128] : memref<10240x64xf32, #tpu.memory_space<hbm>> -> memref<640x64xf32, #tpu.memory_space<hbm>>
      tpu.wait_dma2 semaphore(%run_scoped3A : memref<!tpu.dma_semaphore, #tpu.memory_space<semaphore_mem>>) src(%dma_wait3A_129 : memref<640x64xf32, #tpu.memory_space<hbm>>) dst(%dma_wait3A_127 : memref<640x64xf32, #tpu.memory_space<vmem_shared>>)
      tpu.yield
    }) : () -> ()
    %barrier3A = arith.constant 0 : index
    tpu.barrier barrier_id(%barrier3A)
    %mul3A_19 = arith.constant 2560 : i32
    %mul3A_20 = arith.muli %add3A, %mul3A_19 : i32
    %add3A_21 = arith.constant 0 : i32
    %add3A_22 = arith.addi %mul3A_20, %add3A_21 : i32
    %dma_start3A = arith.constant 0 : i32
    %dma_start3A_23 = arith.constant 0 : i32
    %dma_start3A_24 = tpu.memref_slice %arg9[%dma_start3A, %dma_start3A_23] : memref<2x128xi32, #tpu.memory_space<vmem>> -> memref<1x128xi32, #tpu.memory_space<vmem>>
    %dma_start3A_25 = tpu.memref_squeeze %dma_start3A_24 : memref<1x128xi32, #tpu.memory_space<vmem>> -> memref<128xi32, #tpu.memory_space<vmem>>
    %dma_start3A_26 = tpu.memref_slice %arg4[%add3A_22] : memref<81920xi32, #tpu.memory_space<hbm>> -> memref<128xi32, #tpu.memory_space<hbm>>
    %dma_start3A_27 = arith.constant 0 : i32
    %dma_start3A_28 = tpu.memref_slice %arg9[%dma_start3A, %dma_start3A_27] : memref<2x128xi32, #tpu.memory_space<vmem>> -> memref<1x128xi32, #tpu.memory_space<vmem>>
    %dma_start3A_29 = tpu.memref_squeeze %dma_start3A_28 : memref<1x128xi32, #tpu.memory_space<vmem>> -> memref<128xi32, #tpu.memory_space<vmem>>
    %dma_start3A_30 = tpu.memref_slice %arg4[%add3A_22] : memref<81920xi32, #tpu.memory_space<hbm>> -> memref<128xi32, #tpu.memory_space<hbm>>
    tpu.enqueue_dma source(%dma_start3A_30 : memref<128xi32, #tpu.memory_space<hbm>>) target(%dma_start3A_29 : memref<128xi32, #tpu.memory_space<vmem>>) target_semaphore(%arg14 : memref<!tpu.dma_semaphore, #tpu.memory_space<semaphore_mem>>)
    %dma_start3A_31 = arith.constant 0 : i32
    %dma_start3A_32 = arith.constant 0 : i32
    %dma_start3A_33 = tpu.memref_slice %arg10[%dma_start3A_31, %dma_start3A_32] : memref<2x128xi32, #tpu.memory_space<vmem>> -> memref<1x128xi32, #tpu.memory_space<vmem>>
    %dma_start3A_34 = tpu.memref_squeeze %dma_start3A_33 : memref<1x128xi32, #tpu.memory_space<vmem>> -> memref<128xi32, #tpu.memory_space<vmem>>
    %dma_start3A_35 = tpu.memref_slice %arg5[%add3A_22] : memref<81920xi32, #tpu.memory_space<hbm>> -> memref<128xi32, #tpu.memory_space<hbm>>
    %dma_start3A_36 = arith.constant 0 : i32
    %dma_start3A_37 = tpu.memref_slice %arg10[%dma_start3A_31, %dma_start3A_36] : memref<2x128xi32, #tpu.memory_space<vmem>> -> memref<1x128xi32, #tpu.memory_space<vmem>>
    %dma_start3A_38 = tpu.memref_squeeze %dma_start3A_37 : memref<1x128xi32, #tpu.memory_space<vmem>> -> memref<128xi32, #tpu.memory_space<vmem>>
    %dma_start3A_39 = tpu.memref_slice %arg5[%add3A_22] : memref<81920xi32, #tpu.memory_space<hbm>> -> memref<128xi32, #tpu.memory_space<hbm>>
    tpu.enqueue_dma source(%dma_start3A_39 : memref<128xi32, #tpu.memory_space<hbm>>) target(%dma_start3A_38 : memref<128xi32, #tpu.memory_space<vmem>>) target_semaphore(%arg16 : memref<!tpu.dma_semaphore, #tpu.memory_space<semaphore_mem>>)
    %jit3A = arith.constant 2 : i32
    %div3A = arith.divsi %add3A_22, %jit3A : i32
    %sign3A = arith.constant 0 : i32
    %sign3A_40 = arith.cmpi sgt, %add3A_22, %sign3A : i32
    %sign3A_41 = arith.extui %sign3A_40 : i1 to i32
    %sign3A_42 = arith.constant 0 : i32
    %sign3A_43 = arith.cmpi slt, %add3A_22, %sign3A_42 : i32
    %sign3A_44 = arith.extui %sign3A_43 : i1 to i32
    %sign3A_45 = arith.subi %sign3A_41, %sign3A_44 : i32
    %sign3A_46 = arith.constant 0 : i32
    %sign3A_47 = arith.cmpi sgt, %jit3A, %sign3A_46 : i32
    %sign3A_48 = arith.extui %sign3A_47 : i1 to i32
    %sign3A_49 = arith.constant 0 : i32
    %sign3A_50 = arith.cmpi slt, %jit3A, %sign3A_49 : i32
    %sign3A_51 = arith.extui %sign3A_50 : i1 to i32
    %sign3A_52 = arith.subi %sign3A_48, %sign3A_51 : i32
    %ne3A = arith.cmpi ne, %sign3A_45, %sign3A_52 : i32
    %rem3A = arith.remsi %add3A_22, %jit3A : i32
    %ne3A_53 = arith.constant 0 : i32
    %ne3A_54 = arith.cmpi ne, %rem3A, %ne3A_53 : i32
    %and3A = arith.andi %ne3A, %ne3A_54 : i1
    %sub3A = arith.constant 1 : i32
    %sub3A_55 = arith.subi %div3A, %sub3A : i32
    %select_n3A = arith.select %and3A, %sub3A_55, %div3A : i32
    %dma_start3A_56 = arith.constant 0 : i32
    %dma_start3A_57 = arith.constant 0 : i32
    %dma_start3A_58 = arith.constant 0 : i32
    %dma_start3A_59 = tpu.memref_slice %arg12[%dma_start3A_56, %dma_start3A_57, %dma_start3A_58] : memref<2x64x128xf32, #tpu.memory_space<vmem>> -> memref<1x64x128xf32, #tpu.memory_space<vmem>>
    %dma_start3A_60 = tpu.memref_squeeze %dma_start3A_59 : memref<1x64x128xf32, #tpu.memory_space<vmem>> -> memref<64x128xf32, #tpu.memory_space<vmem>>
    %dma_start3A_61 = arith.constant 0 : i32
    %dma_start3A_62 = tpu.memref_slice %arg3[%select_n3A, %dma_start3A_61] : memref<40960x128xf32, #tpu.memory_space<hbm>> -> memref<64x128xf32, #tpu.memory_space<hbm>>
    %dma_start3A_63 = arith.constant 0 : i32
    %dma_start3A_64 = arith.constant 0 : i32
    %dma_start3A_65 = tpu.memref_slice %arg12[%dma_start3A_56, %dma_start3A_63, %dma_start3A_64] : memref<2x64x128xf32, #tpu.memory_space<vmem>> -> memref<1x64x128xf32, #tpu.memory_space<vmem>>
    %dma_start3A_66 = tpu.memref_squeeze %dma_start3A_65 : memref<1x64x128xf32, #tpu.memory_space<vmem>> -> memref<64x128xf32, #tpu.memory_space<vmem>>
    %dma_start3A_67 = arith.constant 0 : i32
    %dma_start3A_68 = tpu.memref_slice %arg3[%select_n3A, %dma_start3A_67] : memref<40960x128xf32, #tpu.memory_space<hbm>> -> memref<64x128xf32, #tpu.memory_space<hbm>>
    tpu.enqueue_dma source(%dma_start3A_68 : memref<64x128xf32, #tpu.memory_space<hbm>>) target(%dma_start3A_66 : memref<64x128xf32, #tpu.memory_space<vmem>>) target_semaphore(%arg18 : memref<!tpu.dma_semaphore, #tpu.memory_space<semaphore_mem>>)
    %scan3A_69 = arith.constant 0 : i32
    %scan3A_70 = arith.constant 0 : i32
    %scan3A_71 = arith.constant 10 : i32
    %scan3A_72 = arith.addi %scan3A_70, %scan3A_71 : i32
    %scan3A_73 = arith.constant 1 : i32
    scf.for %scan3A_122 = %scan3A_70 to %scan3A_72 step %scan3A_73  : i32 {
      %mul3A_123 = arith.constant 2 : i32
      %mul3A_124 = arith.muli %mul3A_123, %scan3A_122 : i32
      %add3A_125 = arith.constant 1 : i32
      %add3A_126 = arith.addi %mul3A_124, %add3A_125 : i32
      %mul3A_127 = arith.constant 2560 : i32
      %mul3A_128 = arith.muli %add3A, %mul3A_127 : i32
      %mul3A_129 = arith.constant 128 : i32
      %mul3A_130 = arith.muli %add3A_126, %mul3A_129 : i32
      %add3A_131 = arith.addi %mul3A_128, %mul3A_130 : i32
      %dma_start3A_132 = arith.constant 1 : i32
      %dma_start3A_133 = arith.constant 0 : i32
      %dma_start3A_134 = tpu.memref_slice %arg9[%dma_start3A_132, %dma_start3A_133] : memref<2x128xi32, #tpu.memory_space<vmem>> -> memref<1x128xi32, #tpu.memory_space<vmem>>
      %dma_start3A_135 = tpu.memref_squeeze %dma_start3A_134 : memref<1x128xi32, #tpu.memory_space<vmem>> -> memref<128xi32, #tpu.memory_space<vmem>>
      %dma_start3A_136 = tpu.memref_slice %arg4[%add3A_131] : memref<81920xi32, #tpu.memory_space<hbm>> -> memref<128xi32, #tpu.memory_space<hbm>>
      %dma_start3A_137 = arith.constant 0 : i32
      %dma_start3A_138 = tpu.memref_slice %arg9[%dma_start3A_132, %dma_start3A_137] : memref<2x128xi32, #tpu.memory_space<vmem>> -> memref<1x128xi32, #tpu.memory_space<vmem>>
      %dma_start3A_139 = tpu.memref_squeeze %dma_start3A_138 : memref<1x128xi32, #tpu.memory_space<vmem>> -> memref<128xi32, #tpu.memory_space<vmem>>
      %dma_start3A_140 = tpu.memref_slice %arg4[%add3A_131] : memref<81920xi32, #tpu.memory_space<hbm>> -> memref<128xi32, #tpu.memory_space<hbm>>
      tpu.enqueue_dma source(%dma_start3A_140 : memref<128xi32, #tpu.memory_space<hbm>>) target(%dma_start3A_139 : memref<128xi32, #tpu.memory_space<vmem>>) target_semaphore(%arg15 : memref<!tpu.dma_semaphore, #tpu.memory_space<semaphore_mem>>)
      %dma_start3A_141 = arith.constant 1 : i32
      %dma_start3A_142 = arith.constant 0 : i32
      %dma_start3A_143 = tpu.memref_slice %arg10[%dma_start3A_141, %dma_start3A_142] : memref<2x128xi32, #tpu.memory_space<vmem>> -> memref<1x128xi32, #tpu.memory_space<vmem>>
      %dma_start3A_144 = tpu.memref_squeeze %dma_start3A_143 : memref<1x128xi32, #tpu.memory_space<vmem>> -> memref<128xi32, #tpu.memory_space<vmem>>
      %dma_start3A_145 = tpu.memref_slice %arg5[%add3A_131] : memref<81920xi32, #tpu.memory_space<hbm>> -> memref<128xi32, #tpu.memory_space<hbm>>
      %dma_start3A_146 = arith.constant 0 : i32
      %dma_start3A_147 = tpu.memref_slice %arg10[%dma_start3A_141, %dma_start3A_146] : memref<2x128xi32, #tpu.memory_space<vmem>> -> memref<1x128xi32, #tpu.memory_space<vmem>>
      %dma_start3A_148 = tpu.memref_squeeze %dma_start3A_147 : memref<1x128xi32, #tpu.memory_space<vmem>> -> memref<128xi32, #tpu.memory_space<vmem>>
      %dma_start3A_149 = tpu.memref_slice %arg5[%add3A_131] : memref<81920xi32, #tpu.memory_space<hbm>> -> memref<128xi32, #tpu.memory_space<hbm>>
      tpu.enqueue_dma source(%dma_start3A_149 : memref<128xi32, #tpu.memory_space<hbm>>) target(%dma_start3A_148 : memref<128xi32, #tpu.memory_space<vmem>>) target_semaphore(%arg17 : memref<!tpu.dma_semaphore, #tpu.memory_space<semaphore_mem>>)
      %jit3A_150 = arith.constant 2 : i32
      %div3A_151 = arith.divsi %add3A_131, %jit3A_150 : i32
      %sign3A_152 = arith.constant 0 : i32
      %sign3A_153 = arith.cmpi sgt, %add3A_131, %sign3A_152 : i32
      %sign3A_154 = arith.extui %sign3A_153 : i1 to i32
      %sign3A_155 = arith.constant 0 : i32
      %sign3A_156 = arith.cmpi slt, %add3A_131, %sign3A_155 : i32
      %sign3A_157 = arith.extui %sign3A_156 : i1 to i32
      %sign3A_158 = arith.subi %sign3A_154, %sign3A_157 : i32
      %sign3A_159 = arith.constant 0 : i32
      %sign3A_160 = arith.cmpi sgt, %jit3A_150, %sign3A_159 : i32
      %sign3A_161 = arith.extui %sign3A_160 : i1 to i32
      %sign3A_162 = arith.constant 0 : i32
      %sign3A_163 = arith.cmpi slt, %jit3A_150, %sign3A_162 : i32
      %sign3A_164 = arith.extui %sign3A_163 : i1 to i32
      %sign3A_165 = arith.subi %sign3A_161, %sign3A_164 : i32
      %ne3A_166 = arith.cmpi ne, %sign3A_158, %sign3A_165 : i32
      %rem3A_167 = arith.remsi %add3A_131, %jit3A_150 : i32
      %ne3A_168 = arith.constant 0 : i32
      %ne3A_169 = arith.cmpi ne, %rem3A_167, %ne3A_168 : i32
      %and3A_170 = arith.andi %ne3A_166, %ne3A_169 : i1
      %sub3A_171 = arith.constant 1 : i32
      %sub3A_172 = arith.subi %div3A_151, %sub3A_171 : i32
      %select_n3A_173 = arith.select %and3A_170, %sub3A_172, %div3A_151 : i32
      %dma_start3A_174 = arith.constant 1 : i32
      %dma_start3A_175 = arith.constant 0 : i32
      %dma_start3A_176 = arith.constant 0 : i32
      %dma_start3A_177 = tpu.memref_slice %arg12[%dma_start3A_174, %dma_start3A_175, %dma_start3A_176] : memref<2x64x128xf32, #tpu.memory_space<vmem>> -> memref<1x64x128xf32, #tpu.memory_space<vmem>>
      %dma_start3A_178 = tpu.memref_squeeze %dma_start3A_177 : memref<1x64x128xf32, #tpu.memory_space<vmem>> -> memref<64x128xf32, #tpu.memory_space<vmem>>
      %dma_start3A_179 = arith.constant 0 : i32
      %dma_start3A_180 = tpu.memref_slice %arg3[%select_n3A_173, %dma_start3A_179] : memref<40960x128xf32, #tpu.memory_space<hbm>> -> memref<64x128xf32, #tpu.memory_space<hbm>>
      %dma_start3A_181 = arith.constant 0 : i32
      %dma_start3A_182 = arith.constant 0 : i32
      %dma_start3A_183 = tpu.memref_slice %arg12[%dma_start3A_174, %dma_start3A_181, %dma_start3A_182] : memref<2x64x128xf32, #tpu.memory_space<vmem>> -> memref<1x64x128xf32, #tpu.memory_space<vmem>>
      %dma_start3A_184 = tpu.memref_squeeze %dma_start3A_183 : memref<1x64x128xf32, #tpu.memory_space<vmem>> -> memref<64x128xf32, #tpu.memory_space<vmem>>
      %dma_start3A_185 = arith.constant 0 : i32
      %dma_start3A_186 = tpu.memref_slice %arg3[%select_n3A_173, %dma_start3A_185] : memref<40960x128xf32, #tpu.memory_space<hbm>> -> memref<64x128xf32, #tpu.memory_space<hbm>>
      tpu.enqueue_dma source(%dma_start3A_186 : memref<64x128xf32, #tpu.memory_space<hbm>>) target(%dma_start3A_184 : memref<64x128xf32, #tpu.memory_space<vmem>>) target_semaphore(%arg19 : memref<!tpu.dma_semaphore, #tpu.memory_space<semaphore_mem>>)
      %dma_wait3A_187 = arith.constant 0 : i32
      %dma_wait3A_188 = arith.constant 0 : i32
      %dma_wait3A_189 = tpu.memref_slice %arg9[%dma_wait3A_187, %dma_wait3A_188] : memref<2x128xi32, #tpu.memory_space<vmem>> -> memref<1x128xi32, #tpu.memory_space<vmem>>
      %dma_wait3A_190 = tpu.memref_squeeze %dma_wait3A_189 : memref<1x128xi32, #tpu.memory_space<vmem>> -> memref<128xi32, #tpu.memory_space<vmem>>
      %dma_wait3A_191 = arith.constant 0 : i32
      %dma_wait3A_192 = tpu.memref_slice %arg4[%dma_wait3A_191] : memref<81920xi32, #tpu.memory_space<hbm>> -> memref<128xi32, #tpu.memory_space<hbm>>
      %dma_wait3A_193 = arith.constant 0 : i32
      %dma_wait3A_194 = tpu.memref_slice %arg9[%dma_wait3A_187, %dma_wait3A_193] : memref<2x128xi32, #tpu.memory_space<vmem>> -> memref<1x128xi32, #tpu.memory_space<vmem>>
      %dma_wait3A_195 = tpu.memref_squeeze %dma_wait3A_194 : memref<1x128xi32, #tpu.memory_space<vmem>> -> memref<128xi32, #tpu.memory_space<vmem>>
      %dma_wait3A_196 = arith.constant 0 : i32
      %dma_wait3A_197 = tpu.memref_slice %arg4[%dma_wait3A_196] : memref<81920xi32, #tpu.memory_space<hbm>> -> memref<128xi32, #tpu.memory_space<hbm>>
      tpu.wait_dma2 semaphore(%arg14 : memref<!tpu.dma_semaphore, #tpu.memory_space<semaphore_mem>>) src(%dma_wait3A_197 : memref<128xi32, #tpu.memory_space<hbm>>) dst(%dma_wait3A_195 : memref<128xi32, #tpu.memory_space<vmem>>)
      %dma_wait3A_198 = arith.constant 0 : i32
      %dma_wait3A_199 = arith.constant 0 : i32
      %dma_wait3A_200 = tpu.memref_slice %arg10[%dma_wait3A_198, %dma_wait3A_199] : memref<2x128xi32, #tpu.memory_space<vmem>> -> memref<1x128xi32, #tpu.memory_space<vmem>>
      %dma_wait3A_201 = tpu.memref_squeeze %dma_wait3A_200 : memref<1x128xi32, #tpu.memory_space<vmem>> -> memref<128xi32, #tpu.memory_space<vmem>>
      %dma_wait3A_202 = arith.constant 0 : i32
      %dma_wait3A_203 = tpu.memref_slice %arg5[%dma_wait3A_202] : memref<81920xi32, #tpu.memory_space<hbm>> -> memref<128xi32, #tpu.memory_space<hbm>>
      %dma_wait3A_204 = arith.constant 0 : i32
      %dma_wait3A_205 = tpu.memref_slice %arg10[%dma_wait3A_198, %dma_wait3A_204] : memref<2x128xi32, #tpu.memory_space<vmem>> -> memref<1x128xi32, #tpu.memory_space<vmem>>
      %dma_wait3A_206 = tpu.memref_squeeze %dma_wait3A_205 : memref<1x128xi32, #tpu.memory_space<vmem>> -> memref<128xi32, #tpu.memory_space<vmem>>
      %dma_wait3A_207 = arith.constant 0 : i32
      %dma_wait3A_208 = tpu.memref_slice %arg5[%dma_wait3A_207] : memref<81920xi32, #tpu.memory_space<hbm>> -> memref<128xi32, #tpu.memory_space<hbm>>
      tpu.wait_dma2 semaphore(%arg16 : memref<!tpu.dma_semaphore, #tpu.memory_space<semaphore_mem>>) src(%dma_wait3A_208 : memref<128xi32, #tpu.memory_space<hbm>>) dst(%dma_wait3A_206 : memref<128xi32, #tpu.memory_space<vmem>>)
      %dma_wait3A_209 = arith.constant 0 : i32
      %dma_wait3A_210 = arith.constant 0 : i32
      %dma_wait3A_211 = arith.constant 0 : i32
      %dma_wait3A_212 = tpu.memref_slice %arg12[%dma_wait3A_209, %dma_wait3A_210, %dma_wait3A_211] : memref<2x64x128xf32, #tpu.memory_space<vmem>> -> memref<1x64x128xf32, #tpu.memory_space<vmem>>
      %dma_wait3A_213 = tpu.memref_squeeze %dma_wait3A_212 : memref<1x64x128xf32, #tpu.memory_space<vmem>> -> memref<64x128xf32, #tpu.memory_space<vmem>>
      %dma_wait3A_214 = arith.constant 0 : i32
      %dma_wait3A_215 = arith.constant 0 : i32
      %dma_wait3A_216 = tpu.memref_slice %arg3[%dma_wait3A_214, %dma_wait3A_215] : memref<40960x128xf32, #tpu.memory_space<hbm>> -> memref<64x128xf32, #tpu.memory_space<hbm>>
      %dma_wait3A_217 = arith.constant 0 : i32
      %dma_wait3A_218 = arith.constant 0 : i32
      %dma_wait3A_219 = tpu.memref_slice %arg12[%dma_wait3A_209, %dma_wait3A_217, %dma_wait3A_218] : memref<2x64x128xf32, #tpu.memory_space<vmem>> -> memref<1x64x128xf32, #tpu.memory_space<vmem>>
      %dma_wait3A_220 = tpu.memref_squeeze %dma_wait3A_219 : memref<1x64x128xf32, #tpu.memory_space<vmem>> -> memref<64x128xf32, #tpu.memory_space<vmem>>
      %dma_wait3A_221 = arith.constant 0 : i32
      %dma_wait3A_222 = arith.constant 0 : i32
      %dma_wait3A_223 = tpu.memref_slice %arg3[%dma_wait3A_221, %dma_wait3A_222] : memref<40960x128xf32, #tpu.memory_space<hbm>> -> memref<64x128xf32, #tpu.memory_space<hbm>>
      tpu.wait_dma2 semaphore(%arg18 : memref<!tpu.dma_semaphore, #tpu.memory_space<semaphore_mem>>) src(%dma_wait3A_223 : memref<64x128xf32, #tpu.memory_space<hbm>>) dst(%dma_wait3A_220 : memref<64x128xf32, #tpu.memory_space<vmem>>)
      %run_scoped3A = arith.constant 0 : i32
      "tpu.region"() ({
        %run_scoped3A_340 = tpu.sem_alloc : memref<!tpu.dma_semaphore, #tpu.memory_space<semaphore_mem>>
        %dma_start3A_341 = arith.constant 0 : i32
        %dma_start3A_342 = tpu.memref_slice %arg9[%run_scoped3A, %dma_start3A_341] : memref<2x128xi32, #tpu.memory_space<vmem>> -> memref<1x128xi32, #tpu.memory_space<vmem>>
        %dma_start3A_343 = tpu.memref_squeeze %dma_start3A_342 : memref<1x128xi32, #tpu.memory_space<vmem>> -> memref<128xi32, #tpu.memory_space<vmem>>
        %dma_start3A_344 = arith.constant 0 : i32
        %dma_start3A_345 = arith.constant 0 : i32
        %dma_start3A_346 = tpu.memref_slice %arg8[%dma_start3A_344, %dma_start3A_345] : memref<10240x64xf32, #tpu.memory_space<vmem_shared>> -> memref<10240x64xf32, #tpu.memory_space<vmem_shared>>
        tpu.enqueue_indirect_dma source(%dma_start3A_346 : memref<10240x64xf32, #tpu.memory_space<vmem_shared>>) target(%arg11 : memref<128x64xf32, #tpu.memory_space<vmem>>) offsets(%dma_start3A_343 : memref<128xi32, #tpu.memory_space<vmem>>) semaphore(%run_scoped3A_340 : memref<!tpu.dma_semaphore, #tpu.memory_space<semaphore_mem>>)
        %dma_wait3A_347 = arith.constant 0 : i32
        %dma_wait3A_348 = tpu.memref_slice %arg9[%run_scoped3A, %dma_wait3A_347] : memref<2x128xi32, #tpu.memory_space<vmem>> -> memref<1x128xi32, #tpu.memory_space<vmem>>
        %dma_wait3A_349 = tpu.memref_squeeze %dma_wait3A_348 : memref<1x128xi32, #tpu.memory_space<vmem>> -> memref<128xi32, #tpu.memory_space<vmem>>
        %dma_wait3A_350 = arith.constant 0 : i32
        %dma_wait3A_351 = arith.constant 0 : i32
        %dma_wait3A_352 = tpu.memref_slice %arg8[%dma_wait3A_350, %dma_wait3A_351] : memref<10240x64xf32, #tpu.memory_space<vmem_shared>> -> memref<10240x64xf32, #tpu.memory_space<vmem_shared>>
        tpu.wait_indirect_dma semaphore(%run_scoped3A_340 : memref<!tpu.dma_semaphore, #tpu.memory_space<semaphore_mem>>) src(%dma_wait3A_352 : memref<10240x64xf32, #tpu.memory_space<vmem_shared>>) dst(%arg11 : memref<128x64xf32, #tpu.memory_space<vmem>>)
        tpu.yield
      }) : () -> ()
      %scan3A_224 = arith.constant 0 : i32
      %scan3A_225 = arith.constant 0 : i32
      %scan3A_226 = arith.constant 64 : i32
      %scan3A_227 = arith.addi %scan3A_225, %scan3A_226 : i32
      %scan3A_228 = arith.constant 1 : i32
      scf.for %scan3A_340 = %scan3A_225 to %scan3A_227 step %scan3A_228  : i32 {
        %mul3A_341 = arith.constant 2 : i32
        %mul3A_342 = arith.muli %mul3A_341, %scan3A_340 : i32
        %get3A = arith.index_cast %mul3A_342 : i32 to index
        %get3A_343 = arith.constant 0 : index
        %get3A_344 = tpu.vector_load %arg11[%get3A, %get3A_343] {strides = array<i32>} : memref<128x64xf32, #tpu.memory_space<vmem>>, vector<16xf32>,
        %get3A_345 = arith.constant 0 : i32
        %get3A_346 = arith.index_cast %get3A_345 : i32 to index
        %get3A_347 = arith.index_cast %scan3A_340 : i32 to index
        %get3A_348 = arith.constant 0 : index
        %get3A_349 = tpu.vector_load %arg12[%get3A_346, %get3A_347, %get3A_348] {strides = array<i32>} : memref<2x64x128xf32, #tpu.memory_space<vmem>>, vector<16xf32>,
        %mul3A_350 = arith.mulf %get3A_344, %get3A_349 : vector<16xf32>
        %mul3A_351 = arith.constant 2 : i32
        %mul3A_352 = arith.muli %mul3A_351, %scan3A_340 : i32
        %swap3A = arith.index_cast %mul3A_352 : i32 to index
        %swap3A_353 = arith.constant 0 : index
        %swap3A_354 = tpu.vector_load %arg11[%swap3A, %swap3A_353] {strides = array<i32>} : memref<128x64xf32, #tpu.memory_space<vmem>>, vector<16xf32>,
        tpu.vector_store %arg11[%swap3A, %swap3A_353], %mul3A_350 {strides = array<i32>} : memref<128x64xf32, #tpu.memory_space<vmem>>, vector<16xf32>,
        %mul3A_355 = arith.constant 2 : i32
        %mul3A_356 = arith.muli %mul3A_355, %scan3A_340 : i32
        %add3A_357 = arith.constant 1 : i32
        %add3A_358 = arith.addi %mul3A_356, %add3A_357 : i32
        %get3A_359 = arith.index_cast %add3A_358 : i32 to index
        %get3A_360 = arith.constant 0 : index
        %get3A_361 = tpu.vector_load %arg11[%get3A_359, %get3A_360] {strides = array<i32>} : memref<128x64xf32, #tpu.memory_space<vmem>>, vector<16xf32>,
        %get3A_362 = arith.constant 0 : i32
        %get3A_363 = arith.index_cast %get3A_362 : i32 to index
        %get3A_364 = arith.index_cast %scan3A_340 : i32 to index
        %get3A_365 = arith.constant 64 : index
        %get3A_366 = tpu.vector_load %arg12[%get3A_363, %get3A_364, %get3A_365] {strides = array<i32>} : memref<2x64x128xf32, #tpu.memory_space<vmem>>, vector<16xf32>,
        %mul3A_367 = arith.mulf %get3A_361, %get3A_366 : vector<16xf32>
        %mul3A_368 = arith.constant 2 : i32
        %mul3A_369 = arith.muli %mul3A_368, %scan3A_340 : i32
        %add3A_370 = arith.constant 1 : i32
        %add3A_371 = arith.addi %mul3A_369, %add3A_370 : i32
        %swap3A_372 = arith.index_cast %add3A_371 : i32 to index
        %swap3A_373 = arith.constant 0 : index
        %swap3A_374 = tpu.vector_load %arg11[%swap3A_372, %swap3A_373] {strides = array<i32>} : memref<128x64xf32, #tpu.memory_space<vmem>>, vector<16xf32>,
        tpu.vector_store %arg11[%swap3A_372, %swap3A_373], %mul3A_367 {strides = array<i32>} : memref<128x64xf32, #tpu.memory_space<vmem>>, vector<16xf32>,
        %mul3A_375 = arith.constant 2 : i32
        %mul3A_376 = arith.muli %mul3A_375, %scan3A_340 : i32
        %get3A_377 = arith.index_cast %mul3A_376 : i32 to index
        %get3A_378 = arith.constant 16 : index
        %get3A_379 = tpu.vector_load %arg11[%get3A_377, %get3A_378] {strides = array<i32>} : memref<128x64xf32, #tpu.memory_space<vmem>>, vector<16xf32>,
        %get3A_380 = arith.constant 0 : i32
        %get3A_381 = arith.index_cast %get3A_380 : i32 to index
        %get3A_382 = arith.index_cast %scan3A_340 : i32 to index
        %get3A_383 = arith.constant 16 : index
        %get3A_384 = tpu.vector_load %arg12[%get3A_381, %get3A_382, %get3A_383] {strides = array<i32>} : memref<2x64x128xf32, #tpu.memory_space<vmem>>, vector<16xf32>,
        %mul3A_385 = arith.mulf %get3A_379, %get3A_384 : vector<16xf32>
        %mul3A_386 = arith.constant 2 : i32
        %mul3A_387 = arith.muli %mul3A_386, %scan3A_340 : i32
        %swap3A_388 = arith.index_cast %mul3A_387 : i32 to index
        %swap3A_389 = arith.constant 16 : index
        %swap3A_390 = tpu.vector_load %arg11[%swap3A_388, %swap3A_389] {strides = array<i32>} : memref<128x64xf32, #tpu.memory_space<vmem>>, vector<16xf32>,
        tpu.vector_store %arg11[%swap3A_388, %swap3A_389], %mul3A_385 {strides = array<i32>} : memref<128x64xf32, #tpu.memory_space<vmem>>, vector<16xf32>,
        %mul3A_391 = arith.constant 2 : i32
        %mul3A_392 = arith.muli %mul3A_391, %scan3A_340 : i32
        %add3A_393 = arith.constant 1 : i32
        %add3A_394 = arith.addi %mul3A_392, %add3A_393 : i32
        %get3A_395 = arith.index_cast %add3A_394 : i32 to index
        %get3A_396 = arith.constant 16 : index
        %get3A_397 = tpu.vector_load %arg11[%get3A_395, %get3A_396] {strides = array<i32>} : memref<128x64xf32, #tpu.memory_space<vmem>>, vector<16xf32>,
        %get3A_398 = arith.constant 0 : i32
        %get3A_399 = arith.index_cast %get3A_398 : i32 to index
        %get3A_400 = arith.index_cast %scan3A_340 : i32 to index
        %get3A_401 = arith.constant 80 : index
        %get3A_402 = tpu.vector_load %arg12[%get3A_399, %get3A_400, %get3A_401] {strides = array<i32>} : memref<2x64x128xf32, #tpu.memory_space<vmem>>, vector<16xf32>,
        %mul3A_403 = arith.mulf %get3A_397, %get3A_402 : vector<16xf32>
        %mul3A_404 = arith.constant 2 : i32
        %mul3A_405 = arith.muli %mul3A_404, %scan3A_340 : i32
        %add3A_406 = arith.constant 1 : i32
        %add3A_407 = arith.addi %mul3A_405, %add3A_406 : i32
        %swap3A_408 = arith.index_cast %add3A_407 : i32 to index
        %swap3A_409 = arith.constant 16 : index
        %swap3A_410 = tpu.vector_load %arg11[%swap3A_408, %swap3A_409] {strides = array<i32>} : memref<128x64xf32, #tpu.memory_space<vmem>>, vector<16xf32>,
        tpu.vector_store %arg11[%swap3A_408, %swap3A_409], %mul3A_403 {strides = array<i32>} : memref<128x64xf32, #tpu.memory_space<vmem>>, vector<16xf32>,
        %mul3A_411 = arith.constant 2 : i32
        %mul3A_412 = arith.muli %mul3A_411, %scan3A_340 : i32
        %get3A_413 = arith.index_cast %mul3A_412 : i32 to index
        %get3A_414 = arith.constant 32 : index
        %get3A_415 = tpu.vector_load %arg11[%get3A_413, %get3A_414] {strides = array<i32>} : memref<128x64xf32, #tpu.memory_space<vmem>>, vector<16xf32>,
        %get3A_416 = arith.constant 0 : i32
        %get3A_417 = arith.index_cast %get3A_416 : i32 to index
        %get3A_418 = arith.index_cast %scan3A_340 : i32 to index
        %get3A_419 = arith.constant 32 : index
        %get3A_420 = tpu.vector_load %arg12[%get3A_417, %get3A_418, %get3A_419] {strides = array<i32>} : memref<2x64x128xf32, #tpu.memory_space<vmem>>, vector<16xf32>,
        %mul3A_421 = arith.mulf %get3A_415, %get3A_420 : vector<16xf32>
        %mul3A_422 = arith.constant 2 : i32
        %mul3A_423 = arith.muli %mul3A_422, %scan3A_340 : i32
        %swap3A_424 = arith.index_cast %mul3A_423 : i32 to index
        %swap3A_425 = arith.constant 32 : index
        %swap3A_426 = tpu.vector_load %arg11[%swap3A_424, %swap3A_425] {strides = array<i32>} : memref<128x64xf32, #tpu.memory_space<vmem>>, vector<16xf32>,
        tpu.vector_store %arg11[%swap3A_424, %swap3A_425], %mul3A_421 {strides = array<i32>} : memref<128x64xf32, #tpu.memory_space<vmem>>, vector<16xf32>,
        %mul3A_427 = arith.constant 2 : i32
        %mul3A_428 = arith.muli %mul3A_427, %scan3A_340 : i32
        %add3A_429 = arith.constant 1 : i32
        %add3A_430 = arith.addi %mul3A_428, %add3A_429 : i32
        %get3A_431 = arith.index_cast %add3A_430 : i32 to index
        %get3A_432 = arith.constant 32 : index
        %get3A_433 = tpu.vector_load %arg11[%get3A_431, %get3A_432] {strides = array<i32>} : memref<128x64xf32, #tpu.memory_space<vmem>>, vector<16xf32>,
        %get3A_434 = arith.constant 0 : i32
        %get3A_435 = arith.index_cast %get3A_434 : i32 to index
        %get3A_436 = arith.index_cast %scan3A_340 : i32 to index
        %get3A_437 = arith.constant 96 : index
        %get3A_438 = tpu.vector_load %arg12[%get3A_435, %get3A_436, %get3A_437] {strides = array<i32>} : memref<2x64x128xf32, #tpu.memory_space<vmem>>, vector<16xf32>,
        %mul3A_439 = arith.mulf %get3A_433, %get3A_438 : vector<16xf32>
        %mul3A_440 = arith.constant 2 : i32
        %mul3A_441 = arith.muli %mul3A_440, %scan3A_340 : i32
        %add3A_442 = arith.constant 1 : i32
        %add3A_443 = arith.addi %mul3A_441, %add3A_442 : i32
        %swap3A_444 = arith.index_cast %add3A_443 : i32 to index
        %swap3A_445 = arith.constant 32 : index
        %swap3A_446 = tpu.vector_load %arg11[%swap3A_444, %swap3A_445] {strides = array<i32>} : memref<128x64xf32, #tpu.memory_space<vmem>>, vector<16xf32>,
        tpu.vector_store %arg11[%swap3A_444, %swap3A_445], %mul3A_439 {strides = array<i32>} : memref<128x64xf32, #tpu.memory_space<vmem>>, vector<16xf32>,
        %mul3A_447 = arith.constant 2 : i32
        %mul3A_448 = arith.muli %mul3A_447, %scan3A_340 : i32
        %get3A_449 = arith.index_cast %mul3A_448 : i32 to index
        %get3A_450 = arith.constant 48 : index
        %get3A_451 = tpu.vector_load %arg11[%get3A_449, %get3A_450] {strides = array<i32>} : memref<128x64xf32, #tpu.memory_space<vmem>>, vector<16xf32>,
        %get3A_452 = arith.constant 0 : i32
        %get3A_453 = arith.index_cast %get3A_452 : i32 to index
        %get3A_454 = arith.index_cast %scan3A_340 : i32 to index
        %get3A_455 = arith.constant 48 : index
        %get3A_456 = tpu.vector_load %arg12[%get3A_453, %get3A_454, %get3A_455] {strides = array<i32>} : memref<2x64x128xf32, #tpu.memory_space<vmem>>, vector<16xf32>,
        %mul3A_457 = arith.mulf %get3A_451, %get3A_456 : vector<16xf32>
        %mul3A_458 = arith.constant 2 : i32
        %mul3A_459 = arith.muli %mul3A_458, %scan3A_340 : i32
        %swap3A_460 = arith.index_cast %mul3A_459 : i32 to index
        %swap3A_461 = arith.constant 48 : index
        %swap3A_462 = tpu.vector_load %arg11[%swap3A_460, %swap3A_461] {strides = array<i32>} : memref<128x64xf32, #tpu.memory_space<vmem>>, vector<16xf32>,
        tpu.vector_store %arg11[%swap3A_460, %swap3A_461], %mul3A_457 {strides = array<i32>} : memref<128x64xf32, #tpu.memory_space<vmem>>, vector<16xf32>,
        %mul3A_463 = arith.constant 2 : i32
        %mul3A_464 = arith.muli %mul3A_463, %scan3A_340 : i32
        %add3A_465 = arith.constant 1 : i32
        %add3A_466 = arith.addi %mul3A_464, %add3A_465 : i32
        %get3A_467 = arith.index_cast %add3A_466 : i32 to index
        %get3A_468 = arith.constant 48 : index
        %get3A_469 = tpu.vector_load %arg11[%get3A_467, %get3A_468] {strides = array<i32>} : memref<128x64xf32, #tpu.memory_space<vmem>>, vector<16xf32>,
        %get3A_470 = arith.constant 0 : i32
        %get3A_471 = arith.index_cast %get3A_470 : i32 to index
        %get3A_472 = arith.index_cast %scan3A_340 : i32 to index
        %get3A_473 = arith.constant 112 : index
        %get3A_474 = tpu.vector_load %arg12[%get3A_471, %get3A_472, %get3A_473] {strides = array<i32>} : memref<2x64x128xf32, #tpu.memory_space<vmem>>, vector<16xf32>,
        %mul3A_475 = arith.mulf %get3A_469, %get3A_474 : vector<16xf32>
        %mul3A_476 = arith.constant 2 : i32
        %mul3A_477 = arith.muli %mul3A_476, %scan3A_340 : i32
        %add3A_478 = arith.constant 1 : i32
        %add3A_479 = arith.addi %mul3A_477, %add3A_478 : i32
        %swap3A_480 = arith.index_cast %add3A_479 : i32 to index
        %swap3A_481 = arith.constant 48 : index
        %swap3A_482 = tpu.vector_load %arg11[%swap3A_480, %swap3A_481] {strides = array<i32>} : memref<128x64xf32, #tpu.memory_space<vmem>>, vector<16xf32>,
        tpu.vector_store %arg11[%swap3A_480, %swap3A_481], %mul3A_475 {strides = array<i32>} : memref<128x64xf32, #tpu.memory_space<vmem>>, vector<16xf32>,
      }
      %scan3A_229 = arith.constant 64 : i32
      %run_scoped3A_230 = arith.constant 0 : i32
      "tpu.region"() ({
        %run_scoped3A_340 = tpu.sem_alloc : memref<!tpu.dma_semaphore, #tpu.memory_space<semaphore_mem>>
        %dma_start3A_341 = arith.constant 0 : i32
        %dma_start3A_342 = tpu.memref_slice %arg10[%run_scoped3A_230, %dma_start3A_341] : memref<2x128xi32, #tpu.memory_space<vmem>> -> memref<1x128xi32, #tpu.memory_space<vmem>>
        %dma_start3A_343 = tpu.memref_squeeze %dma_start3A_342 : memref<1x128xi32, #tpu.memory_space<vmem>> -> memref<128xi32, #tpu.memory_space<vmem>>
        %dma_start3A_344 = arith.constant 0 : i32
        %dma_start3A_345 = arith.constant 0 : i32
        %dma_start3A_346 = tpu.memref_slice %arg7[%dma_start3A_344, %dma_start3A_345] : memref<10240x64xf32, #tpu.memory_space<vmem_shared>> -> memref<10240x64xf32, #tpu.memory_space<vmem_shared>>
        tpu.enqueue_indirect_dma source(%arg11 : memref<128x64xf32, #tpu.memory_space<vmem>>) target(%dma_start3A_346 : memref<10240x64xf32, #tpu.memory_space<vmem_shared>>) offsets(%dma_start3A_343 : memref<128xi32, #tpu.memory_space<vmem>>) semaphore(%run_scoped3A_340 : memref<!tpu.dma_semaphore, #tpu.memory_space<semaphore_mem>>) {add = true}
        %dma_wait3A_347 = arith.constant 0 : i32
        %dma_wait3A_348 = tpu.memref_slice %arg10[%run_scoped3A_230, %dma_wait3A_347] : memref<2x128xi32, #tpu.memory_space<vmem>> -> memref<1x128xi32, #tpu.memory_space<vmem>>
        %dma_wait3A_349 = tpu.memref_squeeze %dma_wait3A_348 : memref<1x128xi32, #tpu.memory_space<vmem>> -> memref<128xi32, #tpu.memory_space<vmem>>
        %dma_wait3A_350 = arith.constant 0 : i32
        %dma_wait3A_351 = arith.constant 0 : i32
        %dma_wait3A_352 = tpu.memref_slice %arg7[%dma_wait3A_350, %dma_wait3A_351] : memref<10240x64xf32, #tpu.memory_space<vmem_shared>> -> memref<10240x64xf32, #tpu.memory_space<vmem_shared>>
        tpu.wait_indirect_dma semaphore(%run_scoped3A_340 : memref<!tpu.dma_semaphore, #tpu.memory_space<semaphore_mem>>) src(%arg11 : memref<128x64xf32, #tpu.memory_space<vmem>>) dst(%dma_wait3A_352 : memref<10240x64xf32, #tpu.memory_space<vmem_shared>>)
        tpu.yield
      }) : () -> ()
      %add3A_231 = arith.constant 2 : i32
      %add3A_232 = arith.addi %mul3A_124, %add3A_231 : i32
      %rem3A_233 = arith.constant 20 : i32
      %rem3A_234 = arith.remsi %add3A_232, %rem3A_233 : i32
      %mul3A_235 = arith.constant 2560 : i32
      %mul3A_236 = arith.muli %add3A, %mul3A_235 : i32
      %mul3A_237 = arith.constant 128 : i32
      %mul3A_238 = arith.muli %rem3A_234, %mul3A_237 : i32
      %add3A_239 = arith.addi %mul3A_236, %mul3A_238 : i32
      %dma_start3A_240 = arith.constant 0 : i32
      %dma_start3A_241 = arith.constant 0 : i32
      %dma_start3A_242 = tpu.memref_slice %arg9[%dma_start3A_240, %dma_start3A_241] : memref<2x128xi32, #tpu.memory_space<vmem>> -> memref<1x128xi32, #tpu.memory_space<vmem>>
      %dma_start3A_243 = tpu.memref_squeeze %dma_start3A_242 : memref<1x128xi32, #tpu.memory_space<vmem>> -> memref<128xi32, #tpu.memory_space<vmem>>
      %dma_start3A_244 = tpu.memref_slice %arg4[%add3A_239] : memref<81920xi32, #tpu.memory_space<hbm>> -> memref<128xi32, #tpu.memory_space<hbm>>
      %dma_start3A_245 = arith.constant 0 : i32
      %dma_start3A_246 = tpu.memref_slice %arg9[%dma_start3A_240, %dma_start3A_245] : memref<2x128xi32, #tpu.memory_space<vmem>> -> memref<1x128xi32, #tpu.memory_space<vmem>>
      %dma_start3A_247 = tpu.memref_squeeze %dma_start3A_246 : memref<1x128xi32, #tpu.memory_space<vmem>> -> memref<128xi32, #tpu.memory_space<vmem>>
      %dma_start3A_248 = tpu.memref_slice %arg4[%add3A_239] : memref<81920xi32, #tpu.memory_space<hbm>> -> memref<128xi32, #tpu.memory_space<hbm>>
      tpu.enqueue_dma source(%dma_start3A_248 : memref<128xi32, #tpu.memory_space<hbm>>) target(%dma_start3A_247 : memref<128xi32, #tpu.memory_space<vmem>>) target_semaphore(%arg14 : memref<!tpu.dma_semaphore, #tpu.memory_space<semaphore_mem>>)
      %dma_start3A_249 = arith.constant 0 : i32
      %dma_start3A_250 = arith.constant 0 : i32
      %dma_start3A_251 = tpu.memref_slice %arg10[%dma_start3A_249, %dma_start3A_250] : memref<2x128xi32, #tpu.memory_space<vmem>> -> memref<1x128xi32, #tpu.memory_space<vmem>>
      %dma_start3A_252 = tpu.memref_squeeze %dma_start3A_251 : memref<1x128xi32, #tpu.memory_space<vmem>> -> memref<128xi32, #tpu.memory_space<vmem>>
      %dma_start3A_253 = tpu.memref_slice %arg5[%add3A_239] : memref<81920xi32, #tpu.memory_space<hbm>> -> memref<128xi32, #tpu.memory_space<hbm>>
      %dma_start3A_254 = arith.constant 0 : i32
      %dma_start3A_255 = tpu.memref_slice %arg10[%dma_start3A_249, %dma_start3A_254] : memref<2x128xi32, #tpu.memory_space<vmem>> -> memref<1x128xi32, #tpu.memory_space<vmem>>
      %dma_start3A_256 = tpu.memref_squeeze %dma_start3A_255 : memref<1x128xi32, #tpu.memory_space<vmem>> -> memref<128xi32, #tpu.memory_space<vmem>>
      %dma_start3A_257 = tpu.memref_slice %arg5[%add3A_239] : memref<81920xi32, #tpu.memory_space<hbm>> -> memref<128xi32, #tpu.memory_space<hbm>>
      tpu.enqueue_dma source(%dma_start3A_257 : memref<128xi32, #tpu.memory_space<hbm>>) target(%dma_start3A_256 : memref<128xi32, #tpu.memory_space<vmem>>) target_semaphore(%arg16 : memref<!tpu.dma_semaphore, #tpu.memory_space<semaphore_mem>>)
      %jit3A_258 = arith.constant 2 : i32
      %div3A_259 = arith.divsi %add3A_239, %jit3A_258 : i32
      %sign3A_260 = arith.constant 0 : i32
      %sign3A_261 = arith.cmpi sgt, %add3A_239, %sign3A_260 : i32
      %sign3A_262 = arith.extui %sign3A_261 : i1 to i32
      %sign3A_263 = arith.constant 0 : i32
      %sign3A_264 = arith.cmpi slt, %add3A_239, %sign3A_263 : i32
      %sign3A_265 = arith.extui %sign3A_264 : i1 to i32
      %sign3A_266 = arith.subi %sign3A_262, %sign3A_265 : i32
      %sign3A_267 = arith.constant 0 : i32
      %sign3A_268 = arith.cmpi sgt, %jit3A_258, %sign3A_267 : i32
      %sign3A_269 = arith.extui %sign3A_268 : i1 to i32
      %sign3A_270 = arith.constant 0 : i32
      %sign3A_271 = arith.cmpi slt, %jit3A_258, %sign3A_270 : i32
      %sign3A_272 = arith.extui %sign3A_271 : i1 to i32
      %sign3A_273 = arith.subi %sign3A_269, %sign3A_272 : i32
      %ne3A_274 = arith.cmpi ne, %sign3A_266, %sign3A_273 : i32
      %rem3A_275 = arith.remsi %add3A_239, %jit3A_258 : i32
      %ne3A_276 = arith.constant 0 : i32
      %ne3A_277 = arith.cmpi ne, %rem3A_275, %ne3A_276 : i32
      %and3A_278 = arith.andi %ne3A_274, %ne3A_277 : i1
      %sub3A_279 = arith.constant 1 : i32
      %sub3A_280 = arith.subi %div3A_259, %sub3A_279 : i32
      %select_n3A_281 = arith.select %and3A_278, %sub3A_280, %div3A_259 : i32
      %dma_start3A_282 = arith.constant 0 : i32
      %dma_start3A_283 = arith.constant 0 : i32
      %dma_start3A_284 = arith.constant 0 : i32
      %dma_start3A_285 = tpu.memref_slice %arg12[%dma_start3A_282, %dma_start3A_283, %dma_start3A_284] : memref<2x64x128xf32, #tpu.memory_space<vmem>> -> memref<1x64x128xf32, #tpu.memory_space<vmem>>
      %dma_start3A_286 = tpu.memref_squeeze %dma_start3A_285 : memref<1x64x128xf32, #tpu.memory_space<vmem>> -> memref<64x128xf32, #tpu.memory_space<vmem>>
      %dma_start3A_287 = arith.constant 0 : i32
      %dma_start3A_288 = tpu.memref_slice %arg3[%select_n3A_281, %dma_start3A_287] : memref<40960x128xf32, #tpu.memory_space<hbm>> -> memref<64x128xf32, #tpu.memory_space<hbm>>
      %dma_start3A_289 = arith.constant 0 : i32
      %dma_start3A_290 = arith.constant 0 : i32
      %dma_start3A_291 = tpu.memref_slice %arg12[%dma_start3A_282, %dma_start3A_289, %dma_start3A_290] : memref<2x64x128xf32, #tpu.memory_space<vmem>> -> memref<1x64x128xf32, #tpu.memory_space<vmem>>
      %dma_start3A_292 = tpu.memref_squeeze %dma_start3A_291 : memref<1x64x128xf32, #tpu.memory_space<vmem>> -> memref<64x128xf32, #tpu.memory_space<vmem>>
      %dma_start3A_293 = arith.constant 0 : i32
      %dma_start3A_294 = tpu.memref_slice %arg3[%select_n3A_281, %dma_start3A_293] : memref<40960x128xf32, #tpu.memory_space<hbm>> -> memref<64x128xf32, #tpu.memory_space<hbm>>
      tpu.enqueue_dma source(%dma_start3A_294 : memref<64x128xf32, #tpu.memory_space<hbm>>) target(%dma_start3A_292 : memref<64x128xf32, #tpu.memory_space<vmem>>) target_semaphore(%arg18 : memref<!tpu.dma_semaphore, #tpu.memory_space<semaphore_mem>>)
      %dma_wait3A_295 = arith.constant 1 : i32
      %dma_wait3A_296 = arith.constant 0 : i32
      %dma_wait3A_297 = tpu.memref_slice %arg9[%dma_wait3A_295, %dma_wait3A_296] : memref<2x128xi32, #tpu.memory_space<vmem>> -> memref<1x128xi32, #tpu.memory_space<vmem>>
      %dma_wait3A_298 = tpu.memref_squeeze %dma_wait3A_297 : memref<1x128xi32, #tpu.memory_space<vmem>> -> memref<128xi32, #tpu.memory_space<vmem>>
      %dma_wait3A_299 = arith.constant 0 : i32
      %dma_wait3A_300 = tpu.memref_slice %arg4[%dma_wait3A_299] : memref<81920xi32, #tpu.memory_space<hbm>> -> memref<128xi32, #tpu.memory_space<hbm>>
      %dma_wait3A_301 = arith.constant 0 : i32
      %dma_wait3A_302 = tpu.memref_slice %arg9[%dma_wait3A_295, %dma_wait3A_301] : memref<2x128xi32, #tpu.memory_space<vmem>> -> memref<1x128xi32, #tpu.memory_space<vmem>>
      %dma_wait3A_303 = tpu.memref_squeeze %dma_wait3A_302 : memref<1x128xi32, #tpu.memory_space<vmem>> -> memref<128xi32, #tpu.memory_space<vmem>>
      %dma_wait3A_304 = arith.constant 0 : i32
      %dma_wait3A_305 = tpu.memref_slice %arg4[%dma_wait3A_304] : memref<81920xi32, #tpu.memory_space<hbm>> -> memref<128xi32, #tpu.memory_space<hbm>>
      tpu.wait_dma2 semaphore(%arg15 : memref<!tpu.dma_semaphore, #tpu.memory_space<semaphore_mem>>) src(%dma_wait3A_305 : memref<128xi32, #tpu.memory_space<hbm>>) dst(%dma_wait3A_303 : memref<128xi32, #tpu.memory_space<vmem>>)
      %dma_wait3A_306 = arith.constant 1 : i32
      %dma_wait3A_307 = arith.constant 0 : i32
      %dma_wait3A_308 = tpu.memref_slice %arg10[%dma_wait3A_306, %dma_wait3A_307] : memref<2x128xi32, #tpu.memory_space<vmem>> -> memref<1x128xi32, #tpu.memory_space<vmem>>
      %dma_wait3A_309 = tpu.memref_squeeze %dma_wait3A_308 : memref<1x128xi32, #tpu.memory_space<vmem>> -> memref<128xi32, #tpu.memory_space<vmem>>
      %dma_wait3A_310 = arith.constant 0 : i32
      %dma_wait3A_311 = tpu.memref_slice %arg5[%dma_wait3A_310] : memref<81920xi32, #tpu.memory_space<hbm>> -> memref<128xi32, #tpu.memory_space<hbm>>
      %dma_wait3A_312 = arith.constant 0 : i32
      %dma_wait3A_313 = tpu.memref_slice %arg10[%dma_wait3A_306, %dma_wait3A_312] : memref<2x128xi32, #tpu.memory_space<vmem>> -> memref<1x128xi32, #tpu.memory_space<vmem>>
      %dma_wait3A_314 = tpu.memref_squeeze %dma_wait3A_313 : memref<1x128xi32, #tpu.memory_space<vmem>> -> memref<128xi32, #tpu.memory_space<vmem>>
      %dma_wait3A_315 = arith.constant 0 : i32
      %dma_wait3A_316 = tpu.memref_slice %arg5[%dma_wait3A_315] : memref<81920xi32, #tpu.memory_space<hbm>> -> memref<128xi32, #tpu.memory_space<hbm>>
      tpu.wait_dma2 semaphore(%arg17 : memref<!tpu.dma_semaphore, #tpu.memory_space<semaphore_mem>>) src(%dma_wait3A_316 : memref<128xi32, #tpu.memory_space<hbm>>) dst(%dma_wait3A_314 : memref<128xi32, #tpu.memory_space<vmem>>)
      %dma_wait3A_317 = arith.constant 1 : i32
      %dma_wait3A_318 = arith.constant 0 : i32
      %dma_wait3A_319 = arith.constant 0 : i32
      %dma_wait3A_320 = tpu.memref_slice %arg12[%dma_wait3A_317, %dma_wait3A_318, %dma_wait3A_319] : memref<2x64x128xf32, #tpu.memory_space<vmem>> -> memref<1x64x128xf32, #tpu.memory_space<vmem>>
      %dma_wait3A_321 = tpu.memref_squeeze %dma_wait3A_320 : memref<1x64x128xf32, #tpu.memory_space<vmem>> -> memref<64x128xf32, #tpu.memory_space<vmem>>
      %dma_wait3A_322 = arith.constant 0 : i32
      %dma_wait3A_323 = arith.constant 0 : i32
      %dma_wait3A_324 = tpu.memref_slice %arg3[%dma_wait3A_322, %dma_wait3A_323] : memref<40960x128xf32, #tpu.memory_space<hbm>> -> memref<64x128xf32, #tpu.memory_space<hbm>>
      %dma_wait3A_325 = arith.constant 0 : i32
      %dma_wait3A_326 = arith.constant 0 : i32
      %dma_wait3A_327 = tpu.memref_slice %arg12[%dma_wait3A_317, %dma_wait3A_325, %dma_wait3A_326] : memref<2x64x128xf32, #tpu.memory_space<vmem>> -> memref<1x64x128xf32, #tpu.memory_space<vmem>>
      %dma_wait3A_328 = tpu.memref_squeeze %dma_wait3A_327 : memref<1x64x128xf32, #tpu.memory_space<vmem>> -> memref<64x128xf32, #tpu.memory_space<vmem>>
      %dma_wait3A_329 = arith.constant 0 : i32
      %dma_wait3A_330 = arith.constant 0 : i32
      %dma_wait3A_331 = tpu.memref_slice %arg3[%dma_wait3A_329, %dma_wait3A_330] : memref<40960x128xf32, #tpu.memory_space<hbm>> -> memref<64x128xf32, #tpu.memory_space<hbm>>
      tpu.wait_dma2 semaphore(%arg19 : memref<!tpu.dma_semaphore, #tpu.memory_space<semaphore_mem>>) src(%dma_wait3A_331 : memref<64x128xf32, #tpu.memory_space<hbm>>) dst(%dma_wait3A_328 : memref<64x128xf32, #tpu.memory_space<vmem>>)
      %run_scoped3A_332 = arith.constant 1 : i32
      "tpu.region"() ({
        %run_scoped3A_340 = tpu.sem_alloc : memref<!tpu.dma_semaphore, #tpu.memory_space<semaphore_mem>>
        %dma_start3A_341 = arith.constant 0 : i32
        %dma_start3A_342 = tpu.memref_slice %arg9[%run_scoped3A_332, %dma_start3A_341] : memref<2x128xi32, #tpu.memory_space<vmem>> -> memref<1x128xi32, #tpu.memory_space<vmem>>
        %dma_start3A_343 = tpu.memref_squeeze %dma_start3A_342 : memref<1x128xi32, #tpu.memory_space<vmem>> -> memref<128xi32, #tpu.memory_space<vmem>>
        %dma_start3A_344 = arith.constant 0 : i32
        %dma_start3A_345 = arith.constant 0 : i32
        %dma_start3A_346 = tpu.memref_slice %arg8[%dma_start3A_344, %dma_start3A_345] : memref<10240x64xf32, #tpu.memory_space<vmem_shared>> -> memref<10240x64xf32, #tpu.memory_space<vmem_shared>>
        tpu.enqueue_indirect_dma source(%dma_start3A_346 : memref<10240x64xf32, #tpu.memory_space<vmem_shared>>) target(%arg11 : memref<128x64xf32, #tpu.memory_space<vmem>>) offsets(%dma_start3A_343 : memref<128xi32, #tpu.memory_space<vmem>>) semaphore(%run_scoped3A_340 : memref<!tpu.dma_semaphore, #tpu.memory_space<semaphore_mem>>)
        %dma_wait3A_347 = arith.constant 0 : i32
        %dma_wait3A_348 = tpu.memref_slice %arg9[%run_scoped3A_332, %dma_wait3A_347] : memref<2x128xi32, #tpu.memory_space<vmem>> -> memref<1x128xi32, #tpu.memory_space<vmem>>
        %dma_wait3A_349 = tpu.memref_squeeze %dma_wait3A_348 : memref<1x128xi32, #tpu.memory_space<vmem>> -> memref<128xi32, #tpu.memory_space<vmem>>
        %dma_wait3A_350 = arith.constant 0 : i32
        %dma_wait3A_351 = arith.constant 0 : i32
        %dma_wait3A_352 = tpu.memref_slice %arg8[%dma_wait3A_350, %dma_wait3A_351] : memref<10240x64xf32, #tpu.memory_space<vmem_shared>> -> memref<10240x64xf32, #tpu.memory_space<vmem_shared>>
        tpu.wait_indirect_dma semaphore(%run_scoped3A_340 : memref<!tpu.dma_semaphore, #tpu.memory_space<semaphore_mem>>) src(%dma_wait3A_352 : memref<10240x64xf32, #tpu.memory_space<vmem_shared>>) dst(%arg11 : memref<128x64xf32, #tpu.memory_space<vmem>>)
        tpu.yield
      }) : () -> ()
      %scan3A_333 = arith.constant 0 : i32
      %scan3A_334 = arith.constant 0 : i32
      %scan3A_335 = arith.constant 64 : i32
      %scan3A_336 = arith.addi %scan3A_334, %scan3A_335 : i32
      %scan3A_337 = arith.constant 1 : i32
      scf.for %scan3A_340 = %scan3A_334 to %scan3A_336 step %scan3A_337  : i32 {
        %mul3A_341 = arith.constant 2 : i32
        %mul3A_342 = arith.muli %mul3A_341, %scan3A_340 : i32
        %get3A = arith.index_cast %mul3A_342 : i32 to index
        %get3A_343 = arith.constant 0 : index
        %get3A_344 = tpu.vector_load %arg11[%get3A, %get3A_343] {strides = array<i32>} : memref<128x64xf32, #tpu.memory_space<vmem>>, vector<16xf32>,
        %get3A_345 = arith.constant 1 : i32
        %get3A_346 = arith.index_cast %get3A_345 : i32 to index
        %get3A_347 = arith.index_cast %scan3A_340 : i32 to index
        %get3A_348 = arith.constant 0 : index
        %get3A_349 = tpu.vector_load %arg12[%get3A_346, %get3A_347, %get3A_348] {strides = array<i32>} : memref<2x64x128xf32, #tpu.memory_space<vmem>>, vector<16xf32>,
        %mul3A_350 = arith.mulf %get3A_344, %get3A_349 : vector<16xf32>
        %mul3A_351 = arith.constant 2 : i32
        %mul3A_352 = arith.muli %mul3A_351, %scan3A_340 : i32
        %swap3A = arith.index_cast %mul3A_352 : i32 to index
        %swap3A_353 = arith.constant 0 : index
        %swap3A_354 = tpu.vector_load %arg11[%swap3A, %swap3A_353] {strides = array<i32>} : memref<128x64xf32, #tpu.memory_space<vmem>>, vector<16xf32>,
        tpu.vector_store %arg11[%swap3A, %swap3A_353], %mul3A_350 {strides = array<i32>} : memref<128x64xf32, #tpu.memory_space<vmem>>, vector<16xf32>,
        %mul3A_355 = arith.constant 2 : i32
        %mul3A_356 = arith.muli %mul3A_355, %scan3A_340 : i32
        %add3A_357 = arith.constant 1 : i32
        %add3A_358 = arith.addi %mul3A_356, %add3A_357 : i32
        %get3A_359 = arith.index_cast %add3A_358 : i32 to index
        %get3A_360 = arith.constant 0 : index
        %get3A_361 = tpu.vector_load %arg11[%get3A_359, %get3A_360] {strides = array<i32>} : memref<128x64xf32, #tpu.memory_space<vmem>>, vector<16xf32>,
        %get3A_362 = arith.constant 1 : i32
        %get3A_363 = arith.index_cast %get3A_362 : i32 to index
        %get3A_364 = arith.index_cast %scan3A_340 : i32 to index
        %get3A_365 = arith.constant 64 : index
        %get3A_366 = tpu.vector_load %arg12[%get3A_363, %get3A_364, %get3A_365] {strides = array<i32>} : memref<2x64x128xf32, #tpu.memory_space<vmem>>, vector<16xf32>,
        %mul3A_367 = arith.mulf %get3A_361, %get3A_366 : vector<16xf32>
        %mul3A_368 = arith.constant 2 : i32
        %mul3A_369 = arith.muli %mul3A_368, %scan3A_340 : i32
        %add3A_370 = arith.constant 1 : i32
        %add3A_371 = arith.addi %mul3A_369, %add3A_370 : i32
        %swap3A_372 = arith.index_cast %add3A_371 : i32 to index
        %swap3A_373 = arith.constant 0 : index
        %swap3A_374 = tpu.vector_load %arg11[%swap3A_372, %swap3A_373] {strides = array<i32>} : memref<128x64xf32, #tpu.memory_space<vmem>>, vector<16xf32>,
        tpu.vector_store %arg11[%swap3A_372, %swap3A_373], %mul3A_367 {strides = array<i32>} : memref<128x64xf32, #tpu.memory_space<vmem>>, vector<16xf32>,
        %mul3A_375 = arith.constant 2 : i32
        %mul3A_376 = arith.muli %mul3A_375, %scan3A_340 : i32
        %get3A_377 = arith.index_cast %mul3A_376 : i32 to index
        %get3A_378 = arith.constant 16 : index
        %get3A_379 = tpu.vector_load %arg11[%get3A_377, %get3A_378] {strides = array<i32>} : memref<128x64xf32, #tpu.memory_space<vmem>>, vector<16xf32>,
        %get3A_380 = arith.constant 1 : i32
        %get3A_381 = arith.index_cast %get3A_380 : i32 to index
        %get3A_382 = arith.index_cast %scan3A_340 : i32 to index
        %get3A_383 = arith.constant 16 : index
        %get3A_384 = tpu.vector_load %arg12[%get3A_381, %get3A_382, %get3A_383] {strides = array<i32>} : memref<2x64x128xf32, #tpu.memory_space<vmem>>, vector<16xf32>,
        %mul3A_385 = arith.mulf %get3A_379, %get3A_384 : vector<16xf32>
        %mul3A_386 = arith.constant 2 : i32
        %mul3A_387 = arith.muli %mul3A_386, %scan3A_340 : i32
        %swap3A_388 = arith.index_cast %mul3A_387 : i32 to index
        %swap3A_389 = arith.constant 16 : index
        %swap3A_390 = tpu.vector_load %arg11[%swap3A_388, %swap3A_389] {strides = array<i32>} : memref<128x64xf32, #tpu.memory_space<vmem>>, vector<16xf32>,
        tpu.vector_store %arg11[%swap3A_388, %swap3A_389], %mul3A_385 {strides = array<i32>} : memref<128x64xf32, #tpu.memory_space<vmem>>, vector<16xf32>,
        %mul3A_391 = arith.constant 2 : i32
        %mul3A_392 = arith.muli %mul3A_391, %scan3A_340 : i32
        %add3A_393 = arith.constant 1 : i32
        %add3A_394 = arith.addi %mul3A_392, %add3A_393 : i32
        %get3A_395 = arith.index_cast %add3A_394 : i32 to index
        %get3A_396 = arith.constant 16 : index
        %get3A_397 = tpu.vector_load %arg11[%get3A_395, %get3A_396] {strides = array<i32>} : memref<128x64xf32, #tpu.memory_space<vmem>>, vector<16xf32>,
        %get3A_398 = arith.constant 1 : i32
        %get3A_399 = arith.index_cast %get3A_398 : i32 to index
        %get3A_400 = arith.index_cast %scan3A_340 : i32 to index
        %get3A_401 = arith.constant 80 : index
        %get3A_402 = tpu.vector_load %arg12[%get3A_399, %get3A_400, %get3A_401] {strides = array<i32>} : memref<2x64x128xf32, #tpu.memory_space<vmem>>, vector<16xf32>,
        %mul3A_403 = arith.mulf %get3A_397, %get3A_402 : vector<16xf32>
        %mul3A_404 = arith.constant 2 : i32
        %mul3A_405 = arith.muli %mul3A_404, %scan3A_340 : i32
        %add3A_406 = arith.constant 1 : i32
        %add3A_407 = arith.addi %mul3A_405, %add3A_406 : i32
        %swap3A_408 = arith.index_cast %add3A_407 : i32 to index
        %swap3A_409 = arith.constant 16 : index
        %swap3A_410 = tpu.vector_load %arg11[%swap3A_408, %swap3A_409] {strides = array<i32>} : memref<128x64xf32, #tpu.memory_space<vmem>>, vector<16xf32>,
        tpu.vector_store %arg11[%swap3A_408, %swap3A_409], %mul3A_403 {strides = array<i32>} : memref<128x64xf32, #tpu.memory_space<vmem>>, vector<16xf32>,
        %mul3A_411 = arith.constant 2 : i32
        %mul3A_412 = arith.muli %mul3A_411, %scan3A_340 : i32
        %get3A_413 = arith.index_cast %mul3A_412 : i32 to index
        %get3A_414 = arith.constant 32 : index
        %get3A_415 = tpu.vector_load %arg11[%get3A_413, %get3A_414] {strides = array<i32>} : memref<128x64xf32, #tpu.memory_space<vmem>>, vector<16xf32>,
        %get3A_416 = arith.constant 1 : i32
        %get3A_417 = arith.index_cast %get3A_416 : i32 to index
        %get3A_418 = arith.index_cast %scan3A_340 : i32 to index
        %get3A_419 = arith.constant 32 : index
        %get3A_420 = tpu.vector_load %arg12[%get3A_417, %get3A_418, %get3A_419] {strides = array<i32>} : memref<2x64x128xf32, #tpu.memory_space<vmem>>, vector<16xf32>,
        %mul3A_421 = arith.mulf %get3A_415, %get3A_420 : vector<16xf32>
        %mul3A_422 = arith.constant 2 : i32
        %mul3A_423 = arith.muli %mul3A_422, %scan3A_340 : i32
        %swap3A_424 = arith.index_cast %mul3A_423 : i32 to index
        %swap3A_425 = arith.constant 32 : index
        %swap3A_426 = tpu.vector_load %arg11[%swap3A_424, %swap3A_425] {strides = array<i32>} : memref<128x64xf32, #tpu.memory_space<vmem>>, vector<16xf32>,
        tpu.vector_store %arg11[%swap3A_424, %swap3A_425], %mul3A_421 {strides = array<i32>} : memref<128x64xf32, #tpu.memory_space<vmem>>, vector<16xf32>,
        %mul3A_427 = arith.constant 2 : i32
        %mul3A_428 = arith.muli %mul3A_427, %scan3A_340 : i32
        %add3A_429 = arith.constant 1 : i32
        %add3A_430 = arith.addi %mul3A_428, %add3A_429 : i32
        %get3A_431 = arith.index_cast %add3A_430 : i32 to index
        %get3A_432 = arith.constant 32 : index
        %get3A_433 = tpu.vector_load %arg11[%get3A_431, %get3A_432] {strides = array<i32>} : memref<128x64xf32, #tpu.memory_space<vmem>>, vector<16xf32>,
        %get3A_434 = arith.constant 1 : i32
        %get3A_435 = arith.index_cast %get3A_434 : i32 to index
        %get3A_436 = arith.index_cast %scan3A_340 : i32 to index
        %get3A_437 = arith.constant 96 : index
        %get3A_438 = tpu.vector_load %arg12[%get3A_435, %get3A_436, %get3A_437] {strides = array<i32>} : memref<2x64x128xf32, #tpu.memory_space<vmem>>, vector<16xf32>,
        %mul3A_439 = arith.mulf %get3A_433, %get3A_438 : vector<16xf32>
        %mul3A_440 = arith.constant 2 : i32
        %mul3A_441 = arith.muli %mul3A_440, %scan3A_340 : i32
        %add3A_442 = arith.constant 1 : i32
        %add3A_443 = arith.addi %mul3A_441, %add3A_442 : i32
        %swap3A_444 = arith.index_cast %add3A_443 : i32 to index
        %swap3A_445 = arith.constant 32 : index
        %swap3A_446 = tpu.vector_load %arg11[%swap3A_444, %swap3A_445] {strides = array<i32>} : memref<128x64xf32, #tpu.memory_space<vmem>>, vector<16xf32>,
        tpu.vector_store %arg11[%swap3A_444, %swap3A_445], %mul3A_439 {strides = array<i32>} : memref<128x64xf32, #tpu.memory_space<vmem>>, vector<16xf32>,
        %mul3A_447 = arith.constant 2 : i32
        %mul3A_448 = arith.muli %mul3A_447, %scan3A_340 : i32
        %get3A_449 = arith.index_cast %mul3A_448 : i32 to index
        %get3A_450 = arith.constant 48 : index
        %get3A_451 = tpu.vector_load %arg11[%get3A_449, %get3A_450] {strides = array<i32>} : memref<128x64xf32, #tpu.memory_space<vmem>>, vector<16xf32>,
        %get3A_452 = arith.constant 1 : i32
        %get3A_453 = arith.index_cast %get3A_452 : i32 to index
        %get3A_454 = arith.index_cast %scan3A_340 : i32 to index
        %get3A_455 = arith.constant 48 : index
        %get3A_456 = tpu.vector_load %arg12[%get3A_453, %get3A_454, %get3A_455] {strides = array<i32>} : memref<2x64x128xf32, #tpu.memory_space<vmem>>, vector<16xf32>,
        %mul3A_457 = arith.mulf %get3A_451, %get3A_456 : vector<16xf32>
        %mul3A_458 = arith.constant 2 : i32
        %mul3A_459 = arith.muli %mul3A_458, %scan3A_340 : i32
        %swap3A_460 = arith.index_cast %mul3A_459 : i32 to index
        %swap3A_461 = arith.constant 48 : index
        %swap3A_462 = tpu.vector_load %arg11[%swap3A_460, %swap3A_461] {strides = array<i32>} : memref<128x64xf32, #tpu.memory_space<vmem>>, vector<16xf32>,
        tpu.vector_store %arg11[%swap3A_460, %swap3A_461], %mul3A_457 {strides = array<i32>} : memref<128x64xf32, #tpu.memory_space<vmem>>, vector<16xf32>,
        %mul3A_463 = arith.constant 2 : i32
        %mul3A_464 = arith.muli %mul3A_463, %scan3A_340 : i32
        %add3A_465 = arith.constant 1 : i32
        %add3A_466 = arith.addi %mul3A_464, %add3A_465 : i32
        %get3A_467 = arith.index_cast %add3A_466 : i32 to index
        %get3A_468 = arith.constant 48 : index
        %get3A_469 = tpu.vector_load %arg11[%get3A_467, %get3A_468] {strides = array<i32>} : memref<128x64xf32, #tpu.memory_space<vmem>>, vector<16xf32>,
        %get3A_470 = arith.constant 1 : i32
        %get3A_471 = arith.index_cast %get3A_470 : i32 to index
        %get3A_472 = arith.index_cast %scan3A_340 : i32 to index
        %get3A_473 = arith.constant 112 : index
        %get3A_474 = tpu.vector_load %arg12[%get3A_471, %get3A_472, %get3A_473] {strides = array<i32>} : memref<2x64x128xf32, #tpu.memory_space<vmem>>, vector<16xf32>,
        %mul3A_475 = arith.mulf %get3A_469, %get3A_474 : vector<16xf32>
        %mul3A_476 = arith.constant 2 : i32
        %mul3A_477 = arith.muli %mul3A_476, %scan3A_340 : i32
        %add3A_478 = arith.constant 1 : i32
        %add3A_479 = arith.addi %mul3A_477, %add3A_478 : i32
        %swap3A_480 = arith.index_cast %add3A_479 : i32 to index
        %swap3A_481 = arith.constant 48 : index
        %swap3A_482 = tpu.vector_load %arg11[%swap3A_480, %swap3A_481] {strides = array<i32>} : memref<128x64xf32, #tpu.memory_space<vmem>>, vector<16xf32>,
        tpu.vector_store %arg11[%swap3A_480, %swap3A_481], %mul3A_475 {strides = array<i32>} : memref<128x64xf32, #tpu.memory_space<vmem>>, vector<16xf32>,
      }
      %scan3A_338 = arith.constant 64 : i32
      %run_scoped3A_339 = arith.constant 1 : i32
      "tpu.region"() ({
        %run_scoped3A_340 = tpu.sem_alloc : memref<!tpu.dma_semaphore, #tpu.memory_space<semaphore_mem>>
        %dma_start3A_341 = arith.constant 0 : i32
        %dma_start3A_342 = tpu.memref_slice %arg10[%run_scoped3A_339, %dma_start3A_341] : memref<2x128xi32, #tpu.memory_space<vmem>> -> memref<1x128xi32, #tpu.memory_space<vmem>>
        %dma_start3A_343 = tpu.memref_squeeze %dma_start3A_342 : memref<1x128xi32, #tpu.memory_space<vmem>> -> memref<128xi32, #tpu.memory_space<vmem>>
        %dma_start3A_344 = arith.constant 0 : i32
        %dma_start3A_345 = arith.constant 0 : i32
        %dma_start3A_346 = tpu.memref_slice %arg7[%dma_start3A_344, %dma_start3A_345] : memref<10240x64xf32, #tpu.memory_space<vmem_shared>> -> memref<10240x64xf32, #tpu.memory_space<vmem_shared>>
        tpu.enqueue_indirect_dma source(%arg11 : memref<128x64xf32, #tpu.memory_space<vmem>>) target(%dma_start3A_346 : memref<10240x64xf32, #tpu.memory_space<vmem_shared>>) offsets(%dma_start3A_343 : memref<128xi32, #tpu.memory_space<vmem>>) semaphore(%run_scoped3A_340 : memref<!tpu.dma_semaphore, #tpu.memory_space<semaphore_mem>>) {add = true}
        %dma_wait3A_347 = arith.constant 0 : i32
        %dma_wait3A_348 = tpu.memref_slice %arg10[%run_scoped3A_339, %dma_wait3A_347] : memref<2x128xi32, #tpu.memory_space<vmem>> -> memref<1x128xi32, #tpu.memory_space<vmem>>
        %dma_wait3A_349 = tpu.memref_squeeze %dma_wait3A_348 : memref<1x128xi32, #tpu.memory_space<vmem>> -> memref<128xi32, #tpu.memory_space<vmem>>
        %dma_wait3A_350 = arith.constant 0 : i32
        %dma_wait3A_351 = arith.constant 0 : i32
        %dma_wait3A_352 = tpu.memref_slice %arg7[%dma_wait3A_350, %dma_wait3A_351] : memref<10240x64xf32, #tpu.memory_space<vmem_shared>> -> memref<10240x64xf32, #tpu.memory_space<vmem_shared>>
        tpu.wait_indirect_dma semaphore(%run_scoped3A_340 : memref<!tpu.dma_semaphore, #tpu.memory_space<semaphore_mem>>) src(%arg11 : memref<128x64xf32, #tpu.memory_space<vmem>>) dst(%dma_wait3A_352 : memref<10240x64xf32, #tpu.memory_space<vmem_shared>>)
        tpu.yield
      }) : () -> ()
    }
    %scan3A_74 = arith.constant 10 : i32
    %dma_wait3A = arith.constant 0 : i32
    %dma_wait3A_75 = arith.constant 0 : i32
    %dma_wait3A_76 = tpu.memref_slice %arg9[%dma_wait3A, %dma_wait3A_75] : memref<2x128xi32, #tpu.memory_space<vmem>> -> memref<1x128xi32, #tpu.memory_space<vmem>>
    %dma_wait3A_77 = tpu.memref_squeeze %dma_wait3A_76 : memref<1x128xi32, #tpu.memory_space<vmem>> -> memref<128xi32, #tpu.memory_space<vmem>>
    %dma_wait3A_78 = arith.constant 0 : i32
    %dma_wait3A_79 = tpu.memref_slice %arg4[%dma_wait3A_78] : memref<81920xi32, #tpu.memory_space<hbm>> -> memref<128xi32, #tpu.memory_space<hbm>>
    %dma_wait3A_80 = arith.constant 0 : i32
    %dma_wait3A_81 = tpu.memref_slice %arg9[%dma_wait3A, %dma_wait3A_80] : memref<2x128xi32, #tpu.memory_space<vmem>> -> memref<1x128xi32, #tpu.memory_space<vmem>>
    %dma_wait3A_82 = tpu.memref_squeeze %dma_wait3A_81 : memref<1x128xi32, #tpu.memory_space<vmem>> -> memref<128xi32, #tpu.memory_space<vmem>>
    %dma_wait3A_83 = arith.constant 0 : i32
    %dma_wait3A_84 = tpu.memref_slice %arg4[%dma_wait3A_83] : memref<81920xi32, #tpu.memory_space<hbm>> -> memref<128xi32, #tpu.memory_space<hbm>>
    tpu.wait_dma2 semaphore(%arg14 : memref<!tpu.dma_semaphore, #tpu.memory_space<semaphore_mem>>) src(%dma_wait3A_84 : memref<128xi32, #tpu.memory_space<hbm>>) dst(%dma_wait3A_82 : memref<128xi32, #tpu.memory_space<vmem>>)
    %dma_wait3A_85 = arith.constant 0 : i32
    %dma_wait3A_86 = arith.constant 0 : i32
    %dma_wait3A_87 = tpu.memref_slice %arg10[%dma_wait3A_85, %dma_wait3A_86] : memref<2x128xi32, #tpu.memory_space<vmem>> -> memref<1x128xi32, #tpu.memory_space<vmem>>
    %dma_wait3A_88 = tpu.memref_squeeze %dma_wait3A_87 : memref<1x128xi32, #tpu.memory_space<vmem>> -> memref<128xi32, #tpu.memory_space<vmem>>
    %dma_wait3A_89 = arith.constant 0 : i32
    %dma_wait3A_90 = tpu.memref_slice %arg5[%dma_wait3A_89] : memref<81920xi32, #tpu.memory_space<hbm>> -> memref<128xi32, #tpu.memory_space<hbm>>
    %dma_wait3A_91 = arith.constant 0 : i32
    %dma_wait3A_92 = tpu.memref_slice %arg10[%dma_wait3A_85, %dma_wait3A_91] : memref<2x128xi32, #tpu.memory_space<vmem>> -> memref<1x128xi32, #tpu.memory_space<vmem>>
    %dma_wait3A_93 = tpu.memref_squeeze %dma_wait3A_92 : memref<1x128xi32, #tpu.memory_space<vmem>> -> memref<128xi32, #tpu.memory_space<vmem>>
    %dma_wait3A_94 = arith.constant 0 : i32
    %dma_wait3A_95 = tpu.memref_slice %arg5[%dma_wait3A_94] : memref<81920xi32, #tpu.memory_space<hbm>> -> memref<128xi32, #tpu.memory_space<hbm>>
    tpu.wait_dma2 semaphore(%arg16 : memref<!tpu.dma_semaphore, #tpu.memory_space<semaphore_mem>>) src(%dma_wait3A_95 : memref<128xi32, #tpu.memory_space<hbm>>) dst(%dma_wait3A_93 : memref<128xi32, #tpu.memory_space<vmem>>)
    %dma_wait3A_96 = arith.constant 0 : i32
    %dma_wait3A_97 = arith.constant 0 : i32
    %dma_wait3A_98 = arith.constant 0 : i32
    %dma_wait3A_99 = tpu.memref_slice %arg12[%dma_wait3A_96, %dma_wait3A_97, %dma_wait3A_98] : memref<2x64x128xf32, #tpu.memory_space<vmem>> -> memref<1x64x128xf32, #tpu.memory_space<vmem>>
    %dma_wait3A_100 = tpu.memref_squeeze %dma_wait3A_99 : memref<1x64x128xf32, #tpu.memory_space<vmem>> -> memref<64x128xf32, #tpu.memory_space<vmem>>
    %dma_wait3A_101 = arith.constant 0 : i32
    %dma_wait3A_102 = arith.constant 0 : i32
    %dma_wait3A_103 = tpu.memref_slice %arg3[%dma_wait3A_101, %dma_wait3A_102] : memref<40960x128xf32, #tpu.memory_space<hbm>> -> memref<64x128xf32, #tpu.memory_space<hbm>>
    %dma_wait3A_104 = arith.constant 0 : i32
    %dma_wait3A_105 = arith.constant 0 : i32
    %dma_wait3A_106 = tpu.memref_slice %arg12[%dma_wait3A_96, %dma_wait3A_104, %dma_wait3A_105] : memref<2x64x128xf32, #tpu.memory_space<vmem>> -> memref<1x64x128xf32, #tpu.memory_space<vmem>>
    %dma_wait3A_107 = tpu.memref_squeeze %dma_wait3A_106 : memref<1x64x128xf32, #tpu.memory_space<vmem>> -> memref<64x128xf32, #tpu.memory_space<vmem>>
    %dma_wait3A_108 = arith.constant 0 : i32
    %dma_wait3A_109 = arith.constant 0 : i32
    %dma_wait3A_110 = tpu.memref_slice %arg3[%dma_wait3A_108, %dma_wait3A_109] : memref<40960x128xf32, #tpu.memory_space<hbm>> -> memref<64x128xf32, #tpu.memory_space<hbm>>
    tpu.wait_dma2 semaphore(%arg18 : memref<!tpu.dma_semaphore, #tpu.memory_space<semaphore_mem>>) src(%dma_wait3A_110 : memref<64x128xf32, #tpu.memory_space<hbm>>) dst(%dma_wait3A_107 : memref<64x128xf32, #tpu.memory_space<vmem>>)
    %barrier3A_111 = arith.constant 0 : index
    tpu.barrier barrier_id(%barrier3A_111)
    %add3A_112 = arith.constant 0 : i32
    %add3A_113 = arith.addi %mul3A_8, %add3A_112 : i32
    "tpu.region"() ({
      %run_scoped3A = tpu.sem_alloc : memref<!tpu.dma_semaphore, #tpu.memory_space<semaphore_mem>>
      %dma_start3A_122 = arith.constant 0 : i32
      %dma_start3A_123 = tpu.memref_slice %arg7[%add3A_113, %dma_start3A_122] : memref<10240x64xf32, #tpu.memory_space<vmem_shared>> -> memref<128x64xf32, #tpu.memory_space<vmem_shared>>
      %dma_start3A_124 = arith.constant 0 : i32
      %dma_start3A_125 = tpu.memref_slice %arg7[%add3A_113, %dma_start3A_124] : memref<10240x64xf32, #tpu.memory_space<vmem_shared>> -> memref<128x64xf32, #tpu.memory_space<vmem_shared>>
      tpu.enqueue_dma source(%dma_start3A_125 : memref<128x64xf32, #tpu.memory_space<vmem_shared>>) target(%arg13 : memref<128x64xf32, #tpu.memory_space<vmem>>) target_semaphore(%run_scoped3A : memref<!tpu.dma_semaphore, #tpu.memory_space<semaphore_mem>>)
      %dma_wait3A_126 = arith.constant 0 : i32
      %dma_wait3A_127 = tpu.memref_slice %arg7[%add3A_113, %dma_wait3A_126] : memref<10240x64xf32, #tpu.memory_space<vmem_shared>> -> memref<128x64xf32, #tpu.memory_space<vmem_shared>>
      %dma_wait3A_128 = arith.constant 0 : i32
      %dma_wait3A_129 = tpu.memref_slice %arg7[%add3A_113, %dma_wait3A_128] : memref<10240x64xf32, #tpu.memory_space<vmem_shared>> -> memref<128x64xf32, #tpu.memory_space<vmem_shared>>
      tpu.wait_dma2 semaphore(%run_scoped3A : memref<!tpu.dma_semaphore, #tpu.memory_space<semaphore_mem>>) src(%dma_wait3A_129 : memref<128x64xf32, #tpu.memory_space<vmem_shared>>) dst(%arg13 : memref<128x64xf32, #tpu.memory_space<vmem>>)
      tpu.yield
    }) : () -> ()
    "tpu.region"() ({
      %run_scoped3A = tpu.sem_alloc : memref<!tpu.dma_semaphore, #tpu.memory_space<semaphore_mem>>
      %dma_start3A_122 = arith.constant 0 : i32
      %dma_start3A_123 = tpu.memref_slice %arg6[%arg0, %add3A_113, %dma_start3A_122] : memref<2x10240x64xf32, #tpu.memory_space<hbm>> -> memref<1x128x64xf32, #tpu.memory_space<hbm>>
      %dma_start3A_124 = tpu.memref_squeeze %dma_start3A_123 : memref<1x128x64xf32, #tpu.memory_space<hbm>> -> memref<128x64xf32, #tpu.memory_space<hbm>>
      %dma_start3A_125 = arith.constant 0 : i32
      %dma_start3A_126 = tpu.memref_slice %arg6[%arg0, %add3A_113, %dma_start3A_125] : memref<2x10240x64xf32, #tpu.memory_space<hbm>> -> memref<1x128x64xf32, #tpu.memory_space<hbm>>
      %dma_start3A_127 = tpu.memref_squeeze %dma_start3A_126 : memref<1x128x64xf32, #tpu.memory_space<hbm>> -> memref<128x64xf32, #tpu.memory_space<hbm>>
      tpu.enqueue_dma source(%arg13 : memref<128x64xf32, #tpu.memory_space<vmem>>) target(%dma_start3A_127 : memref<128x64xf32, #tpu.memory_space<hbm>>) target_semaphore(%run_scoped3A : memref<!tpu.dma_semaphore, #tpu.memory_space<semaphore_mem>>)
      %dma_wait3A_128 = arith.constant 0 : i32
      %dma_wait3A_129 = tpu.memref_slice %arg6[%arg0, %add3A_113, %dma_wait3A_128] : memref<2x10240x64xf32, #tpu.memory_space<hbm>> -> memref<1x128x64xf32, #tpu.memory_space<hbm>>
      %dma_wait3A_130 = tpu.memref_squeeze %dma_wait3A_129 : memref<1x128x64xf32, #tpu.memory_space<hbm>> -> memref<128x64xf32, #tpu.memory_space<hbm>>
      %dma_wait3A_131 = arith.constant 0 : i32
      %dma_wait3A_132 = tpu.memref_slice %arg6[%arg0, %add3A_113, %dma_wait3A_131] : memref<2x10240x64xf32, #tpu.memory_space<hbm>> -> memref<1x128x64xf32, #tpu.memory_space<hbm>>
      %dma_wait3A_133 = tpu.memref_squeeze %dma_wait3A_132 : memref<1x128x64xf32, #tpu.memory_space<hbm>> -> memref<128x64xf32, #tpu.memory_space<hbm>>
      tpu.wait_dma2 semaphore(%run_scoped3A : memref<!tpu.dma_semaphore, #tpu.memory_space<semaphore_mem>>) src(%arg13 : memref<128x64xf32, #tpu.memory_space<vmem>>) dst(%dma_wait3A_133 : memref<128x64xf32, #tpu.memory_space<hbm>>)
      tpu.yield
    }) : () -> ()
    %add3A_114 = arith.constant 128 : i32
    %add3A_115 = arith.addi %mul3A_8, %add3A_114 : i32
    "tpu.region"() ({
      %run_scoped3A = tpu.sem_alloc : memref<!tpu.dma_semaphore, #tpu.memory_space<semaphore_mem>>
      %dma_start3A_122 = arith.constant 0 : i32
      %dma_start3A_123 = tpu.memref_slice %arg7[%add3A_115, %dma_start3A_122] : memref<10240x64xf32, #tpu.memory_space<vmem_shared>> -> memref<128x64xf32, #tpu.memory_space<vmem_shared>>
      %dma_start3A_124 = arith.constant 0 : i32
      %dma_start3A_125 = tpu.memref_slice %arg7[%add3A_115, %dma_start3A_124] : memref<10240x64xf32, #tpu.memory_space<vmem_shared>> -> memref<128x64xf32, #tpu.memory_space<vmem_shared>>
      tpu.enqueue_dma source(%dma_start3A_125 : memref<128x64xf32, #tpu.memory_space<vmem_shared>>) target(%arg13 : memref<128x64xf32, #tpu.memory_space<vmem>>) target_semaphore(%run_scoped3A : memref<!tpu.dma_semaphore, #tpu.memory_space<semaphore_mem>>)
      %dma_wait3A_126 = arith.constant 0 : i32
      %dma_wait3A_127 = tpu.memref_slice %arg7[%add3A_115, %dma_wait3A_126] : memref<10240x64xf32, #tpu.memory_space<vmem_shared>> -> memref<128x64xf32, #tpu.memory_space<vmem_shared>>
      %dma_wait3A_128 = arith.constant 0 : i32
      %dma_wait3A_129 = tpu.memref_slice %arg7[%add3A_115, %dma_wait3A_128] : memref<10240x64xf32, #tpu.memory_space<vmem_shared>> -> memref<128x64xf32, #tpu.memory_space<vmem_shared>>
      tpu.wait_dma2 semaphore(%run_scoped3A : memref<!tpu.dma_semaphore, #tpu.memory_space<semaphore_mem>>) src(%dma_wait3A_129 : memref<128x64xf32, #tpu.memory_space<vmem_shared>>) dst(%arg13 : memref<128x64xf32, #tpu.memory_space<vmem>>)
      tpu.yield
    }) : () -> ()
    "tpu.region"() ({
      %run_scoped3A = tpu.sem_alloc : memref<!tpu.dma_semaphore, #tpu.memory_space<semaphore_mem>>
      %dma_start3A_122 = arith.constant 0 : i32
      %dma_start3A_123 = tpu.memref_slice %arg6[%arg0, %add3A_115, %dma_start3A_122] : memref<2x10240x64xf32, #tpu.memory_space<hbm>> -> memref<1x128x64xf32, #tpu.memory_space<hbm>>
      %dma_start3A_124 = tpu.memref_squeeze %dma_start3A_123 : memref<1x128x64xf32, #tpu.memory_space<hbm>> -> memref<128x64xf32, #tpu.memory_space<hbm>>
      %dma_start3A_125 = arith.constant 0 : i32
      %dma_start3A_126 = tpu.memref_slice %arg6[%arg0, %add3A_115, %dma_start3A_125] : memref<2x10240x64xf32, #tpu.memory_space<hbm>> -> memref<1x128x64xf32, #tpu.memory_space<hbm>>
      %dma_start3A_127 = tpu.memref_squeeze %dma_start3A_126 : memref<1x128x64xf32, #tpu.memory_space<hbm>> -> memref<128x64xf32, #tpu.memory_space<hbm>>
      tpu.enqueue_dma source(%arg13 : memref<128x64xf32, #tpu.memory_space<vmem>>) target(%dma_start3A_127 : memref<128x64xf32, #tpu.memory_space<hbm>>) target_semaphore(%run_scoped3A : memref<!tpu.dma_semaphore, #tpu.memory_space<semaphore_mem>>)
      %dma_wait3A_128 = arith.constant 0 : i32
      %dma_wait3A_129 = tpu.memref_slice %arg6[%arg0, %add3A_115, %dma_wait3A_128] : memref<2x10240x64xf32, #tpu.memory_space<hbm>> -> memref<1x128x64xf32, #tpu.memory_space<hbm>>
      %dma_wait3A_130 = tpu.memref_squeeze %dma_wait3A_129 : memref<1x128x64xf32, #tpu.memory_space<hbm>> -> memref<128x64xf32, #tpu.memory_space<hbm>>
      %dma_wait3A_131 = arith.constant 0 : i32
      %dma_wait3A_132 = tpu.memref_slice %arg6[%arg0, %add3A_115, %dma_wait3A_131] : memref<2x10240x64xf32, #tpu.memory_space<hbm>> -> memref<1x128x64xf32, #tpu.memory_space<hbm>>
      %dma_wait3A_133 = tpu.memref_squeeze %dma_wait3A_132 : memref<1x128x64xf32, #tpu.memory_space<hbm>> -> memref<128x64xf32, #tpu.memory_space<hbm>>
      tpu.wait_dma2 semaphore(%run_scoped3A : memref<!tpu.dma_semaphore, #tpu.memory_space<semaphore_mem>>) src(%arg13 : memref<128x64xf32, #tpu.memory_space<vmem>>) dst(%dma_wait3A_133 : memref<128x64xf32, #tpu.memory_space<hbm>>)
      tpu.yield
    }) : () -> ()
    %add3A_116 = arith.constant 256 : i32
    %add3A_117 = arith.addi %mul3A_8, %add3A_116 : i32
    "tpu.region"() ({
      %run_scoped3A = tpu.sem_alloc : memref<!tpu.dma_semaphore, #tpu.memory_space<semaphore_mem>>
      %dma_start3A_122 = arith.constant 0 : i32
      %dma_start3A_123 = tpu.memref_slice %arg7[%add3A_117, %dma_start3A_122] : memref<10240x64xf32, #tpu.memory_space<vmem_shared>> -> memref<128x64xf32, #tpu.memory_space<vmem_shared>>
      %dma_start3A_124 = arith.constant 0 : i32
      %dma_start3A_125 = tpu.memref_slice %arg7[%add3A_117, %dma_start3A_124] : memref<10240x64xf32, #tpu.memory_space<vmem_shared>> -> memref<128x64xf32, #tpu.memory_space<vmem_shared>>
      tpu.enqueue_dma source(%dma_start3A_125 : memref<128x64xf32, #tpu.memory_space<vmem_shared>>) target(%arg13 : memref<128x64xf32, #tpu.memory_space<vmem>>) target_semaphore(%run_scoped3A : memref<!tpu.dma_semaphore, #tpu.memory_space<semaphore_mem>>)
      %dma_wait3A_126 = arith.constant 0 : i32
      %dma_wait3A_127 = tpu.memref_slice %arg7[%add3A_117, %dma_wait3A_126] : memref<10240x64xf32, #tpu.memory_space<vmem_shared>> -> memref<128x64xf32, #tpu.memory_space<vmem_shared>>
      %dma_wait3A_128 = arith.constant 0 : i32
      %dma_wait3A_129 = tpu.memref_slice %arg7[%add3A_117, %dma_wait3A_128] : memref<10240x64xf32, #tpu.memory_space<vmem_shared>> -> memref<128x64xf32, #tpu.memory_space<vmem_shared>>
      tpu.wait_dma2 semaphore(%run_scoped3A : memref<!tpu.dma_semaphore, #tpu.memory_space<semaphore_mem>>) src(%dma_wait3A_129 : memref<128x64xf32, #tpu.memory_space<vmem_shared>>) dst(%arg13 : memref<128x64xf32, #tpu.memory_space<vmem>>)
      tpu.yield
    }) : () -> ()
    "tpu.region"() ({
      %run_scoped3A = tpu.sem_alloc : memref<!tpu.dma_semaphore, #tpu.memory_space<semaphore_mem>>
      %dma_start3A_122 = arith.constant 0 : i32
      %dma_start3A_123 = tpu.memref_slice %arg6[%arg0, %add3A_117, %dma_start3A_122] : memref<2x10240x64xf32, #tpu.memory_space<hbm>> -> memref<1x128x64xf32, #tpu.memory_space<hbm>>
      %dma_start3A_124 = tpu.memref_squeeze %dma_start3A_123 : memref<1x128x64xf32, #tpu.memory_space<hbm>> -> memref<128x64xf32, #tpu.memory_space<hbm>>
      %dma_start3A_125 = arith.constant 0 : i32
      %dma_start3A_126 = tpu.memref_slice %arg6[%arg0, %add3A_117, %dma_start3A_125] : memref<2x10240x64xf32, #tpu.memory_space<hbm>> -> memref<1x128x64xf32, #tpu.memory_space<hbm>>
      %dma_start3A_127 = tpu.memref_squeeze %dma_start3A_126 : memref<1x128x64xf32, #tpu.memory_space<hbm>> -> memref<128x64xf32, #tpu.memory_space<hbm>>
      tpu.enqueue_dma source(%arg13 : memref<128x64xf32, #tpu.memory_space<vmem>>) target(%dma_start3A_127 : memref<128x64xf32, #tpu.memory_space<hbm>>) target_semaphore(%run_scoped3A : memref<!tpu.dma_semaphore, #tpu.memory_space<semaphore_mem>>)
      %dma_wait3A_128 = arith.constant 0 : i32
      %dma_wait3A_129 = tpu.memref_slice %arg6[%arg0, %add3A_117, %dma_wait3A_128] : memref<2x10240x64xf32, #tpu.memory_space<hbm>> -> memref<1x128x64xf32, #tpu.memory_space<hbm>>
      %dma_wait3A_130 = tpu.memref_squeeze %dma_wait3A_129 : memref<1x128x64xf32, #tpu.memory_space<hbm>> -> memref<128x64xf32, #tpu.memory_space<hbm>>
      %dma_wait3A_131 = arith.constant 0 : i32
      %dma_wait3A_132 = tpu.memref_slice %arg6[%arg0, %add3A_117, %dma_wait3A_131] : memref<2x10240x64xf32, #tpu.memory_space<hbm>> -> memref<1x128x64xf32, #tpu.memory_space<hbm>>
      %dma_wait3A_133 = tpu.memref_squeeze %dma_wait3A_132 : memref<1x128x64xf32, #tpu.memory_space<hbm>> -> memref<128x64xf32, #tpu.memory_space<hbm>>
      tpu.wait_dma2 semaphore(%run_scoped3A : memref<!tpu.dma_semaphore, #tpu.memory_space<semaphore_mem>>) src(%arg13 : memref<128x64xf32, #tpu.memory_space<vmem>>) dst(%dma_wait3A_133 : memref<128x64xf32, #tpu.memory_space<hbm>>)
      tpu.yield
    }) : () -> ()
    %add3A_118 = arith.constant 384 : i32
    %add3A_119 = arith.addi %mul3A_8, %add3A_118 : i32
    "tpu.region"() ({
      %run_scoped3A = tpu.sem_alloc : memref<!tpu.dma_semaphore, #tpu.memory_space<semaphore_mem>>
      %dma_start3A_122 = arith.constant 0 : i32
      %dma_start3A_123 = tpu.memref_slice %arg7[%add3A_119, %dma_start3A_122] : memref<10240x64xf32, #tpu.memory_space<vmem_shared>> -> memref<128x64xf32, #tpu.memory_space<vmem_shared>>
      %dma_start3A_124 = arith.constant 0 : i32
      %dma_start3A_125 = tpu.memref_slice %arg7[%add3A_119, %dma_start3A_124] : memref<10240x64xf32, #tpu.memory_space<vmem_shared>> -> memref<128x64xf32, #tpu.memory_space<vmem_shared>>
      tpu.enqueue_dma source(%dma_start3A_125 : memref<128x64xf32, #tpu.memory_space<vmem_shared>>) target(%arg13 : memref<128x64xf32, #tpu.memory_space<vmem>>) target_semaphore(%run_scoped3A : memref<!tpu.dma_semaphore, #tpu.memory_space<semaphore_mem>>)
      %dma_wait3A_126 = arith.constant 0 : i32
      %dma_wait3A_127 = tpu.memref_slice %arg7[%add3A_119, %dma_wait3A_126] : memref<10240x64xf32, #tpu.memory_space<vmem_shared>> -> memref<128x64xf32, #tpu.memory_space<vmem_shared>>
      %dma_wait3A_128 = arith.constant 0 : i32
      %dma_wait3A_129 = tpu.memref_slice %arg7[%add3A_119, %dma_wait3A_128] : memref<10240x64xf32, #tpu.memory_space<vmem_shared>> -> memref<128x64xf32, #tpu.memory_space<vmem_shared>>
      tpu.wait_dma2 semaphore(%run_scoped3A : memref<!tpu.dma_semaphore, #tpu.memory_space<semaphore_mem>>) src(%dma_wait3A_129 : memref<128x64xf32, #tpu.memory_space<vmem_shared>>) dst(%arg13 : memref<128x64xf32, #tpu.memory_space<vmem>>)
      tpu.yield
    }) : () -> ()
    "tpu.region"() ({
      %run_scoped3A = tpu.sem_alloc : memref<!tpu.dma_semaphore, #tpu.memory_space<semaphore_mem>>
      %dma_start3A_122 = arith.constant 0 : i32
      %dma_start3A_123 = tpu.memref_slice %arg6[%arg0, %add3A_119, %dma_start3A_122] : memref<2x10240x64xf32, #tpu.memory_space<hbm>> -> memref<1x128x64xf32, #tpu.memory_space<hbm>>
      %dma_start3A_124 = tpu.memref_squeeze %dma_start3A_123 : memref<1x128x64xf32, #tpu.memory_space<hbm>> -> memref<128x64xf32, #tpu.memory_space<hbm>>
      %dma_start3A_125 = arith.constant 0 : i32
      %dma_start3A_126 = tpu.memref_slice %arg6[%arg0, %add3A_119, %dma_start3A_125] : memref<2x10240x64xf32, #tpu.memory_space<hbm>> -> memref<1x128x64xf32, #tpu.memory_space<hbm>>
      %dma_start3A_127 = tpu.memref_squeeze %dma_start3A_126 : memref<1x128x64xf32, #tpu.memory_space<hbm>> -> memref<128x64xf32, #tpu.memory_space<hbm>>
      tpu.enqueue_dma source(%arg13 : memref<128x64xf32, #tpu.memory_space<vmem>>) target(%dma_start3A_127 : memref<128x64xf32, #tpu.memory_space<hbm>>) target_semaphore(%run_scoped3A : memref<!tpu.dma_semaphore, #tpu.memory_space<semaphore_mem>>)
      %dma_wait3A_128 = arith.constant 0 : i32
      %dma_wait3A_129 = tpu.memref_slice %arg6[%arg0, %add3A_119, %dma_wait3A_128] : memref<2x10240x64xf32, #tpu.memory_space<hbm>> -> memref<1x128x64xf32, #tpu.memory_space<hbm>>
      %dma_wait3A_130 = tpu.memref_squeeze %dma_wait3A_129 : memref<1x128x64xf32, #tpu.memory_space<hbm>> -> memref<128x64xf32, #tpu.memory_space<hbm>>
      %dma_wait3A_131 = arith.constant 0 : i32
      %dma_wait3A_132 = tpu.memref_slice %arg6[%arg0, %add3A_119, %dma_wait3A_131] : memref<2x10240x64xf32, #tpu.memory_space<hbm>> -> memref<1x128x64xf32, #tpu.memory_space<hbm>>
      %dma_wait3A_133 = tpu.memref_squeeze %dma_wait3A_132 : memref<1x128x64xf32, #tpu.memory_space<hbm>> -> memref<128x64xf32, #tpu.memory_space<hbm>>
      tpu.wait_dma2 semaphore(%run_scoped3A : memref<!tpu.dma_semaphore, #tpu.memory_space<semaphore_mem>>) src(%arg13 : memref<128x64xf32, #tpu.memory_space<vmem>>) dst(%dma_wait3A_133 : memref<128x64xf32, #tpu.memory_space<hbm>>)
      tpu.yield
    }) : () -> ()
    %add3A_120 = arith.constant 512 : i32
    %add3A_121 = arith.addi %mul3A_8, %add3A_120 : i32
    "tpu.region"() ({
      %run_scoped3A = tpu.sem_alloc : memref<!tpu.dma_semaphore, #tpu.memory_space<semaphore_mem>>
      %dma_start3A_122 = arith.constant 0 : i32
      %dma_start3A_123 = tpu.memref_slice %arg7[%add3A_121, %dma_start3A_122] : memref<10240x64xf32, #tpu.memory_space<vmem_shared>> -> memref<128x64xf32, #tpu.memory_space<vmem_shared>>
      %dma_start3A_124 = arith.constant 0 : i32
      %dma_start3A_125 = tpu.memref_slice %arg7[%add3A_121, %dma_start3A_124] : memref<10240x64xf32, #tpu.memory_space<vmem_shared>> -> memref<128x64xf32, #tpu.memory_space<vmem_shared>>
      tpu.enqueue_dma source(%dma_start3A_125 : memref<128x64xf32, #tpu.memory_space<vmem_shared>>) target(%arg13 : memref<128x64xf32, #tpu.memory_space<vmem>>) target_semaphore(%run_scoped3A : memref<!tpu.dma_semaphore, #tpu.memory_space<semaphore_mem>>)
      %dma_wait3A_126 = arith.constant 0 : i32
      %dma_wait3A_127 = tpu.memref_slice %arg7[%add3A_121, %dma_wait3A_126] : memref<10240x64xf32, #tpu.memory_space<vmem_shared>> -> memref<128x64xf32, #tpu.memory_space<vmem_shared>>
      %dma_wait3A_128 = arith.constant 0 : i32
      %dma_wait3A_129 = tpu.memref_slice %arg7[%add3A_121, %dma_wait3A_128] : memref<10240x64xf32, #tpu.memory_space<vmem_shared>> -> memref<128x64xf32, #tpu.memory_space<vmem_shared>>
      tpu.wait_dma2 semaphore(%run_scoped3A : memref<!tpu.dma_semaphore, #tpu.memory_space<semaphore_mem>>) src(%dma_wait3A_129 : memref<128x64xf32, #tpu.memory_space<vmem_shared>>) dst(%arg13 : memref<128x64xf32, #tpu.memory_space<vmem>>)
      tpu.yield
    }) : () -> ()
    "tpu.region"() ({
      %run_scoped3A = tpu.sem_alloc : memref<!tpu.dma_semaphore, #tpu.memory_space<semaphore_mem>>
      %dma_start3A_122 = arith.constant 0 : i32
      %dma_start3A_123 = tpu.memref_slice %arg6[%arg0, %add3A_121, %dma_start3A_122] : memref<2x10240x64xf32, #tpu.memory_space<hbm>> -> memref<1x128x64xf32, #tpu.memory_space<hbm>>
      %dma_start3A_124 = tpu.memref_squeeze %dma_start3A_123 : memref<1x128x64xf32, #tpu.memory_space<hbm>> -> memref<128x64xf32, #tpu.memory_space<hbm>>
      %dma_start3A_125 = arith.constant 0 : i32
      %dma_start3A_126 = tpu.memref_slice %arg6[%arg0, %add3A_121, %dma_start3A_125] : memref<2x10240x64xf32, #tpu.memory_space<hbm>> -> memref<1x128x64xf32, #tpu.memory_space<hbm>>
      %dma_start3A_127 = tpu.memref_squeeze %dma_start3A_126 : memref<1x128x64xf32, #tpu.memory_space<hbm>> -> memref<128x64xf32, #tpu.memory_space<hbm>>
      tpu.enqueue_dma source(%arg13 : memref<128x64xf32, #tpu.memory_space<vmem>>) target(%dma_start3A_127 : memref<128x64xf32, #tpu.memory_space<hbm>>) target_semaphore(%run_scoped3A : memref<!tpu.dma_semaphore, #tpu.memory_space<semaphore_mem>>)
      %dma_wait3A_128 = arith.constant 0 : i32
      %dma_wait3A_129 = tpu.memref_slice %arg6[%arg0, %add3A_121, %dma_wait3A_128] : memref<2x10240x64xf32, #tpu.memory_space<hbm>> -> memref<1x128x64xf32, #tpu.memory_space<hbm>>
      %dma_wait3A_130 = tpu.memref_squeeze %dma_wait3A_129 : memref<1x128x64xf32, #tpu.memory_space<hbm>> -> memref<128x64xf32, #tpu.memory_space<hbm>>
      %dma_wait3A_131 = arith.constant 0 : i32
      %dma_wait3A_132 = tpu.memref_slice %arg6[%arg0, %add3A_121, %dma_wait3A_131] : memref<2x10240x64xf32, #tpu.memory_space<hbm>> -> memref<1x128x64xf32, #tpu.memory_space<hbm>>
      %dma_wait3A_133 = tpu.memref_squeeze %dma_wait3A_132 : memref<1x128x64xf32, #tpu.memory_space<hbm>> -> memref<128x64xf32, #tpu.memory_space<hbm>>
      tpu.wait_dma2 semaphore(%run_scoped3A : memref<!tpu.dma_semaphore, #tpu.memory_space<semaphore_mem>>) src(%arg13 : memref<128x64xf32, #tpu.memory_space<vmem>>) dst(%dma_wait3A_133 : memref<128x64xf32, #tpu.memory_space<hbm>>)
      tpu.yield
    }) : () -> ()
    return
  }
}

module attributes {stable_mosaic.version = 14 : i64} {
  func.func @_h_body(%arg0: i32, %arg1: memref<1000x128xf32, #tpu.memory_space<vmem>>, %arg2: memref<128x64xf32, #tpu.memory_space<vmem>>, %arg3: memref<1000x64xf32, #tpu.memory_space<vmem>>) attributes {dimension_semantics = [#tpu.dimension_semantics<arbitrary>], iteration_bounds = array<i64: 10>, scalar_prefetch = 0 : i64, scratch_operands = 0 : i64, tpu.core_type = #tpu.core_type<tc>, window_params = [{transform_indices = @transform_0, window_bounds = array<i64: 1000, 128>}, {pipeline_mode = #tpu.pipeline_mode<synchronous>, transform_indices = @transform_1, window_bounds = array<i64: 128, 64>}, {transform_indices = @transform_2, window_bounds = array<i64: 1000, 64>}]} {
    %get3A = arith.constant 0 : index
    %get3A_0 = arith.constant 0 : index
    %get3A_1 = vector.load %arg1[%get3A, %get3A_0] : memref<1000x128xf32, #tpu.memory_space<vmem>>, vector<1000x128xf32>
    %get3A_2 = arith.constant 0 : index
    %get3A_3 = arith.constant 0 : index
    %get3A_4 = vector.load %arg2[%get3A_2, %get3A_3] : memref<128x64xf32, #tpu.memory_space<vmem>>, vector<128x64xf32>
    %dot_general3A = arith.constant dense<0.000000e+00> : vector<1000x64xf32>
    %dot_general3A_5 = tpu.matmul %get3A_1, %get3A_4, %dot_general3A {dimension_numbers = #tpu.dot_dimension_numbers<[1], [0], [0], [1], [0, 0, 1, 1], [], []>, transpose_lhs_hint = false} : vector<1000x128xf32>, vector<128x64xf32>, vector<1000x64xf32> -> vector<1000x64xf32>
    %swap3A = arith.constant 0 : index
    %swap3A_6 = arith.constant 0 : index
    %swap3A_7 = vector.load %arg3[%swap3A, %swap3A_6] : memref<1000x64xf32, #tpu.memory_space<vmem>>, vector<1000x64xf32>
    tpu.vector_store %arg3[%swap3A, %swap3A_6], %dot_general3A_5 {strides = array<i32>} : memref<1000x64xf32, #tpu.memory_space<vmem>>, vector<1000x64xf32>,
    return
  }
  func.func @transform_0(%arg0: i32) -> (i32, i32) {
    %c0_i32 = arith.constant 0 : i32
    %c0_i32_0 = arith.constant 0 : i32
    return %arg0, %c0_i32 : i32, i32
  }
  func.func @transform_1(%arg0: i32) -> (i32, i32) {
    %c0_i32 = arith.constant 0 : i32
    %c0_i32_0 = arith.constant 0 : i32
    %c0_i32_1 = arith.constant 0 : i32
    return %c0_i32, %c0_i32_0 : i32, i32
  }
  func.func @transform_2(%arg0: i32) -> (i32, i32) {
    %c0_i32 = arith.constant 0 : i32
    %c0_i32_0 = arith.constant 0 : i32
    return %arg0, %c0_i32 : i32, i32
  }
}

module attributes {stable_mosaic.version = 14 : i64} {
  func.func @_filter_body(%arg0: i32, %arg1: memref<2048xf32, #tpu.memory_space<vmem>>, %arg2: memref<64x50xf32, #tpu.memory_space<vmem>>, %arg3: memref<64x1xf32, #tpu.memory_space<vmem>>, %arg4: memref<64x64xf32, #tpu.memory_space<vmem>>, %arg5: memref<64x1xf32, #tpu.memory_space<vmem>>, %arg6: memref<1024x128xf32, #tpu.memory_space<vmem>>) attributes {dimension_semantics = [#tpu.dimension_semantics<arbitrary>], iteration_bounds = array<i64: 120>, scalar_prefetch = 0 : i64, scratch_operands = 0 : i64, tpu.core_type = #tpu.core_type<tc>, window_params = [{transform_indices = @transform_0, window_bounds = array<i64: 2048>}, {pipeline_mode = #tpu.pipeline_mode<synchronous>, transform_indices = @transform_1, window_bounds = array<i64: 64, 50>}, {pipeline_mode = #tpu.pipeline_mode<synchronous>, transform_indices = @transform_2, window_bounds = array<i64: 64, 1>}, {pipeline_mode = #tpu.pipeline_mode<synchronous>, transform_indices = @transform_3, window_bounds = array<i64: 64, 64>}, {pipeline_mode = #tpu.pipeline_mode<synchronous>, transform_indices = @transform_4, window_bounds = array<i64: 64, 1>}, {transform_indices = @transform_5, window_bounds = array<i64: 1024, 128>}]} {
    %add3A = arith.constant 40 : i32
    %add3A_0 = arith.addi %arg0, %add3A : i32
    %mul3A = arith.constant 2048 : i32
    %mul3A_1 = arith.muli %add3A_0, %mul3A : i32
    %iota3A = tpu.iota {dimensions = array<i32: 1>} : vector<1x2048xi32>
    %add3A_2 = vector.broadcast %mul3A_1 : i32 to vector<1x2048xi32>
    %add3A_3 = arith.addi %add3A_2, %iota3A : vector<1x2048xi32>
    %lt3A = arith.constant 320000 : i32
    %lt3A_4 = vector.broadcast %lt3A : i32 to vector<1x2048xi32>
    %lt3A_5 = arith.cmpi slt, %add3A_3, %lt3A_4 : vector<1x2048xi32>
    %get3A = arith.constant 0 : index
    %get3A_6 = vector.load %arg1[%get3A] : memref<2048xf32, #tpu.memory_space<vmem>>, vector<2048xf32>
    %reshape3A = vector.shape_cast %get3A_6 : vector<2048xf32> to vector<1x2048xf32>
    %jit3A = arith.constant 0.000000e+00 : f32
    %broadcast_in_dim3A = vector.broadcast %jit3A : f32 to vector<1x2048xf32>
    %select_n3A = arith.select %lt3A_5, %reshape3A, %broadcast_in_dim3A : vector<1x2048xi1>, vector<1x2048xf32>
    %add3A_7 = arith.constant 9.99999996E-13 : f32
    %add3A_8 = vector.broadcast %add3A_7 : f32 to vector<1x2048xf32>
    %add3A_9 = arith.addf %select_n3A, %add3A_8 : vector<1x2048xf32>
    %sqrt3A = math.sqrt %add3A_9 : vector<1x2048xf32>
    %mul3A_10 = arith.constant 0.314159274 : f32
    %mul3A_11 = vector.broadcast %mul3A_10 : f32 to vector<1x2048xf32>
    %mul3A_12 = arith.mulf %sqrt3A, %mul3A_11 : vector<1x2048xf32>
    %cos3A = math.cos %mul3A_12 : vector<1x2048xf32>
    %add3A_13 = arith.constant 1.000000e+00 : f32
    %add3A_14 = vector.broadcast %add3A_13 : f32 to vector<1x2048xf32>
    %add3A_15 = arith.addf %cos3A, %add3A_14 : vector<1x2048xf32>
    %mul3A_16 = arith.constant 5.000000e-01 : f32
    %mul3A_17 = vector.broadcast %mul3A_16 : f32 to vector<1x2048xf32>
    %mul3A_18 = arith.mulf %mul3A_17, %add3A_15 : vector<1x2048xf32>
    %iota3A_19 = tpu.iota {dimensions = array<i32: 0>} : vector<50x2048xi32>
    %convert_element_type3A = arith.sitofp %iota3A_19 : vector<50x2048xi32> to vector<50x2048xf32>
    %mul3A_20 = arith.constant 0.20408164 : f32
    %mul3A_21 = vector.broadcast %mul3A_20 : f32 to vector<50x2048xf32>
    %mul3A_22 = arith.mulf %convert_element_type3A, %mul3A_21 : vector<50x2048xf32>
    %sub3A = vector.broadcast %sqrt3A : vector<1x2048xf32> to vector<50x2048xf32>
    %sub3A_23 = arith.subf %sub3A, %mul3A_22 : vector<50x2048xf32>
    %mul3A_24 = arith.constant -1.200500e+01 : f32
    %mul3A_25 = vector.broadcast %mul3A_24 : f32 to vector<50x2048xf32>
    %mul3A_26 = arith.mulf %mul3A_25, %sub3A_23 : vector<50x2048xf32>
    %mul3A_27 = arith.mulf %mul3A_26, %sub3A_23 : vector<50x2048xf32>
    %exp3A = math.exp %mul3A_27 : vector<50x2048xf32>
    %get3A_28 = arith.constant 0 : index
    %get3A_29 = arith.constant 0 : index
    %get3A_30 = vector.load %arg2[%get3A_28, %get3A_29] : memref<64x50xf32, #tpu.memory_space<vmem>>, vector<64x50xf32>
    %dot_general3A = arith.constant dense<0.000000e+00> : vector<64x2048xf32>
    %dot_general3A_31 = tpu.matmul %get3A_30, %exp3A, %dot_general3A {dimension_numbers = #tpu.dot_dimension_numbers<[1], [0], [0], [1], [0, 0, 1, 1], [], []>, transpose_lhs_hint = false} : vector<64x50xf32>, vector<50x2048xf32>, vector<64x2048xf32> -> vector<64x2048xf32>
    %get3A_32 = arith.constant 0 : index
    %get3A_33 = arith.constant 0 : index
    %get3A_34 = vector.load %arg3[%get3A_32, %get3A_33] : memref<64x1xf32, #tpu.memory_space<vmem>>, vector<64x1xf32>
    %add3A_35 = vector.broadcast %get3A_34 : vector<64x1xf32> to vector<64x2048xf32>
    %add3A_36 = arith.addf %dot_general3A_31, %add3A_35 : vector<64x2048xf32>
    %max3A = arith.constant 0.000000e+00 : f32
    %max3A_37 = vector.broadcast %max3A : f32 to vector<64x2048xf32>
    %max3A_38 = arith.maximumf %add3A_36, %max3A_37 : vector<64x2048xf32>
    %abs3A = math.absf %add3A_36 : vector<64x2048xf32>
    %neg3A = arith.constant 0.000000e+00 : f32
    %neg3A_39 = vector.broadcast %neg3A : f32 to vector<64x2048xf32>
    %neg3A_40 = arith.subf %neg3A_39, %abs3A : vector<64x2048xf32>
    %exp3A_41 = math.exp %neg3A_40 : vector<64x2048xf32>
    %add3A_42 = arith.constant 1.000000e+00 : f32
    %add3A_43 = vector.broadcast %add3A_42 : f32 to vector<64x2048xf32>
    %add3A_44 = arith.addf %add3A_43, %exp3A_41 : vector<64x2048xf32>
    %log3A = math.log %add3A_44 : vector<64x2048xf32>
    %add3A_45 = arith.addf %max3A_38, %log3A : vector<64x2048xf32>
    %sub3A_46 = arith.constant 0.693147182 : f32
    %sub3A_47 = vector.broadcast %sub3A_46 : f32 to vector<64x2048xf32>
    %sub3A_48 = arith.subf %add3A_45, %sub3A_47 : vector<64x2048xf32>
    %get3A_49 = arith.constant 0 : index
    %get3A_50 = arith.constant 0 : index
    %get3A_51 = vector.load %arg4[%get3A_49, %get3A_50] : memref<64x64xf32, #tpu.memory_space<vmem>>, vector<64x64xf32>
    %dot_general3A_52 = arith.constant dense<0.000000e+00> : vector<64x2048xf32>
    %dot_general3A_53 = tpu.matmul %get3A_51, %sub3A_48, %dot_general3A_52 {dimension_numbers = #tpu.dot_dimension_numbers<[1], [0], [0], [1], [0, 0, 1, 1], [], []>, transpose_lhs_hint = false} : vector<64x64xf32>, vector<64x2048xf32>, vector<64x2048xf32> -> vector<64x2048xf32>
    %get3A_54 = arith.constant 0 : index
    %get3A_55 = arith.constant 0 : index
    %get3A_56 = vector.load %arg5[%get3A_54, %get3A_55] : memref<64x1xf32, #tpu.memory_space<vmem>>, vector<64x1xf32>
    %add3A_57 = vector.broadcast %get3A_56 : vector<64x1xf32> to vector<64x2048xf32>
    %add3A_58 = arith.addf %dot_general3A_53, %add3A_57 : vector<64x2048xf32>
    %jit3A_59 = arith.constant 0.000000e+00 : f32
    %broadcast_in_dim3A_60 = vector.broadcast %jit3A_59 : f32 to vector<1x2048xf32>
    %select_n3A_61 = arith.select %lt3A_5, %mul3A_18, %broadcast_in_dim3A_60 : vector<1x2048xi1>, vector<1x2048xf32>
    %mul3A_62 = vector.broadcast %select_n3A_61 : vector<1x2048xf32> to vector<64x2048xf32>
    %mul3A_63 = arith.mulf %add3A_58, %mul3A_62 : vector<64x2048xf32>
    %iota3A_64 = tpu.iota {dimensions = array<i32: 0>} : vector<64x64xi32>
    %iota3A_65 = tpu.iota {dimensions = array<i32: 1>} : vector<64x64xi32>
    %eq3A = arith.cmpi eq, %iota3A_64, %iota3A_65 : vector<64x64xi32>
    %convert_element_type3A_66 = arith.extui %eq3A : vector<64x64xi1> to vector<64x64xi32>
    %convert_element_type3A_67 = arith.sitofp %convert_element_type3A_66 : vector<64x64xi32> to vector<64x64xf32>
    %slice3A = vector.extract_strided_slice %mul3A_63 {offsets = [0, 0], sizes = [64, 1024], strides = [1, 1]} : vector<64x2048xf32> to vector<64x1024xf32>
    %dot_general3A_68 = arith.constant dense<0.000000e+00> : vector<1024x64xf32>
    %dot_general3A_69 = tpu.matmul %slice3A, %convert_element_type3A_67, %dot_general3A_68 {dimension_numbers = #tpu.dot_dimension_numbers<[0], [0], [1], [1], [0, 1, 1, 1], [], []>, transpose_lhs_hint = false} : vector<64x1024xf32>, vector<64x64xf32>, vector<1024x64xf32> -> vector<1024x64xf32>
    %slice3A_70 = vector.extract_strided_slice %mul3A_63 {offsets = [0, 1024], sizes = [64, 1024], strides = [1, 1]} : vector<64x2048xf32> to vector<64x1024xf32>
    %dot_general3A_71 = arith.constant dense<0.000000e+00> : vector<1024x64xf32>
    %dot_general3A_72 = tpu.matmul %slice3A_70, %convert_element_type3A_67, %dot_general3A_71 {dimension_numbers = #tpu.dot_dimension_numbers<[0], [0], [1], [1], [0, 1, 1, 1], [], []>, transpose_lhs_hint = false} : vector<64x1024xf32>, vector<64x64xf32>, vector<1024x64xf32> -> vector<1024x64xf32>
    %concatenate3A = tpu.concatenate %dot_general3A_69, %dot_general3A_72 in 1 : vector<1024x64xf32>, vector<1024x64xf32> -> vector<1024x128xf32>
    %swap3A = arith.constant 0 : index
    %swap3A_73 = arith.constant 0 : index
    %swap3A_74 = vector.load %arg6[%swap3A, %swap3A_73] : memref<1024x128xf32, #tpu.memory_space<vmem>>, vector<1024x128xf32>
    tpu.vector_store %arg6[%swap3A, %swap3A_73], %concatenate3A {strides = array<i32>} : memref<1024x128xf32, #tpu.memory_space<vmem>>, vector<1024x128xf32>,
    return
  }
  func.func @transform_0(%arg0: i32) -> i32 {
    %add3A = arith.constant 40 : i32
    %add3A_0 = arith.addi %arg0, %add3A : i32
    %c0_i32 = arith.constant 0 : i32
    return %add3A_0 : i32
  }
  func.func @transform_1(%arg0: i32) -> (i32, i32) {
    %c0_i32 = arith.constant 0 : i32
    %c0_i32_0 = arith.constant 0 : i32
    %c0_i32_1 = arith.constant 0 : i32
    return %c0_i32, %c0_i32_0 : i32, i32
  }
  func.func @transform_2(%arg0: i32) -> (i32, i32) {
    %c0_i32 = arith.constant 0 : i32
    %c0_i32_0 = arith.constant 0 : i32
    %c0_i32_1 = arith.constant 0 : i32
    return %c0_i32, %c0_i32_0 : i32, i32
  }
  func.func @transform_3(%arg0: i32) -> (i32, i32) {
    %c0_i32 = arith.constant 0 : i32
    %c0_i32_0 = arith.constant 0 : i32
    %c0_i32_1 = arith.constant 0 : i32
    return %c0_i32, %c0_i32_0 : i32, i32
  }
  func.func @transform_4(%arg0: i32) -> (i32, i32) {
    %c0_i32 = arith.constant 0 : i32
    %c0_i32_0 = arith.constant 0 : i32
    %c0_i32_1 = arith.constant 0 : i32
    return %c0_i32, %c0_i32_0 : i32, i32
  }
  func.func @transform_5(%arg0: i32) -> (i32, i32) {
    %c0_i32 = arith.constant 0 : i32
    %c0_i32_0 = arith.constant 0 : i32
    return %arg0, %c0_i32 : i32, i32
  }
}

module attributes {stable_mosaic.version = 14 : i64} {
  func.func @_filter_body(%arg0: i32, %arg1: memref<2048xf32, #tpu.memory_space<vmem>>, %arg2: memref<64x50xf32, #tpu.memory_space<vmem>>, %arg3: memref<64x1xf32, #tpu.memory_space<vmem>>, %arg4: memref<64x64xf32, #tpu.memory_space<vmem>>, %arg5: memref<64x1xf32, #tpu.memory_space<vmem>>, %arg6: memref<1024x128xf32, #tpu.memory_space<vmem>>) attributes {dimension_semantics = [#tpu.dimension_semantics<arbitrary>], iteration_bounds = array<i64: 40>, scalar_prefetch = 0 : i64, scratch_operands = 0 : i64, tpu.core_type = #tpu.core_type<tc>, window_params = [{transform_indices = @transform_0, window_bounds = array<i64: 2048>}, {pipeline_mode = #tpu.pipeline_mode<synchronous>, transform_indices = @transform_1, window_bounds = array<i64: 64, 50>}, {pipeline_mode = #tpu.pipeline_mode<synchronous>, transform_indices = @transform_2, window_bounds = array<i64: 64, 1>}, {pipeline_mode = #tpu.pipeline_mode<synchronous>, transform_indices = @transform_3, window_bounds = array<i64: 64, 64>}, {pipeline_mode = #tpu.pipeline_mode<synchronous>, transform_indices = @transform_4, window_bounds = array<i64: 64, 1>}, {transform_indices = @transform_5, window_bounds = array<i64: 1024, 128>}]} {
    %add3A = arith.constant 0 : i32
    %add3A_0 = arith.addi %arg0, %add3A : i32
    %mul3A = arith.constant 2048 : i32
    %mul3A_1 = arith.muli %add3A_0, %mul3A : i32
    %iota3A = tpu.iota {dimensions = array<i32: 1>} : vector<1x2048xi32>
    %add3A_2 = vector.broadcast %mul3A_1 : i32 to vector<1x2048xi32>
    %add3A_3 = arith.addi %add3A_2, %iota3A : vector<1x2048xi32>
    %lt3A = arith.constant 320000 : i32
    %lt3A_4 = vector.broadcast %lt3A : i32 to vector<1x2048xi32>
    %lt3A_5 = arith.cmpi slt, %add3A_3, %lt3A_4 : vector<1x2048xi32>
    %get3A = arith.constant 0 : index
    %get3A_6 = vector.load %arg1[%get3A] : memref<2048xf32, #tpu.memory_space<vmem>>, vector<2048xf32>
    %reshape3A = vector.shape_cast %get3A_6 : vector<2048xf32> to vector<1x2048xf32>
    %jit3A = arith.constant 0.000000e+00 : f32
    %broadcast_in_dim3A = vector.broadcast %jit3A : f32 to vector<1x2048xf32>
    %select_n3A = arith.select %lt3A_5, %reshape3A, %broadcast_in_dim3A : vector<1x2048xi1>, vector<1x2048xf32>
    %add3A_7 = arith.constant 9.99999996E-13 : f32
    %add3A_8 = vector.broadcast %add3A_7 : f32 to vector<1x2048xf32>
    %add3A_9 = arith.addf %select_n3A, %add3A_8 : vector<1x2048xf32>
    %sqrt3A = math.sqrt %add3A_9 : vector<1x2048xf32>
    %mul3A_10 = arith.constant 0.314159274 : f32
    %mul3A_11 = vector.broadcast %mul3A_10 : f32 to vector<1x2048xf32>
    %mul3A_12 = arith.mulf %sqrt3A, %mul3A_11 : vector<1x2048xf32>
    %cos3A = math.cos %mul3A_12 : vector<1x2048xf32>
    %add3A_13 = arith.constant 1.000000e+00 : f32
    %add3A_14 = vector.broadcast %add3A_13 : f32 to vector<1x2048xf32>
    %add3A_15 = arith.addf %cos3A, %add3A_14 : vector<1x2048xf32>
    %mul3A_16 = arith.constant 5.000000e-01 : f32
    %mul3A_17 = vector.broadcast %mul3A_16 : f32 to vector<1x2048xf32>
    %mul3A_18 = arith.mulf %mul3A_17, %add3A_15 : vector<1x2048xf32>
    %iota3A_19 = tpu.iota {dimensions = array<i32: 0>} : vector<50x2048xi32>
    %convert_element_type3A = arith.sitofp %iota3A_19 : vector<50x2048xi32> to vector<50x2048xf32>
    %mul3A_20 = arith.constant 0.20408164 : f32
    %mul3A_21 = vector.broadcast %mul3A_20 : f32 to vector<50x2048xf32>
    %mul3A_22 = arith.mulf %convert_element_type3A, %mul3A_21 : vector<50x2048xf32>
    %sub3A = vector.broadcast %sqrt3A : vector<1x2048xf32> to vector<50x2048xf32>
    %sub3A_23 = arith.subf %sub3A, %mul3A_22 : vector<50x2048xf32>
    %mul3A_24 = arith.constant -1.200500e+01 : f32
    %mul3A_25 = vector.broadcast %mul3A_24 : f32 to vector<50x2048xf32>
    %mul3A_26 = arith.mulf %mul3A_25, %sub3A_23 : vector<50x2048xf32>
    %mul3A_27 = arith.mulf %mul3A_26, %sub3A_23 : vector<50x2048xf32>
    %exp3A = math.exp %mul3A_27 : vector<50x2048xf32>
    %get3A_28 = arith.constant 0 : index
    %get3A_29 = arith.constant 0 : index
    %get3A_30 = vector.load %arg2[%get3A_28, %get3A_29] : memref<64x50xf32, #tpu.memory_space<vmem>>, vector<64x50xf32>
    %dot_general3A = arith.constant dense<0.000000e+00> : vector<64x2048xf32>
    %dot_general3A_31 = tpu.matmul %get3A_30, %exp3A, %dot_general3A {dimension_numbers = #tpu.dot_dimension_numbers<[1], [0], [0], [1], [0, 0, 1, 1], [], []>, transpose_lhs_hint = false} : vector<64x50xf32>, vector<50x2048xf32>, vector<64x2048xf32> -> vector<64x2048xf32>
    %get3A_32 = arith.constant 0 : index
    %get3A_33 = arith.constant 0 : index
    %get3A_34 = vector.load %arg3[%get3A_32, %get3A_33] : memref<64x1xf32, #tpu.memory_space<vmem>>, vector<64x1xf32>
    %add3A_35 = vector.broadcast %get3A_34 : vector<64x1xf32> to vector<64x2048xf32>
    %add3A_36 = arith.addf %dot_general3A_31, %add3A_35 : vector<64x2048xf32>
    %max3A = arith.constant 0.000000e+00 : f32
    %max3A_37 = vector.broadcast %max3A : f32 to vector<64x2048xf32>
    %max3A_38 = arith.maximumf %add3A_36, %max3A_37 : vector<64x2048xf32>
    %abs3A = math.absf %add3A_36 : vector<64x2048xf32>
    %neg3A = arith.constant 0.000000e+00 : f32
    %neg3A_39 = vector.broadcast %neg3A : f32 to vector<64x2048xf32>
    %neg3A_40 = arith.subf %neg3A_39, %abs3A : vector<64x2048xf32>
    %exp3A_41 = math.exp %neg3A_40 : vector<64x2048xf32>
    %add3A_42 = arith.constant 1.000000e+00 : f32
    %add3A_43 = vector.broadcast %add3A_42 : f32 to vector<64x2048xf32>
    %add3A_44 = arith.addf %add3A_43, %exp3A_41 : vector<64x2048xf32>
    %log3A = math.log %add3A_44 : vector<64x2048xf32>
    %add3A_45 = arith.addf %max3A_38, %log3A : vector<64x2048xf32>
    %sub3A_46 = arith.constant 0.693147182 : f32
    %sub3A_47 = vector.broadcast %sub3A_46 : f32 to vector<64x2048xf32>
    %sub3A_48 = arith.subf %add3A_45, %sub3A_47 : vector<64x2048xf32>
    %get3A_49 = arith.constant 0 : index
    %get3A_50 = arith.constant 0 : index
    %get3A_51 = vector.load %arg4[%get3A_49, %get3A_50] : memref<64x64xf32, #tpu.memory_space<vmem>>, vector<64x64xf32>
    %dot_general3A_52 = arith.constant dense<0.000000e+00> : vector<64x2048xf32>
    %dot_general3A_53 = tpu.matmul %get3A_51, %sub3A_48, %dot_general3A_52 {dimension_numbers = #tpu.dot_dimension_numbers<[1], [0], [0], [1], [0, 0, 1, 1], [], []>, transpose_lhs_hint = false} : vector<64x64xf32>, vector<64x2048xf32>, vector<64x2048xf32> -> vector<64x2048xf32>
    %get3A_54 = arith.constant 0 : index
    %get3A_55 = arith.constant 0 : index
    %get3A_56 = vector.load %arg5[%get3A_54, %get3A_55] : memref<64x1xf32, #tpu.memory_space<vmem>>, vector<64x1xf32>
    %add3A_57 = vector.broadcast %get3A_56 : vector<64x1xf32> to vector<64x2048xf32>
    %add3A_58 = arith.addf %dot_general3A_53, %add3A_57 : vector<64x2048xf32>
    %jit3A_59 = arith.constant 0.000000e+00 : f32
    %broadcast_in_dim3A_60 = vector.broadcast %jit3A_59 : f32 to vector<1x2048xf32>
    %select_n3A_61 = arith.select %lt3A_5, %mul3A_18, %broadcast_in_dim3A_60 : vector<1x2048xi1>, vector<1x2048xf32>
    %mul3A_62 = vector.broadcast %select_n3A_61 : vector<1x2048xf32> to vector<64x2048xf32>
    %mul3A_63 = arith.mulf %add3A_58, %mul3A_62 : vector<64x2048xf32>
    %iota3A_64 = tpu.iota {dimensions = array<i32: 0>} : vector<64x64xi32>
    %iota3A_65 = tpu.iota {dimensions = array<i32: 1>} : vector<64x64xi32>
    %eq3A = arith.cmpi eq, %iota3A_64, %iota3A_65 : vector<64x64xi32>
    %convert_element_type3A_66 = arith.extui %eq3A : vector<64x64xi1> to vector<64x64xi32>
    %convert_element_type3A_67 = arith.sitofp %convert_element_type3A_66 : vector<64x64xi32> to vector<64x64xf32>
    %slice3A = vector.extract_strided_slice %mul3A_63 {offsets = [0, 0], sizes = [64, 1024], strides = [1, 1]} : vector<64x2048xf32> to vector<64x1024xf32>
    %dot_general3A_68 = arith.constant dense<0.000000e+00> : vector<1024x64xf32>
    %dot_general3A_69 = tpu.matmul %slice3A, %convert_element_type3A_67, %dot_general3A_68 {dimension_numbers = #tpu.dot_dimension_numbers<[0], [0], [1], [1], [0, 1, 1, 1], [], []>, transpose_lhs_hint = false} : vector<64x1024xf32>, vector<64x64xf32>, vector<1024x64xf32> -> vector<1024x64xf32>
    %slice3A_70 = vector.extract_strided_slice %mul3A_63 {offsets = [0, 1024], sizes = [64, 1024], strides = [1, 1]} : vector<64x2048xf32> to vector<64x1024xf32>
    %dot_general3A_71 = arith.constant dense<0.000000e+00> : vector<1024x64xf32>
    %dot_general3A_72 = tpu.matmul %slice3A_70, %convert_element_type3A_67, %dot_general3A_71 {dimension_numbers = #tpu.dot_dimension_numbers<[0], [0], [1], [1], [0, 1, 1, 1], [], []>, transpose_lhs_hint = false} : vector<64x1024xf32>, vector<64x64xf32>, vector<1024x64xf32> -> vector<1024x64xf32>
    %concatenate3A = tpu.concatenate %dot_general3A_69, %dot_general3A_72 in 1 : vector<1024x64xf32>, vector<1024x64xf32> -> vector<1024x128xf32>
    %swap3A = arith.constant 0 : index
    %swap3A_73 = arith.constant 0 : index
    %swap3A_74 = vector.load %arg6[%swap3A, %swap3A_73] : memref<1024x128xf32, #tpu.memory_space<vmem>>, vector<1024x128xf32>
    tpu.vector_store %arg6[%swap3A, %swap3A_73], %concatenate3A {strides = array<i32>} : memref<1024x128xf32, #tpu.memory_space<vmem>>, vector<1024x128xf32>,
    return
  }
  func.func @transform_0(%arg0: i32) -> i32 {
    %add3A = arith.constant 0 : i32
    %add3A_0 = arith.addi %arg0, %add3A : i32
    %c0_i32 = arith.constant 0 : i32
    return %add3A_0 : i32
  }
  func.func @transform_1(%arg0: i32) -> (i32, i32) {
    %c0_i32 = arith.constant 0 : i32
    %c0_i32_0 = arith.constant 0 : i32
    %c0_i32_1 = arith.constant 0 : i32
    return %c0_i32, %c0_i32_0 : i32, i32
  }
  func.func @transform_2(%arg0: i32) -> (i32, i32) {
    %c0_i32 = arith.constant 0 : i32
    %c0_i32_0 = arith.constant 0 : i32
    %c0_i32_1 = arith.constant 0 : i32
    return %c0_i32, %c0_i32_0 : i32, i32
  }
  func.func @transform_3(%arg0: i32) -> (i32, i32) {
    %c0_i32 = arith.constant 0 : i32
    %c0_i32_0 = arith.constant 0 : i32
    %c0_i32_1 = arith.constant 0 : i32
    return %c0_i32, %c0_i32_0 : i32, i32
  }
  func.func @transform_4(%arg0: i32) -> (i32, i32) {
    %c0_i32 = arith.constant 0 : i32
    %c0_i32_0 = arith.constant 0 : i32
    %c0_i32_1 = arith.constant 0 : i32
    return %c0_i32, %c0_i32_0 : i32, i32
  }
  func.func @transform_5(%arg0: i32) -> (i32, i32) {
    %c0_i32 = arith.constant 0 : i32
    %c0_i32_0 = arith.constant 0 : i32
    return %arg0, %c0_i32 : i32, i32
  }
}

module attributes {stable_mosaic.version = 14 : i64} {
  func.func @_tail_body(%arg0: i32, %arg1: memref<1000x128xf32, #tpu.memory_space<vmem>>, %arg2: memref<1x1000x64xf32, #tpu.memory_space<vmem>>, %arg3: memref<1x1000x64xf32, #tpu.memory_space<vmem>>, %arg4: memref<1x1000x64xf32, #tpu.memory_space<vmem>>, %arg5: memref<1x1000x64xf32, #tpu.memory_space<vmem>>, %arg6: memref<64x128xf32, #tpu.memory_space<vmem>>, %arg7: memref<1x128xf32, #tpu.memory_space<vmem>>, %arg8: memref<128x128xf32, #tpu.memory_space<vmem>>, %arg9: memref<1x128xf32, #tpu.memory_space<vmem>>, %arg10: memref<128x128xf32, #tpu.memory_space<vmem>>, %arg11: memref<1x128xf32, #tpu.memory_space<vmem>>, %arg12: memref<1000x128xf32, #tpu.memory_space<vmem>>) attributes {dimension_semantics = [#tpu.dimension_semantics<arbitrary>], iteration_bounds = array<i64: 10>, scalar_prefetch = 0 : i64, scratch_operands = 0 : i64, tpu.core_type = #tpu.core_type<tc>, window_params = [{transform_indices = @transform_0, window_bounds = array<i64: 1000, 128>}, {transform_indices = @transform_1, window_bounds = array<i64: 1, 1000, 64>}, {transform_indices = @transform_2, window_bounds = array<i64: 1, 1000, 64>}, {transform_indices = @transform_3, window_bounds = array<i64: 1, 1000, 64>}, {transform_indices = @transform_4, window_bounds = array<i64: 1, 1000, 64>}, {pipeline_mode = #tpu.pipeline_mode<synchronous>, transform_indices = @transform_5, window_bounds = array<i64: 64, 128>}, {pipeline_mode = #tpu.pipeline_mode<synchronous>, transform_indices = @transform_6, window_bounds = array<i64: 1, 128>}, {pipeline_mode = #tpu.pipeline_mode<synchronous>, transform_indices = @transform_7, window_bounds = array<i64: 128, 128>}, {pipeline_mode = #tpu.pipeline_mode<synchronous>, transform_indices = @transform_8, window_bounds = array<i64: 1, 128>}, {pipeline_mode = #tpu.pipeline_mode<synchronous>, transform_indices = @transform_9, window_bounds = array<i64: 128, 128>}, {pipeline_mode = #tpu.pipeline_mode<synchronous>, transform_indices = @transform_10, window_bounds = array<i64: 1, 128>}, {transform_indices = @transform_11, window_bounds = array<i64: 1000, 128>}]} {
    %get3A = arith.constant 0 : index
    %get3A_0 = arith.constant 0 : index
    %get3A_1 = arith.constant 0 : index
    %get3A_2 = vector.load %arg2[%get3A, %get3A_0, %get3A_1] : memref<1x1000x64xf32, #tpu.memory_space<vmem>>, vector<1x1000x64xf32>
    %get3A_3 = vector.shape_cast %get3A_2 : vector<1x1000x64xf32> to vector<1000x64xf32>
    %get3A_4 = arith.constant 0 : index
    %get3A_5 = arith.constant 0 : index
    %get3A_6 = arith.constant 0 : index
    %get3A_7 = vector.load %arg3[%get3A_4, %get3A_5, %get3A_6] : memref<1x1000x64xf32, #tpu.memory_space<vmem>>, vector<1x1000x64xf32>
    %get3A_8 = vector.shape_cast %get3A_7 : vector<1x1000x64xf32> to vector<1000x64xf32>
    %add3A = arith.addf %get3A_3, %get3A_8 : vector<1000x64xf32>
    %get3A_9 = arith.constant 0 : index
    %get3A_10 = arith.constant 0 : index
    %get3A_11 = arith.constant 0 : index
    %get3A_12 = vector.load %arg4[%get3A_9, %get3A_10, %get3A_11] : memref<1x1000x64xf32, #tpu.memory_space<vmem>>, vector<1x1000x64xf32>
    %get3A_13 = vector.shape_cast %get3A_12 : vector<1x1000x64xf32> to vector<1000x64xf32>
    %get3A_14 = arith.constant 0 : index
    %get3A_15 = arith.constant 0 : index
    %get3A_16 = arith.constant 0 : index
    %get3A_17 = vector.load %arg5[%get3A_14, %get3A_15, %get3A_16] : memref<1x1000x64xf32, #tpu.memory_space<vmem>>, vector<1x1000x64xf32>
    %get3A_18 = vector.shape_cast %get3A_17 : vector<1x1000x64xf32> to vector<1000x64xf32>
    %add3A_19 = arith.addf %get3A_13, %get3A_18 : vector<1000x64xf32>
    %add3A_20 = arith.addf %add3A, %add3A_19 : vector<1000x64xf32>
    %get3A_21 = arith.constant 0 : index
    %get3A_22 = arith.constant 0 : index
    %get3A_23 = vector.load %arg6[%get3A_21, %get3A_22] : memref<64x128xf32, #tpu.memory_space<vmem>>, vector<64x128xf32>
    %dot_general3A = arith.constant dense<0.000000e+00> : vector<1000x128xf32>
    %dot_general3A_24 = tpu.matmul %add3A_20, %get3A_23, %dot_general3A {dimension_numbers = #tpu.dot_dimension_numbers<[1], [0], [0], [1], [0, 0, 1, 1], [], []>, transpose_lhs_hint = false} : vector<1000x64xf32>, vector<64x128xf32>, vector<1000x128xf32> -> vector<1000x128xf32>
    %get3A_25 = arith.constant 0 : index
    %get3A_26 = arith.constant 0 : index
    %get3A_27 = vector.load %arg7[%get3A_25, %get3A_26] : memref<1x128xf32, #tpu.memory_space<vmem>>, vector<1x128xf32>
    %add3A_28 = vector.broadcast %get3A_27 : vector<1x128xf32> to vector<1000x128xf32>
    %add3A_29 = arith.addf %dot_general3A_24, %add3A_28 : vector<1000x128xf32>
    %max3A = arith.constant 0.000000e+00 : f32
    %max3A_30 = vector.broadcast %max3A : f32 to vector<1000x128xf32>
    %max3A_31 = arith.maximumf %add3A_29, %max3A_30 : vector<1000x128xf32>
    %abs3A = math.absf %add3A_29 : vector<1000x128xf32>
    %neg3A = arith.constant 0.000000e+00 : f32
    %neg3A_32 = vector.broadcast %neg3A : f32 to vector<1000x128xf32>
    %neg3A_33 = arith.subf %neg3A_32, %abs3A : vector<1000x128xf32>
    %exp3A = math.exp %neg3A_33 : vector<1000x128xf32>
    %add3A_34 = arith.constant 1.000000e+00 : f32
    %add3A_35 = vector.broadcast %add3A_34 : f32 to vector<1000x128xf32>
    %add3A_36 = arith.addf %add3A_35, %exp3A : vector<1000x128xf32>
    %log3A = math.log %add3A_36 : vector<1000x128xf32>
    %add3A_37 = arith.addf %max3A_31, %log3A : vector<1000x128xf32>
    %sub3A = arith.constant 0.693147182 : f32
    %sub3A_38 = vector.broadcast %sub3A : f32 to vector<1000x128xf32>
    %sub3A_39 = arith.subf %add3A_37, %sub3A_38 : vector<1000x128xf32>
    %get3A_40 = arith.constant 0 : index
    %get3A_41 = arith.constant 0 : index
    %get3A_42 = vector.load %arg8[%get3A_40, %get3A_41] : memref<128x128xf32, #tpu.memory_space<vmem>>, vector<128x128xf32>
    %dot_general3A_43 = arith.constant dense<0.000000e+00> : vector<1000x128xf32>
    %dot_general3A_44 = tpu.matmul %sub3A_39, %get3A_42, %dot_general3A_43 {dimension_numbers = #tpu.dot_dimension_numbers<[1], [0], [0], [1], [0, 0, 1, 1], [], []>, transpose_lhs_hint = false} : vector<1000x128xf32>, vector<128x128xf32>, vector<1000x128xf32> -> vector<1000x128xf32>
    %get3A_45 = arith.constant 0 : index
    %get3A_46 = arith.constant 0 : index
    %get3A_47 = vector.load %arg9[%get3A_45, %get3A_46] : memref<1x128xf32, #tpu.memory_space<vmem>>, vector<1x128xf32>
    %add3A_48 = vector.broadcast %get3A_47 : vector<1x128xf32> to vector<1000x128xf32>
    %add3A_49 = arith.addf %dot_general3A_44, %add3A_48 : vector<1000x128xf32>
    %get3A_50 = arith.constant 0 : index
    %get3A_51 = arith.constant 0 : index
    %get3A_52 = vector.load %arg10[%get3A_50, %get3A_51] : memref<128x128xf32, #tpu.memory_space<vmem>>, vector<128x128xf32>
    %dot_general3A_53 = arith.constant dense<0.000000e+00> : vector<1000x128xf32>
    %dot_general3A_54 = tpu.matmul %add3A_49, %get3A_52, %dot_general3A_53 {dimension_numbers = #tpu.dot_dimension_numbers<[1], [0], [0], [1], [0, 0, 1, 1], [], []>, transpose_lhs_hint = false} : vector<1000x128xf32>, vector<128x128xf32>, vector<1000x128xf32> -> vector<1000x128xf32>
    %get3A_55 = arith.constant 0 : index
    %get3A_56 = arith.constant 0 : index
    %get3A_57 = vector.load %arg11[%get3A_55, %get3A_56] : memref<1x128xf32, #tpu.memory_space<vmem>>, vector<1x128xf32>
    %add3A_58 = vector.broadcast %get3A_57 : vector<1x128xf32> to vector<1000x128xf32>
    %add3A_59 = arith.addf %dot_general3A_54, %add3A_58 : vector<1000x128xf32>
    %max3A_60 = arith.constant 0.000000e+00 : f32
    %max3A_61 = vector.broadcast %max3A_60 : f32 to vector<1000x128xf32>
    %max3A_62 = arith.maximumf %add3A_59, %max3A_61 : vector<1000x128xf32>
    %get3A_63 = arith.constant 0 : index
    %get3A_64 = arith.constant 0 : index
    %get3A_65 = vector.load %arg1[%get3A_63, %get3A_64] : memref<1000x128xf32, #tpu.memory_space<vmem>>, vector<1000x128xf32>
    %add3A_66 = arith.addf %get3A_65, %max3A_62 : vector<1000x128xf32>
    %swap3A = arith.constant 0 : index
    %swap3A_67 = arith.constant 0 : index
    %swap3A_68 = vector.load %arg12[%swap3A, %swap3A_67] : memref<1000x128xf32, #tpu.memory_space<vmem>>, vector<1000x128xf32>
    tpu.vector_store %arg12[%swap3A, %swap3A_67], %add3A_66 {strides = array<i32>} : memref<1000x128xf32, #tpu.memory_space<vmem>>, vector<1000x128xf32>,
    return
  }
  func.func @transform_0(%arg0: i32) -> (i32, i32) {
    %c0_i32 = arith.constant 0 : i32
    %c0_i32_0 = arith.constant 0 : i32
    return %arg0, %c0_i32 : i32, i32
  }
  func.func @transform_1(%arg0: i32) -> (i32, i32, i32) {
    %c0_i32 = arith.constant 0 : i32
    %c0_i32_0 = arith.constant 0 : i32
    %c0_i32_1 = arith.constant 0 : i32
    return %c0_i32, %arg0, %c0_i32_0 : i32, i32, i32
  }
  func.func @transform_2(%arg0: i32) -> (i32, i32, i32) {
    %c1_i32 = arith.constant 1 : i32
    %c0_i32 = arith.constant 0 : i32
    %c0_i32_0 = arith.constant 0 : i32
    return %c1_i32, %arg0, %c0_i32 : i32, i32, i32
  }
  func.func @transform_3(%arg0: i32) -> (i32, i32, i32) {
    %c0_i32 = arith.constant 0 : i32
    %c0_i32_0 = arith.constant 0 : i32
    %c0_i32_1 = arith.constant 0 : i32
    return %c0_i32, %arg0, %c0_i32_0 : i32, i32, i32
  }
  func.func @transform_4(%arg0: i32) -> (i32, i32, i32) {
    %c1_i32 = arith.constant 1 : i32
    %c0_i32 = arith.constant 0 : i32
    %c0_i32_0 = arith.constant 0 : i32
    return %c1_i32, %arg0, %c0_i32 : i32, i32, i32
  }
  func.func @transform_5(%arg0: i32) -> (i32, i32) {
    %c0_i32 = arith.constant 0 : i32
    %c0_i32_0 = arith.constant 0 : i32
    %c0_i32_1 = arith.constant 0 : i32
    return %c0_i32, %c0_i32_0 : i32, i32
  }
  func.func @transform_6(%arg0: i32) -> (i32, i32) {
    %c0_i32 = arith.constant 0 : i32
    %c0_i32_0 = arith.constant 0 : i32
    %c0_i32_1 = arith.constant 0 : i32
    return %c0_i32, %c0_i32_0 : i32, i32
  }
  func.func @transform_7(%arg0: i32) -> (i32, i32) {
    %c0_i32 = arith.constant 0 : i32
    %c0_i32_0 = arith.constant 0 : i32
    %c0_i32_1 = arith.constant 0 : i32
    return %c0_i32, %c0_i32_0 : i32, i32
  }
  func.func @transform_8(%arg0: i32) -> (i32, i32) {
    %c0_i32 = arith.constant 0 : i32
    %c0_i32_0 = arith.constant 0 : i32
    %c0_i32_1 = arith.constant 0 : i32
    return %c0_i32, %c0_i32_0 : i32, i32
  }
  func.func @transform_9(%arg0: i32) -> (i32, i32) {
    %c0_i32 = arith.constant 0 : i32
    %c0_i32_0 = arith.constant 0 : i32
    %c0_i32_1 = arith.constant 0 : i32
    return %c0_i32, %c0_i32_0 : i32, i32
  }
  func.func @transform_10(%arg0: i32) -> (i32, i32) {
    %c0_i32 = arith.constant 0 : i32
    %c0_i32_0 = arith.constant 0 : i32
    %c0_i32_1 = arith.constant 0 : i32
    return %c0_i32, %c0_i32_0 : i32, i32
  }
  func.func @transform_11(%arg0: i32) -> (i32, i32) {
    %c0_i32 = arith.constant 0 : i32
    %c0_i32_0 = arith.constant 0 : i32
    return %arg0, %c0_i32 : i32, i32
  }
}

</mosaic_0001>

<sc_bundles>
// kernel: kernel.12.cloned.1.call-start
scs
__scs_entry_jumppad:
0x0: {  	(pc) =	sbr.rel $0x88, $3  }
0x1: {  	(tag) =	ssettag $0x0;
	lr =	simm.s32 $0x1  }
0x2: {  	[smem:$0x3F93] =	sst lr;
	_ =	strace $0xD0000000  }
0x3: {  	_ = 	snop  }
0x4: {  	_ = 	snop  }
0x5: {  	_ = 	snop  }
0x6: {  	_ = 	snop  }
0x7: {  	_ = 	snop  }
__scs_overlays_trampoline_lowered:
0x8: {  	[smem:$0x3FA2] =	sst s0  }
0x9: {  	[smem:$0x3FA3] =	sst s1  }
0xa: {  	[smem:$0x3FA4] =	sst s2  }
0xb: {  	[smem:$0x3FA5] =	sst s3  }
0xc: {  	[smem:$0x3FA6] =	sst s4  }
0xd: {  	[smem:$0x3FA7] =	sst s5  }
0xe: {  	[smem:$0x3FA8] =	sst s6  }
0xf: {  	[smem:$0x3FA9] =	sst s7  }
0x10: {  	[smem:$0x3FAA] =	sst s8  }
0x11: {  	[smem:$0x3FAB] =	sst s9;
	s0 =	simm.s32 @!p0 $0x0  }
0x12: {  	s1 =	sld [smem:$0x3F91];
	s0 =	simm.s32 @p0 $0x1  }
0x13: {  	[smem:$0x3FAC] =	sst s0;
	s0 =	simm.s32 @!p1 $0x0  }
0x14: {  	s2 =	sld [smem:$0x3F90];
	s0 =	simm.s32 @p1 $0x1  }
0x15: {  	[smem:$0x3FAD] =	sst s0;
	s0 =	simm.s32 @!p2 $0x0  }
0x16: {  	s3 =	sld [smem:$0x3FDB];
	s0 =	simm.s32 @p2 $0x1  }
0x17: {  	s4 =	simm.s32 $0x1BF5;
	[smem:$0x3FAF] =	sst s0  }
0x18: {  	s0 =	sld [smem:$0x3F92];
	_ =	swait.ge [sflag:s4], $0x0  }
0x19: {  	s7 =	sld [smem:$0x3F93]  }
0x1a: {  	s8 =	sadd.s32 $0xFFFFE003, lr  }
0x1b: {  	s9 =	sadd.s32 $0xFFFFFEF7, lr;
	s5 =	simm.s32 $0xFFFFFFFF;
	p2 =	slt.u32 s8, $0xFFFFF086  }
0x1c: {  	p1 =	slt.u32 s9, $0xF7A;
	s5 =	simm.s32 @!p2 $0x0  }
0x1d: {  	s5 =	simm.s32 @p1 $0x1;
	p0 =	seq.s32 s7, s2  }
0x1e: {  	s7 =	smul.u32 @!p0 $0xF7A, s2;
	p2 =	seq.s32 @!p0 s5, $0x0  }
0x1f: {  	s9 =	smul.u32 $0xF7A, s1;
	s8 =	simm.s32 @!p0 $0x1BF5;
	p2 =	por !p2, p0  }
0x20: {  	[sflag:s8] =	ssyncset.s32 @!p0 $0xFFFFF086;
	s6 =	sadd.s32 @!p0 s3, s7;
	s7 =	simm.s32 @!p0 $0x108  }
0x21: {  	s3 =	sadd.s32 s3, s9;
	s6 =	sadd.s32 @!p0 $0x88, s6;
	s7 =	simm.s32 @p2 $0x1082  }
0x22: {  	[simem:s7], [sflag:s8] =	dma.local @!p0 [hbm:s6], $0xF7A  }
0x23: {  	s9 =	sor.u32 $0xD0000000, s2;
	s6 =	simm.s32 $0x108;
	_ =	swait.ge @!p0 [sflag:s8], $0x0  }
0x24: {  	s3 =	sadd.s32 $0x88, s3;
	s6 =	simm.s32 @!p1 $0x1082;
	[sflag:s4] =	ssyncset.s32 $0xFFFFF086  }
0x25: {  	[simem:s6], [sflag:s4] =	dma.local [hbm:s3], $0xF7A  }
0x26: {  	[smem:$0x3F93] =	sst s1;
	(tag) =	ssettag s2;
	_ =	strace s9  }
0x27: {  	s1 =	sld [smem:$0x3FA3]  }
0x28: {  	s2 =	sld [smem:$0x3FA4]  }
0x29: {  	s4 =	sld [smem:$0x3FA6]  }
0x2a: {  	p0 =	seq.s32 s5, $0x0;
	s5 =	sld [smem:$0x3FA7]  }
0x2b: {  	s6 =	sld [smem:$0x3FA8]  }
0x2c: {  	s7 =	sld [smem:$0x3FA9]  }
0x2d: {  	s3 =	simm.s32 $0x108;
	s8 =	sld [smem:$0x3FAA]  }
0x2e: {  	s3 =	simm.s32 @!p0 $0x1082;
	s9 =	sld [smem:$0x3FAB]  }
0x2f: {  	lr =	sadd.s32 s0, s3;
	s0 =	sld [smem:$0x3FA2]  }
0x30: {  	s3 =	sld [smem:$0x3FA5]  }
0x31: {  	[smem:$0x3FAE] =	sst s10  }
0x32: {  	s10 =	sld [smem:$0x3FAC];
	_ =	sdelay $0x3  }
0x33: {  	p0 =	seq.s32 s10, $0x1;
	s10 =	sld [smem:$0x3FAE];
	_ =	sdelay $0x3  }
0x34: {  	[smem:$0x3FAE] =	sst s10  }
0x35: {  	s10 =	sld [smem:$0x3FAD];
	_ =	sdelay $0x3  }
0x36: {  	p1 =	seq.s32 s10, $0x1;
	s10 =	sld [smem:$0x3FAE];
	_ =	sdelay $0x3  }
0x37: {  	[smem:$0x3FAE] =	sst s10  }
0x38: {  	s10 =	sld [smem:$0x3FAF]  }
0x39: {  	_ = 	snop;
	(pc) =	sbr.ind lr, $3  }
0x3a: {  	_ = 	snop  }
0x3b: {  	_ = 	snop  }
0x3c: {  	p2 =	seq.s32 s10, $0x1;
	s10 =	sld [smem:$0x3FAE]  }
0x3d: {  	_ =	shalt  }
0x3e: {  	_ =	shalt  }
0x3f: {  	_ =	shalt  }
0x40: {  	_ =	shalt  }
0x41: {  	_ =	shalt  }
0x42: {  	_ =	shalt  }
0x43: {  	_ =	shalt  }
0x44: {  	_ =	shalt  }
0x45: {  	_ =	shalt  }
0x46: {  	_ =	shalt  }
0x47: {  	_ =	shalt  }
0x48: {  	_ =	shalt  }
0x49: {  	_ =	shalt  }
0x4a: {  	_ =	shalt  }
0x4b: {  	_ =	shalt  }
0x4c: {  	_ =	shalt  }
0x4d: {  	_ =	shalt  }
0x4e: {  	_ =	shalt  }
0x4f: {  	_ =	shalt  }
0x50: {  	_ =	shalt  }
0x51: {  	_ =	shalt  }
0x52: {  	_ =	shalt  }
0x53: {  	_ =	shalt  }
0x54: {  	_ =	shalt  }
0x55: {  	_ =	shalt  }
0x56: {  	_ =	shalt  }
0x57: {  	_ =	shalt  }
0x58: {  	_ =	shalt  }
0x59: {  	_ =	shalt  }
0x5a: {  	_ =	shalt  }
0x5b: {  	_ =	shalt  }
0x5c: {  	_ =	shalt  }
0x5d: {  	_ =	shalt  }
0x5e: {  	_ =	shalt  }
0x5f: {  	_ =	shalt  }
0x60: {  	_ =	shalt  }
0x61: {  	_ =	shalt  }
0x62: {  	_ =	shalt  }
0x63: {  	_ =	shalt  }
0x64: {  	_ =	shalt  }
0x65: {  	_ =	shalt  }
0x66: {  	_ =	shalt  }
0x67: {  	_ =	shalt  }
0x68: {  	_ =	shalt  }
0x69: {  	_ =	shalt  }
0x6a: {  	_ =	shalt  }
0x6b: {  	_ =	shalt  }
0x6c: {  	_ =	shalt  }
0x6d: {  	_ =	shalt  }
0x6e: {  	_ =	shalt  }
0x6f: {  	_ =	shalt  }
0x70: {  	_ =	shalt  }
0x71: {  	_ =	shalt  }
0x72: {  	_ =	shalt  }
0x73: {  	_ =	shalt  }
0x74: {  	_ =	shalt  }
0x75: {  	_ =	shalt  }
0x76: {  	_ =	shalt  }
0x77: {  	_ =	shalt  }
0x78: {  	_ =	shalt  }
0x79: {  	_ =	shalt  }
0x7a: {  	_ =	shalt  }
0x7b: {  	_ =	shalt  }
0x7c: {  	_ =	shalt  }
0x7d: {  	_ =	shalt  }
0x7e: {  	_ =	shalt  }
0x7f: {  	_ =	shalt  }
0x80: {  	_ =	shalt  }
0x81: {  	_ =	shalt  }
0x82: {  	_ =	shalt  }
0x83: {  	_ =	shalt  }
0x84: {  	_ =	shalt  }
0x85: {  	_ =	shalt  }
0x86: {  	_ =	shalt  }
0x87: {  	_ =	shalt  }
.Lfunc_end0:
.L_simem_size_0:
called_computation.1_lowered:
.L_overlay_start_0:
0x88: {  	s2 =	sld [smem:$0x3FD9]  }
0x89: {  	s3 =	sld [smem:$0x3FFE];
	_ =	sdelay $0x1  }
0x8a: {  	s1 =	srdreg.scid  }
0x8b: {  	s0 =	sand.u32 $0x1, s1  }
0x8c: {  	s17 =	sshll.u32 s0, $0xA;
	s2 =	sadd.s32 s3, s2  }
0x8d: {  	s2 =	sadd.s32 s2, s17  }
0x8e: {  	[smem:$0x3FBA] =	sst s2  }
0x8f: {  	_ = 	snop  }
0x90: {  	s18 =	sld [smem:$0x3FD0];
	(tm) =	ssettm $0x1  }
0x91: {  	s19 =	sld [smem:$0x3FFB];
	_ =	sdelay $0x3  }
0x92: {  	_ =	strace s19  }
0x93: {  	s2 =	sld [smem:$0x3FFC];
	_ =	sdelay $0x3  }
0x94: {  	_ =	strace s2  }
0x95: {  	s2 =	sld [smem:$0x3FFD];
	_ =	sdelay $0x3  }
0x96: {  	_ =	strace s2  }
0x97: {  	_ =	strace $0x8FFFFFFF  }
0x98: {  	s20 =	sld [smem:$0x3FDB];
	_ =	sdelay $0x1  }
0x99: {  	s4 =	simm.s32 $_scs_section_size  }
0x9a: {  	s5 =	simm.s32 $_size__tile_overlayer_lowered;
	s6 =	simm.s32 $_tile_overlayer_lowered  }
0x9b: {  	s7 =	simm.s32 $0x1BFF;
	s21 =	sshll.u32 s6, $0x1;
	s4 =	sadd.s32 s4, s20  }
0x9c: {  	s22 =	simm.s32 $0x0;
	s5 =	sshll.u32 s5, $0x1;
	s6 =	sadd.s32 s21, s4  }
0x9d: {  	[timem:s22], [sflag:s7] =	dma.local [hbm:s6], s5  }
0x9e: {  	_ =	swait.ge [sflag:s7], s5  }
0x9f: {  	s5 =	ssub.s32 $0x0, s5;
	[sflag:s7] =	ssyncset.done $0x0  }
0xa0: {  	[sflag:s7] =	ssyncadd.s32 s5;
	_ =	sdelay $0x1  }
0xa1: {  	s23 =	simm.s32 $0x1B8B  }
0xa2: {  	_ =	swait.ge [sflag:s23], $0x1  }
0xa3: {  	[sflag:s23] =	ssyncset.done $0x0  }
0xa4: {  	[sflag:s23] =	ssyncadd.s32 $0xFFFFFFFF  }
0xa5: {  	s5 =	sld [smem:$0x0]  }
0xa6: {  	s6 =	sand.u32 $0xFFFFFFFE, s1  }
0xa7: {  	p0 =	sne.s32 s1, s6  }
0xa8: {  	s6 =	sshll.u32 @p0 s6, $0xE  }
0xa9: {  	s6 =	sadd.s32 @p0 $0x11B8D, s6;
	s7 =	sshll.u32 @p0 s5, $0x11  }
0xaa: {  	s6 =	sor.u32 @p0 s7, s6  }
0xab: {  	[sflag:s6] =	ssyncadd.remote.s32 @p0 $0x1;
	_ =	sdelay $0x1  }
0xac: {  	s6 =	simm.s32 @p0 $0x1B8D  }
0xad: {  	_ =	swait.eq @p0 [sflag:s6], $0x1  }
0xae: {  	[sflag:s6] =	ssyncadd.s32 @p0 $0xFFFFFFFF  }
0xaf: {  	s7 =	sshll.u32 @!p0 s1, $0xE  }
0xb0: {  	s7 =	sor.u32 @!p0 $0x4000, s7;
	s6 =	simm.s32 @!p0 $0x1B8D  }
0xb1: {  	s5 =	sshll.u32 @!p0 s5, $0x11;
	s7 =	sadd.s32 @!p0 $0x11B8D, s7;
	_ =	swait.eq @!p0 [sflag:s6], $0x1  }
0xb2: {  	s5 =	sor.u32 @!p0 s5, s7;
	[sflag:s6] =	ssyncadd.s32 @!p0 $0xFFFFFFFF  }
0xb3: {  	s25 =	simm.s32 $0x1B8E;
	s24 =	sld [smem:$0x3FFE];
	[sflag:s5] =	ssyncadd.remote.s32 @!p0 $0x1  }
0xb4: {  	s26 =	simm.s32 $execute0_lowered;
	[smem:$0x3FD2] =	sst s25  }
0xb5: {  	s6 =	sshll.u32 s26, $0x1;
	_ =	strace $0x8000004C;
	[dreg:$0x1] =	wrdreg $0xFFFFFFFF  }
0xb6: {  	s28 =	simm.s32 $_size_execute0_lowered;
	s4 =	sadd.s32 s4, s6;
	[dreg:$0x0] =	wrdreg $0x0  }
0xb7: {  	s6 =	sshll.u32 s28, $0x1;
	[dreg:$0x2] =	wrdreg s4  }
0xb8: {  	[dreg:$0x3] =	wrdreg s6  }
0xb9: {  	[dreg:$0x4] =	wrdreg $0xC0  }
0xba: {  	_ =	task [dreg:s22], $0x5FFFF  }
0xbb: {  	[dreg:$0x1] =	wrdreg $0xFFFFFFFF  }
0xbc: {  	[dreg:$0x0] =	wrdreg $0x60  }
0xbd: {  	[dreg:$0x2] =	wrdreg s18  }
0xbe: {  	[dreg:$0x3] =	wrdreg s24  }
0xbf: {  	[dreg:$0x4] =	wrdreg $0x0  }
0xc0: {  	[dreg:$0x5] =	wrdreg $0xA0000  }
0xc1: {  	[dreg:$0x6] =	wrdreg $0x9  }
0xc2: {  	_ =	task.clear_ibuf [dreg:s22], $0x7FFFF;
	_ =	strace $0x9000004C  }
0xc3: {  	s29 =	simm.s32 $0x9;
	_ =	strace $0x8000004E  }
0xc4: {  	_ =	swait.ge [sflag:s29], $0x1  }
0xc5: {  	[sflag:s29] =	ssyncadd.s32 $0xFFFFFFFF  }
0xc6: {  	_ =	strace $0x9000004E  }
0xc7: {  	_ =	sfence  }
0xc8: {  	s30 =	sld [smem:$0x0];
	_ =	sdelay $0x2  }
0xc9: {  	s31 =	sshll.u32 s1, $0xD;
	s1 =	sshrl.u32 s1, $0x2  }
0xca: {  	s4 =	sand.u32 $0x4000, s31;
	s1 =	sadd.s32 s1, s30  }
0xcb: {  	s0 =	sor.u32 s4, s0;
	s1 =	sshll.u32 s1, $0x11  }
0xcc: {  	s0 =	sor.u32 s1, s0  }
0xcd: {  	s0 =	sadd.s32 $0x8F2B, s0  }
0xce: {  	[sflag:s0] =	ssyncadd.remote.s32 $0x1  }
0xcf: {  	_ =	sfence.sel $0xFFFF  }
0xd0: {  	[dreg:$0x0] =	wrdreg $0xFFFFFFFF;
	(pc) =	sbr.abs _section_cstart, $3  }
0xd1: {  	[dreg:$0x1] =	wrdreg $0xFFFFFFFF  }
0xd2: {  	_ =	task.clear_ibuf [dreg:s22], $0x2FFFF;
	_ =	strace $0x9FFFFFFF  }
0xd3: {  	(tm) =	ssettm $0x7FFFFFFF  }
tec
execute0_lowered:
.L_overlay_start_1:
0x0: {  	(tag) =	ssettag $0x1  }
0x1: {  	s0 =	rddreg [dreg:$0x0]  }
0x2: {  	s4 =	rddreg [dreg:$0x1]  }
0x3: {  	s1 =	rddreg [dreg:$0x2]  }
0x4: {  	s2 =	rddreg [dreg:$0x3];
	s3 =	simm.s32 $0x0  }
0x5: {  	s7 =	srdreg.scid;
	s12 =	stileid.u32;
	s29 =	simm.s32 $0x14000  }
0x6: {  	s30 =	simm.s32 $0x14100;
	s31 =	simm.s32 $0x16200;
	[smem:$0x7FF] =	sst s3  }
0x7: {  	s28 =	simm.s32 $0x7;
	s5 =	sadd.s32 $0x237800, s4;
	s6 =	sadd.s32 $0x1E1600, s4  }
0x8: {  	s8 =	sand.u32 $0x1, s7;
	s7 =	sadd.s32 $0x1E3E00, s4;
	s14 =	smul.u32 $0xA000, s12  }
0x9: {  	s11 =	sshll.u32 s12, $0x1;
	s4 =	sadd.s32 $0x2D7800, s4;
	_ =	strace $0x8000004D  }
0xa: {  	s9 =	ssub.s32 $0x2, s8;
	s26 =	sor.u32 s8, s11;
	s8 =	smul.u32 $0xA0000, s8  }
0xb: {  	s10 =	sshrl.u32 s9, $0x1;
	s11 =	sadd.s32 s14, s1;
	s15 =	sadd.s32 $0x2000, s14  }
0xc: {  	s16 =	sadd.s32 $0x4000, s14;
	s17 =	sadd.s32 $0x6000, s14;
	s18 =	sadd.s32 $0x8000, s14  }
0xd: {  	s12 =	smul.u32 $0xA00, s26;
	s19 =	sshrl.u32 s14, $0x3;
	s20 =	sadd.s32 s14, s2  }
0xe: {  	s9 =	ssub.s32 s9, s10;
	s13 =	sadd.s32 s15, s1;
	s25 =	sadd.s32 s16, s1  }
0xf: {  	s21 =	sadd.s32 s17, s1;
	s22 =	sadd.s32 s18, s1;
	s0 =	sadd.s32 s0, s19  }
0x10: {  	s10 =	smul.u32 $0x5000, s26;
	s14 =	sadd.s32 s14, s8;
	[dreg:$0x7] =	wrdreg s21  }
0x11: {  	s15 =	sadd.s32 s8, s15;
	s16 =	sadd.s32 s8, s16;
	[dreg:$0x8] =	wrdreg s22  }
0x12: {  	s17 =	sadd.s32 s8, s17;
	s8 =	sadd.s32 s8, s18;
	[dreg:$0x9] =	wrdreg s0  }
0x13: {  	s23 =	sshrl.u32 s12, $0x3;
	s26 =	sshrl.u32 s14, $0x3;
	s18 =	sshrl.u32 s15, $0x3  }
0x14: {  	s19 =	sshrl.u32 s16, $0x3;
	s21 =	sshrl.u32 s17, $0x3;
	[dreg:$0x5] =	wrdreg s13  }
0x15: {  	s15 =	simm.s32 $0x1;
	[dreg:$0x6] =	wrdreg s25;
	s24 =	sadd.s32 s6, s23  }
0x16: {  	s16 =	simm.s32 $0x3;
	s0 =	sadd.s32 s7, s23;
	[dreg:$0xa] =	wrdreg s24  }
0x17: {  	s17 =	simm.s32 $0x5;
	s14 =	sadd.s32 s5, s10;
	[dreg:$0xb] =	wrdreg s0  }
0x18: {  	s22 =	sadd.s32 s4, s21;
	s23 =	sshrl.u32 s8, $0x3;
	[dreg:$0xc] =	wrdreg s14  }
0x19: {  	s21 =	simm.s32 $0x4;
	s0 =	sadd.s32 s4, s26;
	[dreg:$0x10] =	wrdreg s22  }
0x1a: {  	s24 =	smax.u32 s9, $0x1;
	s26 =	sshrl.u32 s20, $0x3;
	[dreg:$0xd] =	wrdreg s0  }
0x1b: {  	s14 =	simm.s32 $0x18200;
	s20 =	simm.s32 $0x2;
	[dreg:$0x12] =	wrdreg s24  }
0x1c: {  	s22 =	simm.s32 $0x6;
	s0 =	sadd.s32 s4, s18;
	[dreg:$0x13] =	wrdreg s26  }
0x1d: {  	s26 =	simm.s32 $0x1A200;
	s18 =	simm.s32 $0x80;
	s24 =	simm.s32 $0x0  }
0x1e: {  	[dreg:$0xe] =	wrdreg s0;
	s0 =	sadd.s32 s4, s19;
	s19 =	simm.s32 $0x14200  }
0x1f: {  	[dreg:$0xf] =	wrdreg s0;
	s0 =	sadd.s32 s4, s23;
	s23 =	sor.u32 $0x80, s12  }
0x20: {  	v0 =	vimm.f32 $0.0e+00;
	s4 =	simm.s32 $0x14180;
	[dreg:$0x11] =	wrdreg s0;
	s0 =	simm.s32 $0x14080  }
.LBB2_1:
0x21: {  	s9 =	simm.s32 $0x100;
	s8 =	simm.s32 $0x0  }
.LBB2_2:
0x22: {  	p0 =	sne.s32 s9, $0x7F00;
	[tilespmem:s8+$0x1A230] =	vst v0;
	s10 =	smov.u32 s9;
	s9 =	sadd.s32 $0x100, s9  }
.Ltmp0:
0x23: {  	[tilespmem:s8+$0x1A220] =	vst v0;
	(pc) =	sbr.rel @p0 .LBB2_2-.Ltmp0, $3  }
0x24: {  	[tilespmem:s8+$0x1A200] =	vst v0  }
0x25: {  	[tilespmem:s8+$0x1A210] =	vst v0;
	_ =	sdelay $0x1  }
0x26: {  	s8 =	sshra.s32 s10, $0x2  }
0x27: {  	[tilespmem:s8+$0x1A230] =	vst v0  }
0x28: {  	[tilespmem:s8+$0x1A220] =	vst v0  }
0x29: {  	[tilespmem:s8+$0x1A200] =	vst v0  }
0x2a: {  	[tilespmem:s8+$0x1A210] =	vst v0  }
0x2b: {  	[spmem:s11] =	stream.linear.scatter [tilespmem:s26], [sflag:$0x7], $0x2000, $0x38;
	[tilespmem:$0x1C200] =	vst v63  }
0x2c: {  	_ =	swait.ge [sflag:s28], $0x2000  }
0x2d: {  	[sflag:s28] =	ssyncset.done $0x0  }
0x2e: {  	[sflag:s28] =	ssyncadd.s32 $0xFFFFE000  }
0x2f: {  	[spmem:s13] =	stream.linear.scatter [tilespmem:s26], [sflag:$0x7], $0x2000, $0x38;
	[tilespmem:$0x1C200] =	vst v63  }
0x30: {  	_ =	swait.ge [sflag:s28], $0x2000  }
0x31: {  	[sflag:s28] =	ssyncset.done $0x0  }
0x32: {  	[sflag:s28] =	ssyncadd.s32 $0xFFFFE000  }
0x33: {  	[spmem:s25] =	stream.linear.scatter [tilespmem:s26], [sflag:$0x7], $0x2000, $0x38;
	[tilespmem:$0x1C200] =	vst v63  }
0x34: {  	_ =	swait.ge [sflag:s28], $0x2000  }
0x35: {  	[sflag:s28] =	ssyncset.done $0x0  }
0x36: {  	s13 =	rddreg [dreg:$0x7];
	[sflag:s28] =	ssyncadd.s32 $0xFFFFE000  }
0x37: {  	[spmem:s13] =	stream.linear.scatter [tilespmem:s26], [sflag:$0x7], $0x2000, $0x38;
	[tilespmem:$0x1C200] =	vst v63  }
0x38: {  	_ =	swait.ge [sflag:s28], $0x2000  }
0x39: {  	[sflag:s28] =	ssyncset.done $0x0  }
0x3a: {  	s25 =	rddreg [dreg:$0x8];
	[sflag:s28] =	ssyncadd.s32 $0xFFFFE000  }
0x3b: {  	[spmem:s25] =	stream.linear.scatter [tilespmem:s26], [sflag:$0x7], $0x2000, $0x38;
	[tilespmem:$0x1C200] =	vst v63  }
0x3c: {  	s9 =	stileid.u32;
	_ =	swait.ge [sflag:s28], $0x2000  }
0x3d: {  	s8 =	sshll.u32 s9, $0x6;
	[sflag:s28] =	ssyncset.done $0x0;
	s9 =	rddreg [dreg:$0x9]  }
0x3e: {  	s8 =	sor.u32 $0x1C07, s8;
	s10 =	rddreg [dreg:$0x13];
	[sflag:s28] =	ssyncadd.s32 $0xFFFFE000  }
0x3f: {  	[spmem:s10], [sflag:s8] =	dma.local [hbm:s9], $0x1400  }
0x40: {  	_ =	swait.ge [sflag:s28], $0x1400  }
0x41: {  	[sflag:s28] =	ssyncset.done $0x0  }
0x42: {  	[sflag:s28] =	ssyncadd.s32 $0xFFFFEC00  }
0x43: {  	[bflag:$0x0] =	sbarrier.arrive $0xFFFF  }
0x44: {  	s25 =	simm.s32 $0x0;
	s10 =	rddreg [dreg:$0xa]  }
0x45: {  	[tilespmem:s29], [sflag:$0x1] =	stream.linear.gather [hbm4b:s10+s25], $0x80, $0x38;
	[tilespmem:$0x1C200] =	vst v63  }
0x46: {  	s3 =	smov.u32 s11;
	s11 =	rddreg [dreg:$0xb]  }
0x47: {  	[tilespmem:s30], [sflag:$0x3] =	stream.linear.gather [hbm4b:s11+s25], $0x80, $0x38;
	[tilespmem:$0x1C200] =	vst v63  }
0x48: {  	s8 =	simm.s32 $0x0;
	s13 =	rddreg [dreg:$0xc]  }
0x49: {  	[tilespmem:s31], [sflag:$0x5] =	stream.linear.gather [hbm4b:s13+s25], $0x2000, $0x38;
	[tilespmem:$0x1C200] =	vst v63  }
.LBB2_4:
0x4a: {  	s9 =	sshll.u32 s8, $0x8  }
0x4b: {  	s9 =	sadd.s32 s9, s23  }
0x4c: {  	s10 =	sshrl.u32 s9, $0x3  }
0x4d: {  	s9 =	sshll.u32 s9, $0x3;
	s11 =	sadd.s32 s6, s10  }
0x4e: {  	[tilespmem:s0], [sflag:$0x2] =	stream.linear.gather [hbm4b:s11+s25], $0x80, $0x38;
	[tilespmem:$0x1C200] =	vst v63  }
0x4f: {  	s10 =	sadd.s32 s7, s10;
	s9 =	sand.u32 $0x1FFFFC00, s9  }
0x50: {  	[tilespmem:s4], [sflag:$0x4] =	stream.linear.gather [hbm4b:s10+s25], $0x80, $0x38;
	[tilespmem:$0x1C200] =	vst v63  }
0x51: {  	s9 =	sadd.s32 s5, s9  }
0x52: {  	[tilespmem:s14], [sflag:$0x6] =	stream.linear.gather [hbm4b:s9+s25], $0x2000, $0x38;
	[tilespmem:$0x1C200] =	vst v63  }
0x53: {  	_ =	swait.ge [sflag:s15], $0x80  }
0x54: {  	[sflag:s15] =	ssyncset.done $0x0  }
0x55: {  	[sflag:s15] =	ssyncadd.s32 $0xFFFFFF80  }
0x56: {  	_ =	swait.ge [sflag:s16], $0x80  }
0x57: {  	[sflag:s16] =	ssyncset.done $0x0  }
0x58: {  	[sflag:s16] =	ssyncadd.s32 $0xFFFFFF80  }
0x59: {  	_ =	swait.ge [sflag:s17], $0x2000  }
0x5a: {  	[sflag:s17] =	ssyncset.done $0x0  }
0x5b: {  	[sflag:s17] =	ssyncadd.s32 $0xFFFFE000  }
0x5c: {  	[tilespmem:s19], [sflag:$0x7] =	stream.indirect.gather [spmem:s2], $0x40, s29, s18, $0xb8;
	[tilespmem:$0x1C200] =	vst v63  }
0x5d: {  	_ =	swait.ge [sflag:s28], $0x2000  }
0x5e: {  	[sflag:s28] =	ssyncset.done $0x0  }
0x5f: {  	s9 =	simm.s32 $0x0;
	[sflag:s28] =	ssyncadd.s32 $0xFFFFE000  }
0x60: {  	v8 =	vld [tilespmem:s9+$0x16200]  }
0x61: {  	v12 =	vld [tilespmem:s9+$0x16240]  }
0x62: {  	v6 =	vld [tilespmem:s9+$0x16210]  }
0x63: {  	v5 =	vld [tilespmem:s9+$0x16250]  }
0x64: {  	v4 =	vld [tilespmem:s9+$0x16220]  }
0x65: {  	v3 =	vld [tilespmem:s9+$0x16260]  }
0x66: {  	v2 =	vld [tilespmem:s9+$0x16230]  }
0x67: {  	v1 =	vld [tilespmem:s9+$0x16270]  }
0x68: {  	v13 =	vld [tilespmem:s9+$0x14200]  }
0x69: {  	v14 =	vld [tilespmem:s9+$0x14240]  }
0x6a: {  	v11 =	vld [tilespmem:s9+$0x14210]  }
0x6b: {  	v10 =	vld [tilespmem:s9+$0x14250]  }
0x6c: {  	v9 =	vld [tilespmem:s9+$0x14220]  }
0x6d: {  	v7 =	vld [tilespmem:s9+$0x14260];
	v13 =	vmul.f32 v8, v13  }
0x6e: {  	s10 =	simm.s32 $0x200;
	v12 =	vmul.f32 v12, v14;
	v8 =	vld [tilespmem:s9+$0x14230]  }
.LBB2_5:
0x6f: {  	s11 =	sshra.s32 s10, $0x2;
	p0 =	sne.s32 s10, $0x7E00;
	[tilespmem:s9+$0x14200] =	vst v13;
	v6 =	vmul.f32 v6, v11;
	v11 =	vld [tilespmem:s9+$0x14270]  }
0x70: {  	v13 =	vld [tilespmem:s11+$0x16200];
	[tilespmem:s9+$0x14240] =	vst v12;
	v5 =	vmul.f32 v5, v10  }
0x71: {  	v12 =	vld [tilespmem:s11+$0x16240];
	[tilespmem:s9+$0x14210] =	vst v6;
	v4 =	vmul.f32 v4, v9  }
0x72: {  	v6 =	vld [tilespmem:s11+$0x16210];
	[tilespmem:s9+$0x14250] =	vst v5;
	v3 =	vmul.f32 v3, v7  }
0x73: {  	v5 =	vld [tilespmem:s11+$0x16250];
	[tilespmem:s9+$0x14220] =	vst v4;
	v2 =	vmul.f32 v2, v8  }
0x74: {  	v4 =	vld [tilespmem:s11+$0x16220];
	[tilespmem:s9+$0x14260] =	vst v3;
	v1 =	vmul.f32 v1, v11  }
0x75: {  	v3 =	vld [tilespmem:s11+$0x16260];
	[tilespmem:s9+$0x14230] =	vst v2  }
0x76: {  	v2 =	vld [tilespmem:s11+$0x16230];
	[tilespmem:s9+$0x14270] =	vst v1;
	s9 =	smov.u32 s11  }
0x77: {  	v1 =	vld [tilespmem:s9+$0x16270]  }
0x78: {  	v7 =	vld [tilespmem:s9+$0x14200]  }
0x79: {  	v8 =	vld [tilespmem:s9+$0x14240]  }
.Ltmp1:
0x7a: {  	v11 =	vld [tilespmem:s9+$0x14210];
	(pc) =	sbr.rel @p0 .LBB2_5-.Ltmp1, $4  }
0x7b: {  	v10 =	vld [tilespmem:s9+$0x14250]  }
0x7c: {  	v9 =	vld [tilespmem:s9+$0x14220]  }
0x7d: {  	v13 =	vmul.f32 v13, v7;
	v7 =	vld [tilespmem:s9+$0x14260]  }
0x7e: {  	s10 =	sadd.s32 $0x200, s10;
	v12 =	vmul.f32 v12, v8;
	v8 =	vld [tilespmem:s9+$0x14230]  }
0x7f: {  	[tilespmem:s9+$0x14200] =	vst v13;
	v6 =	vmul.f32 v6, v11;
	v11 =	vld [tilespmem:s9+$0x14270]  }
0x80: {  	[tilespmem:s9+$0x14240] =	vst v12;
	v5 =	vmul.f32 v5, v10  }
0x81: {  	[tilespmem:s9+$0x14210] =	vst v6;
	v4 =	vmul.f32 v4, v9  }
0x82: {  	[tilespmem:s9+$0x14250] =	vst v5;
	v3 =	vmul.f32 v3, v7  }
0x83: {  	[tilespmem:s9+$0x14220] =	vst v4;
	v2 =	vmul.f32 v2, v8  }
0x84: {  	[tilespmem:s9+$0x14260] =	vst v3;
	v1 =	vmul.f32 v1, v11  }
0x85: {  	s13 =	sshll.u32 s8, $0x1;
	[tilespmem:s9+$0x14230] =	vst v2  }
0x86: {  	[tilespmem:s9+$0x14270] =	vst v1;
	s9 =	sadd.s32 $0x2, s13  }
0x87: {  	[spmem:s1] =	stream.indirect.scatter.add.f32 [tilespmem:s19], [sflag:$0x7], $0x40, s30, s18, $0xb8;
	[tilespmem:$0x1C200] =	vst v63  }
0x88: {  	p0 =	seq.s32 s9, $0x14;
	s9 =	sshll.u32 s9, $0x7  }
0x89: {  	s9 =	simm.s32 @p0 $0x0  }
0x8a: {  	_ =	swait.ge [sflag:s28], $0x2000;
	s9 =	sadd.s32 s12, s9  }
0x8b: {  	s13 =	simm.s32 $0x0;
	[sflag:s28] =	ssyncset.done $0x0;
	s10 =	sshrl.u32 s9, $0x3  }
0x8c: {  	[sflag:s28] =	ssyncadd.s32 $0xFFFFE000;
	s9 =	sshll.u32 s9, $0x3;
	s11 =	sadd.s32 s6, s10  }
0x8d: {  	[tilespmem:s29], [sflag:$0x1] =	stream.linear.gather [hbm4b:s11+s13], $0x80, $0x38;
	[tilespmem:$0x1C200] =	vst v63  }
0x8e: {  	s10 =	sadd.s32 s7, s10;
	s9 =	sand.u32 $0x1FFFFC00, s9  }
0x8f: {  	[tilespmem:s30], [sflag:$0x3] =	stream.linear.gather [hbm4b:s10+s13], $0x80, $0x38;
	[tilespmem:$0x1C200] =	vst v63  }
0x90: {  	s9 =	sadd.s32 s5, s9  }
0x91: {  	[tilespmem:s31], [sflag:$0x5] =	stream.linear.gather [hbm4b:s9+s13], $0x2000, $0x38;
	[tilespmem:$0x1C200] =	vst v63  }
0x92: {  	_ =	swait.ge [sflag:s20], $0x80  }
0x93: {  	[sflag:s20] =	ssyncset.done $0x0  }
0x94: {  	[sflag:s20] =	ssyncadd.s32 $0xFFFFFF80  }
0x95: {  	_ =	swait.ge [sflag:s21], $0x80  }
0x96: {  	[sflag:s21] =	ssyncset.done $0x0  }
0x97: {  	[sflag:s21] =	ssyncadd.s32 $0xFFFFFF80  }
0x98: {  	_ =	swait.ge [sflag:s22], $0x2000  }
0x99: {  	[sflag:s22] =	ssyncset.done $0x0  }
0x9a: {  	[sflag:s22] =	ssyncadd.s32 $0xFFFFE000  }
0x9b: {  	[tilespmem:s19], [sflag:$0x7] =	stream.indirect.gather [spmem:s2], $0x40, s0, s18, $0xb8;
	[tilespmem:$0x1C200] =	vst v63  }
0x9c: {  	_ =	swait.ge [sflag:s28], $0x2000  }
0x9d: {  	[sflag:s28] =	ssyncset.done $0x0  }
0x9e: {  	s9 =	simm.s32 $0x0;
	[sflag:s28] =	ssyncadd.s32 $0xFFFFE000  }
0x9f: {  	v8 =	vld [tilespmem:s9+$0x18200]  }
0xa0: {  	v12 =	vld [tilespmem:s9+$0x18240]  }
0xa1: {  	v6 =	vld [tilespmem:s9+$0x18210]  }
0xa2: {  	v5 =	vld [tilespmem:s9+$0x18250]  }
0xa3: {  	v4 =	vld [tilespmem:s9+$0x18220]  }
0xa4: {  	v3 =	vld [tilespmem:s9+$0x18260]  }
0xa5: {  	v2 =	vld [tilespmem:s9+$0x18230]  }
0xa6: {  	v1 =	vld [tilespmem:s9+$0x18270]  }
0xa7: {  	v13 =	vld [tilespmem:s9+$0x14200]  }
0xa8: {  	v14 =	vld [tilespmem:s9+$0x14240]  }
0xa9: {  	v11 =	vld [tilespmem:s9+$0x14210]  }
0xaa: {  	v10 =	vld [tilespmem:s9+$0x14250]  }
0xab: {  	v9 =	vld [tilespmem:s9+$0x14220]  }
0xac: {  	v7 =	vld [tilespmem:s9+$0x14260];
	v13 =	vmul.f32 v8, v13  }
0xad: {  	s10 =	simm.s32 $0x200;
	v12 =	vmul.f32 v12, v14;
	v8 =	vld [tilespmem:s9+$0x14230]  }
.LBB2_7:
0xae: {  	s11 =	sshra.s32 s10, $0x2;
	p0 =	sne.s32 s10, $0x7E00;
	[tilespmem:s9+$0x14200] =	vst v13;
	v6 =	vmul.f32 v6, v11;
	v11 =	vld [tilespmem:s9+$0x14270]  }
0xaf: {  	v13 =	vld [tilespmem:s11+$0x18200];
	[tilespmem:s9+$0x14240] =	vst v12;
	v5 =	vmul.f32 v5, v10  }
0xb0: {  	v12 =	vld [tilespmem:s11+$0x18240];
	[tilespmem:s9+$0x14210] =	vst v6;
	v4 =	vmul.f32 v4, v9  }
0xb1: {  	v6 =	vld [tilespmem:s11+$0x18210];
	[tilespmem:s9+$0x14250] =	vst v5;
	v3 =	vmul.f32 v3, v7  }
0xb2: {  	v5 =	vld [tilespmem:s11+$0x18250];
	[tilespmem:s9+$0x14220] =	vst v4;
	v2 =	vmul.f32 v2, v8  }
0xb3: {  	v4 =	vld [tilespmem:s11+$0x18220];
	[tilespmem:s9+$0x14260] =	vst v3;
	v1 =	vmul.f32 v1, v11  }
0xb4: {  	v3 =	vld [tilespmem:s11+$0x18260];
	[tilespmem:s9+$0x14230] =	vst v2  }
0xb5: {  	v2 =	vld [tilespmem:s11+$0x18230];
	[tilespmem:s9+$0x14270] =	vst v1;
	s9 =	smov.u32 s11  }
0xb6: {  	v1 =	vld [tilespmem:s9+$0x18270]  }
0xb7: {  	v7 =	vld [tilespmem:s9+$0x14200]  }
0xb8: {  	v8 =	vld [tilespmem:s9+$0x14240]  }
.Ltmp2:
0xb9: {  	v11 =	vld [tilespmem:s9+$0x14210];
	(pc) =	sbr.rel @p0 .LBB2_7-.Ltmp2, $4  }
0xba: {  	v10 =	vld [tilespmem:s9+$0x14250]  }
0xbb: {  	v9 =	vld [tilespmem:s9+$0x14220]  }
0xbc: {  	v13 =	vmul.f32 v13, v7;
	v7 =	vld [tilespmem:s9+$0x14260]  }
0xbd: {  	s10 =	sadd.s32 $0x200, s10;
	v12 =	vmul.f32 v12, v8;
	v8 =	vld [tilespmem:s9+$0x14230]  }
0xbe: {  	[tilespmem:s9+$0x14200] =	vst v13;
	v6 =	vmul.f32 v6, v11;
	v63 =	vld [tilespmem:s9+$0x14270]  }
0xbf: {  	[tilespmem:s9+$0x14240] =	vst v12;
	v5 =	vmul.f32 v5, v10  }
0xc0: {  	[tilespmem:s9+$0x14210] =	vst v6;
	v4 =	vmul.f32 v4, v9  }
0xc1: {  	[tilespmem:s9+$0x14250] =	vst v5;
	v3 =	vmul.f32 v3, v7  }
0xc2: {  	[tilespmem:s9+$0x14220] =	vst v4;
	v2 =	vmul.f32 v2, v8  }
0xc3: {  	s8 =	sadd.s32 $0x1, s8;
	[tilespmem:s9+$0x14260] =	vst v3;
	v1 =	vmul.f32 v1, v63  }
0xc4: {  	p0 =	sne.s32 s8, $0xA;
	[tilespmem:s9+$0x14230] =	vst v2  }
.Ltmp3:
0xc5: {  	[tilespmem:s9+$0x14270] =	vst v1;
	(pc) =	sbr.rel @p0 .LBB2_4-.Ltmp3, $4  }
0xc6: {  	[spmem:s1] =	stream.indirect.scatter.add.f32 [tilespmem:s19], [sflag:$0x7], $0x40, s4, s18, $0xb8;
	[tilespmem:$0x1C200] =	vst v63  }
0xc7: {  	_ =	swait.ge [sflag:s28], $0x2000  }
0xc8: {  	[sflag:s28] =	ssyncset.done $0x0  }
0xc9: {  	[sflag:s28] =	ssyncadd.s32 $0xFFFFE000  }
0xca: {  	_ =	swait.ge [sflag:s15], $0x80  }
0xcb: {  	[sflag:s15] =	ssyncset.done $0x0  }
0xcc: {  	[sflag:s15] =	ssyncadd.s32 $0xFFFFFF80  }
0xcd: {  	_ =	swait.ge [sflag:s16], $0x80  }
0xce: {  	[sflag:s16] =	ssyncset.done $0x0  }
0xcf: {  	[sflag:s16] =	ssyncadd.s32 $0xFFFFFF80  }
0xd0: {  	_ =	swait.ge [sflag:s17], $0x2000  }
0xd1: {  	[sflag:s17] =	ssyncset.done $0x0  }
0xd2: {  	[sflag:s17] =	ssyncadd.s32 $0xFFFFE000  }
0xd3: {  	[bflag:$0x0] =	sbarrier.arrive $0xFFFF  }
0xd4: {  	[tilespmem:s26], [sflag:$0x7] =	stream.linear.gather [spmem:s3], $0x2000, $0x38;
	[tilespmem:$0x1C200] =	vst v63  }
0xd5: {  	_ =	swait.ge [sflag:s28], $0x2000  }
0xd6: {  	s11 =	smov.u32 s3;
	[sflag:s28] =	ssyncset.done $0x0  }
0xd7: {  	s3 =	simm.s32 $0x0;
	s8 =	rddreg [dreg:$0xd];
	[sflag:s28] =	ssyncadd.s32 $0xFFFFE000  }
0xd8: {  	[hbm4b:s8+s3] =	stream.linear.scatter [tilespmem:s26], [sflag:$0x7], $0x2000, $0x38;
	[tilespmem:$0x1C200] =	vst v63  }
0xd9: {  	_ =	swait.ge [sflag:s28], $0x2000  }
0xda: {  	[sflag:s28] =	ssyncset.done $0x0  }
0xdb: {  	s13 =	rddreg [dreg:$0x5];
	[sflag:s28] =	ssyncadd.s32 $0xFFFFE000  }
0xdc: {  	[tilespmem:s26], [sflag:$0x7] =	stream.linear.gather [spmem:s13], $0x2000, $0x38;
	[tilespmem:$0x1C200] =	vst v63  }
0xdd: {  	_ =	swait.ge [sflag:s28], $0x2000  }
0xde: {  	[sflag:s28] =	ssyncset.done $0x0  }
0xdf: {  	s25 =	rddreg [dreg:$0xe];
	[sflag:s28] =	ssyncadd.s32 $0xFFFFE000  }
0xe0: {  	[hbm4b:s25+s3] =	stream.linear.scatter [tilespmem:s26], [sflag:$0x7], $0x2000, $0x38;
	[tilespmem:$0x1C200] =	vst v63  }
0xe1: {  	_ =	swait.ge [sflag:s28], $0x2000  }
0xe2: {  	[sflag:s28] =	ssyncset.done $0x0  }
0xe3: {  	s25 =	rddreg [dreg:$0x6];
	[sflag:s28] =	ssyncadd.s32 $0xFFFFE000  }
0xe4: {  	[tilespmem:s26], [sflag:$0x7] =	stream.linear.gather [spmem:s25], $0x2000, $0x38;
	[tilespmem:$0x1C200] =	vst v63  }
0xe5: {  	_ =	swait.ge [sflag:s28], $0x2000  }
0xe6: {  	[sflag:s28] =	ssyncset.done $0x0  }
0xe7: {  	s9 =	rddreg [dreg:$0xf];
	[sflag:s28] =	ssyncadd.s32 $0xFFFFE000  }
0xe8: {  	[hbm4b:s9+s3] =	stream.linear.scatter [tilespmem:s26], [sflag:$0x7], $0x2000, $0x38;
	[tilespmem:$0x1C200] =	vst v63  }
0xe9: {  	_ =	swait.ge [sflag:s28], $0x2000  }
0xea: {  	[sflag:s28] =	ssyncset.done $0x0  }
0xeb: {  	s10 =	rddreg [dreg:$0x7];
	[sflag:s28] =	ssyncadd.s32 $0xFFFFE000  }
0xec: {  	[tilespmem:s26], [sflag:$0x7] =	stream.linear.gather [spmem:s10], $0x2000, $0x38;
	[tilespmem:$0x1C200] =	vst v63  }
0xed: {  	_ =	swait.ge [sflag:s28], $0x2000  }
0xee: {  	[sflag:s28] =	ssyncset.done $0x0  }
0xef: {  	s9 =	rddreg [dreg:$0x10];
	[sflag:s28] =	ssyncadd.s32 $0xFFFFE000  }
0xf0: {  	[hbm4b:s9+s3] =	stream.linear.scatter [tilespmem:s26], [sflag:$0x7], $0x2000, $0x38;
	[tilespmem:$0x1C200] =	vst v63  }
0xf1: {  	_ =	swait.ge [sflag:s28], $0x2000  }
0xf2: {  	[sflag:s28] =	ssyncset.done $0x0  }
0xf3: {  	s10 =	rddreg [dreg:$0x8];
	[sflag:s28] =	ssyncadd.s32 $0xFFFFE000  }
0xf4: {  	[tilespmem:s26], [sflag:$0x7] =	stream.linear.gather [spmem:s10], $0x2000, $0x38;
	[tilespmem:$0x1C200] =	vst v63  }
0xf5: {  	_ =	swait.ge [sflag:s28], $0x2000  }
0xf6: {  	[sflag:s28] =	ssyncset.done $0x0  }
0xf7: {  	s9 =	rddreg [dreg:$0x11];
	[sflag:s28] =	ssyncadd.s32 $0xFFFFE000  }
0xf8: {  	[hbm4b:s9+s3] =	stream.linear.scatter [tilespmem:s26], [sflag:$0x7], $0x2000, $0x38;
	[tilespmem:$0x1C200] =	vst v63  }
0xf9: {  	_ =	swait.ge [sflag:s28], $0x2000  }
0xfa: {  	s24 =	sadd.s32 $0x1, s24;
	s10 =	rddreg [dreg:$0x12]  }
0xfb: {  	p0 =	sne.s32 s24, s10  }
.Ltmp4:
0xfc: {  	_ = 	snop;
	(pc) =	sbr.rel @p0 .LBB2_1-.Ltmp4, $3  }
0xfd: {  	_ =	sdelay $0x1  }
0xfe: {  	[sflag:s28] =	ssyncset.done $0x0  }
0xff: {  	[sflag:s28] =	ssyncadd.s32 $0xFFFFE000  }
0x100: {  	_ =	sfence.sel $0x180000  }
0x101: {  	[bflag:$0x0] =	sbarrier.arrive $0xFFFF  }
0x102: {  	_ =	strace $0x9000004D  }
0x103: {  	s0 =	stileid.u32;
	[bflag:$0x2] =	sbarrier.arrive $0xFFFF  }
0x104: {  	p0 =	sne.s32 s0, $0x0;
	s0 =	rddreg [dreg:$0x4]  }
0x105: {  	s0 =	sadd.s32 @!p0 $0x100000, s0  }
0x106: {  	[sflag:s0] =	ssyncadd.tile.s32 @!p0 $0x1;
	_ =	shalt  }
.Lfunc_end2:
_tile_overlayer_lowered:
.L_overlay_start_2:
0x107: {  	(tag) =	ssettag $0x2  }
0x108: {  	s0 =	rddreg [dreg:$0x0];
	s2 =	stileid.u32  }
0x109: {  	s1 =	rddreg [dreg:$0x1];
	p0 =	sne.s32 s2, $0x0  }
0x10a: {  	s3 =	rddreg [dreg:$0x2];
	[bflag:$0x3] =	sbarrier.arrive $0xFFFF;
	s2 =	simm.s32 @!p0 $0x1C07  }
0x10b: {  	[timem:s3], [sflag:s2] =	dma.local @!p0 [hbm:s0], s1  }
0x10c: {  	s0 =	simm.s32 @!p0 $0x7  }
0x10d: {  	_ =	swait.ge @!p0 [sflag:s0], s1  }
0x10e: {  	s1 =	ssub.s32 @!p0 $0x0, s1;
	[sflag:s0] =	ssyncset.done @!p0 $0x0  }
0x10f: {  	[sflag:s0] =	ssyncadd.s32 @!p0 s1  }
0x110: {  	[bflag:$0x3] =	sbarrier.arrive $0xFFFF  }
0x111: {  	_ =	shalt  }

// kernel: kernel.15.cloned.1.call-start
scs
__scs_entry_jumppad:
0x0: {  	(pc) =	sbr.rel $0x88, $3  }
0x1: {  	(tag) =	ssettag $0x0;
	lr =	simm.s32 $0x1  }
0x2: {  	[smem:$0x3F93] =	sst lr;
	_ =	strace $0xD0000000  }
0x3: {  	_ = 	snop  }
0x4: {  	_ = 	snop  }
0x5: {  	_ = 	snop  }
0x6: {  	_ = 	snop  }
0x7: {  	_ = 	snop  }
__scs_overlays_trampoline_lowered:
0x8: {  	[smem:$0x3FA2] =	sst s0  }
0x9: {  	[smem:$0x3FA3] =	sst s1  }
0xa: {  	[smem:$0x3FA4] =	sst s2  }
0xb: {  	[smem:$0x3FA5] =	sst s3  }
0xc: {  	[smem:$0x3FA6] =	sst s4  }
0xd: {  	[smem:$0x3FA7] =	sst s5  }
0xe: {  	[smem:$0x3FA8] =	sst s6  }
0xf: {  	[smem:$0x3FA9] =	sst s7  }
0x10: {  	[smem:$0x3FAA] =	sst s8  }
0x11: {  	[smem:$0x3FAB] =	sst s9;
	s0 =	simm.s32 @!p0 $0x0  }
0x12: {  	s1 =	sld [smem:$0x3F91];
	s0 =	simm.s32 @p0 $0x1  }
0x13: {  	[smem:$0x3FAC] =	sst s0;
	s0 =	simm.s32 @!p1 $0x0  }
0x14: {  	s2 =	sld [smem:$0x3F90];
	s0 =	simm.s32 @p1 $0x1  }
0x15: {  	[smem:$0x3FAD] =	sst s0;
	s0 =	simm.s32 @!p2 $0x0  }
0x16: {  	s3 =	sld [smem:$0x3FDB];
	s0 =	simm.s32 @p2 $0x1  }
0x17: {  	s4 =	simm.s32 $0x1BF5;
	[smem:$0x3FAF] =	sst s0  }
0x18: {  	s0 =	sld [smem:$0x3F92];
	_ =	swait.ge [sflag:s4], $0x0  }
0x19: {  	s7 =	sld [smem:$0x3F93]  }
0x1a: {  	s8 =	sadd.s32 $0xFFFFE003, lr  }
0x1b: {  	s9 =	sadd.s32 $0xFFFFFEF7, lr;
	s5 =	simm.s32 $0xFFFFFFFF;
	p2 =	slt.u32 s8, $0xFFFFF086  }
0x1c: {  	p1 =	slt.u32 s9, $0xF7A;
	s5 =	simm.s32 @!p2 $0x0  }
0x1d: {  	s5 =	simm.s32 @p1 $0x1;
	p0 =	seq.s32 s7, s2  }
0x1e: {  	s7 =	smul.u32 @!p0 $0xF7A, s2;
	p2 =	seq.s32 @!p0 s5, $0x0  }
0x1f: {  	s9 =	smul.u32 $0xF7A, s1;
	s8 =	simm.s32 @!p0 $0x1BF5;
	p2 =	por !p2, p0  }
0x20: {  	[sflag:s8] =	ssyncset.s32 @!p0 $0xFFFFF086;
	s6 =	sadd.s32 @!p0 s3, s7;
	s7 =	simm.s32 @!p0 $0x108  }
0x21: {  	s3 =	sadd.s32 s3, s9;
	s6 =	sadd.s32 @!p0 $0x88, s6;
	s7 =	simm.s32 @p2 $0x1082  }
0x22: {  	[simem:s7], [sflag:s8] =	dma.local @!p0 [hbm:s6], $0xF7A  }
0x23: {  	s9 =	sor.u32 $0xD0000000, s2;
	s6 =	simm.s32 $0x108;
	_ =	swait.ge @!p0 [sflag:s8], $0x0  }
0x24: {  	s3 =	sadd.s32 $0x88, s3;
	s6 =	simm.s32 @!p1 $0x1082;
	[sflag:s4] =	ssyncset.s32 $0xFFFFF086  }
0x25: {  	[simem:s6], [sflag:s4] =	dma.local [hbm:s3], $0xF7A  }
0x26: {  	[smem:$0x3F93] =	sst s1;
	(tag) =	ssettag s2;
	_ =	strace s9  }
0x27: {  	s1 =	sld [smem:$0x3FA3]  }
0x28: {  	s2 =	sld [smem:$0x3FA4]  }
0x29: {  	s4 =	sld [smem:$0x3FA6]  }
0x2a: {  	p0 =	seq.s32 s5, $0x0;
	s5 =	sld [smem:$0x3FA7]  }
0x2b: {  	s6 =	sld [smem:$0x3FA8]  }
0x2c: {  	s7 =	sld [smem:$0x3FA9]  }
0x2d: {  	s3 =	simm.s32 $0x108;
	s8 =	sld [smem:$0x3FAA]  }
0x2e: {  	s3 =	simm.s32 @!p0 $0x1082;
	s9 =	sld [smem:$0x3FAB]  }
0x2f: {  	lr =	sadd.s32 s0, s3;
	s0 =	sld [smem:$0x3FA2]  }
0x30: {  	s3 =	sld [smem:$0x3FA5]  }
0x31: {  	[smem:$0x3FAE] =	sst s10  }
0x32: {  	s10 =	sld [smem:$0x3FAC];
	_ =	sdelay $0x3  }
0x33: {  	p0 =	seq.s32 s10, $0x1;
	s10 =	sld [smem:$0x3FAE];
	_ =	sdelay $0x3  }
0x34: {  	[smem:$0x3FAE] =	sst s10  }
0x35: {  	s10 =	sld [smem:$0x3FAD];
	_ =	sdelay $0x3  }
0x36: {  	p1 =	seq.s32 s10, $0x1;
	s10 =	sld [smem:$0x3FAE];
	_ =	sdelay $0x3  }
0x37: {  	[smem:$0x3FAE] =	sst s10  }
0x38: {  	s10 =	sld [smem:$0x3FAF]  }
0x39: {  	_ = 	snop;
	(pc) =	sbr.ind lr, $3  }
0x3a: {  	_ = 	snop  }
0x3b: {  	_ = 	snop  }
0x3c: {  	p2 =	seq.s32 s10, $0x1;
	s10 =	sld [smem:$0x3FAE]  }
0x3d: {  	_ =	shalt  }
0x3e: {  	_ =	shalt  }
0x3f: {  	_ =	shalt  }
0x40: {  	_ =	shalt  }
0x41: {  	_ =	shalt  }
0x42: {  	_ =	shalt  }
0x43: {  	_ =	shalt  }
0x44: {  	_ =	shalt  }
0x45: {  	_ =	shalt  }
0x46: {  	_ =	shalt  }
0x47: {  	_ =	shalt  }
0x48: {  	_ =	shalt  }
0x49: {  	_ =	shalt  }
0x4a: {  	_ =	shalt  }
0x4b: {  	_ =	shalt  }
0x4c: {  	_ =	shalt  }
0x4d: {  	_ =	shalt  }
0x4e: {  	_ =	shalt  }
0x4f: {  	_ =	shalt  }
0x50: {  	_ =	shalt  }
0x51: {  	_ =	shalt  }
0x52: {  	_ =	shalt  }
0x53: {  	_ =	shalt  }
0x54: {  	_ =	shalt  }
0x55: {  	_ =	shalt  }
0x56: {  	_ =	shalt  }
0x57: {  	_ =	shalt  }
0x58: {  	_ =	shalt  }
0x59: {  	_ =	shalt  }
0x5a: {  	_ =	shalt  }
0x5b: {  	_ =	shalt  }
0x5c: {  	_ =	shalt  }
0x5d: {  	_ =	shalt  }
0x5e: {  	_ =	shalt  }
0x5f: {  	_ =	shalt  }
0x60: {  	_ =	shalt  }
0x61: {  	_ =	shalt  }
0x62: {  	_ =	shalt  }
0x63: {  	_ =	shalt  }
0x64: {  	_ =	shalt  }
0x65: {  	_ =	shalt  }
0x66: {  	_ =	shalt  }
0x67: {  	_ =	shalt  }
0x68: {  	_ =	shalt  }
0x69: {  	_ =	shalt  }
0x6a: {  	_ =	shalt  }
0x6b: {  	_ =	shalt  }
0x6c: {  	_ =	shalt  }
0x6d: {  	_ =	shalt  }
0x6e: {  	_ =	shalt  }
0x6f: {  	_ =	shalt  }
0x70: {  	_ =	shalt  }
0x71: {  	_ =	shalt  }
0x72: {  	_ =	shalt  }
0x73: {  	_ =	shalt  }
0x74: {  	_ =	shalt  }
0x75: {  	_ =	shalt  }
0x76: {  	_ =	shalt  }
0x77: {  	_ =	shalt  }
0x78: {  	_ =	shalt  }
0x79: {  	_ =	shalt  }
0x7a: {  	_ =	shalt  }
0x7b: {  	_ =	shalt  }
0x7c: {  	_ =	shalt  }
0x7d: {  	_ =	shalt  }
0x7e: {  	_ =	shalt  }
0x7f: {  	_ =	shalt  }
0x80: {  	_ =	shalt  }
0x81: {  	_ =	shalt  }
0x82: {  	_ =	shalt  }
0x83: {  	_ =	shalt  }
0x84: {  	_ =	shalt  }
0x85: {  	_ =	shalt  }
0x86: {  	_ =	shalt  }
0x87: {  	_ =	shalt  }
.Lfunc_end0:
.L_simem_size_0:
called_computation.2_lowered:
.L_overlay_start_0:
0x88: {  	s2 =	sld [smem:$0x3FD9]  }
0x89: {  	s3 =	sld [smem:$0x3FFE];
	_ =	sdelay $0x1  }
0x8a: {  	s1 =	srdreg.scid  }
0x8b: {  	s0 =	sand.u32 $0x1, s1  }
0x8c: {  	s17 =	sshll.u32 s0, $0xA;
	s2 =	sadd.s32 s3, s2  }
0x8d: {  	s2 =	sadd.s32 s2, s17  }
0x8e: {  	[smem:$0x3FBA] =	sst s2  }
0x8f: {  	_ = 	snop  }
0x90: {  	s2 =	sld [smem:$0x3FD0];
	(tm) =	ssettm $0x1  }
0x91: {  	s18 =	sld [smem:$0x3FFB];
	_ =	sdelay $0x3  }
0x92: {  	_ =	strace s18  }
0x93: {  	s3 =	sld [smem:$0x3FFC];
	_ =	sdelay $0x3  }
0x94: {  	_ =	strace s3  }
0x95: {  	s3 =	sld [smem:$0x3FFD];
	_ =	sdelay $0x3  }
0x96: {  	_ =	strace s3  }
0x97: {  	_ =	strace $0x8FFFFFFF  }
0x98: {  	s19 =	sld [smem:$0x3FDB];
	_ =	sdelay $0x1  }
0x99: {  	s4 =	simm.s32 $_scs_section_size  }
0x9a: {  	s5 =	simm.s32 $_size__tile_overlayer_lowered;
	s6 =	simm.s32 $_tile_overlayer_lowered  }
0x9b: {  	s22 =	simm.s32 $0x1BFF;
	s21 =	sshll.u32 s6, $0x1;
	s3 =	sadd.s32 s4, s19  }
0x9c: {  	s7 =	simm.s32 $0x0;
	s20 =	sshll.u32 s5, $0x1;
	s5 =	sadd.s32 s21, s3  }
0x9d: {  	[timem:s7], [sflag:s22] =	dma.local [hbm:s5], s20  }
0x9e: {  	_ =	swait.ge [sflag:s22], s20  }
0x9f: {  	s4 =	ssub.s32 $0x0, s20;
	[sflag:s22] =	ssyncset.done $0x0  }
0xa0: {  	[sflag:s22] =	ssyncadd.s32 s4;
	_ =	sdelay $0x1  }
0xa1: {  	s23 =	simm.s32 $0x1B8B  }
0xa2: {  	_ =	swait.ge [sflag:s23], $0x1  }
0xa3: {  	[sflag:s23] =	ssyncset.done $0x0  }
0xa4: {  	s25 =	simm.s32 $0x1B8E;
	s24 =	sld [smem:$0x3FFE];
	[sflag:s23] =	ssyncadd.s32 $0xFFFFFFFF  }
0xa5: {  	s26 =	simm.s32 $execute0_lowered;
	[smem:$0x3FD2] =	sst s25  }
0xa6: {  	s5 =	sshll.u32 s26, $0x1;
	_ =	strace $0x80000049;
	[dreg:$0x1] =	wrdreg $0xFFFFFFFF  }
0xa7: {  	s28 =	simm.s32 $_size_execute0_lowered;
	s3 =	sadd.s32 s3, s5;
	[dreg:$0x0] =	wrdreg $0x0  }
0xa8: {  	s5 =	sshll.u32 s28, $0x1;
	[dreg:$0x2] =	wrdreg s3  }
0xa9: {  	[dreg:$0x3] =	wrdreg s5  }
0xaa: {  	[dreg:$0x4] =	wrdreg $0xC0  }
0xab: {  	_ =	task [dreg:s7], $0x5FFFF  }
0xac: {  	[dreg:$0x1] =	wrdreg $0xFFFFFFFF  }
0xad: {  	[dreg:$0x0] =	wrdreg $0x60  }
0xae: {  	[dreg:$0x2] =	wrdreg s2  }
0xaf: {  	[dreg:$0x3] =	wrdreg s24  }
0xb0: {  	[dreg:$0x4] =	wrdreg $0x0  }
0xb1: {  	[dreg:$0x5] =	wrdreg $0xA0000  }
0xb2: {  	[dreg:$0x6] =	wrdreg $0xA  }
0xb3: {  	_ =	task.clear_ibuf [dreg:s7], $0x7FFFF;
	_ =	strace $0x90000049  }
0xb4: {  	s29 =	simm.s32 $0xA;
	_ =	strace $0x8000004B  }
0xb5: {  	_ =	swait.ge [sflag:s29], $0x1  }
0xb6: {  	[sflag:s29] =	ssyncadd.s32 $0xFFFFFFFF  }
0xb7: {  	_ =	strace $0x9000004B  }
0xb8: {  	_ =	sfence  }
0xb9: {  	s30 =	sld [smem:$0x0];
	_ =	sdelay $0x2  }
0xba: {  	s31 =	sshll.u32 s1, $0xD;
	s1 =	sshrl.u32 s1, $0x2  }
0xbb: {  	s3 =	sand.u32 $0x4000, s31;
	s1 =	sadd.s32 s1, s30  }
0xbc: {  	s0 =	sor.u32 s3, s0;
	s1 =	sshll.u32 s1, $0x11  }
0xbd: {  	s0 =	sor.u32 s1, s0  }
0xbe: {  	s0 =	sadd.s32 $0x8F2B, s0  }
0xbf: {  	[sflag:s0] =	ssyncadd.remote.s32 $0x1  }
0xc0: {  	_ =	sfence.sel $0xFFFF  }
0xc1: {  	[dreg:$0x0] =	wrdreg $0xFFFFFFFF;
	(pc) =	sbr.abs _section_cstart, $3  }
0xc2: {  	[dreg:$0x1] =	wrdreg $0xFFFFFFFF  }
0xc3: {  	_ =	task.clear_ibuf [dreg:s7], $0x2FFFF;
	_ =	strace $0x9FFFFFFF  }
0xc4: {  	(tm) =	ssettm $0x7FFFFFFF  }
0xc5: {  	_ =	shalt  }
tec
execute0_lowered:
.L_overlay_start_1:
0x0: {  	(tag) =	ssettag $0x1  }
0x1: {  	s0 =	rddreg [dreg:$0x0]  }
0x2: {  	s4 =	rddreg [dreg:$0x1]  }
0x3: {  	s1 =	rddreg [dreg:$0x2]  }
0x4: {  	s2 =	rddreg [dreg:$0x3];
	s3 =	simm.s32 $0x0  }
0x5: {  	s7 =	srdreg.scid;
	s12 =	stileid.u32;
	s28 =	simm.s32 $0x7  }
0x6: {  	s29 =	simm.s32 $0x14000;
	s30 =	simm.s32 $0x14100;
	s31 =	simm.s32 $0x16200  }
0x7: {  	[smem:$0x7FF] =	sst s3;
	s5 =	sadd.s32 $0x1600, s4;
	s6 =	sadd.s32 $0x208000, s4  }
0x8: {  	s8 =	sand.u32 $0x1, s7;
	s7 =	sadd.s32 $0x200800, s4;
	s14 =	smul.u32 $0xA000, s12  }
0x9: {  	s11 =	sshll.u32 s12, $0x1;
	s4 =	sadd.s32 $0x20F800, s4;
	_ =	strace $0x8000004A  }
0xa: {  	s9 =	ssub.s32 $0x2, s8;
	s26 =	sor.u32 s8, s11;
	s8 =	smul.u32 $0xA0000, s8  }
0xb: {  	s10 =	sshrl.u32 s9, $0x1;
	s11 =	sadd.s32 s14, s1;
	s15 =	sadd.s32 $0x2000, s14  }
0xc: {  	s16 =	sadd.s32 $0x4000, s14;
	s17 =	sadd.s32 $0x6000, s14;
	s18 =	sadd.s32 $0x8000, s14  }
0xd: {  	s12 =	smul.u32 $0x1E00, s26;
	s19 =	sshrl.u32 s14, $0x3;
	s20 =	sadd.s32 s14, s2  }
0xe: {  	s9 =	ssub.s32 s9, s10;
	s13 =	sadd.s32 s15, s1;
	s25 =	sadd.s32 s16, s1  }
0xf: {  	s21 =	sadd.s32 s17, s1;
	s22 =	sadd.s32 s18, s1;
	s0 =	sadd.s32 s0, s19  }
0x10: {  	s10 =	smul.u32 $0xF000, s26;
	s14 =	sadd.s32 s14, s8;
	[dreg:$0x7] =	wrdreg s21  }
0x11: {  	s15 =	sadd.s32 s8, s15;
	s16 =	sadd.s32 s8, s16;
	[dreg:$0x8] =	wrdreg s22  }
0x12: {  	s17 =	sadd.s32 s8, s17;
	s8 =	sadd.s32 s8, s18;
	[dreg:$0x9] =	wrdreg s0  }
0x13: {  	s23 =	sshrl.u32 s12, $0x3;
	s26 =	sshrl.u32 s14, $0x3;
	s18 =	sshrl.u32 s15, $0x3  }
0x14: {  	s19 =	sshrl.u32 s16, $0x3;
	s21 =	sshrl.u32 s17, $0x3;
	[dreg:$0x5] =	wrdreg s13  }
0x15: {  	s15 =	simm.s32 $0x1;
	[dreg:$0x6] =	wrdreg s25;
	s24 =	sadd.s32 s6, s23  }
0x16: {  	s16 =	simm.s32 $0x3;
	s0 =	sadd.s32 s7, s23;
	[dreg:$0xa] =	wrdreg s24  }
0x17: {  	s17 =	simm.s32 $0x5;
	s14 =	sadd.s32 s5, s10;
	[dreg:$0xb] =	wrdreg s0  }
0x18: {  	s22 =	sadd.s32 s4, s21;
	s23 =	sshrl.u32 s8, $0x3;
	[dreg:$0xc] =	wrdreg s14  }
0x19: {  	s21 =	simm.s32 $0x4;
	s0 =	sadd.s32 s4, s26;
	[dreg:$0x10] =	wrdreg s22  }
0x1a: {  	s24 =	smax.u32 s9, $0x1;
	s26 =	sshrl.u32 s20, $0x3;
	[dreg:$0xd] =	wrdreg s0  }
0x1b: {  	s14 =	simm.s32 $0x18200;
	s20 =	simm.s32 $0x2;
	[dreg:$0x12] =	wrdreg s24  }
0x1c: {  	s22 =	simm.s32 $0x6;
	s0 =	sadd.s32 s4, s18;
	[dreg:$0x13] =	wrdreg s26  }
0x1d: {  	s26 =	simm.s32 $0x1A200;
	s18 =	simm.s32 $0x80;
	s24 =	simm.s32 $0x0  }
0x1e: {  	[dreg:$0xe] =	wrdreg s0;
	s0 =	sadd.s32 s4, s19;
	s19 =	simm.s32 $0x14200  }
0x1f: {  	[dreg:$0xf] =	wrdreg s0;
	s0 =	sadd.s32 s4, s23;
	s23 =	sor.u32 $0x80, s12  }
0x20: {  	v0 =	vimm.f32 $0.0e+00;
	s4 =	simm.s32 $0x14180;
	[dreg:$0x11] =	wrdreg s0;
	s0 =	simm.s32 $0x14080  }
.LBB2_1:
0x21: {  	s9 =	simm.s32 $0x100;
	s8 =	simm.s32 $0x0  }
.LBB2_2:
0x22: {  	p0 =	sne.s32 s9, $0x7F00;
	[tilespmem:s8+$0x1A230] =	vst v0;
	s10 =	smov.u32 s9;
	s9 =	sadd.s32 $0x100, s9  }
.Ltmp0:
0x23: {  	[tilespmem:s8+$0x1A220] =	vst v0;
	(pc) =	sbr.rel @p0 .LBB2_2-.Ltmp0, $3  }
0x24: {  	[tilespmem:s8+$0x1A200] =	vst v0  }
0x25: {  	[tilespmem:s8+$0x1A210] =	vst v0;
	_ =	sdelay $0x1  }
0x26: {  	s8 =	sshra.s32 s10, $0x2  }
0x27: {  	[tilespmem:s8+$0x1A230] =	vst v0  }
0x28: {  	[tilespmem:s8+$0x1A220] =	vst v0  }
0x29: {  	[tilespmem:s8+$0x1A200] =	vst v0  }
0x2a: {  	[tilespmem:s8+$0x1A210] =	vst v0  }
0x2b: {  	[spmem:s11] =	stream.linear.scatter [tilespmem:s26], [sflag:$0x7], $0x2000, $0x38;
	[tilespmem:$0x1C200] =	vst v63  }
0x2c: {  	_ =	swait.ge [sflag:s28], $0x2000  }
0x2d: {  	[sflag:s28] =	ssyncset.done $0x0  }
0x2e: {  	[sflag:s28] =	ssyncadd.s32 $0xFFFFE000  }
0x2f: {  	[spmem:s13] =	stream.linear.scatter [tilespmem:s26], [sflag:$0x7], $0x2000, $0x38;
	[tilespmem:$0x1C200] =	vst v63  }
0x30: {  	_ =	swait.ge [sflag:s28], $0x2000  }
0x31: {  	[sflag:s28] =	ssyncset.done $0x0  }
0x32: {  	[sflag:s28] =	ssyncadd.s32 $0xFFFFE000  }
0x33: {  	[spmem:s25] =	stream.linear.scatter [tilespmem:s26], [sflag:$0x7], $0x2000, $0x38;
	[tilespmem:$0x1C200] =	vst v63  }
0x34: {  	_ =	swait.ge [sflag:s28], $0x2000  }
0x35: {  	[sflag:s28] =	ssyncset.done $0x0  }
0x36: {  	s13 =	rddreg [dreg:$0x7];
	[sflag:s28] =	ssyncadd.s32 $0xFFFFE000  }
0x37: {  	[spmem:s13] =	stream.linear.scatter [tilespmem:s26], [sflag:$0x7], $0x2000, $0x38;
	[tilespmem:$0x1C200] =	vst v63  }
0x38: {  	_ =	swait.ge [sflag:s28], $0x2000  }
0x39: {  	[sflag:s28] =	ssyncset.done $0x0  }
0x3a: {  	s25 =	rddreg [dreg:$0x8];
	[sflag:s28] =	ssyncadd.s32 $0xFFFFE000  }
0x3b: {  	[spmem:s25] =	stream.linear.scatter [tilespmem:s26], [sflag:$0x7], $0x2000, $0x38;
	[tilespmem:$0x1C200] =	vst v63  }
0x3c: {  	s9 =	stileid.u32;
	_ =	swait.ge [sflag:s28], $0x2000  }
0x3d: {  	s8 =	sshll.u32 s9, $0x6;
	[sflag:s28] =	ssyncset.done $0x0;
	s9 =	rddreg [dreg:$0x9]  }
0x3e: {  	s8 =	sor.u32 $0x1C07, s8;
	s10 =	rddreg [dreg:$0x13];
	[sflag:s28] =	ssyncadd.s32 $0xFFFFE000  }
0x3f: {  	[spmem:s10], [sflag:s8] =	dma.local [hbm:s9], $0x1400  }
0x40: {  	_ =	swait.ge [sflag:s28], $0x1400  }
0x41: {  	[sflag:s28] =	ssyncset.done $0x0  }
0x42: {  	[sflag:s28] =	ssyncadd.s32 $0xFFFFEC00  }
0x43: {  	[bflag:$0x0] =	sbarrier.arrive $0xFFFF  }
0x44: {  	s25 =	simm.s32 $0x0;
	s10 =	rddreg [dreg:$0xa]  }
0x45: {  	[tilespmem:s29], [sflag:$0x1] =	stream.linear.gather [hbm4b:s10+s25], $0x80, $0x38;
	[tilespmem:$0x1C200] =	vst v63  }
0x46: {  	s3 =	smov.u32 s11;
	s11 =	rddreg [dreg:$0xb]  }
0x47: {  	[tilespmem:s30], [sflag:$0x3] =	stream.linear.gather [hbm4b:s11+s25], $0x80, $0x38;
	[tilespmem:$0x1C200] =	vst v63  }
0x48: {  	s8 =	simm.s32 $0x0;
	s13 =	rddreg [dreg:$0xc]  }
0x49: {  	[tilespmem:s31], [sflag:$0x5] =	stream.linear.gather [hbm4b:s13+s25], $0x2000, $0x38;
	[tilespmem:$0x1C200] =	vst v63  }
.LBB2_4:
0x4a: {  	s9 =	sshll.u32 s8, $0x8  }
0x4b: {  	s9 =	sadd.s32 s9, s23  }
0x4c: {  	s10 =	sshrl.u32 s9, $0x3  }
0x4d: {  	s9 =	sshll.u32 s9, $0x3;
	s11 =	sadd.s32 s6, s10  }
0x4e: {  	[tilespmem:s0], [sflag:$0x2] =	stream.linear.gather [hbm4b:s11+s25], $0x80, $0x38;
	[tilespmem:$0x1C200] =	vst v63  }
0x4f: {  	s10 =	sadd.s32 s7, s10;
	s9 =	sand.u32 $0x1FFFFC00, s9  }
0x50: {  	[tilespmem:s4], [sflag:$0x4] =	stream.linear.gather [hbm4b:s10+s25], $0x80, $0x38;
	[tilespmem:$0x1C200] =	vst v63  }
0x51: {  	s9 =	sadd.s32 s5, s9  }
0x52: {  	[tilespmem:s14], [sflag:$0x6] =	stream.linear.gather [hbm4b:s9+s25], $0x2000, $0x38;
	[tilespmem:$0x1C200] =	vst v63  }
0x53: {  	_ =	swait.ge [sflag:s15], $0x80  }
0x54: {  	[sflag:s15] =	ssyncset.done $0x0  }
0x55: {  	[sflag:s15] =	ssyncadd.s32 $0xFFFFFF80  }
0x56: {  	_ =	swait.ge [sflag:s16], $0x80  }
0x57: {  	[sflag:s16] =	ssyncset.done $0x0  }
0x58: {  	[sflag:s16] =	ssyncadd.s32 $0xFFFFFF80  }
0x59: {  	_ =	swait.ge [sflag:s17], $0x2000  }
0x5a: {  	[sflag:s17] =	ssyncset.done $0x0  }
0x5b: {  	[sflag:s17] =	ssyncadd.s32 $0xFFFFE000  }
0x5c: {  	[tilespmem:s19], [sflag:$0x7] =	stream.indirect.gather [spmem:s2], $0x40, s29, s18, $0xb8;
	[tilespmem:$0x1C200] =	vst v63  }
0x5d: {  	_ =	swait.ge [sflag:s28], $0x2000  }
0x5e: {  	[sflag:s28] =	ssyncset.done $0x0  }
0x5f: {  	s9 =	simm.s32 $0x0;
	[sflag:s28] =	ssyncadd.s32 $0xFFFFE000  }
0x60: {  	v8 =	vld [tilespmem:s9+$0x16200]  }
0x61: {  	v12 =	vld [tilespmem:s9+$0x16240]  }
0x62: {  	v6 =	vld [tilespmem:s9+$0x16210]  }
0x63: {  	v5 =	vld [tilespmem:s9+$0x16250]  }
0x64: {  	v4 =	vld [tilespmem:s9+$0x16220]  }
0x65: {  	v3 =	vld [tilespmem:s9+$0x16260]  }
0x66: {  	v2 =	vld [tilespmem:s9+$0x16230]  }
0x67: {  	v1 =	vld [tilespmem:s9+$0x16270]  }
0x68: {  	v13 =	vld [tilespmem:s9+$0x14200]  }
0x69: {  	v14 =	vld [tilespmem:s9+$0x14240]  }
0x6a: {  	v11 =	vld [tilespmem:s9+$0x14210]  }
0x6b: {  	v10 =	vld [tilespmem:s9+$0x14250]  }
0x6c: {  	v9 =	vld [tilespmem:s9+$0x14220]  }
0x6d: {  	v7 =	vld [tilespmem:s9+$0x14260];
	v13 =	vmul.f32 v8, v13  }
0x6e: {  	s10 =	simm.s32 $0x200;
	v12 =	vmul.f32 v12, v14;
	v8 =	vld [tilespmem:s9+$0x14230]  }
.LBB2_5:
0x6f: {  	s11 =	sshra.s32 s10, $0x2;
	p0 =	sne.s32 s10, $0x7E00;
	[tilespmem:s9+$0x14200] =	vst v13;
	v6 =	vmul.f32 v6, v11;
	v11 =	vld [tilespmem:s9+$0x14270]  }
0x70: {  	v13 =	vld [tilespmem:s11+$0x16200];
	[tilespmem:s9+$0x14240] =	vst v12;
	v5 =	vmul.f32 v5, v10  }
0x71: {  	v12 =	vld [tilespmem:s11+$0x16240];
	[tilespmem:s9+$0x14210] =	vst v6;
	v4 =	vmul.f32 v4, v9  }
0x72: {  	v6 =	vld [tilespmem:s11+$0x16210];
	[tilespmem:s9+$0x14250] =	vst v5;
	v3 =	vmul.f32 v3, v7  }
0x73: {  	v5 =	vld [tilespmem:s11+$0x16250];
	[tilespmem:s9+$0x14220] =	vst v4;
	v2 =	vmul.f32 v2, v8  }
0x74: {  	v4 =	vld [tilespmem:s11+$0x16220];
	[tilespmem:s9+$0x14260] =	vst v3;
	v1 =	vmul.f32 v1, v11  }
0x75: {  	v3 =	vld [tilespmem:s11+$0x16260];
	[tilespmem:s9+$0x14230] =	vst v2  }
0x76: {  	v2 =	vld [tilespmem:s11+$0x16230];
	[tilespmem:s9+$0x14270] =	vst v1;
	s9 =	smov.u32 s11  }
0x77: {  	v1 =	vld [tilespmem:s9+$0x16270]  }
0x78: {  	v7 =	vld [tilespmem:s9+$0x14200]  }
0x79: {  	v8 =	vld [tilespmem:s9+$0x14240]  }
.Ltmp1:
0x7a: {  	v11 =	vld [tilespmem:s9+$0x14210];
	(pc) =	sbr.rel @p0 .LBB2_5-.Ltmp1, $4  }
0x7b: {  	v10 =	vld [tilespmem:s9+$0x14250]  }
0x7c: {  	v9 =	vld [tilespmem:s9+$0x14220]  }
0x7d: {  	v13 =	vmul.f32 v13, v7;
	v7 =	vld [tilespmem:s9+$0x14260]  }
0x7e: {  	s10 =	sadd.s32 $0x200, s10;
	v12 =	vmul.f32 v12, v8;
	v8 =	vld [tilespmem:s9+$0x14230]  }
0x7f: {  	[tilespmem:s9+$0x14200] =	vst v13;
	v6 =	vmul.f32 v6, v11;
	v11 =	vld [tilespmem:s9+$0x14270]  }
0x80: {  	[tilespmem:s9+$0x14240] =	vst v12;
	v5 =	vmul.f32 v5, v10  }
0x81: {  	[tilespmem:s9+$0x14210] =	vst v6;
	v4 =	vmul.f32 v4, v9  }
0x82: {  	[tilespmem:s9+$0x14250] =	vst v5;
	v3 =	vmul.f32 v3, v7  }
0x83: {  	[tilespmem:s9+$0x14220] =	vst v4;
	v2 =	vmul.f32 v2, v8  }
0x84: {  	[tilespmem:s9+$0x14260] =	vst v3;
	v1 =	vmul.f32 v1, v11  }
0x85: {  	s13 =	sshll.u32 s8, $0x1;
	[tilespmem:s9+$0x14230] =	vst v2  }
0x86: {  	[tilespmem:s9+$0x14270] =	vst v1;
	s9 =	sadd.s32 $0x2, s13  }
0x87: {  	[spmem:s1] =	stream.indirect.scatter.add.f32 [tilespmem:s19], [sflag:$0x7], $0x40, s30, s18, $0xb8;
	[tilespmem:$0x1C200] =	vst v63  }
0x88: {  	p0 =	seq.s32 s9, $0x3C;
	s9 =	sshll.u32 s9, $0x7  }
0x89: {  	s9 =	simm.s32 @p0 $0x0  }
0x8a: {  	_ =	swait.ge [sflag:s28], $0x2000;
	s9 =	sadd.s32 s12, s9  }
0x8b: {  	s13 =	simm.s32 $0x0;
	[sflag:s28] =	ssyncset.done $0x0;
	s10 =	sshrl.u32 s9, $0x3  }
0x8c: {  	[sflag:s28] =	ssyncadd.s32 $0xFFFFE000;
	s9 =	sshll.u32 s9, $0x3;
	s11 =	sadd.s32 s6, s10  }
0x8d: {  	[tilespmem:s29], [sflag:$0x1] =	stream.linear.gather [hbm4b:s11+s13], $0x80, $0x38;
	[tilespmem:$0x1C200] =	vst v63  }
0x8e: {  	s10 =	sadd.s32 s7, s10;
	s9 =	sand.u32 $0x1FFFFC00, s9  }
0x8f: {  	[tilespmem:s30], [sflag:$0x3] =	stream.linear.gather [hbm4b:s10+s13], $0x80, $0x38;
	[tilespmem:$0x1C200] =	vst v63  }
0x90: {  	s9 =	sadd.s32 s5, s9  }
0x91: {  	[tilespmem:s31], [sflag:$0x5] =	stream.linear.gather [hbm4b:s9+s13], $0x2000, $0x38;
	[tilespmem:$0x1C200] =	vst v63  }
0x92: {  	_ =	swait.ge [sflag:s20], $0x80  }
0x93: {  	[sflag:s20] =	ssyncset.done $0x0  }
0x94: {  	[sflag:s20] =	ssyncadd.s32 $0xFFFFFF80  }
0x95: {  	_ =	swait.ge [sflag:s21], $0x80  }
0x96: {  	[sflag:s21] =	ssyncset.done $0x0  }
0x97: {  	[sflag:s21] =	ssyncadd.s32 $0xFFFFFF80  }
0x98: {  	_ =	swait.ge [sflag:s22], $0x2000  }
0x99: {  	[sflag:s22] =	ssyncset.done $0x0  }
0x9a: {  	[sflag:s22] =	ssyncadd.s32 $0xFFFFE000  }
0x9b: {  	[tilespmem:s19], [sflag:$0x7] =	stream.indirect.gather [spmem:s2], $0x40, s0, s18, $0xb8;
	[tilespmem:$0x1C200] =	vst v63  }
0x9c: {  	_ =	swait.ge [sflag:s28], $0x2000  }
0x9d: {  	[sflag:s28] =	ssyncset.done $0x0  }
0x9e: {  	s9 =	simm.s32 $0x0;
	[sflag:s28] =	ssyncadd.s32 $0xFFFFE000  }
0x9f: {  	v8 =	vld [tilespmem:s9+$0x18200]  }
0xa0: {  	v12 =	vld [tilespmem:s9+$0x18240]  }
0xa1: {  	v6 =	vld [tilespmem:s9+$0x18210]  }
0xa2: {  	v5 =	vld [tilespmem:s9+$0x18250]  }
0xa3: {  	v4 =	vld [tilespmem:s9+$0x18220]  }
0xa4: {  	v3 =	vld [tilespmem:s9+$0x18260]  }
0xa5: {  	v2 =	vld [tilespmem:s9+$0x18230]  }
0xa6: {  	v1 =	vld [tilespmem:s9+$0x18270]  }
0xa7: {  	v13 =	vld [tilespmem:s9+$0x14200]  }
0xa8: {  	v14 =	vld [tilespmem:s9+$0x14240]  }
0xa9: {  	v11 =	vld [tilespmem:s9+$0x14210]  }
0xaa: {  	v10 =	vld [tilespmem:s9+$0x14250]  }
0xab: {  	v9 =	vld [tilespmem:s9+$0x14220]  }
0xac: {  	v7 =	vld [tilespmem:s9+$0x14260];
	v13 =	vmul.f32 v8, v13  }
0xad: {  	s10 =	simm.s32 $0x200;
	v12 =	vmul.f32 v12, v14;
	v8 =	vld [tilespmem:s9+$0x14230]  }
.LBB2_7:
0xae: {  	s11 =	sshra.s32 s10, $0x2;
	p0 =	sne.s32 s10, $0x7E00;
	[tilespmem:s9+$0x14200] =	vst v13;
	v6 =	vmul.f32 v6, v11;
	v11 =	vld [tilespmem:s9+$0x14270]  }
0xaf: {  	v13 =	vld [tilespmem:s11+$0x18200];
	[tilespmem:s9+$0x14240] =	vst v12;
	v5 =	vmul.f32 v5, v10  }
0xb0: {  	v12 =	vld [tilespmem:s11+$0x18240];
	[tilespmem:s9+$0x14210] =	vst v6;
	v4 =	vmul.f32 v4, v9  }
0xb1: {  	v6 =	vld [tilespmem:s11+$0x18210];
	[tilespmem:s9+$0x14250] =	vst v5;
	v3 =	vmul.f32 v3, v7  }
0xb2: {  	v5 =	vld [tilespmem:s11+$0x18250];
	[tilespmem:s9+$0x14220] =	vst v4;
	v2 =	vmul.f32 v2, v8  }
0xb3: {  	v4 =	vld [tilespmem:s11+$0x18220];
	[tilespmem:s9+$0x14260] =	vst v3;
	v1 =	vmul.f32 v1, v11  }
0xb4: {  	v3 =	vld [tilespmem:s11+$0x18260];
	[tilespmem:s9+$0x14230] =	vst v2  }
0xb5: {  	v2 =	vld [tilespmem:s11+$0x18230];
	[tilespmem:s9+$0x14270] =	vst v1;
	s9 =	smov.u32 s11  }
0xb6: {  	v1 =	vld [tilespmem:s9+$0x18270]  }
0xb7: {  	v7 =	vld [tilespmem:s9+$0x14200]  }
0xb8: {  	v8 =	vld [tilespmem:s9+$0x14240]  }
.Ltmp2:
0xb9: {  	v11 =	vld [tilespmem:s9+$0x14210];
	(pc) =	sbr.rel @p0 .LBB2_7-.Ltmp2, $4  }
0xba: {  	v10 =	vld [tilespmem:s9+$0x14250]  }
0xbb: {  	v9 =	vld [tilespmem:s9+$0x14220]  }
0xbc: {  	v13 =	vmul.f32 v13, v7;
	v7 =	vld [tilespmem:s9+$0x14260]  }
0xbd: {  	s10 =	sadd.s32 $0x200, s10;
	v12 =	vmul.f32 v12, v8;
	v8 =	vld [tilespmem:s9+$0x14230]  }
0xbe: {  	[tilespmem:s9+$0x14200] =	vst v13;
	v6 =	vmul.f32 v6, v11;
	v63 =	vld [tilespmem:s9+$0x14270]  }
0xbf: {  	[tilespmem:s9+$0x14240] =	vst v12;
	v5 =	vmul.f32 v5, v10  }
0xc0: {  	[tilespmem:s9+$0x14210] =	vst v6;
	v4 =	vmul.f32 v4, v9  }
0xc1: {  	[tilespmem:s9+$0x14250] =	vst v5;
	v3 =	vmul.f32 v3, v7  }
0xc2: {  	[tilespmem:s9+$0x14220] =	vst v4;
	v2 =	vmul.f32 v2, v8  }
0xc3: {  	s8 =	sadd.s32 $0x1, s8;
	[tilespmem:s9+$0x14260] =	vst v3;
	v1 =	vmul.f32 v1, v63  }
0xc4: {  	p0 =	sne.s32 s8, $0x1E;
	[tilespmem:s9+$0x14230] =	vst v2  }
.Ltmp3:
0xc5: {  	[tilespmem:s9+$0x14270] =	vst v1;
	(pc) =	sbr.rel @p0 .LBB2_4-.Ltmp3, $4  }
0xc6: {  	[spmem:s1] =	stream.indirect.scatter.add.f32 [tilespmem:s19], [sflag:$0x7], $0x40, s4, s18, $0xb8;
	[tilespmem:$0x1C200] =	vst v63  }
0xc7: {  	_ =	swait.ge [sflag:s28], $0x2000  }
0xc8: {  	[sflag:s28] =	ssyncset.done $0x0  }
0xc9: {  	[sflag:s28] =	ssyncadd.s32 $0xFFFFE000  }
0xca: {  	_ =	swait.ge [sflag:s15], $0x80  }
0xcb: {  	[sflag:s15] =	ssyncset.done $0x0  }
0xcc: {  	[sflag:s15] =	ssyncadd.s32 $0xFFFFFF80  }
0xcd: {  	_ =	swait.ge [sflag:s16], $0x80  }
0xce: {  	[sflag:s16] =	ssyncset.done $0x0  }
0xcf: {  	[sflag:s16] =	ssyncadd.s32 $0xFFFFFF80  }
0xd0: {  	_ =	swait.ge [sflag:s17], $0x2000  }
0xd1: {  	[sflag:s17] =	ssyncset.done $0x0  }
0xd2: {  	[sflag:s17] =	ssyncadd.s32 $0xFFFFE000  }
0xd3: {  	[bflag:$0x0] =	sbarrier.arrive $0xFFFF  }
0xd4: {  	[tilespmem:s26], [sflag:$0x7] =	stream.linear.gather [spmem:s3], $0x2000, $0x38;
	[tilespmem:$0x1C200] =	vst v63  }
0xd5: {  	_ =	swait.ge [sflag:s28], $0x2000  }
0xd6: {  	s11 =	smov.u32 s3;
	[sflag:s28] =	ssyncset.done $0x0  }
0xd7: {  	s3 =	simm.s32 $0x0;
	s8 =	rddreg [dreg:$0xd];
	[sflag:s28] =	ssyncadd.s32 $0xFFFFE000  }
0xd8: {  	[hbm4b:s8+s3] =	stream.linear.scatter [tilespmem:s26], [sflag:$0x7], $0x2000, $0x38;
	[tilespmem:$0x1C200] =	vst v63  }
0xd9: {  	_ =	swait.ge [sflag:s28], $0x2000  }
0xda: {  	[sflag:s28] =	ssyncset.done $0x0  }
0xdb: {  	s13 =	rddreg [dreg:$0x5];
	[sflag:s28] =	ssyncadd.s32 $0xFFFFE000  }
0xdc: {  	[tilespmem:s26], [sflag:$0x7] =	stream.linear.gather [spmem:s13], $0x2000, $0x38;
	[tilespmem:$0x1C200] =	vst v63  }
0xdd: {  	_ =	swait.ge [sflag:s28], $0x2000  }
0xde: {  	[sflag:s28] =	ssyncset.done $0x0  }
0xdf: {  	s25 =	rddreg [dreg:$0xe];
	[sflag:s28] =	ssyncadd.s32 $0xFFFFE000  }
0xe0: {  	[hbm4b:s25+s3] =	stream.linear.scatter [tilespmem:s26], [sflag:$0x7], $0x2000, $0x38;
	[tilespmem:$0x1C200] =	vst v63  }
0xe1: {  	_ =	swait.ge [sflag:s28], $0x2000  }
0xe2: {  	[sflag:s28] =	ssyncset.done $0x0  }
0xe3: {  	s25 =	rddreg [dreg:$0x6];
	[sflag:s28] =	ssyncadd.s32 $0xFFFFE000  }
0xe4: {  	[tilespmem:s26], [sflag:$0x7] =	stream.linear.gather [spmem:s25], $0x2000, $0x38;
	[tilespmem:$0x1C200] =	vst v63  }
0xe5: {  	_ =	swait.ge [sflag:s28], $0x2000  }
0xe6: {  	[sflag:s28] =	ssyncset.done $0x0  }
0xe7: {  	s9 =	rddreg [dreg:$0xf];
	[sflag:s28] =	ssyncadd.s32 $0xFFFFE000  }
0xe8: {  	[hbm4b:s9+s3] =	stream.linear.scatter [tilespmem:s26], [sflag:$0x7], $0x2000, $0x38;
	[tilespmem:$0x1C200] =	vst v63  }
0xe9: {  	_ =	swait.ge [sflag:s28], $0x2000  }
0xea: {  	[sflag:s28] =	ssyncset.done $0x0  }
0xeb: {  	s10 =	rddreg [dreg:$0x7];
	[sflag:s28] =	ssyncadd.s32 $0xFFFFE000  }
0xec: {  	[tilespmem:s26], [sflag:$0x7] =	stream.linear.gather [spmem:s10], $0x2000, $0x38;
	[tilespmem:$0x1C200] =	vst v63  }
0xed: {  	_ =	swait.ge [sflag:s28], $0x2000  }
0xee: {  	[sflag:s28] =	ssyncset.done $0x0  }
0xef: {  	s9 =	rddreg [dreg:$0x10];
	[sflag:s28] =	ssyncadd.s32 $0xFFFFE000  }
0xf0: {  	[hbm4b:s9+s3] =	stream.linear.scatter [tilespmem:s26], [sflag:$0x7], $0x2000, $0x38;
	[tilespmem:$0x1C200] =	vst v63  }
0xf1: {  	_ =	swait.ge [sflag:s28], $0x2000  }
0xf2: {  	[sflag:s28] =	ssyncset.done $0x0  }
0xf3: {  	s10 =	rddreg [dreg:$0x8];
	[sflag:s28] =	ssyncadd.s32 $0xFFFFE000  }
0xf4: {  	[tilespmem:s26], [sflag:$0x7] =	stream.linear.gather [spmem:s10], $0x2000, $0x38;
	[tilespmem:$0x1C200] =	vst v63  }
0xf5: {  	_ =	swait.ge [sflag:s28], $0x2000  }
0xf6: {  	[sflag:s28] =	ssyncset.done $0x0  }
0xf7: {  	s9 =	rddreg [dreg:$0x11];
	[sflag:s28] =	ssyncadd.s32 $0xFFFFE000  }
0xf8: {  	[hbm4b:s9+s3] =	stream.linear.scatter [tilespmem:s26], [sflag:$0x7], $0x2000, $0x38;
	[tilespmem:$0x1C200] =	vst v63  }
0xf9: {  	_ =	swait.ge [sflag:s28], $0x2000  }
0xfa: {  	s24 =	sadd.s32 $0x1, s24;
	s10 =	rddreg [dreg:$0x12]  }
0xfb: {  	p0 =	sne.s32 s24, s10  }
.Ltmp4:
0xfc: {  	_ = 	snop;
	(pc) =	sbr.rel @p0 .LBB2_1-.Ltmp4, $3  }
0xfd: {  	_ =	sdelay $0x1  }
0xfe: {  	[sflag:s28] =	ssyncset.done $0x0  }
0xff: {  	[sflag:s28] =	ssyncadd.s32 $0xFFFFE000  }
0x100: {  	_ =	sfence.sel $0x180000  }
0x101: {  	[bflag:$0x0] =	sbarrier.arrive $0xFFFF  }
0x102: {  	_ =	strace $0x9000004A  }
0x103: {  	s0 =	stileid.u32;
	[bflag:$0x2] =	sbarrier.arrive $0xFFFF  }
0x104: {  	p0 =	sne.s32 s0, $0x0;
	s0 =	rddreg [dreg:$0x4]  }
0x105: {  	s0 =	sadd.s32 @!p0 $0x100000, s0  }
0x106: {  	[sflag:s0] =	ssyncadd.tile.s32 @!p0 $0x1;
	_ =	shalt  }
.Lfunc_end2:
_tile_overlayer_lowered:
.L_overlay_start_2:
0x107: {  	(tag) =	ssettag $0x2  }
0x108: {  	s0 =	rddreg [dreg:$0x0];
	s2 =	stileid.u32  }
0x109: {  	s1 =	rddreg [dreg:$0x1];
	p0 =	sne.s32 s2, $0x0  }
0x10a: {  	s3 =	rddreg [dreg:$0x2];
	[bflag:$0x3] =	sbarrier.arrive $0xFFFF;
	s2 =	simm.s32 @!p0 $0x1C07  }
0x10b: {  	[timem:s3], [sflag:s2] =	dma.local @!p0 [hbm:s0], s1  }
0x10c: {  	s0 =	simm.s32 @!p0 $0x7  }
0x10d: {  	_ =	swait.ge @!p0 [sflag:s0], s1  }
0x10e: {  	s1 =	ssub.s32 @!p0 $0x0, s1;
	[sflag:s0] =	ssyncset.done @!p0 $0x0  }
0x10f: {  	[sflag:s0] =	ssyncadd.s32 @!p0 s1  }
0x110: {  	[bflag:$0x3] =	sbarrier.arrive $0xFFFF  }
0x111: {  	_ =	shalt  }

// kernel: kernel.9.cloned.1.call-start
scs
__scs_entry_jumppad:
0x0: {  	(pc) =	sbr.rel $0x88, $3  }
0x1: {  	(tag) =	ssettag $0x0;
	lr =	simm.s32 $0x1  }
0x2: {  	[smem:$0x3F93] =	sst lr;
	_ =	strace $0xD0000000  }
0x3: {  	_ = 	snop  }
0x4: {  	_ = 	snop  }
0x5: {  	_ = 	snop  }
0x6: {  	_ = 	snop  }
0x7: {  	_ = 	snop  }
__scs_overlays_trampoline_lowered:
0x8: {  	[smem:$0x3FA2] =	sst s0  }
0x9: {  	[smem:$0x3FA3] =	sst s1  }
0xa: {  	[smem:$0x3FA4] =	sst s2  }
0xb: {  	[smem:$0x3FA5] =	sst s3  }
0xc: {  	[smem:$0x3FA6] =	sst s4  }
0xd: {  	[smem:$0x3FA7] =	sst s5  }
0xe: {  	[smem:$0x3FA8] =	sst s6  }
0xf: {  	[smem:$0x3FA9] =	sst s7  }
0x10: {  	[smem:$0x3FAA] =	sst s8  }
0x11: {  	[smem:$0x3FAB] =	sst s9;
	s0 =	simm.s32 @!p0 $0x0  }
0x12: {  	s1 =	sld [smem:$0x3F91];
	s0 =	simm.s32 @p0 $0x1  }
0x13: {  	[smem:$0x3FAC] =	sst s0;
	s0 =	simm.s32 @!p1 $0x0  }
0x14: {  	s2 =	sld [smem:$0x3F90];
	s0 =	simm.s32 @p1 $0x1  }
0x15: {  	[smem:$0x3FAD] =	sst s0;
	s0 =	simm.s32 @!p2 $0x0  }
0x16: {  	s3 =	sld [smem:$0x3FDB];
	s0 =	simm.s32 @p2 $0x1  }
0x17: {  	s4 =	simm.s32 $0x1BF5;
	[smem:$0x3FAF] =	sst s0  }
0x18: {  	s0 =	sld [smem:$0x3F92];
	_ =	swait.ge [sflag:s4], $0x0  }
0x19: {  	s7 =	sld [smem:$0x3F93]  }
0x1a: {  	s8 =	sadd.s32 $0xFFFFE003, lr  }
0x1b: {  	s9 =	sadd.s32 $0xFFFFFEF7, lr;
	s5 =	simm.s32 $0xFFFFFFFF;
	p2 =	slt.u32 s8, $0xFFFFF086  }
0x1c: {  	p1 =	slt.u32 s9, $0xF7A;
	s5 =	simm.s32 @!p2 $0x0  }
0x1d: {  	s5 =	simm.s32 @p1 $0x1;
	p0 =	seq.s32 s7, s2  }
0x1e: {  	s7 =	smul.u32 @!p0 $0xF7A, s2;
	p2 =	seq.s32 @!p0 s5, $0x0  }
0x1f: {  	s9 =	smul.u32 $0xF7A, s1;
	s8 =	simm.s32 @!p0 $0x1BF5;
	p2 =	por !p2, p0  }
0x20: {  	[sflag:s8] =	ssyncset.s32 @!p0 $0xFFFFF086;
	s6 =	sadd.s32 @!p0 s3, s7;
	s7 =	simm.s32 @!p0 $0x108  }
0x21: {  	s3 =	sadd.s32 s3, s9;
	s6 =	sadd.s32 @!p0 $0x88, s6;
	s7 =	simm.s32 @p2 $0x1082  }
0x22: {  	[simem:s7], [sflag:s8] =	dma.local @!p0 [hbm:s6], $0xF7A  }
0x23: {  	s9 =	sor.u32 $0xD0000000, s2;
	s6 =	simm.s32 $0x108;
	_ =	swait.ge @!p0 [sflag:s8], $0x0  }
0x24: {  	s3 =	sadd.s32 $0x88, s3;
	s6 =	simm.s32 @!p1 $0x1082;
	[sflag:s4] =	ssyncset.s32 $0xFFFFF086  }
0x25: {  	[simem:s6], [sflag:s4] =	dma.local [hbm:s3], $0xF7A  }
0x26: {  	[smem:$0x3F93] =	sst s1;
	(tag) =	ssettag s2;
	_ =	strace s9  }
0x27: {  	s1 =	sld [smem:$0x3FA3]  }
0x28: {  	s2 =	sld [smem:$0x3FA4]  }
0x29: {  	s4 =	sld [smem:$0x3FA6]  }
0x2a: {  	p0 =	seq.s32 s5, $0x0;
	s5 =	sld [smem:$0x3FA7]  }
0x2b: {  	s6 =	sld [smem:$0x3FA8]  }
0x2c: {  	s7 =	sld [smem:$0x3FA9]  }
0x2d: {  	s3 =	simm.s32 $0x108;
	s8 =	sld [smem:$0x3FAA]  }
0x2e: {  	s3 =	simm.s32 @!p0 $0x1082;
	s9 =	sld [smem:$0x3FAB]  }
0x2f: {  	lr =	sadd.s32 s0, s3;
	s0 =	sld [smem:$0x3FA2]  }
0x30: {  	s3 =	sld [smem:$0x3FA5]  }
0x31: {  	[smem:$0x3FAE] =	sst s10  }
0x32: {  	s10 =	sld [smem:$0x3FAC];
	_ =	sdelay $0x3  }
0x33: {  	p0 =	seq.s32 s10, $0x1;
	s10 =	sld [smem:$0x3FAE];
	_ =	sdelay $0x3  }
0x34: {  	[smem:$0x3FAE] =	sst s10  }
0x35: {  	s10 =	sld [smem:$0x3FAD];
	_ =	sdelay $0x3  }
0x36: {  	p1 =	seq.s32 s10, $0x1;
	s10 =	sld [smem:$0x3FAE];
	_ =	sdelay $0x3  }
0x37: {  	[smem:$0x3FAE] =	sst s10  }
0x38: {  	s10 =	sld [smem:$0x3FAF]  }
0x39: {  	_ = 	snop;
	(pc) =	sbr.ind lr, $3  }
0x3a: {  	_ = 	snop  }
0x3b: {  	_ = 	snop  }
0x3c: {  	p2 =	seq.s32 s10, $0x1;
	s10 =	sld [smem:$0x3FAE]  }
0x3d: {  	_ =	shalt  }
0x3e: {  	_ =	shalt  }
0x3f: {  	_ =	shalt  }
0x40: {  	_ =	shalt  }
0x41: {  	_ =	shalt  }
0x42: {  	_ =	shalt  }
0x43: {  	_ =	shalt  }
0x44: {  	_ =	shalt  }
0x45: {  	_ =	shalt  }
0x46: {  	_ =	shalt  }
0x47: {  	_ =	shalt  }
0x48: {  	_ =	shalt  }
0x49: {  	_ =	shalt  }
0x4a: {  	_ =	shalt  }
0x4b: {  	_ =	shalt  }
0x4c: {  	_ =	shalt  }
0x4d: {  	_ =	shalt  }
0x4e: {  	_ =	shalt  }
0x4f: {  	_ =	shalt  }
0x50: {  	_ =	shalt  }
0x51: {  	_ =	shalt  }
0x52: {  	_ =	shalt  }
0x53: {  	_ =	shalt  }
0x54: {  	_ =	shalt  }
0x55: {  	_ =	shalt  }
0x56: {  	_ =	shalt  }
0x57: {  	_ =	shalt  }
0x58: {  	_ =	shalt  }
0x59: {  	_ =	shalt  }
0x5a: {  	_ =	shalt  }
0x5b: {  	_ =	shalt  }
0x5c: {  	_ =	shalt  }
0x5d: {  	_ =	shalt  }
0x5e: {  	_ =	shalt  }
0x5f: {  	_ =	shalt  }
0x60: {  	_ =	shalt  }
0x61: {  	_ =	shalt  }
0x62: {  	_ =	shalt  }
0x63: {  	_ =	shalt  }
0x64: {  	_ =	shalt  }
0x65: {  	_ =	shalt  }
0x66: {  	_ =	shalt  }
0x67: {  	_ =	shalt  }
0x68: {  	_ =	shalt  }
0x69: {  	_ =	shalt  }
0x6a: {  	_ =	shalt  }
0x6b: {  	_ =	shalt  }
0x6c: {  	_ =	shalt  }
0x6d: {  	_ =	shalt  }
0x6e: {  	_ =	shalt  }
0x6f: {  	_ =	shalt  }
0x70: {  	_ =	shalt  }
0x71: {  	_ =	shalt  }
0x72: {  	_ =	shalt  }
0x73: {  	_ =	shalt  }
0x74: {  	_ =	shalt  }
0x75: {  	_ =	shalt  }
0x76: {  	_ =	shalt  }
0x77: {  	_ =	shalt  }
0x78: {  	_ =	shalt  }
0x79: {  	_ =	shalt  }
0x7a: {  	_ =	shalt  }
0x7b: {  	_ =	shalt  }
0x7c: {  	_ =	shalt  }
0x7d: {  	_ =	shalt  }
0x7e: {  	_ =	shalt  }
0x7f: {  	_ =	shalt  }
0x80: {  	_ =	shalt  }
0x81: {  	_ =	shalt  }
0x82: {  	_ =	shalt  }
0x83: {  	_ =	shalt  }
0x84: {  	_ =	shalt  }
0x85: {  	_ =	shalt  }
0x86: {  	_ =	shalt  }
0x87: {  	_ =	shalt  }
.Lfunc_end0:
.L_simem_size_0:
called_computation_lowered:
.L_overlay_start_0:
0x88: {  	s2 =	sld [smem:$0x3FD9]  }
0x89: {  	s3 =	sld [smem:$0x3FFE];
	_ =	sdelay $0x1  }
0x8a: {  	s1 =	srdreg.scid  }
0x8b: {  	s0 =	sand.u32 $0x1, s1  }
0x8c: {  	s16 =	sshll.u32 s0, $0xA;
	s2 =	sadd.s32 s3, s2  }
0x8d: {  	s2 =	sadd.s32 s2, s16  }
0x8e: {  	[smem:$0x3FBA] =	sst s2  }
0x8f: {  	_ = 	snop  }
0x90: {  	(tm) =	ssettm $0x1  }
0x91: {  	s17 =	sld [smem:$0x3FFB];
	_ =	sdelay $0x3  }
0x92: {  	_ =	strace s17  }
0x93: {  	s2 =	sld [smem:$0x3FFC];
	_ =	sdelay $0x3  }
0x94: {  	_ =	strace s2  }
0x95: {  	s2 =	sld [smem:$0x3FFD];
	_ =	sdelay $0x3  }
0x96: {  	_ =	strace s2  }
0x97: {  	_ =	strace $0x8FFFFFFF  }
0x98: {  	s18 =	sld [smem:$0x3FDB];
	_ =	sdelay $0x1  }
0x99: {  	s19 =	simm.s32 $_scs_section_size  }
0x9a: {  	s4 =	simm.s32 $_size__tile_overlayer_lowered;
	s5 =	simm.s32 $_tile_overlayer_lowered  }
0x9b: {  	s22 =	simm.s32 $0x1BFF;
	s21 =	sshll.u32 s5, $0x1;
	s2 =	sadd.s32 s19, s18  }
0x9c: {  	s6 =	simm.s32 $0x0;
	s20 =	sshll.u32 s4, $0x1;
	s4 =	sadd.s32 s21, s2  }
0x9d: {  	[timem:s6], [sflag:s22] =	dma.local [hbm:s4], s20  }
0x9e: {  	_ =	swait.ge [sflag:s22], s20  }
0x9f: {  	s3 =	ssub.s32 $0x0, s20;
	[sflag:s22] =	ssyncset.done $0x0  }
0xa0: {  	[sflag:s22] =	ssyncadd.s32 s3;
	_ =	sdelay $0x1  }
0xa1: {  	s23 =	simm.s32 $0x1B8B  }
0xa2: {  	_ =	swait.ge [sflag:s23], $0x1  }
0xa3: {  	[sflag:s23] =	ssyncset.done $0x0  }
0xa4: {  	s25 =	simm.s32 $0x1B8E;
	s24 =	sld [smem:$0x3FFE];
	[sflag:s23] =	ssyncadd.s32 $0xFFFFFFFF  }
0xa5: {  	s26 =	simm.s32 $execute0_lowered;
	[smem:$0x3FD2] =	sst s25  }
0xa6: {  	s4 =	sshll.u32 s26, $0x1;
	_ =	strace $0x80000046;
	[dreg:$0x1] =	wrdreg $0xFFFFFFFF  }
0xa7: {  	s28 =	simm.s32 $_size_execute0_lowered;
	s2 =	sadd.s32 s2, s4;
	[dreg:$0x0] =	wrdreg $0x0  }
0xa8: {  	s4 =	sshll.u32 s28, $0x1;
	[dreg:$0x2] =	wrdreg s2  }
0xa9: {  	[dreg:$0x3] =	wrdreg s4  }
0xaa: {  	[dreg:$0x4] =	wrdreg $0xC0  }
0xab: {  	_ =	task [dreg:s6], $0x5FFFF  }
0xac: {  	[dreg:$0x1] =	wrdreg $0xFFFFFFFF  }
0xad: {  	[dreg:$0x0] =	wrdreg $0x60  }
0xae: {  	[dreg:$0x2] =	wrdreg s24  }
0xaf: {  	[dreg:$0x3] =	wrdreg $0x9  }
0xb0: {  	_ =	task.clear_ibuf [dreg:s6], $0x4FFFF;
	_ =	strace $0x90000046  }
0xb1: {  	s29 =	simm.s32 $0x9;
	_ =	strace $0x80000048  }
0xb2: {  	_ =	swait.ge [sflag:s29], $0x1  }
0xb3: {  	[sflag:s29] =	ssyncadd.s32 $0xFFFFFFFF  }
0xb4: {  	_ =	strace $0x90000048  }
0xb5: {  	_ =	sfence  }
0xb6: {  	s30 =	sld [smem:$0x0];
	_ =	sdelay $0x2  }
0xb7: {  	s31 =	sshll.u32 s1, $0xD;
	s1 =	sshrl.u32 s1, $0x2  }
0xb8: {  	s3 =	sand.u32 $0x4000, s31;
	s1 =	sadd.s32 s1, s30  }
0xb9: {  	s0 =	sor.u32 s3, s0;
	s1 =	sshll.u32 s1, $0x11  }
0xba: {  	s0 =	sor.u32 s1, s0  }
0xbb: {  	s0 =	sadd.s32 $0x8F2B, s0  }
0xbc: {  	[sflag:s0] =	ssyncadd.remote.s32 $0x1  }
0xbd: {  	_ =	sfence.sel $0xFFFF  }
0xbe: {  	[dreg:$0x0] =	wrdreg $0xFFFFFFFF;
	(pc) =	sbr.abs _section_cstart, $3  }
0xbf: {  	[dreg:$0x1] =	wrdreg $0xFFFFFFFF  }
0xc0: {  	_ =	task.clear_ibuf [dreg:s6], $0x2FFFF;
	_ =	strace $0x9FFFFFFF  }
0xc1: {  	(tm) =	ssettm $0x7FFFFFFF  }
tec
execute0_lowered:
.L_overlay_start_1:
0x0: {  	(tag) =	ssettag $0x1  }
0x1: {  	s1 =	srdreg.scid  }
0x2: {  	s0 =	stileid.u32;
	s7 =	rddreg [dreg:$0x0];
	s2 =	simm.s32 $0x0  }
0x3: {  	s13 =	simm.s32 $0x4E20;
	s8 =	sand.u32 $0x1, s1;
	s3 =	smul.u32 $0x5000, s0  }
0x4: {  	s14 =	simm.s32 $0x7530;
	s15 =	simm.s32 $0x7730;
	s4 =	smul.u32 $0x2800, s8  }
0x5: {  	s16 =	simm.s32 $0x7930;
	s17 =	simm.s32 $0x0;
	s1 =	rddreg [dreg:$0x1]  }
0x6: {  	[smem:$0x7FF] =	sst s2;
	s5 =	sadd.s32 $0x15600, s7;
	s6 =	sadd.s32 s4, s3  }
0x7: {  	s11 =	sshll.u32 s0, $0x1;
	_ =	strace $0x80000047;
	s9 =	smin.u32 s6, $0x4BA00  }
0x8: {  	s10 =	ssub.s32 $0x2, s8;
	s8 =	sor.u32 s8, s11;
	s9 =	ssub.s32 s9, s6  }
0x9: {  	s11 =	simm.s32 $0x1;
	s12 =	sshrl.u32 s10, $0x1;
	s9 =	sadd.s32 $0x2800, s9  }
0xa: {  	s8 =	smul.u32 $0x2800, s8;
	s3 =	sadd.s32 $0x16200, s7;
	p0 =	sgt.s32 s9, $0x0  }
0xb: {  	s4 =	sadd.s32 $0x15C00, s7;
	s10 =	ssub.s32 s10, s12;
	s9 =	simm.s32 @!p0 $0x0  }
0xc: {  	s12 =	simm.s32 $0x2710;
	s10 =	smax.u32 s10, $0x1;
	s9 =	sshrl.u32 s9, $0x9  }
0xd: {  	s6 =	sadd.s32 $0x1600, s7;
	s7 =	sadd.s32 $0x16800, s7;
	s9 =	smax.u32 s9, $0x1  }
.LBB2_1:
0xe: {  	[tilespmem:s2], [sflag:$0x1] =	stream.linear.gather [hbm4b:s3+s2], $0x2710, $0x38;
	[tilespmem:$0x7B30] =	vst v63  }
0xf: {  	_ =	swait.ge [sflag:s11], $0x2710  }
0x10: {  	[sflag:s11] =	ssyncset.done $0x0  }
0x11: {  	[sflag:s11] =	ssyncadd.s32 $0xFFFFD8F0  }
0x12: {  	[tilespmem:s12], [sflag:$0x1] =	stream.linear.gather [hbm4b:s4+s2], $0x2710, $0x38;
	[tilespmem:$0x7B30] =	vst v63  }
0x13: {  	_ =	swait.ge [sflag:s11], $0x2710  }
0x14: {  	[sflag:s11] =	ssyncset.done $0x0  }
0x15: {  	[sflag:s11] =	ssyncadd.s32 $0xFFFFD8F0  }
0x16: {  	[tilespmem:s13], [sflag:$0x1] =	stream.linear.gather [hbm4b:s5+s2], $0x2710, $0x38;
	[tilespmem:$0x7B30] =	vst v63  }
0x17: {  	_ =	swait.ge [sflag:s11], $0x2710  }
0x18: {  	[sflag:s11] =	ssyncset.done $0x0  }
0x19: {  	s18 =	simm.s32 $0x0;
	[sflag:s11] =	ssyncadd.s32 $0xFFFFD8F0  }
.LBB2_2:
0x1a: {  	s19 =	sshll.u32 s18, $0x9  }
0x1b: {  	s19 =	sadd.s32 s8, s19  }
0x1c: {  	s19 =	sshrl.u32 s19, $0x3  }
0x1d: {  	s21 =	simm.s32 $0x0;
	s20 =	sadd.s32 s6, s19  }
0x1e: {  	[tilespmem:s14], [sflag:$0x1] =	stream.linear.gather [hbm4b:s20+s21], $0x200, $0x38;
	[tilespmem:$0x7B30] =	vst v63  }
0x1f: {  	_ =	swait.ge [sflag:s11], $0x200  }
0x20: {  	[sflag:s11] =	ssyncset.done $0x0  }
0x21: {  	s20 =	sadd.s32 $0xA000, s20;
	[sflag:s11] =	ssyncadd.s32 $0xFFFFFE00  }
0x22: {  	[tilespmem:s15], [sflag:$0x1] =	stream.linear.gather [hbm4b:s20+s21], $0x200, $0x38;
	[tilespmem:$0x7B30] =	vst v63  }
0x23: {  	_ =	swait.ge [sflag:s11], $0x200  }
0x24: {  	[sflag:s11] =	ssyncset.done $0x0  }
0x25: {  	s20 =	simm.s32 $0x0;
	[sflag:s11] =	ssyncadd.s32 $0xFFFFFE00  }
0x26: {  	v0 =	vld [tilespmem:s20+$0x7530]  }
0x27: {  	v1 =	vld [tilespmem:s20+$0x7730];
	_ =	sdelay $0x6  }
0x28: {  	v2 =	vld.idx.msk [tilespmem:v0+s2+$0x0], $0xffff  }
0x29: {  	v3 =	vld.idx.msk [tilespmem:v1+s2+$0x0], $0xffff  }
0x2a: {  	v4 =	vld.idx.msk [tilespmem:v1+s12+$0x0], $0xffff  }
0x2b: {  	v5 =	vld.idx.msk [tilespmem:v0+s12+$0x0], $0xffff  }
0x2c: {  	v6 =	vld.idx.msk [tilespmem:v1+s13+$0x0], $0xffff  }
0x2d: {  	v7 =	vld.idx.msk [tilespmem:v0+s13+$0x0], $0xffff;
	_ =	sdelay $0x2  }
0x2e: {  	s21 =	simm.s32 $0x10;
	v3 =	vsub.f32 v3, v2;
	v4 =	vsub.f32 v4, v5  }
0x2f: {  	v0 =	vld [tilespmem:s21+$0x7530]  }
0x30: {  	v1 =	vld [tilespmem:s21+$0x7730];
	v2 =	vsub.f32 v6, v7;
	v3 =	vmul.f32 v3, v3;
	v4 =	vmul.f32 v4, v4  }
0x31: {  	s22 =	simm.s32 $0x80  }
.LBB2_3:
0x32: {  	p0 =	sne.s32 s22, $0x7C0;
	v3 =	vadd.f32 v4, v3;
	v2 =	vmul.f32 v2, v2;
	_ =	sdelay $0x1  }
0x33: {  	v2 =	vadd.f32 v2, v3;
	_ =	sdelay $0x1  }
0x34: {  	[tilespmem:s20+$0x7930] =	vst v2;
	s20 =	smov.u32 s21  }
0x35: {  	v2 =	vld.idx.msk [tilespmem:v0+s2+$0x0], $0xffff  }
0x36: {  	v3 =	vld.idx.msk [tilespmem:v1+s2+$0x0], $0xffff  }
0x37: {  	v4 =	vld.idx.msk [tilespmem:v1+s12+$0x0], $0xffff  }
0x38: {  	v5 =	vld.idx.msk [tilespmem:v0+s12+$0x0], $0xffff  }
0x39: {  	v6 =	vld.idx.msk [tilespmem:v1+s13+$0x0], $0xffff  }
0x3a: {  	v7 =	vld.idx.msk [tilespmem:v0+s13+$0x0], $0xffff;
	_ =	sdelay $0x2  }
.Ltmp0:
0x3b: {  	(pc) =	sbr.rel @p0 .LBB2_3-.Ltmp0, $4  }
0x3c: {  	s21 =	sshra.s32 s22, $0x2;
	v3 =	vsub.f32 v3, v2;
	v4 =	vsub.f32 v4, v5  }
0x3d: {  	v0 =	vld [tilespmem:s21+$0x7530]  }
0x3e: {  	v3 =	vmul.f32 v3, v3;
	v2 =	vsub.f32 v6, v7;
	v4 =	vmul.f32 v4, v4;
	v1 =	vld [tilespmem:s21+$0x7730]  }
0x3f: {  	s22 =	sadd.s32 $0x40, s22  }
0x40: {  	_ = 	snop  }
0x41: {  	v3 =	vadd.f32 v4, v3;
	v2 =	vmul.f32 v2, v2;
	_ =	sdelay $0x1  }
0x42: {  	v2 =	vadd.f32 v2, v3;
	_ =	sdelay $0x1  }
0x43: {  	[tilespmem:s20+$0x7930] =	vst v2  }
0x44: {  	v2 =	vld.idx.msk [tilespmem:v0+s2+$0x0], $0xffff  }
0x45: {  	v57 =	vld.idx.msk [tilespmem:v1+s2+$0x0], $0xffff  }
0x46: {  	v58 =	vld.idx.msk [tilespmem:v1+s12+$0x0], $0xffff  }
0x47: {  	v5 =	vld.idx.msk [tilespmem:v0+s12+$0x0], $0xffff  }
0x48: {  	v59 =	vld.idx.msk [tilespmem:v1+s13+$0x0], $0xffff  }
0x49: {  	v60 =	vld.idx.msk [tilespmem:v0+s13+$0x0], $0xffff;
	_ =	sdelay $0x2  }
0x4a: {  	v2 =	vsub.f32 v57, v2;
	v61 =	vsub.f32 v58, v5;
	_ =	sdelay $0x1  }
0x4b: {  	v0 =	vsub.f32 v59, v60;
	v62 =	vmul.f32 v2, v2;
	v63 =	vmul.f32 v61, v61;
	_ =	sdelay $0x1  }
0x4c: {  	v0 =	vmul.f32 v0, v0;
	v1 =	vadd.f32 v63, v62;
	_ =	sdelay $0x1  }
0x4d: {  	s18 =	sadd.s32 $0x1, s18;
	v0 =	vadd.f32 v0, v1  }
0x4e: {  	p0 =	sne.s32 s18, s9  }
.Ltmp1:
0x4f: {  	s19 =	sadd.s32 s7, s19;
	[tilespmem:s21+$0x7930] =	vst v0;
	(pc) =	sbr.rel @p0 .LBB2_2-.Ltmp1, $4  }
0x50: {  	[hbm4b:s19+s2] =	stream.linear.scatter [tilespmem:s16], [sflag:$0x1], $0x200, $0x38;
	[tilespmem:$0x7B30] =	vst v63  }
0x51: {  	_ =	swait.ge [sflag:s11], $0x200  }
0x52: {  	[sflag:s11] =	ssyncset.done $0x0  }
0x53: {  	[sflag:s11] =	ssyncadd.s32 $0xFFFFFE00  }
0x54: {  	s17 =	sadd.s32 $0x1, s17  }
0x55: {  	p0 =	sne.s32 s17, s10  }
.Ltmp2:
0x56: {  	_ = 	snop;
	(pc) =	sbr.rel @p0 .LBB2_1-.Ltmp2, $1  }
0x57: {  	_ =	sdelay $0x3  }
0x58: {  	_ =	sfence.sel $0x180000  }
0x59: {  	[bflag:$0x0] =	sbarrier.arrive $0xFFFF  }
0x5a: {  	p0 =	sne.s32 s0, $0x0;
	_ =	strace $0x90000047  }
0x5b: {  	s0 =	sadd.s32 @!p0 $0x100000, s1;
	[bflag:$0x2] =	sbarrier.arrive $0xFFFF  }
0x5c: {  	[sflag:s0] =	ssyncadd.tile.s32 @!p0 $0x1;
	_ =	shalt  }
.Lfunc_end2:
_tile_overlayer_lowered:
.L_overlay_start_2:
0x5d: {  	(tag) =	ssettag $0x2  }
0x5e: {  	s0 =	rddreg [dreg:$0x0];
	s2 =	stileid.u32  }
0x5f: {  	s1 =	rddreg [dreg:$0x1];
	p0 =	sne.s32 s2, $0x0  }
0x60: {  	s3 =	rddreg [dreg:$0x2];
	[bflag:$0x3] =	sbarrier.arrive $0xFFFF;
	s2 =	simm.s32 @!p0 $0x1C01  }
0x61: {  	[timem:s3], [sflag:s2] =	dma.local @!p0 [hbm:s0], s1  }
0x62: {  	s0 =	simm.s32 @!p0 $0x1  }
0x63: {  	_ =	swait.ge @!p0 [sflag:s0], s1  }
0x64: {  	s1 =	ssub.s32 @!p0 $0x0, s1;
	[sflag:s0] =	ssyncset.done @!p0 $0x0  }
0x65: {  	[sflag:s0] =	ssyncadd.s32 @!p0 s1  }
0x66: {  	[bflag:$0x3] =	sbarrier.arrive $0xFFFF  }
0x67: {  	_ =	shalt  }

</sc_bundles>
